<compile_context>
chip_gen: v7x
topology: tpu7x:2x2x1
jax: 0.10.2.dev20260603
libtpu: 0.0.44.dev20260713+nightly
codegen_flags: <defaults>
</compile_context>

<pallas_src>
import functools

import jax
import jax.numpy as jnp
from jax import lax
from jax.experimental import pallas as pl
from jax.experimental.pallas import tpu as pltpu
from jax.experimental.pallas import tpu_sc as plsc

B = 16384
L = 20
D = 64
V = 100000
TBP = 1024
TK = 49
G = TK * TBP

NC = 2
NS = 16
NW = NC * NS
BPW = B // NW
CH = 64
NCHUNK = BPW // CH
ROWS = CH * L
NIDX = ROWS // 128
UIDX = BPW // 128


_MESH_KW = dict(core_axis_name="c", subcore_axis_name="s",
                num_cores=NC, num_subcores=NS)


def _sc_title(title1d, dstidx, word_emb):
  mesh = plsc.VectorSubcoreMesh(**_MESH_KW)

  @functools.partial(
      pl.kernel,
      out_type=jax.ShapeDtypeStruct((B, 2 * D), jnp.float32),
      mesh=mesh,
      scratch_types=[
          pltpu.VMEM((ROWS,), jnp.int32),
          pltpu.VMEM((NIDX, 128), jnp.int32),
          pltpu.VMEM((ROWS, D), jnp.float32),
          pltpu.VMEM((CH, D), jnp.float32),
          pltpu.VMEM_SHARED((NS * CH, D), jnp.float32),
          pltpu.SemaphoreType.DMA,
      ],
      compiler_params=pltpu.CompilerParams(use_tc_tiling_on_sc=False),
  )
  def k(title_hbm, dsti_hbm, wemb, ts_out,
        tidx_v, dsti_v, rows_v, zeros_v, acc_sh, sem):
    cid = lax.axis_index("c")
    sid = lax.axis_index("s")
    wid = sid * NC + cid
    base = wid * BPW

    pltpu.sync_copy(dsti_hbm.at[:], dsti_v)
    off = sid * CH
    for i in range(NIDX):
      for j in range(8):
        s = pl.ds(j * 16, 16)
        dsti_v[i, s] = dsti_v[i, s] + off

    zero16 = jnp.zeros((16,), jnp.float32)
    for r in range(CH):
      for j in range(D // 16):
        zeros_v[r, pl.ds(j * 16, 16)] = zero16

    def chunk_body(c, carry):
      pltpu.sync_copy(
          title_hbm.at[pl.ds(wid * (ROWS * NCHUNK) + c * ROWS, ROWS)], tidx_v)
      for i in range(NIDX):
        pltpu.async_copy(wemb.at[tidx_v.at[pl.ds(i * 128, 128)]],
                         rows_v.at[pl.ds(i * 128, 128)], sem)
      pltpu.sync_copy(zeros_v, acc_sh.at[pl.ds(off, CH)])
      for i in range(NIDX):
        pltpu.make_async_copy(wemb.at[tidx_v.at[pl.ds(i * 128, 128)]],
                              rows_v.at[pl.ds(i * 128, 128)], sem).wait()
      for i in range(NIDX):
        pltpu.sync_copy(rows_v.at[pl.ds(i * 128, 128)],
                        acc_sh.at[dsti_v.at[i]], add=True)
      pltpu.sync_copy(acc_sh.at[pl.ds(off, CH)],
                      ts_out.at[pl.ds(base + c * CH, CH), pl.ds(0, D)])
      return carry

    lax.fori_loop(0, NCHUNK, chunk_body, 0)

  return k(title1d, dstidx, word_emb)


def _sc_user_domain(user1d, domain1d, user_emb, domain_emb):
  mesh = plsc.VectorSubcoreMesh(**_MESH_KW)

  @functools.partial(
      pl.kernel,
      out_type=(
          jax.ShapeDtypeStruct((B, 2 * D), jnp.float32),
          jax.ShapeDtypeStruct((B, 2 * D), jnp.float32),
      ),
      mesh=mesh,
      scratch_types=[
          pltpu.VMEM((BPW,), jnp.int32),
          pltpu.VMEM((BPW, D), jnp.float32),
          pltpu.SemaphoreType.DMA,
      ],
      compiler_params=pltpu.CompilerParams(use_tc_tiling_on_sc=False),
  )
  def k(user_hbm, domain_hbm, uemb, demb, uv_out, dv_out,
        uidx_v, rows_v, sem):
    cid = lax.axis_index("c")
    sid = lax.axis_index("s")
    wid = sid * NC + cid
    base = wid * BPW

    for idx_hbm, emb, out in ((user_hbm, uemb, uv_out),
                              (domain_hbm, demb, dv_out)):
      pltpu.sync_copy(idx_hbm.at[pl.ds(base, BPW)], uidx_v)
      for i in range(UIDX):
        pltpu.async_copy(emb.at[uidx_v.at[pl.ds(i * 128, 128)]],
                         rows_v.at[pl.ds(i * 128, 128)], sem)
      for i in range(UIDX):
        pltpu.make_async_copy(emb.at[uidx_v.at[pl.ds(i * 128, 128)]],
                              rows_v.at[pl.ds(i * 128, 128)], sem).wait()
      pltpu.sync_copy(rows_v, out.at[pl.ds(base, BPW), pl.ds(0, D)])

  return k(user1d, domain1d, user_emb, domain_emb)


def _linearize(*embs, after=None):
  n = len(embs)

  def body(*refs):
    in_refs, out_refs = refs[:2 * n], refs[2 * n:]
    ii = lax.broadcasted_iota(jnp.int32, (D, D), 0)
    jj = lax.broadcasted_iota(jnp.int32, (D, D), 1)
    eye = (ii == jj).astype(jnp.float32)
    for t in range(n):
      a, b = in_refs[2 * t][...], in_refs[2 * t + 1][...]
      at = lax.dot_general(a, eye, (((0,), (0,)), ((), ())),
                           preferred_element_type=jnp.float32)
      bt = lax.dot_general(b, eye, (((0,), (0,)), ((), ())),
                           preferred_element_type=jnp.float32)
      y = jnp.concatenate([at, bt], axis=1)
      out_refs[t][...] = y.reshape(TBP * 2 * D)

  in_specs = []
  for _ in range(n):
    in_specs.append(pl.BlockSpec((D, TBP), lambda i: (0, i)))
    in_specs.append(pl.BlockSpec((D, TBP), lambda i: (0, i + TK)))
  transposed = []
  for e in embs:
    t = e.T
    if after is not None:
      t, _ = lax.optimization_barrier((t, after))
    transposed.append(t)
  outs = pl.pallas_call(
      body, grid=(TK,),
      in_specs=in_specs,
      out_specs=[pl.BlockSpec((TBP * 2 * D,), lambda i: (i,))] * n,
      out_shape=[jax.ShapeDtypeStruct((2 * G * D,), jnp.float32)] * n,
  )(*(x for t in transposed for x in (t, t)))
  outs = outs if isinstance(outs, (list, tuple)) else [outs]
  return [o.reshape(2 * G, D) for o in outs]


def _permute_idx(i):
  return jnp.where(i < G, 2 * i, 2 * (i - G) + 1).astype(jnp.int32)


def _mlp(ts, uv, dv, w1t, w1u, w1d, b1, w2, b2):
  BLK = 1024

  def body(ts_ref, uv_ref, dv_ref, w1t_ref, w1u_ref, w1d_ref, b1_ref, w2_ref,
           b2_ref, out_ref):
    s = pl.ds(0, D)
    acc = lax.dot_general(ts_ref[:, s], w1t_ref[...],
                          (((1,), (0,)), ((), ())),
                          preferred_element_type=jnp.float32)
    acc += lax.dot_general(uv_ref[:, s], w1u_ref[...],
                           (((1,), (0,)), ((), ())),
                           preferred_element_type=jnp.float32)
    acc += lax.dot_general(dv_ref[:, s], w1d_ref[...],
                           (((1,), (0,)), ((), ())),
                           preferred_element_type=jnp.float32)
    h = jnp.maximum(acc + b1_ref[...][None, :], 0.0)
    out_ref[...] = jnp.sum(h * w2_ref[...][None, :], axis=1) + b2_ref[0]

  grid = B // BLK
  return pl.pallas_call(
      body,
      grid=(grid,),
      in_specs=[
          pl.BlockSpec((BLK, 2 * D), lambda i: (i, 0)),
          pl.BlockSpec((BLK, 2 * D), lambda i: (i, 0)),
          pl.BlockSpec((BLK, 2 * D), lambda i: (i, 0)),
          pl.BlockSpec((D, 128), lambda i: (0, 0)),
          pl.BlockSpec((D, 128), lambda i: (0, 0)),
          pl.BlockSpec((D, 128), lambda i: (0, 0)),
          pl.BlockSpec((128,), lambda i: (0,)),
          pl.BlockSpec((128,), lambda i: (0,)),
          pl.BlockSpec(memory_space=pltpu.SMEM),
      ],
      out_specs=pl.BlockSpec((BLK,), lambda i: (i,)),
      out_shape=jax.ShapeDtypeStruct((B,), jnp.float32),
  )(ts, uv, dv, w1t, w1u, w1d, b1, w2, b2)


def kernel(title, user, domain, word_emb, user_emb, domain_emb, fc1_w, fc1_b,
           fc2_w, fc2_b):
  title1d = _permute_idx(title.astype(jnp.int32).reshape(B * L))
  user1d = _permute_idx(user.astype(jnp.int32))
  domain1d = _permute_idx(domain.astype(jnp.int32))
  dstidx = (jnp.arange(ROWS, dtype=jnp.int32) // L).reshape(NIDX, 128)

  (wemb_lin,) = _linearize(word_emb, after=title1d)
  ts = _sc_title(title1d, dstidx, wemb_lin)
  uemb_lin, demb_lin = _linearize(user_emb, domain_emb, after=wemb_lin)
  uv, dv = _sc_user_domain(user1d, domain1d, uemb_lin, demb_lin)

  w1t = fc1_w[:, :D].T * (1.0 / L)
  w1u = fc1_w[:, D:2 * D].T
  w1d = fc1_w[:, 2 * D:].T
  w2 = fc2_w[0]
  return _mlp(ts, uv, dv, w1t, w1u, w1d, fc1_b, w2, fc2_b)

# --- scband reference (transcript-rebuilt; emitter-appended) ---
"""Pipeline reference for scband-hacker-news-regressor-51556787421762 (READ-ONLY COPY).

The authoritative reference and input builder live on the scoring server;
editing this copy changes nothing except your own understanding.
"""

import jax, jax.numpy as jnp
import numpy as np

B = 16384
L = 20
D = 64
V = 100000
U = 100000
DOM = 100000


def setup_inputs(seed: int = 0) -> dict:
    key = jax.random.key(seed)
    ks = jax.random.split(key, 10)
    title = jax.random.randint(ks[0], (B, L), 0, V, dtype=jnp.int64) if jax.config.jax_enable_x64 else jax.random.randint(ks[0], (B, L), 0, V, dtype=jnp.int32)
    user = jax.random.randint(ks[1], (B,), 0, U, dtype=title.dtype)
    domain = jax.random.randint(ks[2], (B,), 0, DOM, dtype=title.dtype)
    word_emb = jax.random.normal(ks[3], (V, D), dtype=jnp.float32)
    user_emb = jax.random.normal(ks[4], (U, D), dtype=jnp.float32) * 0.02
    domain_emb = jax.random.normal(ks[5], (DOM, D), dtype=jnp.float32) * 0.02
    fc1_w = jax.random.normal(ks[6], (128, D * 3), dtype=jnp.float32) * (1.0 / np.sqrt(D * 3))
    fc1_b = jnp.zeros((128,), dtype=jnp.float32)
    fc2_w = jax.random.normal(ks[7], (1, 128), dtype=jnp.float32) * (1.0 / np.sqrt(128))
    fc2_b = jnp.zeros((1,), dtype=jnp.float32)
    return {"title": title, "user": user, "domain": domain,
            "word_emb": word_emb, "user_emb": user_emb, "domain_emb": domain_emb,
            "fc1_w": fc1_w, "fc1_b": fc1_b, "fc2_w": fc2_w, "fc2_b": fc2_b}


def reference(title, user, domain, word_emb, user_emb, domain_emb, fc1_w, fc1_b, fc2_w, fc2_b):
    # nn.Embedding lookups (gather)
    title_vec = jnp.take(word_emb, title, axis=0).mean(axis=1)   # [B, D]
    user_vec = jnp.take(user_emb, user, axis=0)                  # [B, D]
    domain_vec = jnp.take(domain_emb, domain, axis=0)            # [B, D]
    x = jnp.concatenate([title_vec, user_vec, domain_vec], axis=1)  # [B, 3D]
    x = jax.nn.relu(x @ fc1_w.T + fc1_b)                         # [B, 128]
    out = (x @ fc2_w.T + fc2_b).squeeze(1)                       # [B]
    return out

if __name__ == "__main__":
    import jax
    _d = setup_inputs()
    print(jax.jit(kernel)(*tuple(_d.values())))

</pallas_src>

<mosaic_0001>
#map = affine_map<(d0, d1) -> (0)>
#map1 = affine_map<(d0, d1) -> (0, 0)>
module attributes {stable_mosaic.version = 14 : i64} {
  func.func @k(%arg0: i32, %arg1: i32, %arg2: memref<16384xi32, #tpu.memory_space<hbm>>, %arg3: memref<16384xi32, #tpu.memory_space<hbm>>, %arg4: memref<100352x64xf32, #tpu.memory_space<hbm>>, %arg5: memref<100352x64xf32, #tpu.memory_space<hbm>>, %arg6: memref<16384x128xf32, #tpu.memory_space<hbm>>, %arg7: memref<16384x128xf32, #tpu.memory_space<hbm>>, %arg8: memref<512xi32, #tpu.memory_space<vmem>>, %arg9: memref<512x64xf32, #tpu.memory_space<vmem>>, %arg10: memref<!tpu.dma_semaphore, #tpu.memory_space<semaphore_mem>>) attributes {dimension_semantics = [#tpu.dimension_semantics<core_parallel>, #tpu.dimension_semantics<subcore_parallel>], iteration_bounds = array<i64: 2, 16>, scalar_prefetch = 0 : i64, scratch_operands = 3 : i64, tpu.core_type = #tpu.core_type<sc_vector_subcore>, window_params = [{transform_indices = #map}, {transform_indices = #map}, {transform_indices = #map1}, {transform_indices = #map1}, {transform_indices = #map1}, {transform_indices = #map1}]} {
    %mul3A = arith.constant 2 : i32
    %mul3A_0 = arith.muli %arg1, %mul3A : i32
    %add3A = arith.addi %mul3A_0, %arg0 : i32
    %mul3A_1 = arith.constant 512 : i32
    %mul3A_2 = arith.muli %add3A, %mul3A_1 : i32
    "tpu.region"() ({
      %run_scoped3A = tpu.sem_alloc : memref<!tpu.dma_semaphore, #tpu.memory_space<semaphore_mem>>
      %dma_start3A_129 = tpu.memref_slice %arg2[%mul3A_2] : memref<16384xi32, #tpu.memory_space<hbm>> -> memref<512xi32, #tpu.memory_space<hbm>>
      %dma_start3A_130 = tpu.memref_slice %arg2[%mul3A_2] : memref<16384xi32, #tpu.memory_space<hbm>> -> memref<512xi32, #tpu.memory_space<hbm>>
      tpu.enqueue_dma source(%dma_start3A_130 : memref<512xi32, #tpu.memory_space<hbm>>) target(%arg8 : memref<512xi32, #tpu.memory_space<vmem>>) target_semaphore(%run_scoped3A : memref<!tpu.dma_semaphore, #tpu.memory_space<semaphore_mem>>)
      %dma_wait3A_131 = tpu.memref_slice %arg2[%mul3A_2] : memref<16384xi32, #tpu.memory_space<hbm>> -> memref<512xi32, #tpu.memory_space<hbm>>
      %dma_wait3A_132 = tpu.memref_slice %arg2[%mul3A_2] : memref<16384xi32, #tpu.memory_space<hbm>> -> memref<512xi32, #tpu.memory_space<hbm>>
      tpu.wait_dma2 semaphore(%run_scoped3A : memref<!tpu.dma_semaphore, #tpu.memory_space<semaphore_mem>>) src(%dma_wait3A_132 : memref<512xi32, #tpu.memory_space<hbm>>) dst(%arg8 : memref<512xi32, #tpu.memory_space<vmem>>)
      tpu.yield
    }) : () -> ()
    %dma_start3A = arith.constant 0 : i32
    %dma_start3A_3 = arith.constant 0 : i32
    %dma_start3A_4 = tpu.memref_slice %arg9[%dma_start3A, %dma_start3A_3] : memref<512x64xf32, #tpu.memory_space<vmem>> -> memref<128x64xf32, #tpu.memory_space<vmem>>
    %dma_start3A_5 = arith.constant 0 : i32
    %dma_start3A_6 = tpu.memref_slice %arg8[%dma_start3A_5] : memref<512xi32, #tpu.memory_space<vmem>> -> memref<128xi32, #tpu.memory_space<vmem>>
    %dma_start3A_7 = arith.constant 0 : i32
    %dma_start3A_8 = arith.constant 0 : i32
    %dma_start3A_9 = tpu.memref_slice %arg4[%dma_start3A_7, %dma_start3A_8] : memref<100352x64xf32, #tpu.memory_space<hbm>> -> memref<100352x64xf32, #tpu.memory_space<hbm>>
    tpu.enqueue_indirect_dma source(%dma_start3A_9 : memref<100352x64xf32, #tpu.memory_space<hbm>>) target(%dma_start3A_4 : memref<128x64xf32, #tpu.memory_space<vmem>>) offsets(%dma_start3A_6 : memref<128xi32, #tpu.memory_space<vmem>>) semaphore(%arg10 : memref<!tpu.dma_semaphore, #tpu.memory_space<semaphore_mem>>)
    %dma_start3A_10 = arith.constant 128 : i32
    %dma_start3A_11 = arith.constant 0 : i32
    %dma_start3A_12 = tpu.memref_slice %arg9[%dma_start3A_10, %dma_start3A_11] : memref<512x64xf32, #tpu.memory_space<vmem>> -> memref<128x64xf32, #tpu.memory_space<vmem>>
    %dma_start3A_13 = arith.constant 128 : i32
    %dma_start3A_14 = tpu.memref_slice %arg8[%dma_start3A_13] : memref<512xi32, #tpu.memory_space<vmem>> -> memref<128xi32, #tpu.memory_space<vmem>>
    %dma_start3A_15 = arith.constant 0 : i32
    %dma_start3A_16 = arith.constant 0 : i32
    %dma_start3A_17 = tpu.memref_slice %arg4[%dma_start3A_15, %dma_start3A_16] : memref<100352x64xf32, #tpu.memory_space<hbm>> -> memref<100352x64xf32, #tpu.memory_space<hbm>>
    tpu.enqueue_indirect_dma source(%dma_start3A_17 : memref<100352x64xf32, #tpu.memory_space<hbm>>) target(%dma_start3A_12 : memref<128x64xf32, #tpu.memory_space<vmem>>) offsets(%dma_start3A_14 : memref<128xi32, #tpu.memory_space<vmem>>) semaphore(%arg10 : memref<!tpu.dma_semaphore, #tpu.memory_space<semaphore_mem>>)
    %dma_start3A_18 = arith.constant 256 : i32
    %dma_start3A_19 = arith.constant 0 : i32
    %dma_start3A_20 = tpu.memref_slice %arg9[%dma_start3A_18, %dma_start3A_19] : memref<512x64xf32, #tpu.memory_space<vmem>> -> memref<128x64xf32, #tpu.memory_space<vmem>>
    %dma_start3A_21 = arith.constant 256 : i32
    %dma_start3A_22 = tpu.memref_slice %arg8[%dma_start3A_21] : memref<512xi32, #tpu.memory_space<vmem>> -> memref<128xi32, #tpu.memory_space<vmem>>
    %dma_start3A_23 = arith.constant 0 : i32
    %dma_start3A_24 = arith.constant 0 : i32
    %dma_start3A_25 = tpu.memref_slice %arg4[%dma_start3A_23, %dma_start3A_24] : memref<100352x64xf32, #tpu.memory_space<hbm>> -> memref<100352x64xf32, #tpu.memory_space<hbm>>
    tpu.enqueue_indirect_dma source(%dma_start3A_25 : memref<100352x64xf32, #tpu.memory_space<hbm>>) target(%dma_start3A_20 : memref<128x64xf32, #tpu.memory_space<vmem>>) offsets(%dma_start3A_22 : memref<128xi32, #tpu.memory_space<vmem>>) semaphore(%arg10 : memref<!tpu.dma_semaphore, #tpu.memory_space<semaphore_mem>>)
    %dma_start3A_26 = arith.constant 384 : i32
    %dma_start3A_27 = arith.constant 0 : i32
    %dma_start3A_28 = tpu.memref_slice %arg9[%dma_start3A_26, %dma_start3A_27] : memref<512x64xf32, #tpu.memory_space<vmem>> -> memref<128x64xf32, #tpu.memory_space<vmem>>
    %dma_start3A_29 = arith.constant 384 : i32
    %dma_start3A_30 = tpu.memref_slice %arg8[%dma_start3A_29] : memref<512xi32, #tpu.memory_space<vmem>> -> memref<128xi32, #tpu.memory_space<vmem>>
    %dma_start3A_31 = arith.constant 0 : i32
    %dma_start3A_32 = arith.constant 0 : i32
    %dma_start3A_33 = tpu.memref_slice %arg4[%dma_start3A_31, %dma_start3A_32] : memref<100352x64xf32, #tpu.memory_space<hbm>> -> memref<100352x64xf32, #tpu.memory_space<hbm>>
    tpu.enqueue_indirect_dma source(%dma_start3A_33 : memref<100352x64xf32, #tpu.memory_space<hbm>>) target(%dma_start3A_28 : memref<128x64xf32, #tpu.memory_space<vmem>>) offsets(%dma_start3A_30 : memref<128xi32, #tpu.memory_space<vmem>>) semaphore(%arg10 : memref<!tpu.dma_semaphore, #tpu.memory_space<semaphore_mem>>)
    %dma_wait3A = arith.constant 0 : i32
    %dma_wait3A_34 = arith.constant 0 : i32
    %dma_wait3A_35 = tpu.memref_slice %arg9[%dma_wait3A, %dma_wait3A_34] : memref<512x64xf32, #tpu.memory_space<vmem>> -> memref<128x64xf32, #tpu.memory_space<vmem>>
    %dma_wait3A_36 = arith.constant 0 : i32
    %dma_wait3A_37 = tpu.memref_slice %arg8[%dma_wait3A_36] : memref<512xi32, #tpu.memory_space<vmem>> -> memref<128xi32, #tpu.memory_space<vmem>>
    %dma_wait3A_38 = arith.constant 0 : i32
    %dma_wait3A_39 = arith.constant 0 : i32
    %dma_wait3A_40 = tpu.memref_slice %arg4[%dma_wait3A_38, %dma_wait3A_39] : memref<100352x64xf32, #tpu.memory_space<hbm>> -> memref<100352x64xf32, #tpu.memory_space<hbm>>
    tpu.wait_indirect_dma semaphore(%arg10 : memref<!tpu.dma_semaphore, #tpu.memory_space<semaphore_mem>>) src(%dma_wait3A_40 : memref<100352x64xf32, #tpu.memory_space<hbm>>) dst(%dma_wait3A_35 : memref<128x64xf32, #tpu.memory_space<vmem>>)
    %dma_wait3A_41 = arith.constant 128 : i32
    %dma_wait3A_42 = arith.constant 0 : i32
    %dma_wait3A_43 = tpu.memref_slice %arg9[%dma_wait3A_41, %dma_wait3A_42] : memref<512x64xf32, #tpu.memory_space<vmem>> -> memref<128x64xf32, #tpu.memory_space<vmem>>
    %dma_wait3A_44 = arith.constant 128 : i32
    %dma_wait3A_45 = tpu.memref_slice %arg8[%dma_wait3A_44] : memref<512xi32, #tpu.memory_space<vmem>> -> memref<128xi32, #tpu.memory_space<vmem>>
    %dma_wait3A_46 = arith.constant 0 : i32
    %dma_wait3A_47 = arith.constant 0 : i32
    %dma_wait3A_48 = tpu.memref_slice %arg4[%dma_wait3A_46, %dma_wait3A_47] : memref<100352x64xf32, #tpu.memory_space<hbm>> -> memref<100352x64xf32, #tpu.memory_space<hbm>>
    tpu.wait_indirect_dma semaphore(%arg10 : memref<!tpu.dma_semaphore, #tpu.memory_space<semaphore_mem>>) src(%dma_wait3A_48 : memref<100352x64xf32, #tpu.memory_space<hbm>>) dst(%dma_wait3A_43 : memref<128x64xf32, #tpu.memory_space<vmem>>)
    %dma_wait3A_49 = arith.constant 256 : i32
    %dma_wait3A_50 = arith.constant 0 : i32
    %dma_wait3A_51 = tpu.memref_slice %arg9[%dma_wait3A_49, %dma_wait3A_50] : memref<512x64xf32, #tpu.memory_space<vmem>> -> memref<128x64xf32, #tpu.memory_space<vmem>>
    %dma_wait3A_52 = arith.constant 256 : i32
    %dma_wait3A_53 = tpu.memref_slice %arg8[%dma_wait3A_52] : memref<512xi32, #tpu.memory_space<vmem>> -> memref<128xi32, #tpu.memory_space<vmem>>
    %dma_wait3A_54 = arith.constant 0 : i32
    %dma_wait3A_55 = arith.constant 0 : i32
    %dma_wait3A_56 = tpu.memref_slice %arg4[%dma_wait3A_54, %dma_wait3A_55] : memref<100352x64xf32, #tpu.memory_space<hbm>> -> memref<100352x64xf32, #tpu.memory_space<hbm>>
    tpu.wait_indirect_dma semaphore(%arg10 : memref<!tpu.dma_semaphore, #tpu.memory_space<semaphore_mem>>) src(%dma_wait3A_56 : memref<100352x64xf32, #tpu.memory_space<hbm>>) dst(%dma_wait3A_51 : memref<128x64xf32, #tpu.memory_space<vmem>>)
    %dma_wait3A_57 = arith.constant 384 : i32
    %dma_wait3A_58 = arith.constant 0 : i32
    %dma_wait3A_59 = tpu.memref_slice %arg9[%dma_wait3A_57, %dma_wait3A_58] : memref<512x64xf32, #tpu.memory_space<vmem>> -> memref<128x64xf32, #tpu.memory_space<vmem>>
    %dma_wait3A_60 = arith.constant 384 : i32
    %dma_wait3A_61 = tpu.memref_slice %arg8[%dma_wait3A_60] : memref<512xi32, #tpu.memory_space<vmem>> -> memref<128xi32, #tpu.memory_space<vmem>>
    %dma_wait3A_62 = arith.constant 0 : i32
    %dma_wait3A_63 = arith.constant 0 : i32
    %dma_wait3A_64 = tpu.memref_slice %arg4[%dma_wait3A_62, %dma_wait3A_63] : memref<100352x64xf32, #tpu.memory_space<hbm>> -> memref<100352x64xf32, #tpu.memory_space<hbm>>
    tpu.wait_indirect_dma semaphore(%arg10 : memref<!tpu.dma_semaphore, #tpu.memory_space<semaphore_mem>>) src(%dma_wait3A_64 : memref<100352x64xf32, #tpu.memory_space<hbm>>) dst(%dma_wait3A_59 : memref<128x64xf32, #tpu.memory_space<vmem>>)
    "tpu.region"() ({
      %run_scoped3A = tpu.sem_alloc : memref<!tpu.dma_semaphore, #tpu.memory_space<semaphore_mem>>
      %dma_start3A_129 = arith.constant 0 : i32
      %dma_start3A_130 = tpu.memref_slice %arg6[%mul3A_2, %dma_start3A_129] : memref<16384x128xf32, #tpu.memory_space<hbm>> -> memref<512x64xf32, #tpu.memory_space<hbm>>
      %dma_start3A_131 = arith.constant 0 : i32
      %dma_start3A_132 = tpu.memref_slice %arg6[%mul3A_2, %dma_start3A_131] : memref<16384x128xf32, #tpu.memory_space<hbm>> -> memref<512x64xf32, #tpu.memory_space<hbm>>
      tpu.enqueue_dma source(%arg9 : memref<512x64xf32, #tpu.memory_space<vmem>>) target(%dma_start3A_132 : memref<512x64xf32, #tpu.memory_space<hbm>>) target_semaphore(%run_scoped3A : memref<!tpu.dma_semaphore, #tpu.memory_space<semaphore_mem>>)
      %dma_wait3A_133 = arith.constant 0 : i32
      %dma_wait3A_134 = tpu.memref_slice %arg6[%mul3A_2, %dma_wait3A_133] : memref<16384x128xf32, #tpu.memory_space<hbm>> -> memref<512x64xf32, #tpu.memory_space<hbm>>
      %dma_wait3A_135 = arith.constant 0 : i32
      %dma_wait3A_136 = tpu.memref_slice %arg6[%mul3A_2, %dma_wait3A_135] : memref<16384x128xf32, #tpu.memory_space<hbm>> -> memref<512x64xf32, #tpu.memory_space<hbm>>
      tpu.wait_dma2 semaphore(%run_scoped3A : memref<!tpu.dma_semaphore, #tpu.memory_space<semaphore_mem>>) src(%arg9 : memref<512x64xf32, #tpu.memory_space<vmem>>) dst(%dma_wait3A_136 : memref<512x64xf32, #tpu.memory_space<hbm>>)
      tpu.yield
    }) : () -> ()
    "tpu.region"() ({
      %run_scoped3A = tpu.sem_alloc : memref<!tpu.dma_semaphore, #tpu.memory_space<semaphore_mem>>
      %dma_start3A_129 = tpu.memref_slice %arg3[%mul3A_2] : memref<16384xi32, #tpu.memory_space<hbm>> -> memref<512xi32, #tpu.memory_space<hbm>>
      %dma_start3A_130 = tpu.memref_slice %arg3[%mul3A_2] : memref<16384xi32, #tpu.memory_space<hbm>> -> memref<512xi32, #tpu.memory_space<hbm>>
      tpu.enqueue_dma source(%dma_start3A_130 : memref<512xi32, #tpu.memory_space<hbm>>) target(%arg8 : memref<512xi32, #tpu.memory_space<vmem>>) target_semaphore(%run_scoped3A : memref<!tpu.dma_semaphore, #tpu.memory_space<semaphore_mem>>)
      %dma_wait3A_131 = tpu.memref_slice %arg3[%mul3A_2] : memref<16384xi32, #tpu.memory_space<hbm>> -> memref<512xi32, #tpu.memory_space<hbm>>
      %dma_wait3A_132 = tpu.memref_slice %arg3[%mul3A_2] : memref<16384xi32, #tpu.memory_space<hbm>> -> memref<512xi32, #tpu.memory_space<hbm>>
      tpu.wait_dma2 semaphore(%run_scoped3A : memref<!tpu.dma_semaphore, #tpu.memory_space<semaphore_mem>>) src(%dma_wait3A_132 : memref<512xi32, #tpu.memory_space<hbm>>) dst(%arg8 : memref<512xi32, #tpu.memory_space<vmem>>)
      tpu.yield
    }) : () -> ()
    %dma_start3A_65 = arith.constant 0 : i32
    %dma_start3A_66 = arith.constant 0 : i32
    %dma_start3A_67 = tpu.memref_slice %arg9[%dma_start3A_65, %dma_start3A_66] : memref<512x64xf32, #tpu.memory_space<vmem>> -> memref<128x64xf32, #tpu.memory_space<vmem>>
    %dma_start3A_68 = arith.constant 0 : i32
    %dma_start3A_69 = tpu.memref_slice %arg8[%dma_start3A_68] : memref<512xi32, #tpu.memory_space<vmem>> -> memref<128xi32, #tpu.memory_space<vmem>>
    %dma_start3A_70 = arith.constant 0 : i32
    %dma_start3A_71 = arith.constant 0 : i32
    %dma_start3A_72 = tpu.memref_slice %arg5[%dma_start3A_70, %dma_start3A_71] : memref<100352x64xf32, #tpu.memory_space<hbm>> -> memref<100352x64xf32, #tpu.memory_space<hbm>>
    tpu.enqueue_indirect_dma source(%dma_start3A_72 : memref<100352x64xf32, #tpu.memory_space<hbm>>) target(%dma_start3A_67 : memref<128x64xf32, #tpu.memory_space<vmem>>) offsets(%dma_start3A_69 : memref<128xi32, #tpu.memory_space<vmem>>) semaphore(%arg10 : memref<!tpu.dma_semaphore, #tpu.memory_space<semaphore_mem>>)
    %dma_start3A_73 = arith.constant 128 : i32
    %dma_start3A_74 = arith.constant 0 : i32
    %dma_start3A_75 = tpu.memref_slice %arg9[%dma_start3A_73, %dma_start3A_74] : memref<512x64xf32, #tpu.memory_space<vmem>> -> memref<128x64xf32, #tpu.memory_space<vmem>>
    %dma_start3A_76 = arith.constant 128 : i32
    %dma_start3A_77 = tpu.memref_slice %arg8[%dma_start3A_76] : memref<512xi32, #tpu.memory_space<vmem>> -> memref<128xi32, #tpu.memory_space<vmem>>
    %dma_start3A_78 = arith.constant 0 : i32
    %dma_start3A_79 = arith.constant 0 : i32
    %dma_start3A_80 = tpu.memref_slice %arg5[%dma_start3A_78, %dma_start3A_79] : memref<100352x64xf32, #tpu.memory_space<hbm>> -> memref<100352x64xf32, #tpu.memory_space<hbm>>
    tpu.enqueue_indirect_dma source(%dma_start3A_80 : memref<100352x64xf32, #tpu.memory_space<hbm>>) target(%dma_start3A_75 : memref<128x64xf32, #tpu.memory_space<vmem>>) offsets(%dma_start3A_77 : memref<128xi32, #tpu.memory_space<vmem>>) semaphore(%arg10 : memref<!tpu.dma_semaphore, #tpu.memory_space<semaphore_mem>>)
    %dma_start3A_81 = arith.constant 256 : i32
    %dma_start3A_82 = arith.constant 0 : i32
    %dma_start3A_83 = tpu.memref_slice %arg9[%dma_start3A_81, %dma_start3A_82] : memref<512x64xf32, #tpu.memory_space<vmem>> -> memref<128x64xf32, #tpu.memory_space<vmem>>
    %dma_start3A_84 = arith.constant 256 : i32
    %dma_start3A_85 = tpu.memref_slice %arg8[%dma_start3A_84] : memref<512xi32, #tpu.memory_space<vmem>> -> memref<128xi32, #tpu.memory_space<vmem>>
    %dma_start3A_86 = arith.constant 0 : i32
    %dma_start3A_87 = arith.constant 0 : i32
    %dma_start3A_88 = tpu.memref_slice %arg5[%dma_start3A_86, %dma_start3A_87] : memref<100352x64xf32, #tpu.memory_space<hbm>> -> memref<100352x64xf32, #tpu.memory_space<hbm>>
    tpu.enqueue_indirect_dma source(%dma_start3A_88 : memref<100352x64xf32, #tpu.memory_space<hbm>>) target(%dma_start3A_83 : memref<128x64xf32, #tpu.memory_space<vmem>>) offsets(%dma_start3A_85 : memref<128xi32, #tpu.memory_space<vmem>>) semaphore(%arg10 : memref<!tpu.dma_semaphore, #tpu.memory_space<semaphore_mem>>)
    %dma_start3A_89 = arith.constant 384 : i32
    %dma_start3A_90 = arith.constant 0 : i32
    %dma_start3A_91 = tpu.memref_slice %arg9[%dma_start3A_89, %dma_start3A_90] : memref<512x64xf32, #tpu.memory_space<vmem>> -> memref<128x64xf32, #tpu.memory_space<vmem>>
    %dma_start3A_92 = arith.constant 384 : i32
    %dma_start3A_93 = tpu.memref_slice %arg8[%dma_start3A_92] : memref<512xi32, #tpu.memory_space<vmem>> -> memref<128xi32, #tpu.memory_space<vmem>>
    %dma_start3A_94 = arith.constant 0 : i32
    %dma_start3A_95 = arith.constant 0 : i32
    %dma_start3A_96 = tpu.memref_slice %arg5[%dma_start3A_94, %dma_start3A_95] : memref<100352x64xf32, #tpu.memory_space<hbm>> -> memref<100352x64xf32, #tpu.memory_space<hbm>>
    tpu.enqueue_indirect_dma source(%dma_start3A_96 : memref<100352x64xf32, #tpu.memory_space<hbm>>) target(%dma_start3A_91 : memref<128x64xf32, #tpu.memory_space<vmem>>) offsets(%dma_start3A_93 : memref<128xi32, #tpu.memory_space<vmem>>) semaphore(%arg10 : memref<!tpu.dma_semaphore, #tpu.memory_space<semaphore_mem>>)
    %dma_wait3A_97 = arith.constant 0 : i32
    %dma_wait3A_98 = arith.constant 0 : i32
    %dma_wait3A_99 = tpu.memref_slice %arg9[%dma_wait3A_97, %dma_wait3A_98] : memref<512x64xf32, #tpu.memory_space<vmem>> -> memref<128x64xf32, #tpu.memory_space<vmem>>
    %dma_wait3A_100 = arith.constant 0 : i32
    %dma_wait3A_101 = tpu.memref_slice %arg8[%dma_wait3A_100] : memref<512xi32, #tpu.memory_space<vmem>> -> memref<128xi32, #tpu.memory_space<vmem>>
    %dma_wait3A_102 = arith.constant 0 : i32
    %dma_wait3A_103 = arith.constant 0 : i32
    %dma_wait3A_104 = tpu.memref_slice %arg5[%dma_wait3A_102, %dma_wait3A_103] : memref<100352x64xf32, #tpu.memory_space<hbm>> -> memref<100352x64xf32, #tpu.memory_space<hbm>>
    tpu.wait_indirect_dma semaphore(%arg10 : memref<!tpu.dma_semaphore, #tpu.memory_space<semaphore_mem>>) src(%dma_wait3A_104 : memref<100352x64xf32, #tpu.memory_space<hbm>>) dst(%dma_wait3A_99 : memref<128x64xf32, #tpu.memory_space<vmem>>)
    %dma_wait3A_105 = arith.constant 128 : i32
    %dma_wait3A_106 = arith.constant 0 : i32
    %dma_wait3A_107 = tpu.memref_slice %arg9[%dma_wait3A_105, %dma_wait3A_106] : memref<512x64xf32, #tpu.memory_space<vmem>> -> memref<128x64xf32, #tpu.memory_space<vmem>>
    %dma_wait3A_108 = arith.constant 128 : i32
    %dma_wait3A_109 = tpu.memref_slice %arg8[%dma_wait3A_108] : memref<512xi32, #tpu.memory_space<vmem>> -> memref<128xi32, #tpu.memory_space<vmem>>
    %dma_wait3A_110 = arith.constant 0 : i32
    %dma_wait3A_111 = arith.constant 0 : i32
    %dma_wait3A_112 = tpu.memref_slice %arg5[%dma_wait3A_110, %dma_wait3A_111] : memref<100352x64xf32, #tpu.memory_space<hbm>> -> memref<100352x64xf32, #tpu.memory_space<hbm>>
    tpu.wait_indirect_dma semaphore(%arg10 : memref<!tpu.dma_semaphore, #tpu.memory_space<semaphore_mem>>) src(%dma_wait3A_112 : memref<100352x64xf32, #tpu.memory_space<hbm>>) dst(%dma_wait3A_107 : memref<128x64xf32, #tpu.memory_space<vmem>>)
    %dma_wait3A_113 = arith.constant 256 : i32
    %dma_wait3A_114 = arith.constant 0 : i32
    %dma_wait3A_115 = tpu.memref_slice %arg9[%dma_wait3A_113, %dma_wait3A_114] : memref<512x64xf32, #tpu.memory_space<vmem>> -> memref<128x64xf32, #tpu.memory_space<vmem>>
    %dma_wait3A_116 = arith.constant 256 : i32
    %dma_wait3A_117 = tpu.memref_slice %arg8[%dma_wait3A_116] : memref<512xi32, #tpu.memory_space<vmem>> -> memref<128xi32, #tpu.memory_space<vmem>>
    %dma_wait3A_118 = arith.constant 0 : i32
    %dma_wait3A_119 = arith.constant 0 : i32
    %dma_wait3A_120 = tpu.memref_slice %arg5[%dma_wait3A_118, %dma_wait3A_119] : memref<100352x64xf32, #tpu.memory_space<hbm>> -> memref<100352x64xf32, #tpu.memory_space<hbm>>
    tpu.wait_indirect_dma semaphore(%arg10 : memref<!tpu.dma_semaphore, #tpu.memory_space<semaphore_mem>>) src(%dma_wait3A_120 : memref<100352x64xf32, #tpu.memory_space<hbm>>) dst(%dma_wait3A_115 : memref<128x64xf32, #tpu.memory_space<vmem>>)
    %dma_wait3A_121 = arith.constant 384 : i32
    %dma_wait3A_122 = arith.constant 0 : i32
    %dma_wait3A_123 = tpu.memref_slice %arg9[%dma_wait3A_121, %dma_wait3A_122] : memref<512x64xf32, #tpu.memory_space<vmem>> -> memref<128x64xf32, #tpu.memory_space<vmem>>
    %dma_wait3A_124 = arith.constant 384 : i32
    %dma_wait3A_125 = tpu.memref_slice %arg8[%dma_wait3A_124] : memref<512xi32, #tpu.memory_space<vmem>> -> memref<128xi32, #tpu.memory_space<vmem>>
    %dma_wait3A_126 = arith.constant 0 : i32
    %dma_wait3A_127 = arith.constant 0 : i32
    %dma_wait3A_128 = tpu.memref_slice %arg5[%dma_wait3A_126, %dma_wait3A_127] : memref<100352x64xf32, #tpu.memory_space<hbm>> -> memref<100352x64xf32, #tpu.memory_space<hbm>>
    tpu.wait_indirect_dma semaphore(%arg10 : memref<!tpu.dma_semaphore, #tpu.memory_space<semaphore_mem>>) src(%dma_wait3A_128 : memref<100352x64xf32, #tpu.memory_space<hbm>>) dst(%dma_wait3A_123 : memref<128x64xf32, #tpu.memory_space<vmem>>)
    "tpu.region"() ({
      %run_scoped3A = tpu.sem_alloc : memref<!tpu.dma_semaphore, #tpu.memory_space<semaphore_mem>>
      %dma_start3A_129 = arith.constant 0 : i32
      %dma_start3A_130 = tpu.memref_slice %arg7[%mul3A_2, %dma_start3A_129] : memref<16384x128xf32, #tpu.memory_space<hbm>> -> memref<512x64xf32, #tpu.memory_space<hbm>>
      %dma_start3A_131 = arith.constant 0 : i32
      %dma_start3A_132 = tpu.memref_slice %arg7[%mul3A_2, %dma_start3A_131] : memref<16384x128xf32, #tpu.memory_space<hbm>> -> memref<512x64xf32, #tpu.memory_space<hbm>>
      tpu.enqueue_dma source(%arg9 : memref<512x64xf32, #tpu.memory_space<vmem>>) target(%dma_start3A_132 : memref<512x64xf32, #tpu.memory_space<hbm>>) target_semaphore(%run_scoped3A : memref<!tpu.dma_semaphore, #tpu.memory_space<semaphore_mem>>)
      %dma_wait3A_133 = arith.constant 0 : i32
      %dma_wait3A_134 = tpu.memref_slice %arg7[%mul3A_2, %dma_wait3A_133] : memref<16384x128xf32, #tpu.memory_space<hbm>> -> memref<512x64xf32, #tpu.memory_space<hbm>>
      %dma_wait3A_135 = arith.constant 0 : i32
      %dma_wait3A_136 = tpu.memref_slice %arg7[%mul3A_2, %dma_wait3A_135] : memref<16384x128xf32, #tpu.memory_space<hbm>> -> memref<512x64xf32, #tpu.memory_space<hbm>>
      tpu.wait_dma2 semaphore(%run_scoped3A : memref<!tpu.dma_semaphore, #tpu.memory_space<semaphore_mem>>) src(%arg9 : memref<512x64xf32, #tpu.memory_space<vmem>>) dst(%dma_wait3A_136 : memref<512x64xf32, #tpu.memory_space<hbm>>)
      tpu.yield
    }) : () -> ()
    return
  }
}

#map = affine_map<(d0, d1) -> (0)>
#map1 = affine_map<(d0, d1) -> (0, 0)>
module attributes {stable_mosaic.version = 14 : i64} {
  func.func @k(%arg0: i32, %arg1: i32, %arg2: memref<327680xi32, #tpu.memory_space<hbm>>, %arg3: memref<10x128xi32, #tpu.memory_space<hbm>>, %arg4: memref<100352x64xf32, #tpu.memory_space<hbm>>, %arg5: memref<16384x128xf32, #tpu.memory_space<hbm>>, %arg6: memref<1280xi32, #tpu.memory_space<vmem>>, %arg7: memref<10x128xi32, #tpu.memory_space<vmem>>, %arg8: memref<1280x64xf32, #tpu.memory_space<vmem>>, %arg9: memref<64x64xf32, #tpu.memory_space<vmem>>, %arg10: memref<1024x64xf32, #tpu.memory_space<vmem_shared>>, %arg11: memref<!tpu.dma_semaphore, #tpu.memory_space<semaphore_mem>>) attributes {dimension_semantics = [#tpu.dimension_semantics<core_parallel>, #tpu.dimension_semantics<subcore_parallel>], iteration_bounds = array<i64: 2, 16>, scalar_prefetch = 0 : i64, scratch_operands = 6 : i64, tpu.core_type = #tpu.core_type<sc_vector_subcore>, window_params = [{transform_indices = #map}, {transform_indices = #map1}, {transform_indices = #map1}, {transform_indices = #map1}]} {
    %mul3A = arith.constant 2 : i32
    %mul3A_0 = arith.muli %arg1, %mul3A : i32
    %add3A = arith.addi %mul3A_0, %arg0 : i32
    %mul3A_1 = arith.constant 512 : i32
    %mul3A_2 = arith.muli %add3A, %mul3A_1 : i32
    "tpu.region"() ({
      %run_scoped3A = tpu.sem_alloc : memref<!tpu.dma_semaphore, #tpu.memory_space<semaphore_mem>>
      %dma_start3A = arith.constant 0 : i32
      %dma_start3A_2585 = arith.constant 0 : i32
      %dma_start3A_2586 = tpu.memref_slice %arg3[%dma_start3A, %dma_start3A_2585] : memref<10x128xi32, #tpu.memory_space<hbm>> -> memref<10x128xi32, #tpu.memory_space<hbm>>
      %dma_start3A_2587 = arith.constant 0 : i32
      %dma_start3A_2588 = arith.constant 0 : i32
      %dma_start3A_2589 = tpu.memref_slice %arg3[%dma_start3A_2587, %dma_start3A_2588] : memref<10x128xi32, #tpu.memory_space<hbm>> -> memref<10x128xi32, #tpu.memory_space<hbm>>
      tpu.enqueue_dma source(%dma_start3A_2589 : memref<10x128xi32, #tpu.memory_space<hbm>>) target(%arg7 : memref<10x128xi32, #tpu.memory_space<vmem>>) target_semaphore(%run_scoped3A : memref<!tpu.dma_semaphore, #tpu.memory_space<semaphore_mem>>)
      %dma_wait3A = arith.constant 0 : i32
      %dma_wait3A_2590 = arith.constant 0 : i32
      %dma_wait3A_2591 = tpu.memref_slice %arg3[%dma_wait3A, %dma_wait3A_2590] : memref<10x128xi32, #tpu.memory_space<hbm>> -> memref<10x128xi32, #tpu.memory_space<hbm>>
      %dma_wait3A_2592 = arith.constant 0 : i32
      %dma_wait3A_2593 = arith.constant 0 : i32
      %dma_wait3A_2594 = tpu.memref_slice %arg3[%dma_wait3A_2592, %dma_wait3A_2593] : memref<10x128xi32, #tpu.memory_space<hbm>> -> memref<10x128xi32, #tpu.memory_space<hbm>>
      tpu.wait_dma2 semaphore(%run_scoped3A : memref<!tpu.dma_semaphore, #tpu.memory_space<semaphore_mem>>) src(%dma_wait3A_2594 : memref<10x128xi32, #tpu.memory_space<hbm>>) dst(%arg7 : memref<10x128xi32, #tpu.memory_space<vmem>>)
      tpu.yield
    }) : () -> ()
    %mul3A_3 = arith.constant 64 : i32
    %mul3A_4 = arith.muli %arg1, %mul3A_3 : i32
    %get3A = arith.constant 0 : i32
    %get3A_5 = arith.index_cast %get3A : i32 to index
    %get3A_6 = arith.constant 0 : index
    %get3A_7 = tpu.vector_load %arg7[%get3A_5, %get3A_6] {strides = array<i32>} : memref<10x128xi32, #tpu.memory_space<vmem>>, vector<1x16xi32>,
    %get3A_8 = vector.shape_cast %get3A_7 : vector<1x16xi32> to vector<16xi32>
    %add3A_9 = vector.broadcast %mul3A_4 : i32 to vector<16xi32>
    %add3A_10 = arith.addi %get3A_8, %add3A_9 : vector<16xi32>
    %swap3A = arith.constant 0 : i32
    %swap3A_11 = arith.index_cast %swap3A : i32 to index
    %swap3A_12 = arith.constant 0 : index
    %swap3A_13 = tpu.vector_load %arg7[%swap3A_11, %swap3A_12] {strides = array<i32>} : memref<10x128xi32, #tpu.memory_space<vmem>>, vector<1x16xi32>,
    %swap3A_14 = vector.shape_cast %swap3A_13 : vector<1x16xi32> to vector<16xi32>
    %swap3A_15 = vector.shape_cast %add3A_10 : vector<16xi32> to vector<1x16xi32>
    tpu.vector_store %arg7[%swap3A_11, %swap3A_12], %swap3A_15 {strides = array<i32>} : memref<10x128xi32, #tpu.memory_space<vmem>>, vector<1x16xi32>,
    %get3A_16 = arith.constant 0 : i32
    %get3A_17 = arith.index_cast %get3A_16 : i32 to index
    %get3A_18 = arith.constant 16 : index
    %get3A_19 = tpu.vector_load %arg7[%get3A_17, %get3A_18] {strides = array<i32>} : memref<10x128xi32, #tpu.memory_space<vmem>>, vector<1x16xi32>,
    %get3A_20 = vector.shape_cast %get3A_19 : vector<1x16xi32> to vector<16xi32>
    %add3A_21 = vector.broadcast %mul3A_4 : i32 to vector<16xi32>
    %add3A_22 = arith.addi %get3A_20, %add3A_21 : vector<16xi32>
    %swap3A_23 = arith.constant 0 : i32
    %swap3A_24 = arith.index_cast %swap3A_23 : i32 to index
    %swap3A_25 = arith.constant 16 : index
    %swap3A_26 = tpu.vector_load %arg7[%swap3A_24, %swap3A_25] {strides = array<i32>} : memref<10x128xi32, #tpu.memory_space<vmem>>, vector<1x16xi32>,
    %swap3A_27 = vector.shape_cast %swap3A_26 : vector<1x16xi32> to vector<16xi32>
    %swap3A_28 = vector.shape_cast %add3A_22 : vector<16xi32> to vector<1x16xi32>
    tpu.vector_store %arg7[%swap3A_24, %swap3A_25], %swap3A_28 {strides = array<i32>} : memref<10x128xi32, #tpu.memory_space<vmem>>, vector<1x16xi32>,
    %get3A_29 = arith.constant 0 : i32
    %get3A_30 = arith.index_cast %get3A_29 : i32 to index
    %get3A_31 = arith.constant 32 : index
    %get3A_32 = tpu.vector_load %arg7[%get3A_30, %get3A_31] {strides = array<i32>} : memref<10x128xi32, #tpu.memory_space<vmem>>, vector<1x16xi32>,
    %get3A_33 = vector.shape_cast %get3A_32 : vector<1x16xi32> to vector<16xi32>
    %add3A_34 = vector.broadcast %mul3A_4 : i32 to vector<16xi32>
    %add3A_35 = arith.addi %get3A_33, %add3A_34 : vector<16xi32>
    %swap3A_36 = arith.constant 0 : i32
    %swap3A_37 = arith.index_cast %swap3A_36 : i32 to index
    %swap3A_38 = arith.constant 32 : index
    %swap3A_39 = tpu.vector_load %arg7[%swap3A_37, %swap3A_38] {strides = array<i32>} : memref<10x128xi32, #tpu.memory_space<vmem>>, vector<1x16xi32>,
    %swap3A_40 = vector.shape_cast %swap3A_39 : vector<1x16xi32> to vector<16xi32>
    %swap3A_41 = vector.shape_cast %add3A_35 : vector<16xi32> to vector<1x16xi32>
    tpu.vector_store %arg7[%swap3A_37, %swap3A_38], %swap3A_41 {strides = array<i32>} : memref<10x128xi32, #tpu.memory_space<vmem>>, vector<1x16xi32>,
    %get3A_42 = arith.constant 0 : i32
    %get3A_43 = arith.index_cast %get3A_42 : i32 to index
    %get3A_44 = arith.constant 48 : index
    %get3A_45 = tpu.vector_load %arg7[%get3A_43, %get3A_44] {strides = array<i32>} : memref<10x128xi32, #tpu.memory_space<vmem>>, vector<1x16xi32>,
    %get3A_46 = vector.shape_cast %get3A_45 : vector<1x16xi32> to vector<16xi32>
    %add3A_47 = vector.broadcast %mul3A_4 : i32 to vector<16xi32>
    %add3A_48 = arith.addi %get3A_46, %add3A_47 : vector<16xi32>
    %swap3A_49 = arith.constant 0 : i32
    %swap3A_50 = arith.index_cast %swap3A_49 : i32 to index
    %swap3A_51 = arith.constant 48 : index
    %swap3A_52 = tpu.vector_load %arg7[%swap3A_50, %swap3A_51] {strides = array<i32>} : memref<10x128xi32, #tpu.memory_space<vmem>>, vector<1x16xi32>,
    %swap3A_53 = vector.shape_cast %swap3A_52 : vector<1x16xi32> to vector<16xi32>
    %swap3A_54 = vector.shape_cast %add3A_48 : vector<16xi32> to vector<1x16xi32>
    tpu.vector_store %arg7[%swap3A_50, %swap3A_51], %swap3A_54 {strides = array<i32>} : memref<10x128xi32, #tpu.memory_space<vmem>>, vector<1x16xi32>,
    %get3A_55 = arith.constant 0 : i32
    %get3A_56 = arith.index_cast %get3A_55 : i32 to index
    %get3A_57 = arith.constant 64 : index
    %get3A_58 = tpu.vector_load %arg7[%get3A_56, %get3A_57] {strides = array<i32>} : memref<10x128xi32, #tpu.memory_space<vmem>>, vector<1x16xi32>,
    %get3A_59 = vector.shape_cast %get3A_58 : vector<1x16xi32> to vector<16xi32>
    %add3A_60 = vector.broadcast %mul3A_4 : i32 to vector<16xi32>
    %add3A_61 = arith.addi %get3A_59, %add3A_60 : vector<16xi32>
    %swap3A_62 = arith.constant 0 : i32
    %swap3A_63 = arith.index_cast %swap3A_62 : i32 to index
    %swap3A_64 = arith.constant 64 : index
    %swap3A_65 = tpu.vector_load %arg7[%swap3A_63, %swap3A_64] {strides = array<i32>} : memref<10x128xi32, #tpu.memory_space<vmem>>, vector<1x16xi32>,
    %swap3A_66 = vector.shape_cast %swap3A_65 : vector<1x16xi32> to vector<16xi32>
    %swap3A_67 = vector.shape_cast %add3A_61 : vector<16xi32> to vector<1x16xi32>
    tpu.vector_store %arg7[%swap3A_63, %swap3A_64], %swap3A_67 {strides = array<i32>} : memref<10x128xi32, #tpu.memory_space<vmem>>, vector<1x16xi32>,
    %get3A_68 = arith.constant 0 : i32
    %get3A_69 = arith.index_cast %get3A_68 : i32 to index
    %get3A_70 = arith.constant 80 : index
    %get3A_71 = tpu.vector_load %arg7[%get3A_69, %get3A_70] {strides = array<i32>} : memref<10x128xi32, #tpu.memory_space<vmem>>, vector<1x16xi32>,
    %get3A_72 = vector.shape_cast %get3A_71 : vector<1x16xi32> to vector<16xi32>
    %add3A_73 = vector.broadcast %mul3A_4 : i32 to vector<16xi32>
    %add3A_74 = arith.addi %get3A_72, %add3A_73 : vector<16xi32>
    %swap3A_75 = arith.constant 0 : i32
    %swap3A_76 = arith.index_cast %swap3A_75 : i32 to index
    %swap3A_77 = arith.constant 80 : index
    %swap3A_78 = tpu.vector_load %arg7[%swap3A_76, %swap3A_77] {strides = array<i32>} : memref<10x128xi32, #tpu.memory_space<vmem>>, vector<1x16xi32>,
    %swap3A_79 = vector.shape_cast %swap3A_78 : vector<1x16xi32> to vector<16xi32>
    %swap3A_80 = vector.shape_cast %add3A_74 : vector<16xi32> to vector<1x16xi32>
    tpu.vector_store %arg7[%swap3A_76, %swap3A_77], %swap3A_80 {strides = array<i32>} : memref<10x128xi32, #tpu.memory_space<vmem>>, vector<1x16xi32>,
    %get3A_81 = arith.constant 0 : i32
    %get3A_82 = arith.index_cast %get3A_81 : i32 to index
    %get3A_83 = arith.constant 96 : index
    %get3A_84 = tpu.vector_load %arg7[%get3A_82, %get3A_83] {strides = array<i32>} : memref<10x128xi32, #tpu.memory_space<vmem>>, vector<1x16xi32>,
    %get3A_85 = vector.shape_cast %get3A_84 : vector<1x16xi32> to vector<16xi32>
    %add3A_86 = vector.broadcast %mul3A_4 : i32 to vector<16xi32>
    %add3A_87 = arith.addi %get3A_85, %add3A_86 : vector<16xi32>
    %swap3A_88 = arith.constant 0 : i32
    %swap3A_89 = arith.index_cast %swap3A_88 : i32 to index
    %swap3A_90 = arith.constant 96 : index
    %swap3A_91 = tpu.vector_load %arg7[%swap3A_89, %swap3A_90] {strides = array<i32>} : memref<10x128xi32, #tpu.memory_space<vmem>>, vector<1x16xi32>,
    %swap3A_92 = vector.shape_cast %swap3A_91 : vector<1x16xi32> to vector<16xi32>
    %swap3A_93 = vector.shape_cast %add3A_87 : vector<16xi32> to vector<1x16xi32>
    tpu.vector_store %arg7[%swap3A_89, %swap3A_90], %swap3A_93 {strides = array<i32>} : memref<10x128xi32, #tpu.memory_space<vmem>>, vector<1x16xi32>,
    %get3A_94 = arith.constant 0 : i32
    %get3A_95 = arith.index_cast %get3A_94 : i32 to index
    %get3A_96 = arith.constant 112 : index
    %get3A_97 = tpu.vector_load %arg7[%get3A_95, %get3A_96] {strides = array<i32>} : memref<10x128xi32, #tpu.memory_space<vmem>>, vector<1x16xi32>,
    %get3A_98 = vector.shape_cast %get3A_97 : vector<1x16xi32> to vector<16xi32>
    %add3A_99 = vector.broadcast %mul3A_4 : i32 to vector<16xi32>
    %add3A_100 = arith.addi %get3A_98, %add3A_99 : vector<16xi32>
    %swap3A_101 = arith.constant 0 : i32
    %swap3A_102 = arith.index_cast %swap3A_101 : i32 to index
    %swap3A_103 = arith.constant 112 : index
    %swap3A_104 = tpu.vector_load %arg7[%swap3A_102, %swap3A_103] {strides = array<i32>} : memref<10x128xi32, #tpu.memory_space<vmem>>, vector<1x16xi32>,
    %swap3A_105 = vector.shape_cast %swap3A_104 : vector<1x16xi32> to vector<16xi32>
    %swap3A_106 = vector.shape_cast %add3A_100 : vector<16xi32> to vector<1x16xi32>
    tpu.vector_store %arg7[%swap3A_102, %swap3A_103], %swap3A_106 {strides = array<i32>} : memref<10x128xi32, #tpu.memory_space<vmem>>, vector<1x16xi32>,
    %get3A_107 = arith.constant 1 : i32
    %get3A_108 = arith.index_cast %get3A_107 : i32 to index
    %get3A_109 = arith.constant 0 : index
    %get3A_110 = tpu.vector_load %arg7[%get3A_108, %get3A_109] {strides = array<i32>} : memref<10x128xi32, #tpu.memory_space<vmem>>, vector<1x16xi32>,
    %get3A_111 = vector.shape_cast %get3A_110 : vector<1x16xi32> to vector<16xi32>
    %add3A_112 = vector.broadcast %mul3A_4 : i32 to vector<16xi32>
    %add3A_113 = arith.addi %get3A_111, %add3A_112 : vector<16xi32>
    %swap3A_114 = arith.constant 1 : i32
    %swap3A_115 = arith.index_cast %swap3A_114 : i32 to index
    %swap3A_116 = arith.constant 0 : index
    %swap3A_117 = tpu.vector_load %arg7[%swap3A_115, %swap3A_116] {strides = array<i32>} : memref<10x128xi32, #tpu.memory_space<vmem>>, vector<1x16xi32>,
    %swap3A_118 = vector.shape_cast %swap3A_117 : vector<1x16xi32> to vector<16xi32>
    %swap3A_119 = vector.shape_cast %add3A_113 : vector<16xi32> to vector<1x16xi32>
    tpu.vector_store %arg7[%swap3A_115, %swap3A_116], %swap3A_119 {strides = array<i32>} : memref<10x128xi32, #tpu.memory_space<vmem>>, vector<1x16xi32>,
    %get3A_120 = arith.constant 1 : i32
    %get3A_121 = arith.index_cast %get3A_120 : i32 to index
    %get3A_122 = arith.constant 16 : index
    %get3A_123 = tpu.vector_load %arg7[%get3A_121, %get3A_122] {strides = array<i32>} : memref<10x128xi32, #tpu.memory_space<vmem>>, vector<1x16xi32>,
    %get3A_124 = vector.shape_cast %get3A_123 : vector<1x16xi32> to vector<16xi32>
    %add3A_125 = vector.broadcast %mul3A_4 : i32 to vector<16xi32>
    %add3A_126 = arith.addi %get3A_124, %add3A_125 : vector<16xi32>
    %swap3A_127 = arith.constant 1 : i32
    %swap3A_128 = arith.index_cast %swap3A_127 : i32 to index
    %swap3A_129 = arith.constant 16 : index
    %swap3A_130 = tpu.vector_load %arg7[%swap3A_128, %swap3A_129] {strides = array<i32>} : memref<10x128xi32, #tpu.memory_space<vmem>>, vector<1x16xi32>,
    %swap3A_131 = vector.shape_cast %swap3A_130 : vector<1x16xi32> to vector<16xi32>
    %swap3A_132 = vector.shape_cast %add3A_126 : vector<16xi32> to vector<1x16xi32>
    tpu.vector_store %arg7[%swap3A_128, %swap3A_129], %swap3A_132 {strides = array<i32>} : memref<10x128xi32, #tpu.memory_space<vmem>>, vector<1x16xi32>,
    %get3A_133 = arith.constant 1 : i32
    %get3A_134 = arith.index_cast %get3A_133 : i32 to index
    %get3A_135 = arith.constant 32 : index
    %get3A_136 = tpu.vector_load %arg7[%get3A_134, %get3A_135] {strides = array<i32>} : memref<10x128xi32, #tpu.memory_space<vmem>>, vector<1x16xi32>,
    %get3A_137 = vector.shape_cast %get3A_136 : vector<1x16xi32> to vector<16xi32>
    %add3A_138 = vector.broadcast %mul3A_4 : i32 to vector<16xi32>
    %add3A_139 = arith.addi %get3A_137, %add3A_138 : vector<16xi32>
    %swap3A_140 = arith.constant 1 : i32
    %swap3A_141 = arith.index_cast %swap3A_140 : i32 to index
    %swap3A_142 = arith.constant 32 : index
    %swap3A_143 = tpu.vector_load %arg7[%swap3A_141, %swap3A_142] {strides = array<i32>} : memref<10x128xi32, #tpu.memory_space<vmem>>, vector<1x16xi32>,
    %swap3A_144 = vector.shape_cast %swap3A_143 : vector<1x16xi32> to vector<16xi32>
    %swap3A_145 = vector.shape_cast %add3A_139 : vector<16xi32> to vector<1x16xi32>
    tpu.vector_store %arg7[%swap3A_141, %swap3A_142], %swap3A_145 {strides = array<i32>} : memref<10x128xi32, #tpu.memory_space<vmem>>, vector<1x16xi32>,
    %get3A_146 = arith.constant 1 : i32
    %get3A_147 = arith.index_cast %get3A_146 : i32 to index
    %get3A_148 = arith.constant 48 : index
    %get3A_149 = tpu.vector_load %arg7[%get3A_147, %get3A_148] {strides = array<i32>} : memref<10x128xi32, #tpu.memory_space<vmem>>, vector<1x16xi32>,
    %get3A_150 = vector.shape_cast %get3A_149 : vector<1x16xi32> to vector<16xi32>
    %add3A_151 = vector.broadcast %mul3A_4 : i32 to vector<16xi32>
    %add3A_152 = arith.addi %get3A_150, %add3A_151 : vector<16xi32>
    %swap3A_153 = arith.constant 1 : i32
    %swap3A_154 = arith.index_cast %swap3A_153 : i32 to index
    %swap3A_155 = arith.constant 48 : index
    %swap3A_156 = tpu.vector_load %arg7[%swap3A_154, %swap3A_155] {strides = array<i32>} : memref<10x128xi32, #tpu.memory_space<vmem>>, vector<1x16xi32>,
    %swap3A_157 = vector.shape_cast %swap3A_156 : vector<1x16xi32> to vector<16xi32>
    %swap3A_158 = vector.shape_cast %add3A_152 : vector<16xi32> to vector<1x16xi32>
    tpu.vector_store %arg7[%swap3A_154, %swap3A_155], %swap3A_158 {strides = array<i32>} : memref<10x128xi32, #tpu.memory_space<vmem>>, vector<1x16xi32>,
    %get3A_159 = arith.constant 1 : i32
    %get3A_160 = arith.index_cast %get3A_159 : i32 to index
    %get3A_161 = arith.constant 64 : index
    %get3A_162 = tpu.vector_load %arg7[%get3A_160, %get3A_161] {strides = array<i32>} : memref<10x128xi32, #tpu.memory_space<vmem>>, vector<1x16xi32>,
    %get3A_163 = vector.shape_cast %get3A_162 : vector<1x16xi32> to vector<16xi32>
    %add3A_164 = vector.broadcast %mul3A_4 : i32 to vector<16xi32>
    %add3A_165 = arith.addi %get3A_163, %add3A_164 : vector<16xi32>
    %swap3A_166 = arith.constant 1 : i32
    %swap3A_167 = arith.index_cast %swap3A_166 : i32 to index
    %swap3A_168 = arith.constant 64 : index
    %swap3A_169 = tpu.vector_load %arg7[%swap3A_167, %swap3A_168] {strides = array<i32>} : memref<10x128xi32, #tpu.memory_space<vmem>>, vector<1x16xi32>,
    %swap3A_170 = vector.shape_cast %swap3A_169 : vector<1x16xi32> to vector<16xi32>
    %swap3A_171 = vector.shape_cast %add3A_165 : vector<16xi32> to vector<1x16xi32>
    tpu.vector_store %arg7[%swap3A_167, %swap3A_168], %swap3A_171 {strides = array<i32>} : memref<10x128xi32, #tpu.memory_space<vmem>>, vector<1x16xi32>,
    %get3A_172 = arith.constant 1 : i32
    %get3A_173 = arith.index_cast %get3A_172 : i32 to index
    %get3A_174 = arith.constant 80 : index
    %get3A_175 = tpu.vector_load %arg7[%get3A_173, %get3A_174] {strides = array<i32>} : memref<10x128xi32, #tpu.memory_space<vmem>>, vector<1x16xi32>,
    %get3A_176 = vector.shape_cast %get3A_175 : vector<1x16xi32> to vector<16xi32>
    %add3A_177 = vector.broadcast %mul3A_4 : i32 to vector<16xi32>
    %add3A_178 = arith.addi %get3A_176, %add3A_177 : vector<16xi32>
    %swap3A_179 = arith.constant 1 : i32
    %swap3A_180 = arith.index_cast %swap3A_179 : i32 to index
    %swap3A_181 = arith.constant 80 : index
    %swap3A_182 = tpu.vector_load %arg7[%swap3A_180, %swap3A_181] {strides = array<i32>} : memref<10x128xi32, #tpu.memory_space<vmem>>, vector<1x16xi32>,
    %swap3A_183 = vector.shape_cast %swap3A_182 : vector<1x16xi32> to vector<16xi32>
    %swap3A_184 = vector.shape_cast %add3A_178 : vector<16xi32> to vector<1x16xi32>
    tpu.vector_store %arg7[%swap3A_180, %swap3A_181], %swap3A_184 {strides = array<i32>} : memref<10x128xi32, #tpu.memory_space<vmem>>, vector<1x16xi32>,
    %get3A_185 = arith.constant 1 : i32
    %get3A_186 = arith.index_cast %get3A_185 : i32 to index
    %get3A_187 = arith.constant 96 : index
    %get3A_188 = tpu.vector_load %arg7[%get3A_186, %get3A_187] {strides = array<i32>} : memref<10x128xi32, #tpu.memory_space<vmem>>, vector<1x16xi32>,
    %get3A_189 = vector.shape_cast %get3A_188 : vector<1x16xi32> to vector<16xi32>
    %add3A_190 = vector.broadcast %mul3A_4 : i32 to vector<16xi32>
    %add3A_191 = arith.addi %get3A_189, %add3A_190 : vector<16xi32>
    %swap3A_192 = arith.constant 1 : i32
    %swap3A_193 = arith.index_cast %swap3A_192 : i32 to index
    %swap3A_194 = arith.constant 96 : index
    %swap3A_195 = tpu.vector_load %arg7[%swap3A_193, %swap3A_194] {strides = array<i32>} : memref<10x128xi32, #tpu.memory_space<vmem>>, vector<1x16xi32>,
    %swap3A_196 = vector.shape_cast %swap3A_195 : vector<1x16xi32> to vector<16xi32>
    %swap3A_197 = vector.shape_cast %add3A_191 : vector<16xi32> to vector<1x16xi32>
    tpu.vector_store %arg7[%swap3A_193, %swap3A_194], %swap3A_197 {strides = array<i32>} : memref<10x128xi32, #tpu.memory_space<vmem>>, vector<1x16xi32>,
    %get3A_198 = arith.constant 1 : i32
    %get3A_199 = arith.index_cast %get3A_198 : i32 to index
    %get3A_200 = arith.constant 112 : index
    %get3A_201 = tpu.vector_load %arg7[%get3A_199, %get3A_200] {strides = array<i32>} : memref<10x128xi32, #tpu.memory_space<vmem>>, vector<1x16xi32>,
    %get3A_202 = vector.shape_cast %get3A_201 : vector<1x16xi32> to vector<16xi32>
    %add3A_203 = vector.broadcast %mul3A_4 : i32 to vector<16xi32>
    %add3A_204 = arith.addi %get3A_202, %add3A_203 : vector<16xi32>
    %swap3A_205 = arith.constant 1 : i32
    %swap3A_206 = arith.index_cast %swap3A_205 : i32 to index
    %swap3A_207 = arith.constant 112 : index
    %swap3A_208 = tpu.vector_load %arg7[%swap3A_206, %swap3A_207] {strides = array<i32>} : memref<10x128xi32, #tpu.memory_space<vmem>>, vector<1x16xi32>,
    %swap3A_209 = vector.shape_cast %swap3A_208 : vector<1x16xi32> to vector<16xi32>
    %swap3A_210 = vector.shape_cast %add3A_204 : vector<16xi32> to vector<1x16xi32>
    tpu.vector_store %arg7[%swap3A_206, %swap3A_207], %swap3A_210 {strides = array<i32>} : memref<10x128xi32, #tpu.memory_space<vmem>>, vector<1x16xi32>,
    %get3A_211 = arith.constant 2 : i32
    %get3A_212 = arith.index_cast %get3A_211 : i32 to index
    %get3A_213 = arith.constant 0 : index
    %get3A_214 = tpu.vector_load %arg7[%get3A_212, %get3A_213] {strides = array<i32>} : memref<10x128xi32, #tpu.memory_space<vmem>>, vector<1x16xi32>,
    %get3A_215 = vector.shape_cast %get3A_214 : vector<1x16xi32> to vector<16xi32>
    %add3A_216 = vector.broadcast %mul3A_4 : i32 to vector<16xi32>
    %add3A_217 = arith.addi %get3A_215, %add3A_216 : vector<16xi32>
    %swap3A_218 = arith.constant 2 : i32
    %swap3A_219 = arith.index_cast %swap3A_218 : i32 to index
    %swap3A_220 = arith.constant 0 : index
    %swap3A_221 = tpu.vector_load %arg7[%swap3A_219, %swap3A_220] {strides = array<i32>} : memref<10x128xi32, #tpu.memory_space<vmem>>, vector<1x16xi32>,
    %swap3A_222 = vector.shape_cast %swap3A_221 : vector<1x16xi32> to vector<16xi32>
    %swap3A_223 = vector.shape_cast %add3A_217 : vector<16xi32> to vector<1x16xi32>
    tpu.vector_store %arg7[%swap3A_219, %swap3A_220], %swap3A_223 {strides = array<i32>} : memref<10x128xi32, #tpu.memory_space<vmem>>, vector<1x16xi32>,
    %get3A_224 = arith.constant 2 : i32
    %get3A_225 = arith.index_cast %get3A_224 : i32 to index
    %get3A_226 = arith.constant 16 : index
    %get3A_227 = tpu.vector_load %arg7[%get3A_225, %get3A_226] {strides = array<i32>} : memref<10x128xi32, #tpu.memory_space<vmem>>, vector<1x16xi32>,
    %get3A_228 = vector.shape_cast %get3A_227 : vector<1x16xi32> to vector<16xi32>
    %add3A_229 = vector.broadcast %mul3A_4 : i32 to vector<16xi32>
    %add3A_230 = arith.addi %get3A_228, %add3A_229 : vector<16xi32>
    %swap3A_231 = arith.constant 2 : i32
    %swap3A_232 = arith.index_cast %swap3A_231 : i32 to index
    %swap3A_233 = arith.constant 16 : index
    %swap3A_234 = tpu.vector_load %arg7[%swap3A_232, %swap3A_233] {strides = array<i32>} : memref<10x128xi32, #tpu.memory_space<vmem>>, vector<1x16xi32>,
    %swap3A_235 = vector.shape_cast %swap3A_234 : vector<1x16xi32> to vector<16xi32>
    %swap3A_236 = vector.shape_cast %add3A_230 : vector<16xi32> to vector<1x16xi32>
    tpu.vector_store %arg7[%swap3A_232, %swap3A_233], %swap3A_236 {strides = array<i32>} : memref<10x128xi32, #tpu.memory_space<vmem>>, vector<1x16xi32>,
    %get3A_237 = arith.constant 2 : i32
    %get3A_238 = arith.index_cast %get3A_237 : i32 to index
    %get3A_239 = arith.constant 32 : index
    %get3A_240 = tpu.vector_load %arg7[%get3A_238, %get3A_239] {strides = array<i32>} : memref<10x128xi32, #tpu.memory_space<vmem>>, vector<1x16xi32>,
    %get3A_241 = vector.shape_cast %get3A_240 : vector<1x16xi32> to vector<16xi32>
    %add3A_242 = vector.broadcast %mul3A_4 : i32 to vector<16xi32>
    %add3A_243 = arith.addi %get3A_241, %add3A_242 : vector<16xi32>
    %swap3A_244 = arith.constant 2 : i32
    %swap3A_245 = arith.index_cast %swap3A_244 : i32 to index
    %swap3A_246 = arith.constant 32 : index
    %swap3A_247 = tpu.vector_load %arg7[%swap3A_245, %swap3A_246] {strides = array<i32>} : memref<10x128xi32, #tpu.memory_space<vmem>>, vector<1x16xi32>,
    %swap3A_248 = vector.shape_cast %swap3A_247 : vector<1x16xi32> to vector<16xi32>
    %swap3A_249 = vector.shape_cast %add3A_243 : vector<16xi32> to vector<1x16xi32>
    tpu.vector_store %arg7[%swap3A_245, %swap3A_246], %swap3A_249 {strides = array<i32>} : memref<10x128xi32, #tpu.memory_space<vmem>>, vector<1x16xi32>,
    %get3A_250 = arith.constant 2 : i32
    %get3A_251 = arith.index_cast %get3A_250 : i32 to index
    %get3A_252 = arith.constant 48 : index
    %get3A_253 = tpu.vector_load %arg7[%get3A_251, %get3A_252] {strides = array<i32>} : memref<10x128xi32, #tpu.memory_space<vmem>>, vector<1x16xi32>,
    %get3A_254 = vector.shape_cast %get3A_253 : vector<1x16xi32> to vector<16xi32>
    %add3A_255 = vector.broadcast %mul3A_4 : i32 to vector<16xi32>
    %add3A_256 = arith.addi %get3A_254, %add3A_255 : vector<16xi32>
    %swap3A_257 = arith.constant 2 : i32
    %swap3A_258 = arith.index_cast %swap3A_257 : i32 to index
    %swap3A_259 = arith.constant 48 : index
    %swap3A_260 = tpu.vector_load %arg7[%swap3A_258, %swap3A_259] {strides = array<i32>} : memref<10x128xi32, #tpu.memory_space<vmem>>, vector<1x16xi32>,
    %swap3A_261 = vector.shape_cast %swap3A_260 : vector<1x16xi32> to vector<16xi32>
    %swap3A_262 = vector.shape_cast %add3A_256 : vector<16xi32> to vector<1x16xi32>
    tpu.vector_store %arg7[%swap3A_258, %swap3A_259], %swap3A_262 {strides = array<i32>} : memref<10x128xi32, #tpu.memory_space<vmem>>, vector<1x16xi32>,
    %get3A_263 = arith.constant 2 : i32
    %get3A_264 = arith.index_cast %get3A_263 : i32 to index
    %get3A_265 = arith.constant 64 : index
    %get3A_266 = tpu.vector_load %arg7[%get3A_264, %get3A_265] {strides = array<i32>} : memref<10x128xi32, #tpu.memory_space<vmem>>, vector<1x16xi32>,
    %get3A_267 = vector.shape_cast %get3A_266 : vector<1x16xi32> to vector<16xi32>
    %add3A_268 = vector.broadcast %mul3A_4 : i32 to vector<16xi32>
    %add3A_269 = arith.addi %get3A_267, %add3A_268 : vector<16xi32>
    %swap3A_270 = arith.constant 2 : i32
    %swap3A_271 = arith.index_cast %swap3A_270 : i32 to index
    %swap3A_272 = arith.constant 64 : index
    %swap3A_273 = tpu.vector_load %arg7[%swap3A_271, %swap3A_272] {strides = array<i32>} : memref<10x128xi32, #tpu.memory_space<vmem>>, vector<1x16xi32>,
    %swap3A_274 = vector.shape_cast %swap3A_273 : vector<1x16xi32> to vector<16xi32>
    %swap3A_275 = vector.shape_cast %add3A_269 : vector<16xi32> to vector<1x16xi32>
    tpu.vector_store %arg7[%swap3A_271, %swap3A_272], %swap3A_275 {strides = array<i32>} : memref<10x128xi32, #tpu.memory_space<vmem>>, vector<1x16xi32>,
    %get3A_276 = arith.constant 2 : i32
    %get3A_277 = arith.index_cast %get3A_276 : i32 to index
    %get3A_278 = arith.constant 80 : index
    %get3A_279 = tpu.vector_load %arg7[%get3A_277, %get3A_278] {strides = array<i32>} : memref<10x128xi32, #tpu.memory_space<vmem>>, vector<1x16xi32>,
    %get3A_280 = vector.shape_cast %get3A_279 : vector<1x16xi32> to vector<16xi32>
    %add3A_281 = vector.broadcast %mul3A_4 : i32 to vector<16xi32>
    %add3A_282 = arith.addi %get3A_280, %add3A_281 : vector<16xi32>
    %swap3A_283 = arith.constant 2 : i32
    %swap3A_284 = arith.index_cast %swap3A_283 : i32 to index
    %swap3A_285 = arith.constant 80 : index
    %swap3A_286 = tpu.vector_load %arg7[%swap3A_284, %swap3A_285] {strides = array<i32>} : memref<10x128xi32, #tpu.memory_space<vmem>>, vector<1x16xi32>,
    %swap3A_287 = vector.shape_cast %swap3A_286 : vector<1x16xi32> to vector<16xi32>
    %swap3A_288 = vector.shape_cast %add3A_282 : vector<16xi32> to vector<1x16xi32>
    tpu.vector_store %arg7[%swap3A_284, %swap3A_285], %swap3A_288 {strides = array<i32>} : memref<10x128xi32, #tpu.memory_space<vmem>>, vector<1x16xi32>,
    %get3A_289 = arith.constant 2 : i32
    %get3A_290 = arith.index_cast %get3A_289 : i32 to index
    %get3A_291 = arith.constant 96 : index
    %get3A_292 = tpu.vector_load %arg7[%get3A_290, %get3A_291] {strides = array<i32>} : memref<10x128xi32, #tpu.memory_space<vmem>>, vector<1x16xi32>,
    %get3A_293 = vector.shape_cast %get3A_292 : vector<1x16xi32> to vector<16xi32>
    %add3A_294 = vector.broadcast %mul3A_4 : i32 to vector<16xi32>
    %add3A_295 = arith.addi %get3A_293, %add3A_294 : vector<16xi32>
    %swap3A_296 = arith.constant 2 : i32
    %swap3A_297 = arith.index_cast %swap3A_296 : i32 to index
    %swap3A_298 = arith.constant 96 : index
    %swap3A_299 = tpu.vector_load %arg7[%swap3A_297, %swap3A_298] {strides = array<i32>} : memref<10x128xi32, #tpu.memory_space<vmem>>, vector<1x16xi32>,
    %swap3A_300 = vector.shape_cast %swap3A_299 : vector<1x16xi32> to vector<16xi32>
    %swap3A_301 = vector.shape_cast %add3A_295 : vector<16xi32> to vector<1x16xi32>
    tpu.vector_store %arg7[%swap3A_297, %swap3A_298], %swap3A_301 {strides = array<i32>} : memref<10x128xi32, #tpu.memory_space<vmem>>, vector<1x16xi32>,
    %get3A_302 = arith.constant 2 : i32
    %get3A_303 = arith.index_cast %get3A_302 : i32 to index
    %get3A_304 = arith.constant 112 : index
    %get3A_305 = tpu.vector_load %arg7[%get3A_303, %get3A_304] {strides = array<i32>} : memref<10x128xi32, #tpu.memory_space<vmem>>, vector<1x16xi32>,
    %get3A_306 = vector.shape_cast %get3A_305 : vector<1x16xi32> to vector<16xi32>
    %add3A_307 = vector.broadcast %mul3A_4 : i32 to vector<16xi32>
    %add3A_308 = arith.addi %get3A_306, %add3A_307 : vector<16xi32>
    %swap3A_309 = arith.constant 2 : i32
    %swap3A_310 = arith.index_cast %swap3A_309 : i32 to index
    %swap3A_311 = arith.constant 112 : index
    %swap3A_312 = tpu.vector_load %arg7[%swap3A_310, %swap3A_311] {strides = array<i32>} : memref<10x128xi32, #tpu.memory_space<vmem>>, vector<1x16xi32>,
    %swap3A_313 = vector.shape_cast %swap3A_312 : vector<1x16xi32> to vector<16xi32>
    %swap3A_314 = vector.shape_cast %add3A_308 : vector<16xi32> to vector<1x16xi32>
    tpu.vector_store %arg7[%swap3A_310, %swap3A_311], %swap3A_314 {strides = array<i32>} : memref<10x128xi32, #tpu.memory_space<vmem>>, vector<1x16xi32>,
    %get3A_315 = arith.constant 3 : i32
    %get3A_316 = arith.index_cast %get3A_315 : i32 to index
    %get3A_317 = arith.constant 0 : index
    %get3A_318 = tpu.vector_load %arg7[%get3A_316, %get3A_317] {strides = array<i32>} : memref<10x128xi32, #tpu.memory_space<vmem>>, vector<1x16xi32>,
    %get3A_319 = vector.shape_cast %get3A_318 : vector<1x16xi32> to vector<16xi32>
    %add3A_320 = vector.broadcast %mul3A_4 : i32 to vector<16xi32>
    %add3A_321 = arith.addi %get3A_319, %add3A_320 : vector<16xi32>
    %swap3A_322 = arith.constant 3 : i32
    %swap3A_323 = arith.index_cast %swap3A_322 : i32 to index
    %swap3A_324 = arith.constant 0 : index
    %swap3A_325 = tpu.vector_load %arg7[%swap3A_323, %swap3A_324] {strides = array<i32>} : memref<10x128xi32, #tpu.memory_space<vmem>>, vector<1x16xi32>,
    %swap3A_326 = vector.shape_cast %swap3A_325 : vector<1x16xi32> to vector<16xi32>
    %swap3A_327 = vector.shape_cast %add3A_321 : vector<16xi32> to vector<1x16xi32>
    tpu.vector_store %arg7[%swap3A_323, %swap3A_324], %swap3A_327 {strides = array<i32>} : memref<10x128xi32, #tpu.memory_space<vmem>>, vector<1x16xi32>,
    %get3A_328 = arith.constant 3 : i32
    %get3A_329 = arith.index_cast %get3A_328 : i32 to index
    %get3A_330 = arith.constant 16 : index
    %get3A_331 = tpu.vector_load %arg7[%get3A_329, %get3A_330] {strides = array<i32>} : memref<10x128xi32, #tpu.memory_space<vmem>>, vector<1x16xi32>,
    %get3A_332 = vector.shape_cast %get3A_331 : vector<1x16xi32> to vector<16xi32>
    %add3A_333 = vector.broadcast %mul3A_4 : i32 to vector<16xi32>
    %add3A_334 = arith.addi %get3A_332, %add3A_333 : vector<16xi32>
    %swap3A_335 = arith.constant 3 : i32
    %swap3A_336 = arith.index_cast %swap3A_335 : i32 to index
    %swap3A_337 = arith.constant 16 : index
    %swap3A_338 = tpu.vector_load %arg7[%swap3A_336, %swap3A_337] {strides = array<i32>} : memref<10x128xi32, #tpu.memory_space<vmem>>, vector<1x16xi32>,
    %swap3A_339 = vector.shape_cast %swap3A_338 : vector<1x16xi32> to vector<16xi32>
    %swap3A_340 = vector.shape_cast %add3A_334 : vector<16xi32> to vector<1x16xi32>
    tpu.vector_store %arg7[%swap3A_336, %swap3A_337], %swap3A_340 {strides = array<i32>} : memref<10x128xi32, #tpu.memory_space<vmem>>, vector<1x16xi32>,
    %get3A_341 = arith.constant 3 : i32
    %get3A_342 = arith.index_cast %get3A_341 : i32 to index
    %get3A_343 = arith.constant 32 : index
    %get3A_344 = tpu.vector_load %arg7[%get3A_342, %get3A_343] {strides = array<i32>} : memref<10x128xi32, #tpu.memory_space<vmem>>, vector<1x16xi32>,
    %get3A_345 = vector.shape_cast %get3A_344 : vector<1x16xi32> to vector<16xi32>
    %add3A_346 = vector.broadcast %mul3A_4 : i32 to vector<16xi32>
    %add3A_347 = arith.addi %get3A_345, %add3A_346 : vector<16xi32>
    %swap3A_348 = arith.constant 3 : i32
    %swap3A_349 = arith.index_cast %swap3A_348 : i32 to index
    %swap3A_350 = arith.constant 32 : index
    %swap3A_351 = tpu.vector_load %arg7[%swap3A_349, %swap3A_350] {strides = array<i32>} : memref<10x128xi32, #tpu.memory_space<vmem>>, vector<1x16xi32>,
    %swap3A_352 = vector.shape_cast %swap3A_351 : vector<1x16xi32> to vector<16xi32>
    %swap3A_353 = vector.shape_cast %add3A_347 : vector<16xi32> to vector<1x16xi32>
    tpu.vector_store %arg7[%swap3A_349, %swap3A_350], %swap3A_353 {strides = array<i32>} : memref<10x128xi32, #tpu.memory_space<vmem>>, vector<1x16xi32>,
    %get3A_354 = arith.constant 3 : i32
    %get3A_355 = arith.index_cast %get3A_354 : i32 to index
    %get3A_356 = arith.constant 48 : index
    %get3A_357 = tpu.vector_load %arg7[%get3A_355, %get3A_356] {strides = array<i32>} : memref<10x128xi32, #tpu.memory_space<vmem>>, vector<1x16xi32>,
    %get3A_358 = vector.shape_cast %get3A_357 : vector<1x16xi32> to vector<16xi32>
    %add3A_359 = vector.broadcast %mul3A_4 : i32 to vector<16xi32>
    %add3A_360 = arith.addi %get3A_358, %add3A_359 : vector<16xi32>
    %swap3A_361 = arith.constant 3 : i32
    %swap3A_362 = arith.index_cast %swap3A_361 : i32 to index
    %swap3A_363 = arith.constant 48 : index
    %swap3A_364 = tpu.vector_load %arg7[%swap3A_362, %swap3A_363] {strides = array<i32>} : memref<10x128xi32, #tpu.memory_space<vmem>>, vector<1x16xi32>,
    %swap3A_365 = vector.shape_cast %swap3A_364 : vector<1x16xi32> to vector<16xi32>
    %swap3A_366 = vector.shape_cast %add3A_360 : vector<16xi32> to vector<1x16xi32>
    tpu.vector_store %arg7[%swap3A_362, %swap3A_363], %swap3A_366 {strides = array<i32>} : memref<10x128xi32, #tpu.memory_space<vmem>>, vector<1x16xi32>,
    %get3A_367 = arith.constant 3 : i32
    %get3A_368 = arith.index_cast %get3A_367 : i32 to index
    %get3A_369 = arith.constant 64 : index
    %get3A_370 = tpu.vector_load %arg7[%get3A_368, %get3A_369] {strides = array<i32>} : memref<10x128xi32, #tpu.memory_space<vmem>>, vector<1x16xi32>,
    %get3A_371 = vector.shape_cast %get3A_370 : vector<1x16xi32> to vector<16xi32>
    %add3A_372 = vector.broadcast %mul3A_4 : i32 to vector<16xi32>
    %add3A_373 = arith.addi %get3A_371, %add3A_372 : vector<16xi32>
    %swap3A_374 = arith.constant 3 : i32
    %swap3A_375 = arith.index_cast %swap3A_374 : i32 to index
    %swap3A_376 = arith.constant 64 : index
    %swap3A_377 = tpu.vector_load %arg7[%swap3A_375, %swap3A_376] {strides = array<i32>} : memref<10x128xi32, #tpu.memory_space<vmem>>, vector<1x16xi32>,
    %swap3A_378 = vector.shape_cast %swap3A_377 : vector<1x16xi32> to vector<16xi32>
    %swap3A_379 = vector.shape_cast %add3A_373 : vector<16xi32> to vector<1x16xi32>
    tpu.vector_store %arg7[%swap3A_375, %swap3A_376], %swap3A_379 {strides = array<i32>} : memref<10x128xi32, #tpu.memory_space<vmem>>, vector<1x16xi32>,
    %get3A_380 = arith.constant 3 : i32
    %get3A_381 = arith.index_cast %get3A_380 : i32 to index
    %get3A_382 = arith.constant 80 : index
    %get3A_383 = tpu.vector_load %arg7[%get3A_381, %get3A_382] {strides = array<i32>} : memref<10x128xi32, #tpu.memory_space<vmem>>, vector<1x16xi32>,
    %get3A_384 = vector.shape_cast %get3A_383 : vector<1x16xi32> to vector<16xi32>
    %add3A_385 = vector.broadcast %mul3A_4 : i32 to vector<16xi32>
    %add3A_386 = arith.addi %get3A_384, %add3A_385 : vector<16xi32>
    %swap3A_387 = arith.constant 3 : i32
    %swap3A_388 = arith.index_cast %swap3A_387 : i32 to index
    %swap3A_389 = arith.constant 80 : index
    %swap3A_390 = tpu.vector_load %arg7[%swap3A_388, %swap3A_389] {strides = array<i32>} : memref<10x128xi32, #tpu.memory_space<vmem>>, vector<1x16xi32>,
    %swap3A_391 = vector.shape_cast %swap3A_390 : vector<1x16xi32> to vector<16xi32>
    %swap3A_392 = vector.shape_cast %add3A_386 : vector<16xi32> to vector<1x16xi32>
    tpu.vector_store %arg7[%swap3A_388, %swap3A_389], %swap3A_392 {strides = array<i32>} : memref<10x128xi32, #tpu.memory_space<vmem>>, vector<1x16xi32>,
    %get3A_393 = arith.constant 3 : i32
    %get3A_394 = arith.index_cast %get3A_393 : i32 to index
    %get3A_395 = arith.constant 96 : index
    %get3A_396 = tpu.vector_load %arg7[%get3A_394, %get3A_395] {strides = array<i32>} : memref<10x128xi32, #tpu.memory_space<vmem>>, vector<1x16xi32>,
    %get3A_397 = vector.shape_cast %get3A_396 : vector<1x16xi32> to vector<16xi32>
    %add3A_398 = vector.broadcast %mul3A_4 : i32 to vector<16xi32>
    %add3A_399 = arith.addi %get3A_397, %add3A_398 : vector<16xi32>
    %swap3A_400 = arith.constant 3 : i32
    %swap3A_401 = arith.index_cast %swap3A_400 : i32 to index
    %swap3A_402 = arith.constant 96 : index
    %swap3A_403 = tpu.vector_load %arg7[%swap3A_401, %swap3A_402] {strides = array<i32>} : memref<10x128xi32, #tpu.memory_space<vmem>>, vector<1x16xi32>,
    %swap3A_404 = vector.shape_cast %swap3A_403 : vector<1x16xi32> to vector<16xi32>
    %swap3A_405 = vector.shape_cast %add3A_399 : vector<16xi32> to vector<1x16xi32>
    tpu.vector_store %arg7[%swap3A_401, %swap3A_402], %swap3A_405 {strides = array<i32>} : memref<10x128xi32, #tpu.memory_space<vmem>>, vector<1x16xi32>,
    %get3A_406 = arith.constant 3 : i32
    %get3A_407 = arith.index_cast %get3A_406 : i32 to index
    %get3A_408 = arith.constant 112 : index
    %get3A_409 = tpu.vector_load %arg7[%get3A_407, %get3A_408] {strides = array<i32>} : memref<10x128xi32, #tpu.memory_space<vmem>>, vector<1x16xi32>,
    %get3A_410 = vector.shape_cast %get3A_409 : vector<1x16xi32> to vector<16xi32>
    %add3A_411 = vector.broadcast %mul3A_4 : i32 to vector<16xi32>
    %add3A_412 = arith.addi %get3A_410, %add3A_411 : vector<16xi32>
    %swap3A_413 = arith.constant 3 : i32
    %swap3A_414 = arith.index_cast %swap3A_413 : i32 to index
    %swap3A_415 = arith.constant 112 : index
    %swap3A_416 = tpu.vector_load %arg7[%swap3A_414, %swap3A_415] {strides = array<i32>} : memref<10x128xi32, #tpu.memory_space<vmem>>, vector<1x16xi32>,
    %swap3A_417 = vector.shape_cast %swap3A_416 : vector<1x16xi32> to vector<16xi32>
    %swap3A_418 = vector.shape_cast %add3A_412 : vector<16xi32> to vector<1x16xi32>
    tpu.vector_store %arg7[%swap3A_414, %swap3A_415], %swap3A_418 {strides = array<i32>} : memref<10x128xi32, #tpu.memory_space<vmem>>, vector<1x16xi32>,
    %get3A_419 = arith.constant 4 : i32
    %get3A_420 = arith.index_cast %get3A_419 : i32 to index
    %get3A_421 = arith.constant 0 : index
    %get3A_422 = tpu.vector_load %arg7[%get3A_420, %get3A_421] {strides = array<i32>} : memref<10x128xi32, #tpu.memory_space<vmem>>, vector<1x16xi32>,
    %get3A_423 = vector.shape_cast %get3A_422 : vector<1x16xi32> to vector<16xi32>
    %add3A_424 = vector.broadcast %mul3A_4 : i32 to vector<16xi32>
    %add3A_425 = arith.addi %get3A_423, %add3A_424 : vector<16xi32>
    %swap3A_426 = arith.constant 4 : i32
    %swap3A_427 = arith.index_cast %swap3A_426 : i32 to index
    %swap3A_428 = arith.constant 0 : index
    %swap3A_429 = tpu.vector_load %arg7[%swap3A_427, %swap3A_428] {strides = array<i32>} : memref<10x128xi32, #tpu.memory_space<vmem>>, vector<1x16xi32>,
    %swap3A_430 = vector.shape_cast %swap3A_429 : vector<1x16xi32> to vector<16xi32>
    %swap3A_431 = vector.shape_cast %add3A_425 : vector<16xi32> to vector<1x16xi32>
    tpu.vector_store %arg7[%swap3A_427, %swap3A_428], %swap3A_431 {strides = array<i32>} : memref<10x128xi32, #tpu.memory_space<vmem>>, vector<1x16xi32>,
    %get3A_432 = arith.constant 4 : i32
    %get3A_433 = arith.index_cast %get3A_432 : i32 to index
    %get3A_434 = arith.constant 16 : index
    %get3A_435 = tpu.vector_load %arg7[%get3A_433, %get3A_434] {strides = array<i32>} : memref<10x128xi32, #tpu.memory_space<vmem>>, vector<1x16xi32>,
    %get3A_436 = vector.shape_cast %get3A_435 : vector<1x16xi32> to vector<16xi32>
    %add3A_437 = vector.broadcast %mul3A_4 : i32 to vector<16xi32>
    %add3A_438 = arith.addi %get3A_436, %add3A_437 : vector<16xi32>
    %swap3A_439 = arith.constant 4 : i32
    %swap3A_440 = arith.index_cast %swap3A_439 : i32 to index
    %swap3A_441 = arith.constant 16 : index
    %swap3A_442 = tpu.vector_load %arg7[%swap3A_440, %swap3A_441] {strides = array<i32>} : memref<10x128xi32, #tpu.memory_space<vmem>>, vector<1x16xi32>,
    %swap3A_443 = vector.shape_cast %swap3A_442 : vector<1x16xi32> to vector<16xi32>
    %swap3A_444 = vector.shape_cast %add3A_438 : vector<16xi32> to vector<1x16xi32>
    tpu.vector_store %arg7[%swap3A_440, %swap3A_441], %swap3A_444 {strides = array<i32>} : memref<10x128xi32, #tpu.memory_space<vmem>>, vector<1x16xi32>,
    %get3A_445 = arith.constant 4 : i32
    %get3A_446 = arith.index_cast %get3A_445 : i32 to index
    %get3A_447 = arith.constant 32 : index
    %get3A_448 = tpu.vector_load %arg7[%get3A_446, %get3A_447] {strides = array<i32>} : memref<10x128xi32, #tpu.memory_space<vmem>>, vector<1x16xi32>,
    %get3A_449 = vector.shape_cast %get3A_448 : vector<1x16xi32> to vector<16xi32>
    %add3A_450 = vector.broadcast %mul3A_4 : i32 to vector<16xi32>
    %add3A_451 = arith.addi %get3A_449, %add3A_450 : vector<16xi32>
    %swap3A_452 = arith.constant 4 : i32
    %swap3A_453 = arith.index_cast %swap3A_452 : i32 to index
    %swap3A_454 = arith.constant 32 : index
    %swap3A_455 = tpu.vector_load %arg7[%swap3A_453, %swap3A_454] {strides = array<i32>} : memref<10x128xi32, #tpu.memory_space<vmem>>, vector<1x16xi32>,
    %swap3A_456 = vector.shape_cast %swap3A_455 : vector<1x16xi32> to vector<16xi32>
    %swap3A_457 = vector.shape_cast %add3A_451 : vector<16xi32> to vector<1x16xi32>
    tpu.vector_store %arg7[%swap3A_453, %swap3A_454], %swap3A_457 {strides = array<i32>} : memref<10x128xi32, #tpu.memory_space<vmem>>, vector<1x16xi32>,
    %get3A_458 = arith.constant 4 : i32
    %get3A_459 = arith.index_cast %get3A_458 : i32 to index
    %get3A_460 = arith.constant 48 : index
    %get3A_461 = tpu.vector_load %arg7[%get3A_459, %get3A_460] {strides = array<i32>} : memref<10x128xi32, #tpu.memory_space<vmem>>, vector<1x16xi32>,
    %get3A_462 = vector.shape_cast %get3A_461 : vector<1x16xi32> to vector<16xi32>
    %add3A_463 = vector.broadcast %mul3A_4 : i32 to vector<16xi32>
    %add3A_464 = arith.addi %get3A_462, %add3A_463 : vector<16xi32>
    %swap3A_465 = arith.constant 4 : i32
    %swap3A_466 = arith.index_cast %swap3A_465 : i32 to index
    %swap3A_467 = arith.constant 48 : index
    %swap3A_468 = tpu.vector_load %arg7[%swap3A_466, %swap3A_467] {strides = array<i32>} : memref<10x128xi32, #tpu.memory_space<vmem>>, vector<1x16xi32>,
    %swap3A_469 = vector.shape_cast %swap3A_468 : vector<1x16xi32> to vector<16xi32>
    %swap3A_470 = vector.shape_cast %add3A_464 : vector<16xi32> to vector<1x16xi32>
    tpu.vector_store %arg7[%swap3A_466, %swap3A_467], %swap3A_470 {strides = array<i32>} : memref<10x128xi32, #tpu.memory_space<vmem>>, vector<1x16xi32>,
    %get3A_471 = arith.constant 4 : i32
    %get3A_472 = arith.index_cast %get3A_471 : i32 to index
    %get3A_473 = arith.constant 64 : index
    %get3A_474 = tpu.vector_load %arg7[%get3A_472, %get3A_473] {strides = array<i32>} : memref<10x128xi32, #tpu.memory_space<vmem>>, vector<1x16xi32>,
    %get3A_475 = vector.shape_cast %get3A_474 : vector<1x16xi32> to vector<16xi32>
    %add3A_476 = vector.broadcast %mul3A_4 : i32 to vector<16xi32>
    %add3A_477 = arith.addi %get3A_475, %add3A_476 : vector<16xi32>
    %swap3A_478 = arith.constant 4 : i32
    %swap3A_479 = arith.index_cast %swap3A_478 : i32 to index
    %swap3A_480 = arith.constant 64 : index
    %swap3A_481 = tpu.vector_load %arg7[%swap3A_479, %swap3A_480] {strides = array<i32>} : memref<10x128xi32, #tpu.memory_space<vmem>>, vector<1x16xi32>,
    %swap3A_482 = vector.shape_cast %swap3A_481 : vector<1x16xi32> to vector<16xi32>
    %swap3A_483 = vector.shape_cast %add3A_477 : vector<16xi32> to vector<1x16xi32>
    tpu.vector_store %arg7[%swap3A_479, %swap3A_480], %swap3A_483 {strides = array<i32>} : memref<10x128xi32, #tpu.memory_space<vmem>>, vector<1x16xi32>,
    %get3A_484 = arith.constant 4 : i32
    %get3A_485 = arith.index_cast %get3A_484 : i32 to index
    %get3A_486 = arith.constant 80 : index
    %get3A_487 = tpu.vector_load %arg7[%get3A_485, %get3A_486] {strides = array<i32>} : memref<10x128xi32, #tpu.memory_space<vmem>>, vector<1x16xi32>,
    %get3A_488 = vector.shape_cast %get3A_487 : vector<1x16xi32> to vector<16xi32>
    %add3A_489 = vector.broadcast %mul3A_4 : i32 to vector<16xi32>
    %add3A_490 = arith.addi %get3A_488, %add3A_489 : vector<16xi32>
    %swap3A_491 = arith.constant 4 : i32
    %swap3A_492 = arith.index_cast %swap3A_491 : i32 to index
    %swap3A_493 = arith.constant 80 : index
    %swap3A_494 = tpu.vector_load %arg7[%swap3A_492, %swap3A_493] {strides = array<i32>} : memref<10x128xi32, #tpu.memory_space<vmem>>, vector<1x16xi32>,
    %swap3A_495 = vector.shape_cast %swap3A_494 : vector<1x16xi32> to vector<16xi32>
    %swap3A_496 = vector.shape_cast %add3A_490 : vector<16xi32> to vector<1x16xi32>
    tpu.vector_store %arg7[%swap3A_492, %swap3A_493], %swap3A_496 {strides = array<i32>} : memref<10x128xi32, #tpu.memory_space<vmem>>, vector<1x16xi32>,
    %get3A_497 = arith.constant 4 : i32
    %get3A_498 = arith.index_cast %get3A_497 : i32 to index
    %get3A_499 = arith.constant 96 : index
    %get3A_500 = tpu.vector_load %arg7[%get3A_498, %get3A_499] {strides = array<i32>} : memref<10x128xi32, #tpu.memory_space<vmem>>, vector<1x16xi32>,
    %get3A_501 = vector.shape_cast %get3A_500 : vector<1x16xi32> to vector<16xi32>
    %add3A_502 = vector.broadcast %mul3A_4 : i32 to vector<16xi32>
    %add3A_503 = arith.addi %get3A_501, %add3A_502 : vector<16xi32>
    %swap3A_504 = arith.constant 4 : i32
    %swap3A_505 = arith.index_cast %swap3A_504 : i32 to index
    %swap3A_506 = arith.constant 96 : index
    %swap3A_507 = tpu.vector_load %arg7[%swap3A_505, %swap3A_506] {strides = array<i32>} : memref<10x128xi32, #tpu.memory_space<vmem>>, vector<1x16xi32>,
    %swap3A_508 = vector.shape_cast %swap3A_507 : vector<1x16xi32> to vector<16xi32>
    %swap3A_509 = vector.shape_cast %add3A_503 : vector<16xi32> to vector<1x16xi32>
    tpu.vector_store %arg7[%swap3A_505, %swap3A_506], %swap3A_509 {strides = array<i32>} : memref<10x128xi32, #tpu.memory_space<vmem>>, vector<1x16xi32>,
    %get3A_510 = arith.constant 4 : i32
    %get3A_511 = arith.index_cast %get3A_510 : i32 to index
    %get3A_512 = arith.constant 112 : index
    %get3A_513 = tpu.vector_load %arg7[%get3A_511, %get3A_512] {strides = array<i32>} : memref<10x128xi32, #tpu.memory_space<vmem>>, vector<1x16xi32>,
    %get3A_514 = vector.shape_cast %get3A_513 : vector<1x16xi32> to vector<16xi32>
    %add3A_515 = vector.broadcast %mul3A_4 : i32 to vector<16xi32>
    %add3A_516 = arith.addi %get3A_514, %add3A_515 : vector<16xi32>
    %swap3A_517 = arith.constant 4 : i32
    %swap3A_518 = arith.index_cast %swap3A_517 : i32 to index
    %swap3A_519 = arith.constant 112 : index
    %swap3A_520 = tpu.vector_load %arg7[%swap3A_518, %swap3A_519] {strides = array<i32>} : memref<10x128xi32, #tpu.memory_space<vmem>>, vector<1x16xi32>,
    %swap3A_521 = vector.shape_cast %swap3A_520 : vector<1x16xi32> to vector<16xi32>
    %swap3A_522 = vector.shape_cast %add3A_516 : vector<16xi32> to vector<1x16xi32>
    tpu.vector_store %arg7[%swap3A_518, %swap3A_519], %swap3A_522 {strides = array<i32>} : memref<10x128xi32, #tpu.memory_space<vmem>>, vector<1x16xi32>,
    %get3A_523 = arith.constant 5 : i32
    %get3A_524 = arith.index_cast %get3A_523 : i32 to index
    %get3A_525 = arith.constant 0 : index
    %get3A_526 = tpu.vector_load %arg7[%get3A_524, %get3A_525] {strides = array<i32>} : memref<10x128xi32, #tpu.memory_space<vmem>>, vector<1x16xi32>,
    %get3A_527 = vector.shape_cast %get3A_526 : vector<1x16xi32> to vector<16xi32>
    %add3A_528 = vector.broadcast %mul3A_4 : i32 to vector<16xi32>
    %add3A_529 = arith.addi %get3A_527, %add3A_528 : vector<16xi32>
    %swap3A_530 = arith.constant 5 : i32
    %swap3A_531 = arith.index_cast %swap3A_530 : i32 to index
    %swap3A_532 = arith.constant 0 : index
    %swap3A_533 = tpu.vector_load %arg7[%swap3A_531, %swap3A_532] {strides = array<i32>} : memref<10x128xi32, #tpu.memory_space<vmem>>, vector<1x16xi32>,
    %swap3A_534 = vector.shape_cast %swap3A_533 : vector<1x16xi32> to vector<16xi32>
    %swap3A_535 = vector.shape_cast %add3A_529 : vector<16xi32> to vector<1x16xi32>
    tpu.vector_store %arg7[%swap3A_531, %swap3A_532], %swap3A_535 {strides = array<i32>} : memref<10x128xi32, #tpu.memory_space<vmem>>, vector<1x16xi32>,
    %get3A_536 = arith.constant 5 : i32
    %get3A_537 = arith.index_cast %get3A_536 : i32 to index
    %get3A_538 = arith.constant 16 : index
    %get3A_539 = tpu.vector_load %arg7[%get3A_537, %get3A_538] {strides = array<i32>} : memref<10x128xi32, #tpu.memory_space<vmem>>, vector<1x16xi32>,
    %get3A_540 = vector.shape_cast %get3A_539 : vector<1x16xi32> to vector<16xi32>
    %add3A_541 = vector.broadcast %mul3A_4 : i32 to vector<16xi32>
    %add3A_542 = arith.addi %get3A_540, %add3A_541 : vector<16xi32>
    %swap3A_543 = arith.constant 5 : i32
    %swap3A_544 = arith.index_cast %swap3A_543 : i32 to index
    %swap3A_545 = arith.constant 16 : index
    %swap3A_546 = tpu.vector_load %arg7[%swap3A_544, %swap3A_545] {strides = array<i32>} : memref<10x128xi32, #tpu.memory_space<vmem>>, vector<1x16xi32>,
    %swap3A_547 = vector.shape_cast %swap3A_546 : vector<1x16xi32> to vector<16xi32>
    %swap3A_548 = vector.shape_cast %add3A_542 : vector<16xi32> to vector<1x16xi32>
    tpu.vector_store %arg7[%swap3A_544, %swap3A_545], %swap3A_548 {strides = array<i32>} : memref<10x128xi32, #tpu.memory_space<vmem>>, vector<1x16xi32>,
    %get3A_549 = arith.constant 5 : i32
    %get3A_550 = arith.index_cast %get3A_549 : i32 to index
    %get3A_551 = arith.constant 32 : index
    %get3A_552 = tpu.vector_load %arg7[%get3A_550, %get3A_551] {strides = array<i32>} : memref<10x128xi32, #tpu.memory_space<vmem>>, vector<1x16xi32>,
    %get3A_553 = vector.shape_cast %get3A_552 : vector<1x16xi32> to vector<16xi32>
    %add3A_554 = vector.broadcast %mul3A_4 : i32 to vector<16xi32>
    %add3A_555 = arith.addi %get3A_553, %add3A_554 : vector<16xi32>
    %swap3A_556 = arith.constant 5 : i32
    %swap3A_557 = arith.index_cast %swap3A_556 : i32 to index
    %swap3A_558 = arith.constant 32 : index
    %swap3A_559 = tpu.vector_load %arg7[%swap3A_557, %swap3A_558] {strides = array<i32>} : memref<10x128xi32, #tpu.memory_space<vmem>>, vector<1x16xi32>,
    %swap3A_560 = vector.shape_cast %swap3A_559 : vector<1x16xi32> to vector<16xi32>
    %swap3A_561 = vector.shape_cast %add3A_555 : vector<16xi32> to vector<1x16xi32>
    tpu.vector_store %arg7[%swap3A_557, %swap3A_558], %swap3A_561 {strides = array<i32>} : memref<10x128xi32, #tpu.memory_space<vmem>>, vector<1x16xi32>,
    %get3A_562 = arith.constant 5 : i32
    %get3A_563 = arith.index_cast %get3A_562 : i32 to index
    %get3A_564 = arith.constant 48 : index
    %get3A_565 = tpu.vector_load %arg7[%get3A_563, %get3A_564] {strides = array<i32>} : memref<10x128xi32, #tpu.memory_space<vmem>>, vector<1x16xi32>,
    %get3A_566 = vector.shape_cast %get3A_565 : vector<1x16xi32> to vector<16xi32>
    %add3A_567 = vector.broadcast %mul3A_4 : i32 to vector<16xi32>
    %add3A_568 = arith.addi %get3A_566, %add3A_567 : vector<16xi32>
    %swap3A_569 = arith.constant 5 : i32
    %swap3A_570 = arith.index_cast %swap3A_569 : i32 to index
    %swap3A_571 = arith.constant 48 : index
    %swap3A_572 = tpu.vector_load %arg7[%swap3A_570, %swap3A_571] {strides = array<i32>} : memref<10x128xi32, #tpu.memory_space<vmem>>, vector<1x16xi32>,
    %swap3A_573 = vector.shape_cast %swap3A_572 : vector<1x16xi32> to vector<16xi32>
    %swap3A_574 = vector.shape_cast %add3A_568 : vector<16xi32> to vector<1x16xi32>
    tpu.vector_store %arg7[%swap3A_570, %swap3A_571], %swap3A_574 {strides = array<i32>} : memref<10x128xi32, #tpu.memory_space<vmem>>, vector<1x16xi32>,
    %get3A_575 = arith.constant 5 : i32
    %get3A_576 = arith.index_cast %get3A_575 : i32 to index
    %get3A_577 = arith.constant 64 : index
    %get3A_578 = tpu.vector_load %arg7[%get3A_576, %get3A_577] {strides = array<i32>} : memref<10x128xi32, #tpu.memory_space<vmem>>, vector<1x16xi32>,
    %get3A_579 = vector.shape_cast %get3A_578 : vector<1x16xi32> to vector<16xi32>
    %add3A_580 = vector.broadcast %mul3A_4 : i32 to vector<16xi32>
    %add3A_581 = arith.addi %get3A_579, %add3A_580 : vector<16xi32>
    %swap3A_582 = arith.constant 5 : i32
    %swap3A_583 = arith.index_cast %swap3A_582 : i32 to index
    %swap3A_584 = arith.constant 64 : index
    %swap3A_585 = tpu.vector_load %arg7[%swap3A_583, %swap3A_584] {strides = array<i32>} : memref<10x128xi32, #tpu.memory_space<vmem>>, vector<1x16xi32>,
    %swap3A_586 = vector.shape_cast %swap3A_585 : vector<1x16xi32> to vector<16xi32>
    %swap3A_587 = vector.shape_cast %add3A_581 : vector<16xi32> to vector<1x16xi32>
    tpu.vector_store %arg7[%swap3A_583, %swap3A_584], %swap3A_587 {strides = array<i32>} : memref<10x128xi32, #tpu.memory_space<vmem>>, vector<1x16xi32>,
    %get3A_588 = arith.constant 5 : i32
    %get3A_589 = arith.index_cast %get3A_588 : i32 to index
    %get3A_590 = arith.constant 80 : index
    %get3A_591 = tpu.vector_load %arg7[%get3A_589, %get3A_590] {strides = array<i32>} : memref<10x128xi32, #tpu.memory_space<vmem>>, vector<1x16xi32>,
    %get3A_592 = vector.shape_cast %get3A_591 : vector<1x16xi32> to vector<16xi32>
    %add3A_593 = vector.broadcast %mul3A_4 : i32 to vector<16xi32>
    %add3A_594 = arith.addi %get3A_592, %add3A_593 : vector<16xi32>
    %swap3A_595 = arith.constant 5 : i32
    %swap3A_596 = arith.index_cast %swap3A_595 : i32 to index
    %swap3A_597 = arith.constant 80 : index
    %swap3A_598 = tpu.vector_load %arg7[%swap3A_596, %swap3A_597] {strides = array<i32>} : memref<10x128xi32, #tpu.memory_space<vmem>>, vector<1x16xi32>,
    %swap3A_599 = vector.shape_cast %swap3A_598 : vector<1x16xi32> to vector<16xi32>
    %swap3A_600 = vector.shape_cast %add3A_594 : vector<16xi32> to vector<1x16xi32>
    tpu.vector_store %arg7[%swap3A_596, %swap3A_597], %swap3A_600 {strides = array<i32>} : memref<10x128xi32, #tpu.memory_space<vmem>>, vector<1x16xi32>,
    %get3A_601 = arith.constant 5 : i32
    %get3A_602 = arith.index_cast %get3A_601 : i32 to index
    %get3A_603 = arith.constant 96 : index
    %get3A_604 = tpu.vector_load %arg7[%get3A_602, %get3A_603] {strides = array<i32>} : memref<10x128xi32, #tpu.memory_space<vmem>>, vector<1x16xi32>,
    %get3A_605 = vector.shape_cast %get3A_604 : vector<1x16xi32> to vector<16xi32>
    %add3A_606 = vector.broadcast %mul3A_4 : i32 to vector<16xi32>
    %add3A_607 = arith.addi %get3A_605, %add3A_606 : vector<16xi32>
    %swap3A_608 = arith.constant 5 : i32
    %swap3A_609 = arith.index_cast %swap3A_608 : i32 to index
    %swap3A_610 = arith.constant 96 : index
    %swap3A_611 = tpu.vector_load %arg7[%swap3A_609, %swap3A_610] {strides = array<i32>} : memref<10x128xi32, #tpu.memory_space<vmem>>, vector<1x16xi32>,
    %swap3A_612 = vector.shape_cast %swap3A_611 : vector<1x16xi32> to vector<16xi32>
    %swap3A_613 = vector.shape_cast %add3A_607 : vector<16xi32> to vector<1x16xi32>
    tpu.vector_store %arg7[%swap3A_609, %swap3A_610], %swap3A_613 {strides = array<i32>} : memref<10x128xi32, #tpu.memory_space<vmem>>, vector<1x16xi32>,
    %get3A_614 = arith.constant 5 : i32
    %get3A_615 = arith.index_cast %get3A_614 : i32 to index
    %get3A_616 = arith.constant 112 : index
    %get3A_617 = tpu.vector_load %arg7[%get3A_615, %get3A_616] {strides = array<i32>} : memref<10x128xi32, #tpu.memory_space<vmem>>, vector<1x16xi32>,
    %get3A_618 = vector.shape_cast %get3A_617 : vector<1x16xi32> to vector<16xi32>
    %add3A_619 = vector.broadcast %mul3A_4 : i32 to vector<16xi32>
    %add3A_620 = arith.addi %get3A_618, %add3A_619 : vector<16xi32>
    %swap3A_621 = arith.constant 5 : i32
    %swap3A_622 = arith.index_cast %swap3A_621 : i32 to index
    %swap3A_623 = arith.constant 112 : index
    %swap3A_624 = tpu.vector_load %arg7[%swap3A_622, %swap3A_623] {strides = array<i32>} : memref<10x128xi32, #tpu.memory_space<vmem>>, vector<1x16xi32>,
    %swap3A_625 = vector.shape_cast %swap3A_624 : vector<1x16xi32> to vector<16xi32>
    %swap3A_626 = vector.shape_cast %add3A_620 : vector<16xi32> to vector<1x16xi32>
    tpu.vector_store %arg7[%swap3A_622, %swap3A_623], %swap3A_626 {strides = array<i32>} : memref<10x128xi32, #tpu.memory_space<vmem>>, vector<1x16xi32>,
    %get3A_627 = arith.constant 6 : i32
    %get3A_628 = arith.index_cast %get3A_627 : i32 to index
    %get3A_629 = arith.constant 0 : index
    %get3A_630 = tpu.vector_load %arg7[%get3A_628, %get3A_629] {strides = array<i32>} : memref<10x128xi32, #tpu.memory_space<vmem>>, vector<1x16xi32>,
    %get3A_631 = vector.shape_cast %get3A_630 : vector<1x16xi32> to vector<16xi32>
    %add3A_632 = vector.broadcast %mul3A_4 : i32 to vector<16xi32>
    %add3A_633 = arith.addi %get3A_631, %add3A_632 : vector<16xi32>
    %swap3A_634 = arith.constant 6 : i32
    %swap3A_635 = arith.index_cast %swap3A_634 : i32 to index
    %swap3A_636 = arith.constant 0 : index
    %swap3A_637 = tpu.vector_load %arg7[%swap3A_635, %swap3A_636] {strides = array<i32>} : memref<10x128xi32, #tpu.memory_space<vmem>>, vector<1x16xi32>,
    %swap3A_638 = vector.shape_cast %swap3A_637 : vector<1x16xi32> to vector<16xi32>
    %swap3A_639 = vector.shape_cast %add3A_633 : vector<16xi32> to vector<1x16xi32>
    tpu.vector_store %arg7[%swap3A_635, %swap3A_636], %swap3A_639 {strides = array<i32>} : memref<10x128xi32, #tpu.memory_space<vmem>>, vector<1x16xi32>,
    %get3A_640 = arith.constant 6 : i32
    %get3A_641 = arith.index_cast %get3A_640 : i32 to index
    %get3A_642 = arith.constant 16 : index
    %get3A_643 = tpu.vector_load %arg7[%get3A_641, %get3A_642] {strides = array<i32>} : memref<10x128xi32, #tpu.memory_space<vmem>>, vector<1x16xi32>,
    %get3A_644 = vector.shape_cast %get3A_643 : vector<1x16xi32> to vector<16xi32>
    %add3A_645 = vector.broadcast %mul3A_4 : i32 to vector<16xi32>
    %add3A_646 = arith.addi %get3A_644, %add3A_645 : vector<16xi32>
    %swap3A_647 = arith.constant 6 : i32
    %swap3A_648 = arith.index_cast %swap3A_647 : i32 to index
    %swap3A_649 = arith.constant 16 : index
    %swap3A_650 = tpu.vector_load %arg7[%swap3A_648, %swap3A_649] {strides = array<i32>} : memref<10x128xi32, #tpu.memory_space<vmem>>, vector<1x16xi32>,
    %swap3A_651 = vector.shape_cast %swap3A_650 : vector<1x16xi32> to vector<16xi32>
    %swap3A_652 = vector.shape_cast %add3A_646 : vector<16xi32> to vector<1x16xi32>
    tpu.vector_store %arg7[%swap3A_648, %swap3A_649], %swap3A_652 {strides = array<i32>} : memref<10x128xi32, #tpu.memory_space<vmem>>, vector<1x16xi32>,
    %get3A_653 = arith.constant 6 : i32
    %get3A_654 = arith.index_cast %get3A_653 : i32 to index
    %get3A_655 = arith.constant 32 : index
    %get3A_656 = tpu.vector_load %arg7[%get3A_654, %get3A_655] {strides = array<i32>} : memref<10x128xi32, #tpu.memory_space<vmem>>, vector<1x16xi32>,
    %get3A_657 = vector.shape_cast %get3A_656 : vector<1x16xi32> to vector<16xi32>
    %add3A_658 = vector.broadcast %mul3A_4 : i32 to vector<16xi32>
    %add3A_659 = arith.addi %get3A_657, %add3A_658 : vector<16xi32>
    %swap3A_660 = arith.constant 6 : i32
    %swap3A_661 = arith.index_cast %swap3A_660 : i32 to index
    %swap3A_662 = arith.constant 32 : index
    %swap3A_663 = tpu.vector_load %arg7[%swap3A_661, %swap3A_662] {strides = array<i32>} : memref<10x128xi32, #tpu.memory_space<vmem>>, vector<1x16xi32>,
    %swap3A_664 = vector.shape_cast %swap3A_663 : vector<1x16xi32> to vector<16xi32>
    %swap3A_665 = vector.shape_cast %add3A_659 : vector<16xi32> to vector<1x16xi32>
    tpu.vector_store %arg7[%swap3A_661, %swap3A_662], %swap3A_665 {strides = array<i32>} : memref<10x128xi32, #tpu.memory_space<vmem>>, vector<1x16xi32>,
    %get3A_666 = arith.constant 6 : i32
    %get3A_667 = arith.index_cast %get3A_666 : i32 to index
    %get3A_668 = arith.constant 48 : index
    %get3A_669 = tpu.vector_load %arg7[%get3A_667, %get3A_668] {strides = array<i32>} : memref<10x128xi32, #tpu.memory_space<vmem>>, vector<1x16xi32>,
    %get3A_670 = vector.shape_cast %get3A_669 : vector<1x16xi32> to vector<16xi32>
    %add3A_671 = vector.broadcast %mul3A_4 : i32 to vector<16xi32>
    %add3A_672 = arith.addi %get3A_670, %add3A_671 : vector<16xi32>
    %swap3A_673 = arith.constant 6 : i32
    %swap3A_674 = arith.index_cast %swap3A_673 : i32 to index
    %swap3A_675 = arith.constant 48 : index
    %swap3A_676 = tpu.vector_load %arg7[%swap3A_674, %swap3A_675] {strides = array<i32>} : memref<10x128xi32, #tpu.memory_space<vmem>>, vector<1x16xi32>,
    %swap3A_677 = vector.shape_cast %swap3A_676 : vector<1x16xi32> to vector<16xi32>
    %swap3A_678 = vector.shape_cast %add3A_672 : vector<16xi32> to vector<1x16xi32>
    tpu.vector_store %arg7[%swap3A_674, %swap3A_675], %swap3A_678 {strides = array<i32>} : memref<10x128xi32, #tpu.memory_space<vmem>>, vector<1x16xi32>,
    %get3A_679 = arith.constant 6 : i32
    %get3A_680 = arith.index_cast %get3A_679 : i32 to index
    %get3A_681 = arith.constant 64 : index
    %get3A_682 = tpu.vector_load %arg7[%get3A_680, %get3A_681] {strides = array<i32>} : memref<10x128xi32, #tpu.memory_space<vmem>>, vector<1x16xi32>,
    %get3A_683 = vector.shape_cast %get3A_682 : vector<1x16xi32> to vector<16xi32>
    %add3A_684 = vector.broadcast %mul3A_4 : i32 to vector<16xi32>
    %add3A_685 = arith.addi %get3A_683, %add3A_684 : vector<16xi32>
    %swap3A_686 = arith.constant 6 : i32
    %swap3A_687 = arith.index_cast %swap3A_686 : i32 to index
    %swap3A_688 = arith.constant 64 : index
    %swap3A_689 = tpu.vector_load %arg7[%swap3A_687, %swap3A_688] {strides = array<i32>} : memref<10x128xi32, #tpu.memory_space<vmem>>, vector<1x16xi32>,
    %swap3A_690 = vector.shape_cast %swap3A_689 : vector<1x16xi32> to vector<16xi32>
    %swap3A_691 = vector.shape_cast %add3A_685 : vector<16xi32> to vector<1x16xi32>
    tpu.vector_store %arg7[%swap3A_687, %swap3A_688], %swap3A_691 {strides = array<i32>} : memref<10x128xi32, #tpu.memory_space<vmem>>, vector<1x16xi32>,
    %get3A_692 = arith.constant 6 : i32
    %get3A_693 = arith.index_cast %get3A_692 : i32 to index
    %get3A_694 = arith.constant 80 : index
    %get3A_695 = tpu.vector_load %arg7[%get3A_693, %get3A_694] {strides = array<i32>} : memref<10x128xi32, #tpu.memory_space<vmem>>, vector<1x16xi32>,
    %get3A_696 = vector.shape_cast %get3A_695 : vector<1x16xi32> to vector<16xi32>
    %add3A_697 = vector.broadcast %mul3A_4 : i32 to vector<16xi32>
    %add3A_698 = arith.addi %get3A_696, %add3A_697 : vector<16xi32>
    %swap3A_699 = arith.constant 6 : i32
    %swap3A_700 = arith.index_cast %swap3A_699 : i32 to index
    %swap3A_701 = arith.constant 80 : index
    %swap3A_702 = tpu.vector_load %arg7[%swap3A_700, %swap3A_701] {strides = array<i32>} : memref<10x128xi32, #tpu.memory_space<vmem>>, vector<1x16xi32>,
    %swap3A_703 = vector.shape_cast %swap3A_702 : vector<1x16xi32> to vector<16xi32>
    %swap3A_704 = vector.shape_cast %add3A_698 : vector<16xi32> to vector<1x16xi32>
    tpu.vector_store %arg7[%swap3A_700, %swap3A_701], %swap3A_704 {strides = array<i32>} : memref<10x128xi32, #tpu.memory_space<vmem>>, vector<1x16xi32>,
    %get3A_705 = arith.constant 6 : i32
    %get3A_706 = arith.index_cast %get3A_705 : i32 to index
    %get3A_707 = arith.constant 96 : index
    %get3A_708 = tpu.vector_load %arg7[%get3A_706, %get3A_707] {strides = array<i32>} : memref<10x128xi32, #tpu.memory_space<vmem>>, vector<1x16xi32>,
    %get3A_709 = vector.shape_cast %get3A_708 : vector<1x16xi32> to vector<16xi32>
    %add3A_710 = vector.broadcast %mul3A_4 : i32 to vector<16xi32>
    %add3A_711 = arith.addi %get3A_709, %add3A_710 : vector<16xi32>
    %swap3A_712 = arith.constant 6 : i32
    %swap3A_713 = arith.index_cast %swap3A_712 : i32 to index
    %swap3A_714 = arith.constant 96 : index
    %swap3A_715 = tpu.vector_load %arg7[%swap3A_713, %swap3A_714] {strides = array<i32>} : memref<10x128xi32, #tpu.memory_space<vmem>>, vector<1x16xi32>,
    %swap3A_716 = vector.shape_cast %swap3A_715 : vector<1x16xi32> to vector<16xi32>
    %swap3A_717 = vector.shape_cast %add3A_711 : vector<16xi32> to vector<1x16xi32>
    tpu.vector_store %arg7[%swap3A_713, %swap3A_714], %swap3A_717 {strides = array<i32>} : memref<10x128xi32, #tpu.memory_space<vmem>>, vector<1x16xi32>,
    %get3A_718 = arith.constant 6 : i32
    %get3A_719 = arith.index_cast %get3A_718 : i32 to index
    %get3A_720 = arith.constant 112 : index
    %get3A_721 = tpu.vector_load %arg7[%get3A_719, %get3A_720] {strides = array<i32>} : memref<10x128xi32, #tpu.memory_space<vmem>>, vector<1x16xi32>,
    %get3A_722 = vector.shape_cast %get3A_721 : vector<1x16xi32> to vector<16xi32>
    %add3A_723 = vector.broadcast %mul3A_4 : i32 to vector<16xi32>
    %add3A_724 = arith.addi %get3A_722, %add3A_723 : vector<16xi32>
    %swap3A_725 = arith.constant 6 : i32
    %swap3A_726 = arith.index_cast %swap3A_725 : i32 to index
    %swap3A_727 = arith.constant 112 : index
    %swap3A_728 = tpu.vector_load %arg7[%swap3A_726, %swap3A_727] {strides = array<i32>} : memref<10x128xi32, #tpu.memory_space<vmem>>, vector<1x16xi32>,
    %swap3A_729 = vector.shape_cast %swap3A_728 : vector<1x16xi32> to vector<16xi32>
    %swap3A_730 = vector.shape_cast %add3A_724 : vector<16xi32> to vector<1x16xi32>
    tpu.vector_store %arg7[%swap3A_726, %swap3A_727], %swap3A_730 {strides = array<i32>} : memref<10x128xi32, #tpu.memory_space<vmem>>, vector<1x16xi32>,
    %get3A_731 = arith.constant 7 : i32
    %get3A_732 = arith.index_cast %get3A_731 : i32 to index
    %get3A_733 = arith.constant 0 : index
    %get3A_734 = tpu.vector_load %arg7[%get3A_732, %get3A_733] {strides = array<i32>} : memref<10x128xi32, #tpu.memory_space<vmem>>, vector<1x16xi32>,
    %get3A_735 = vector.shape_cast %get3A_734 : vector<1x16xi32> to vector<16xi32>
    %add3A_736 = vector.broadcast %mul3A_4 : i32 to vector<16xi32>
    %add3A_737 = arith.addi %get3A_735, %add3A_736 : vector<16xi32>
    %swap3A_738 = arith.constant 7 : i32
    %swap3A_739 = arith.index_cast %swap3A_738 : i32 to index
    %swap3A_740 = arith.constant 0 : index
    %swap3A_741 = tpu.vector_load %arg7[%swap3A_739, %swap3A_740] {strides = array<i32>} : memref<10x128xi32, #tpu.memory_space<vmem>>, vector<1x16xi32>,
    %swap3A_742 = vector.shape_cast %swap3A_741 : vector<1x16xi32> to vector<16xi32>
    %swap3A_743 = vector.shape_cast %add3A_737 : vector<16xi32> to vector<1x16xi32>
    tpu.vector_store %arg7[%swap3A_739, %swap3A_740], %swap3A_743 {strides = array<i32>} : memref<10x128xi32, #tpu.memory_space<vmem>>, vector<1x16xi32>,
    %get3A_744 = arith.constant 7 : i32
    %get3A_745 = arith.index_cast %get3A_744 : i32 to index
    %get3A_746 = arith.constant 16 : index
    %get3A_747 = tpu.vector_load %arg7[%get3A_745, %get3A_746] {strides = array<i32>} : memref<10x128xi32, #tpu.memory_space<vmem>>, vector<1x16xi32>,
    %get3A_748 = vector.shape_cast %get3A_747 : vector<1x16xi32> to vector<16xi32>
    %add3A_749 = vector.broadcast %mul3A_4 : i32 to vector<16xi32>
    %add3A_750 = arith.addi %get3A_748, %add3A_749 : vector<16xi32>
    %swap3A_751 = arith.constant 7 : i32
    %swap3A_752 = arith.index_cast %swap3A_751 : i32 to index
    %swap3A_753 = arith.constant 16 : index
    %swap3A_754 = tpu.vector_load %arg7[%swap3A_752, %swap3A_753] {strides = array<i32>} : memref<10x128xi32, #tpu.memory_space<vmem>>, vector<1x16xi32>,
    %swap3A_755 = vector.shape_cast %swap3A_754 : vector<1x16xi32> to vector<16xi32>
    %swap3A_756 = vector.shape_cast %add3A_750 : vector<16xi32> to vector<1x16xi32>
    tpu.vector_store %arg7[%swap3A_752, %swap3A_753], %swap3A_756 {strides = array<i32>} : memref<10x128xi32, #tpu.memory_space<vmem>>, vector<1x16xi32>,
    %get3A_757 = arith.constant 7 : i32
    %get3A_758 = arith.index_cast %get3A_757 : i32 to index
    %get3A_759 = arith.constant 32 : index
    %get3A_760 = tpu.vector_load %arg7[%get3A_758, %get3A_759] {strides = array<i32>} : memref<10x128xi32, #tpu.memory_space<vmem>>, vector<1x16xi32>,
    %get3A_761 = vector.shape_cast %get3A_760 : vector<1x16xi32> to vector<16xi32>
    %add3A_762 = vector.broadcast %mul3A_4 : i32 to vector<16xi32>
    %add3A_763 = arith.addi %get3A_761, %add3A_762 : vector<16xi32>
    %swap3A_764 = arith.constant 7 : i32
    %swap3A_765 = arith.index_cast %swap3A_764 : i32 to index
    %swap3A_766 = arith.constant 32 : index
    %swap3A_767 = tpu.vector_load %arg7[%swap3A_765, %swap3A_766] {strides = array<i32>} : memref<10x128xi32, #tpu.memory_space<vmem>>, vector<1x16xi32>,
    %swap3A_768 = vector.shape_cast %swap3A_767 : vector<1x16xi32> to vector<16xi32>
    %swap3A_769 = vector.shape_cast %add3A_763 : vector<16xi32> to vector<1x16xi32>
    tpu.vector_store %arg7[%swap3A_765, %swap3A_766], %swap3A_769 {strides = array<i32>} : memref<10x128xi32, #tpu.memory_space<vmem>>, vector<1x16xi32>,
    %get3A_770 = arith.constant 7 : i32
    %get3A_771 = arith.index_cast %get3A_770 : i32 to index
    %get3A_772 = arith.constant 48 : index
    %get3A_773 = tpu.vector_load %arg7[%get3A_771, %get3A_772] {strides = array<i32>} : memref<10x128xi32, #tpu.memory_space<vmem>>, vector<1x16xi32>,
    %get3A_774 = vector.shape_cast %get3A_773 : vector<1x16xi32> to vector<16xi32>
    %add3A_775 = vector.broadcast %mul3A_4 : i32 to vector<16xi32>
    %add3A_776 = arith.addi %get3A_774, %add3A_775 : vector<16xi32>
    %swap3A_777 = arith.constant 7 : i32
    %swap3A_778 = arith.index_cast %swap3A_777 : i32 to index
    %swap3A_779 = arith.constant 48 : index
    %swap3A_780 = tpu.vector_load %arg7[%swap3A_778, %swap3A_779] {strides = array<i32>} : memref<10x128xi32, #tpu.memory_space<vmem>>, vector<1x16xi32>,
    %swap3A_781 = vector.shape_cast %swap3A_780 : vector<1x16xi32> to vector<16xi32>
    %swap3A_782 = vector.shape_cast %add3A_776 : vector<16xi32> to vector<1x16xi32>
    tpu.vector_store %arg7[%swap3A_778, %swap3A_779], %swap3A_782 {strides = array<i32>} : memref<10x128xi32, #tpu.memory_space<vmem>>, vector<1x16xi32>,
    %get3A_783 = arith.constant 7 : i32
    %get3A_784 = arith.index_cast %get3A_783 : i32 to index
    %get3A_785 = arith.constant 64 : index
    %get3A_786 = tpu.vector_load %arg7[%get3A_784, %get3A_785] {strides = array<i32>} : memref<10x128xi32, #tpu.memory_space<vmem>>, vector<1x16xi32>,
    %get3A_787 = vector.shape_cast %get3A_786 : vector<1x16xi32> to vector<16xi32>
    %add3A_788 = vector.broadcast %mul3A_4 : i32 to vector<16xi32>
    %add3A_789 = arith.addi %get3A_787, %add3A_788 : vector<16xi32>
    %swap3A_790 = arith.constant 7 : i32
    %swap3A_791 = arith.index_cast %swap3A_790 : i32 to index
    %swap3A_792 = arith.constant 64 : index
    %swap3A_793 = tpu.vector_load %arg7[%swap3A_791, %swap3A_792] {strides = array<i32>} : memref<10x128xi32, #tpu.memory_space<vmem>>, vector<1x16xi32>,
    %swap3A_794 = vector.shape_cast %swap3A_793 : vector<1x16xi32> to vector<16xi32>
    %swap3A_795 = vector.shape_cast %add3A_789 : vector<16xi32> to vector<1x16xi32>
    tpu.vector_store %arg7[%swap3A_791, %swap3A_792], %swap3A_795 {strides = array<i32>} : memref<10x128xi32, #tpu.memory_space<vmem>>, vector<1x16xi32>,
    %get3A_796 = arith.constant 7 : i32
    %get3A_797 = arith.index_cast %get3A_796 : i32 to index
    %get3A_798 = arith.constant 80 : index
    %get3A_799 = tpu.vector_load %arg7[%get3A_797, %get3A_798] {strides = array<i32>} : memref<10x128xi32, #tpu.memory_space<vmem>>, vector<1x16xi32>,
    %get3A_800 = vector.shape_cast %get3A_799 : vector<1x16xi32> to vector<16xi32>
    %add3A_801 = vector.broadcast %mul3A_4 : i32 to vector<16xi32>
    %add3A_802 = arith.addi %get3A_800, %add3A_801 : vector<16xi32>
    %swap3A_803 = arith.constant 7 : i32
    %swap3A_804 = arith.index_cast %swap3A_803 : i32 to index
    %swap3A_805 = arith.constant 80 : index
    %swap3A_806 = tpu.vector_load %arg7[%swap3A_804, %swap3A_805] {strides = array<i32>} : memref<10x128xi32, #tpu.memory_space<vmem>>, vector<1x16xi32>,
    %swap3A_807 = vector.shape_cast %swap3A_806 : vector<1x16xi32> to vector<16xi32>
    %swap3A_808 = vector.shape_cast %add3A_802 : vector<16xi32> to vector<1x16xi32>
    tpu.vector_store %arg7[%swap3A_804, %swap3A_805], %swap3A_808 {strides = array<i32>} : memref<10x128xi32, #tpu.memory_space<vmem>>, vector<1x16xi32>,
    %get3A_809 = arith.constant 7 : i32
    %get3A_810 = arith.index_cast %get3A_809 : i32 to index
    %get3A_811 = arith.constant 96 : index
    %get3A_812 = tpu.vector_load %arg7[%get3A_810, %get3A_811] {strides = array<i32>} : memref<10x128xi32, #tpu.memory_space<vmem>>, vector<1x16xi32>,
    %get3A_813 = vector.shape_cast %get3A_812 : vector<1x16xi32> to vector<16xi32>
    %add3A_814 = vector.broadcast %mul3A_4 : i32 to vector<16xi32>
    %add3A_815 = arith.addi %get3A_813, %add3A_814 : vector<16xi32>
    %swap3A_816 = arith.constant 7 : i32
    %swap3A_817 = arith.index_cast %swap3A_816 : i32 to index
    %swap3A_818 = arith.constant 96 : index
    %swap3A_819 = tpu.vector_load %arg7[%swap3A_817, %swap3A_818] {strides = array<i32>} : memref<10x128xi32, #tpu.memory_space<vmem>>, vector<1x16xi32>,
    %swap3A_820 = vector.shape_cast %swap3A_819 : vector<1x16xi32> to vector<16xi32>
    %swap3A_821 = vector.shape_cast %add3A_815 : vector<16xi32> to vector<1x16xi32>
    tpu.vector_store %arg7[%swap3A_817, %swap3A_818], %swap3A_821 {strides = array<i32>} : memref<10x128xi32, #tpu.memory_space<vmem>>, vector<1x16xi32>,
    %get3A_822 = arith.constant 7 : i32
    %get3A_823 = arith.index_cast %get3A_822 : i32 to index
    %get3A_824 = arith.constant 112 : index
    %get3A_825 = tpu.vector_load %arg7[%get3A_823, %get3A_824] {strides = array<i32>} : memref<10x128xi32, #tpu.memory_space<vmem>>, vector<1x16xi32>,
    %get3A_826 = vector.shape_cast %get3A_825 : vector<1x16xi32> to vector<16xi32>
    %add3A_827 = vector.broadcast %mul3A_4 : i32 to vector<16xi32>
    %add3A_828 = arith.addi %get3A_826, %add3A_827 : vector<16xi32>
    %swap3A_829 = arith.constant 7 : i32
    %swap3A_830 = arith.index_cast %swap3A_829 : i32 to index
    %swap3A_831 = arith.constant 112 : index
    %swap3A_832 = tpu.vector_load %arg7[%swap3A_830, %swap3A_831] {strides = array<i32>} : memref<10x128xi32, #tpu.memory_space<vmem>>, vector<1x16xi32>,
    %swap3A_833 = vector.shape_cast %swap3A_832 : vector<1x16xi32> to vector<16xi32>
    %swap3A_834 = vector.shape_cast %add3A_828 : vector<16xi32> to vector<1x16xi32>
    tpu.vector_store %arg7[%swap3A_830, %swap3A_831], %swap3A_834 {strides = array<i32>} : memref<10x128xi32, #tpu.memory_space<vmem>>, vector<1x16xi32>,
    %get3A_835 = arith.constant 8 : i32
    %get3A_836 = arith.index_cast %get3A_835 : i32 to index
    %get3A_837 = arith.constant 0 : index
    %get3A_838 = tpu.vector_load %arg7[%get3A_836, %get3A_837] {strides = array<i32>} : memref<10x128xi32, #tpu.memory_space<vmem>>, vector<1x16xi32>,
    %get3A_839 = vector.shape_cast %get3A_838 : vector<1x16xi32> to vector<16xi32>
    %add3A_840 = vector.broadcast %mul3A_4 : i32 to vector<16xi32>
    %add3A_841 = arith.addi %get3A_839, %add3A_840 : vector<16xi32>
    %swap3A_842 = arith.constant 8 : i32
    %swap3A_843 = arith.index_cast %swap3A_842 : i32 to index
    %swap3A_844 = arith.constant 0 : index
    %swap3A_845 = tpu.vector_load %arg7[%swap3A_843, %swap3A_844] {strides = array<i32>} : memref<10x128xi32, #tpu.memory_space<vmem>>, vector<1x16xi32>,
    %swap3A_846 = vector.shape_cast %swap3A_845 : vector<1x16xi32> to vector<16xi32>
    %swap3A_847 = vector.shape_cast %add3A_841 : vector<16xi32> to vector<1x16xi32>
    tpu.vector_store %arg7[%swap3A_843, %swap3A_844], %swap3A_847 {strides = array<i32>} : memref<10x128xi32, #tpu.memory_space<vmem>>, vector<1x16xi32>,
    %get3A_848 = arith.constant 8 : i32
    %get3A_849 = arith.index_cast %get3A_848 : i32 to index
    %get3A_850 = arith.constant 16 : index
    %get3A_851 = tpu.vector_load %arg7[%get3A_849, %get3A_850] {strides = array<i32>} : memref<10x128xi32, #tpu.memory_space<vmem>>, vector<1x16xi32>,
    %get3A_852 = vector.shape_cast %get3A_851 : vector<1x16xi32> to vector<16xi32>
    %add3A_853 = vector.broadcast %mul3A_4 : i32 to vector<16xi32>
    %add3A_854 = arith.addi %get3A_852, %add3A_853 : vector<16xi32>
    %swap3A_855 = arith.constant 8 : i32
    %swap3A_856 = arith.index_cast %swap3A_855 : i32 to index
    %swap3A_857 = arith.constant 16 : index
    %swap3A_858 = tpu.vector_load %arg7[%swap3A_856, %swap3A_857] {strides = array<i32>} : memref<10x128xi32, #tpu.memory_space<vmem>>, vector<1x16xi32>,
    %swap3A_859 = vector.shape_cast %swap3A_858 : vector<1x16xi32> to vector<16xi32>
    %swap3A_860 = vector.shape_cast %add3A_854 : vector<16xi32> to vector<1x16xi32>
    tpu.vector_store %arg7[%swap3A_856, %swap3A_857], %swap3A_860 {strides = array<i32>} : memref<10x128xi32, #tpu.memory_space<vmem>>, vector<1x16xi32>,
    %get3A_861 = arith.constant 8 : i32
    %get3A_862 = arith.index_cast %get3A_861 : i32 to index
    %get3A_863 = arith.constant 32 : index
    %get3A_864 = tpu.vector_load %arg7[%get3A_862, %get3A_863] {strides = array<i32>} : memref<10x128xi32, #tpu.memory_space<vmem>>, vector<1x16xi32>,
    %get3A_865 = vector.shape_cast %get3A_864 : vector<1x16xi32> to vector<16xi32>
    %add3A_866 = vector.broadcast %mul3A_4 : i32 to vector<16xi32>
    %add3A_867 = arith.addi %get3A_865, %add3A_866 : vector<16xi32>
    %swap3A_868 = arith.constant 8 : i32
    %swap3A_869 = arith.index_cast %swap3A_868 : i32 to index
    %swap3A_870 = arith.constant 32 : index
    %swap3A_871 = tpu.vector_load %arg7[%swap3A_869, %swap3A_870] {strides = array<i32>} : memref<10x128xi32, #tpu.memory_space<vmem>>, vector<1x16xi32>,
    %swap3A_872 = vector.shape_cast %swap3A_871 : vector<1x16xi32> to vector<16xi32>
    %swap3A_873 = vector.shape_cast %add3A_867 : vector<16xi32> to vector<1x16xi32>
    tpu.vector_store %arg7[%swap3A_869, %swap3A_870], %swap3A_873 {strides = array<i32>} : memref<10x128xi32, #tpu.memory_space<vmem>>, vector<1x16xi32>,
    %get3A_874 = arith.constant 8 : i32
    %get3A_875 = arith.index_cast %get3A_874 : i32 to index
    %get3A_876 = arith.constant 48 : index
    %get3A_877 = tpu.vector_load %arg7[%get3A_875, %get3A_876] {strides = array<i32>} : memref<10x128xi32, #tpu.memory_space<vmem>>, vector<1x16xi32>,
    %get3A_878 = vector.shape_cast %get3A_877 : vector<1x16xi32> to vector<16xi32>
    %add3A_879 = vector.broadcast %mul3A_4 : i32 to vector<16xi32>
    %add3A_880 = arith.addi %get3A_878, %add3A_879 : vector<16xi32>
    %swap3A_881 = arith.constant 8 : i32
    %swap3A_882 = arith.index_cast %swap3A_881 : i32 to index
    %swap3A_883 = arith.constant 48 : index
    %swap3A_884 = tpu.vector_load %arg7[%swap3A_882, %swap3A_883] {strides = array<i32>} : memref<10x128xi32, #tpu.memory_space<vmem>>, vector<1x16xi32>,
    %swap3A_885 = vector.shape_cast %swap3A_884 : vector<1x16xi32> to vector<16xi32>
    %swap3A_886 = vector.shape_cast %add3A_880 : vector<16xi32> to vector<1x16xi32>
    tpu.vector_store %arg7[%swap3A_882, %swap3A_883], %swap3A_886 {strides = array<i32>} : memref<10x128xi32, #tpu.memory_space<vmem>>, vector<1x16xi32>,
    %get3A_887 = arith.constant 8 : i32
    %get3A_888 = arith.index_cast %get3A_887 : i32 to index
    %get3A_889 = arith.constant 64 : index
    %get3A_890 = tpu.vector_load %arg7[%get3A_888, %get3A_889] {strides = array<i32>} : memref<10x128xi32, #tpu.memory_space<vmem>>, vector<1x16xi32>,
    %get3A_891 = vector.shape_cast %get3A_890 : vector<1x16xi32> to vector<16xi32>
    %add3A_892 = vector.broadcast %mul3A_4 : i32 to vector<16xi32>
    %add3A_893 = arith.addi %get3A_891, %add3A_892 : vector<16xi32>
    %swap3A_894 = arith.constant 8 : i32
    %swap3A_895 = arith.index_cast %swap3A_894 : i32 to index
    %swap3A_896 = arith.constant 64 : index
    %swap3A_897 = tpu.vector_load %arg7[%swap3A_895, %swap3A_896] {strides = array<i32>} : memref<10x128xi32, #tpu.memory_space<vmem>>, vector<1x16xi32>,
    %swap3A_898 = vector.shape_cast %swap3A_897 : vector<1x16xi32> to vector<16xi32>
    %swap3A_899 = vector.shape_cast %add3A_893 : vector<16xi32> to vector<1x16xi32>
    tpu.vector_store %arg7[%swap3A_895, %swap3A_896], %swap3A_899 {strides = array<i32>} : memref<10x128xi32, #tpu.memory_space<vmem>>, vector<1x16xi32>,
    %get3A_900 = arith.constant 8 : i32
    %get3A_901 = arith.index_cast %get3A_900 : i32 to index
    %get3A_902 = arith.constant 80 : index
    %get3A_903 = tpu.vector_load %arg7[%get3A_901, %get3A_902] {strides = array<i32>} : memref<10x128xi32, #tpu.memory_space<vmem>>, vector<1x16xi32>,
    %get3A_904 = vector.shape_cast %get3A_903 : vector<1x16xi32> to vector<16xi32>
    %add3A_905 = vector.broadcast %mul3A_4 : i32 to vector<16xi32>
    %add3A_906 = arith.addi %get3A_904, %add3A_905 : vector<16xi32>
    %swap3A_907 = arith.constant 8 : i32
    %swap3A_908 = arith.index_cast %swap3A_907 : i32 to index
    %swap3A_909 = arith.constant 80 : index
    %swap3A_910 = tpu.vector_load %arg7[%swap3A_908, %swap3A_909] {strides = array<i32>} : memref<10x128xi32, #tpu.memory_space<vmem>>, vector<1x16xi32>,
    %swap3A_911 = vector.shape_cast %swap3A_910 : vector<1x16xi32> to vector<16xi32>
    %swap3A_912 = vector.shape_cast %add3A_906 : vector<16xi32> to vector<1x16xi32>
    tpu.vector_store %arg7[%swap3A_908, %swap3A_909], %swap3A_912 {strides = array<i32>} : memref<10x128xi32, #tpu.memory_space<vmem>>, vector<1x16xi32>,
    %get3A_913 = arith.constant 8 : i32
    %get3A_914 = arith.index_cast %get3A_913 : i32 to index
    %get3A_915 = arith.constant 96 : index
    %get3A_916 = tpu.vector_load %arg7[%get3A_914, %get3A_915] {strides = array<i32>} : memref<10x128xi32, #tpu.memory_space<vmem>>, vector<1x16xi32>,
    %get3A_917 = vector.shape_cast %get3A_916 : vector<1x16xi32> to vector<16xi32>
    %add3A_918 = vector.broadcast %mul3A_4 : i32 to vector<16xi32>
    %add3A_919 = arith.addi %get3A_917, %add3A_918 : vector<16xi32>
    %swap3A_920 = arith.constant 8 : i32
    %swap3A_921 = arith.index_cast %swap3A_920 : i32 to index
    %swap3A_922 = arith.constant 96 : index
    %swap3A_923 = tpu.vector_load %arg7[%swap3A_921, %swap3A_922] {strides = array<i32>} : memref<10x128xi32, #tpu.memory_space<vmem>>, vector<1x16xi32>,
    %swap3A_924 = vector.shape_cast %swap3A_923 : vector<1x16xi32> to vector<16xi32>
    %swap3A_925 = vector.shape_cast %add3A_919 : vector<16xi32> to vector<1x16xi32>
    tpu.vector_store %arg7[%swap3A_921, %swap3A_922], %swap3A_925 {strides = array<i32>} : memref<10x128xi32, #tpu.memory_space<vmem>>, vector<1x16xi32>,
    %get3A_926 = arith.constant 8 : i32
    %get3A_927 = arith.index_cast %get3A_926 : i32 to index
    %get3A_928 = arith.constant 112 : index
    %get3A_929 = tpu.vector_load %arg7[%get3A_927, %get3A_928] {strides = array<i32>} : memref<10x128xi32, #tpu.memory_space<vmem>>, vector<1x16xi32>,
    %get3A_930 = vector.shape_cast %get3A_929 : vector<1x16xi32> to vector<16xi32>
    %add3A_931 = vector.broadcast %mul3A_4 : i32 to vector<16xi32>
    %add3A_932 = arith.addi %get3A_930, %add3A_931 : vector<16xi32>
    %swap3A_933 = arith.constant 8 : i32
    %swap3A_934 = arith.index_cast %swap3A_933 : i32 to index
    %swap3A_935 = arith.constant 112 : index
    %swap3A_936 = tpu.vector_load %arg7[%swap3A_934, %swap3A_935] {strides = array<i32>} : memref<10x128xi32, #tpu.memory_space<vmem>>, vector<1x16xi32>,
    %swap3A_937 = vector.shape_cast %swap3A_936 : vector<1x16xi32> to vector<16xi32>
    %swap3A_938 = vector.shape_cast %add3A_932 : vector<16xi32> to vector<1x16xi32>
    tpu.vector_store %arg7[%swap3A_934, %swap3A_935], %swap3A_938 {strides = array<i32>} : memref<10x128xi32, #tpu.memory_space<vmem>>, vector<1x16xi32>,
    %get3A_939 = arith.constant 9 : i32
    %get3A_940 = arith.index_cast %get3A_939 : i32 to index
    %get3A_941 = arith.constant 0 : index
    %get3A_942 = tpu.vector_load %arg7[%get3A_940, %get3A_941] {strides = array<i32>} : memref<10x128xi32, #tpu.memory_space<vmem>>, vector<1x16xi32>,
    %get3A_943 = vector.shape_cast %get3A_942 : vector<1x16xi32> to vector<16xi32>
    %add3A_944 = vector.broadcast %mul3A_4 : i32 to vector<16xi32>
    %add3A_945 = arith.addi %get3A_943, %add3A_944 : vector<16xi32>
    %swap3A_946 = arith.constant 9 : i32
    %swap3A_947 = arith.index_cast %swap3A_946 : i32 to index
    %swap3A_948 = arith.constant 0 : index
    %swap3A_949 = tpu.vector_load %arg7[%swap3A_947, %swap3A_948] {strides = array<i32>} : memref<10x128xi32, #tpu.memory_space<vmem>>, vector<1x16xi32>,
    %swap3A_950 = vector.shape_cast %swap3A_949 : vector<1x16xi32> to vector<16xi32>
    %swap3A_951 = vector.shape_cast %add3A_945 : vector<16xi32> to vector<1x16xi32>
    tpu.vector_store %arg7[%swap3A_947, %swap3A_948], %swap3A_951 {strides = array<i32>} : memref<10x128xi32, #tpu.memory_space<vmem>>, vector<1x16xi32>,
    %get3A_952 = arith.constant 9 : i32
    %get3A_953 = arith.index_cast %get3A_952 : i32 to index
    %get3A_954 = arith.constant 16 : index
    %get3A_955 = tpu.vector_load %arg7[%get3A_953, %get3A_954] {strides = array<i32>} : memref<10x128xi32, #tpu.memory_space<vmem>>, vector<1x16xi32>,
    %get3A_956 = vector.shape_cast %get3A_955 : vector<1x16xi32> to vector<16xi32>
    %add3A_957 = vector.broadcast %mul3A_4 : i32 to vector<16xi32>
    %add3A_958 = arith.addi %get3A_956, %add3A_957 : vector<16xi32>
    %swap3A_959 = arith.constant 9 : i32
    %swap3A_960 = arith.index_cast %swap3A_959 : i32 to index
    %swap3A_961 = arith.constant 16 : index
    %swap3A_962 = tpu.vector_load %arg7[%swap3A_960, %swap3A_961] {strides = array<i32>} : memref<10x128xi32, #tpu.memory_space<vmem>>, vector<1x16xi32>,
    %swap3A_963 = vector.shape_cast %swap3A_962 : vector<1x16xi32> to vector<16xi32>
    %swap3A_964 = vector.shape_cast %add3A_958 : vector<16xi32> to vector<1x16xi32>
    tpu.vector_store %arg7[%swap3A_960, %swap3A_961], %swap3A_964 {strides = array<i32>} : memref<10x128xi32, #tpu.memory_space<vmem>>, vector<1x16xi32>,
    %get3A_965 = arith.constant 9 : i32
    %get3A_966 = arith.index_cast %get3A_965 : i32 to index
    %get3A_967 = arith.constant 32 : index
    %get3A_968 = tpu.vector_load %arg7[%get3A_966, %get3A_967] {strides = array<i32>} : memref<10x128xi32, #tpu.memory_space<vmem>>, vector<1x16xi32>,
    %get3A_969 = vector.shape_cast %get3A_968 : vector<1x16xi32> to vector<16xi32>
    %add3A_970 = vector.broadcast %mul3A_4 : i32 to vector<16xi32>
    %add3A_971 = arith.addi %get3A_969, %add3A_970 : vector<16xi32>
    %swap3A_972 = arith.constant 9 : i32
    %swap3A_973 = arith.index_cast %swap3A_972 : i32 to index
    %swap3A_974 = arith.constant 32 : index
    %swap3A_975 = tpu.vector_load %arg7[%swap3A_973, %swap3A_974] {strides = array<i32>} : memref<10x128xi32, #tpu.memory_space<vmem>>, vector<1x16xi32>,
    %swap3A_976 = vector.shape_cast %swap3A_975 : vector<1x16xi32> to vector<16xi32>
    %swap3A_977 = vector.shape_cast %add3A_971 : vector<16xi32> to vector<1x16xi32>
    tpu.vector_store %arg7[%swap3A_973, %swap3A_974], %swap3A_977 {strides = array<i32>} : memref<10x128xi32, #tpu.memory_space<vmem>>, vector<1x16xi32>,
    %get3A_978 = arith.constant 9 : i32
    %get3A_979 = arith.index_cast %get3A_978 : i32 to index
    %get3A_980 = arith.constant 48 : index
    %get3A_981 = tpu.vector_load %arg7[%get3A_979, %get3A_980] {strides = array<i32>} : memref<10x128xi32, #tpu.memory_space<vmem>>, vector<1x16xi32>,
    %get3A_982 = vector.shape_cast %get3A_981 : vector<1x16xi32> to vector<16xi32>
    %add3A_983 = vector.broadcast %mul3A_4 : i32 to vector<16xi32>
    %add3A_984 = arith.addi %get3A_982, %add3A_983 : vector<16xi32>
    %swap3A_985 = arith.constant 9 : i32
    %swap3A_986 = arith.index_cast %swap3A_985 : i32 to index
    %swap3A_987 = arith.constant 48 : index
    %swap3A_988 = tpu.vector_load %arg7[%swap3A_986, %swap3A_987] {strides = array<i32>} : memref<10x128xi32, #tpu.memory_space<vmem>>, vector<1x16xi32>,
    %swap3A_989 = vector.shape_cast %swap3A_988 : vector<1x16xi32> to vector<16xi32>
    %swap3A_990 = vector.shape_cast %add3A_984 : vector<16xi32> to vector<1x16xi32>
    tpu.vector_store %arg7[%swap3A_986, %swap3A_987], %swap3A_990 {strides = array<i32>} : memref<10x128xi32, #tpu.memory_space<vmem>>, vector<1x16xi32>,
    %get3A_991 = arith.constant 9 : i32
    %get3A_992 = arith.index_cast %get3A_991 : i32 to index
    %get3A_993 = arith.constant 64 : index
    %get3A_994 = tpu.vector_load %arg7[%get3A_992, %get3A_993] {strides = array<i32>} : memref<10x128xi32, #tpu.memory_space<vmem>>, vector<1x16xi32>,
    %get3A_995 = vector.shape_cast %get3A_994 : vector<1x16xi32> to vector<16xi32>
    %add3A_996 = vector.broadcast %mul3A_4 : i32 to vector<16xi32>
    %add3A_997 = arith.addi %get3A_995, %add3A_996 : vector<16xi32>
    %swap3A_998 = arith.constant 9 : i32
    %swap3A_999 = arith.index_cast %swap3A_998 : i32 to index
    %swap3A_1000 = arith.constant 64 : index
    %swap3A_1001 = tpu.vector_load %arg7[%swap3A_999, %swap3A_1000] {strides = array<i32>} : memref<10x128xi32, #tpu.memory_space<vmem>>, vector<1x16xi32>,
    %swap3A_1002 = vector.shape_cast %swap3A_1001 : vector<1x16xi32> to vector<16xi32>
    %swap3A_1003 = vector.shape_cast %add3A_997 : vector<16xi32> to vector<1x16xi32>
    tpu.vector_store %arg7[%swap3A_999, %swap3A_1000], %swap3A_1003 {strides = array<i32>} : memref<10x128xi32, #tpu.memory_space<vmem>>, vector<1x16xi32>,
    %get3A_1004 = arith.constant 9 : i32
    %get3A_1005 = arith.index_cast %get3A_1004 : i32 to index
    %get3A_1006 = arith.constant 80 : index
    %get3A_1007 = tpu.vector_load %arg7[%get3A_1005, %get3A_1006] {strides = array<i32>} : memref<10x128xi32, #tpu.memory_space<vmem>>, vector<1x16xi32>,
    %get3A_1008 = vector.shape_cast %get3A_1007 : vector<1x16xi32> to vector<16xi32>
    %add3A_1009 = vector.broadcast %mul3A_4 : i32 to vector<16xi32>
    %add3A_1010 = arith.addi %get3A_1008, %add3A_1009 : vector<16xi32>
    %swap3A_1011 = arith.constant 9 : i32
    %swap3A_1012 = arith.index_cast %swap3A_1011 : i32 to index
    %swap3A_1013 = arith.constant 80 : index
    %swap3A_1014 = tpu.vector_load %arg7[%swap3A_1012, %swap3A_1013] {strides = array<i32>} : memref<10x128xi32, #tpu.memory_space<vmem>>, vector<1x16xi32>,
    %swap3A_1015 = vector.shape_cast %swap3A_1014 : vector<1x16xi32> to vector<16xi32>
    %swap3A_1016 = vector.shape_cast %add3A_1010 : vector<16xi32> to vector<1x16xi32>
    tpu.vector_store %arg7[%swap3A_1012, %swap3A_1013], %swap3A_1016 {strides = array<i32>} : memref<10x128xi32, #tpu.memory_space<vmem>>, vector<1x16xi32>,
    %get3A_1017 = arith.constant 9 : i32
    %get3A_1018 = arith.index_cast %get3A_1017 : i32 to index
    %get3A_1019 = arith.constant 96 : index
    %get3A_1020 = tpu.vector_load %arg7[%get3A_1018, %get3A_1019] {strides = array<i32>} : memref<10x128xi32, #tpu.memory_space<vmem>>, vector<1x16xi32>,
    %get3A_1021 = vector.shape_cast %get3A_1020 : vector<1x16xi32> to vector<16xi32>
    %add3A_1022 = vector.broadcast %mul3A_4 : i32 to vector<16xi32>
    %add3A_1023 = arith.addi %get3A_1021, %add3A_1022 : vector<16xi32>
    %swap3A_1024 = arith.constant 9 : i32
    %swap3A_1025 = arith.index_cast %swap3A_1024 : i32 to index
    %swap3A_1026 = arith.constant 96 : index
    %swap3A_1027 = tpu.vector_load %arg7[%swap3A_1025, %swap3A_1026] {strides = array<i32>} : memref<10x128xi32, #tpu.memory_space<vmem>>, vector<1x16xi32>,
    %swap3A_1028 = vector.shape_cast %swap3A_1027 : vector<1x16xi32> to vector<16xi32>
    %swap3A_1029 = vector.shape_cast %add3A_1023 : vector<16xi32> to vector<1x16xi32>
    tpu.vector_store %arg7[%swap3A_1025, %swap3A_1026], %swap3A_1029 {strides = array<i32>} : memref<10x128xi32, #tpu.memory_space<vmem>>, vector<1x16xi32>,
    %get3A_1030 = arith.constant 9 : i32
    %get3A_1031 = arith.index_cast %get3A_1030 : i32 to index
    %get3A_1032 = arith.constant 112 : index
    %get3A_1033 = tpu.vector_load %arg7[%get3A_1031, %get3A_1032] {strides = array<i32>} : memref<10x128xi32, #tpu.memory_space<vmem>>, vector<1x16xi32>,
    %get3A_1034 = vector.shape_cast %get3A_1033 : vector<1x16xi32> to vector<16xi32>
    %add3A_1035 = vector.broadcast %mul3A_4 : i32 to vector<16xi32>
    %add3A_1036 = arith.addi %get3A_1034, %add3A_1035 : vector<16xi32>
    %swap3A_1037 = arith.constant 9 : i32
    %swap3A_1038 = arith.index_cast %swap3A_1037 : i32 to index
    %swap3A_1039 = arith.constant 112 : index
    %swap3A_1040 = tpu.vector_load %arg7[%swap3A_1038, %swap3A_1039] {strides = array<i32>} : memref<10x128xi32, #tpu.memory_space<vmem>>, vector<1x16xi32>,
    %swap3A_1041 = vector.shape_cast %swap3A_1040 : vector<1x16xi32> to vector<16xi32>
    %swap3A_1042 = vector.shape_cast %add3A_1036 : vector<16xi32> to vector<1x16xi32>
    tpu.vector_store %arg7[%swap3A_1038, %swap3A_1039], %swap3A_1042 {strides = array<i32>} : memref<10x128xi32, #tpu.memory_space<vmem>>, vector<1x16xi32>,
    %broadcast_in_dim3A = arith.constant 0.000000e+00 : f32
    %broadcast_in_dim3A_1043 = vector.broadcast %broadcast_in_dim3A : f32 to vector<16xf32>
    %swap3A_1044 = arith.constant 0 : i32
    %swap3A_1045 = arith.index_cast %swap3A_1044 : i32 to index
    %swap3A_1046 = arith.constant 0 : index
    %swap3A_1047 = tpu.vector_load %arg9[%swap3A_1045, %swap3A_1046] {strides = array<i32>} : memref<64x64xf32, #tpu.memory_space<vmem>>, vector<1x16xf32>,
    %swap3A_1048 = vector.shape_cast %swap3A_1047 : vector<1x16xf32> to vector<16xf32>
    %swap3A_1049 = vector.shape_cast %broadcast_in_dim3A_1043 : vector<16xf32> to vector<1x16xf32>
    tpu.vector_store %arg9[%swap3A_1045, %swap3A_1046], %swap3A_1049 {strides = array<i32>} : memref<64x64xf32, #tpu.memory_space<vmem>>, vector<1x16xf32>,
    %swap3A_1050 = arith.constant 0 : i32
    %swap3A_1051 = arith.index_cast %swap3A_1050 : i32 to index
    %swap3A_1052 = arith.constant 16 : index
    %swap3A_1053 = tpu.vector_load %arg9[%swap3A_1051, %swap3A_1052] {strides = array<i32>} : memref<64x64xf32, #tpu.memory_space<vmem>>, vector<1x16xf32>,
    %swap3A_1054 = vector.shape_cast %swap3A_1053 : vector<1x16xf32> to vector<16xf32>
    %swap3A_1055 = vector.shape_cast %broadcast_in_dim3A_1043 : vector<16xf32> to vector<1x16xf32>
    tpu.vector_store %arg9[%swap3A_1051, %swap3A_1052], %swap3A_1055 {strides = array<i32>} : memref<64x64xf32, #tpu.memory_space<vmem>>, vector<1x16xf32>,
    %swap3A_1056 = arith.constant 0 : i32
    %swap3A_1057 = arith.index_cast %swap3A_1056 : i32 to index
    %swap3A_1058 = arith.constant 32 : index
    %swap3A_1059 = tpu.vector_load %arg9[%swap3A_1057, %swap3A_1058] {strides = array<i32>} : memref<64x64xf32, #tpu.memory_space<vmem>>, vector<1x16xf32>,
    %swap3A_1060 = vector.shape_cast %swap3A_1059 : vector<1x16xf32> to vector<16xf32>
    %swap3A_1061 = vector.shape_cast %broadcast_in_dim3A_1043 : vector<16xf32> to vector<1x16xf32>
    tpu.vector_store %arg9[%swap3A_1057, %swap3A_1058], %swap3A_1061 {strides = array<i32>} : memref<64x64xf32, #tpu.memory_space<vmem>>, vector<1x16xf32>,
    %swap3A_1062 = arith.constant 0 : i32
    %swap3A_1063 = arith.index_cast %swap3A_1062 : i32 to index
    %swap3A_1064 = arith.constant 48 : index
    %swap3A_1065 = tpu.vector_load %arg9[%swap3A_1063, %swap3A_1064] {strides = array<i32>} : memref<64x64xf32, #tpu.memory_space<vmem>>, vector<1x16xf32>,
    %swap3A_1066 = vector.shape_cast %swap3A_1065 : vector<1x16xf32> to vector<16xf32>
    %swap3A_1067 = vector.shape_cast %broadcast_in_dim3A_1043 : vector<16xf32> to vector<1x16xf32>
    tpu.vector_store %arg9[%swap3A_1063, %swap3A_1064], %swap3A_1067 {strides = array<i32>} : memref<64x64xf32, #tpu.memory_space<vmem>>, vector<1x16xf32>,
    %swap3A_1068 = arith.constant 1 : i32
    %swap3A_1069 = arith.index_cast %swap3A_1068 : i32 to index
    %swap3A_1070 = arith.constant 0 : index
    %swap3A_1071 = tpu.vector_load %arg9[%swap3A_1069, %swap3A_1070] {strides = array<i32>} : memref<64x64xf32, #tpu.memory_space<vmem>>, vector<1x16xf32>,
    %swap3A_1072 = vector.shape_cast %swap3A_1071 : vector<1x16xf32> to vector<16xf32>
    %swap3A_1073 = vector.shape_cast %broadcast_in_dim3A_1043 : vector<16xf32> to vector<1x16xf32>
    tpu.vector_store %arg9[%swap3A_1069, %swap3A_1070], %swap3A_1073 {strides = array<i32>} : memref<64x64xf32, #tpu.memory_space<vmem>>, vector<1x16xf32>,
    %swap3A_1074 = arith.constant 1 : i32
    %swap3A_1075 = arith.index_cast %swap3A_1074 : i32 to index
    %swap3A_1076 = arith.constant 16 : index
    %swap3A_1077 = tpu.vector_load %arg9[%swap3A_1075, %swap3A_1076] {strides = array<i32>} : memref<64x64xf32, #tpu.memory_space<vmem>>, vector<1x16xf32>,
    %swap3A_1078 = vector.shape_cast %swap3A_1077 : vector<1x16xf32> to vector<16xf32>
    %swap3A_1079 = vector.shape_cast %broadcast_in_dim3A_1043 : vector<16xf32> to vector<1x16xf32>
    tpu.vector_store %arg9[%swap3A_1075, %swap3A_1076], %swap3A_1079 {strides = array<i32>} : memref<64x64xf32, #tpu.memory_space<vmem>>, vector<1x16xf32>,
    %swap3A_1080 = arith.constant 1 : i32
    %swap3A_1081 = arith.index_cast %swap3A_1080 : i32 to index
    %swap3A_1082 = arith.constant 32 : index
    %swap3A_1083 = tpu.vector_load %arg9[%swap3A_1081, %swap3A_1082] {strides = array<i32>} : memref<64x64xf32, #tpu.memory_space<vmem>>, vector<1x16xf32>,
    %swap3A_1084 = vector.shape_cast %swap3A_1083 : vector<1x16xf32> to vector<16xf32>
    %swap3A_1085 = vector.shape_cast %broadcast_in_dim3A_1043 : vector<16xf32> to vector<1x16xf32>
    tpu.vector_store %arg9[%swap3A_1081, %swap3A_1082], %swap3A_1085 {strides = array<i32>} : memref<64x64xf32, #tpu.memory_space<vmem>>, vector<1x16xf32>,
    %swap3A_1086 = arith.constant 1 : i32
    %swap3A_1087 = arith.index_cast %swap3A_1086 : i32 to index
    %swap3A_1088 = arith.constant 48 : index
    %swap3A_1089 = tpu.vector_load %arg9[%swap3A_1087, %swap3A_1088] {strides = array<i32>} : memref<64x64xf32, #tpu.memory_space<vmem>>, vector<1x16xf32>,
    %swap3A_1090 = vector.shape_cast %swap3A_1089 : vector<1x16xf32> to vector<16xf32>
    %swap3A_1091 = vector.shape_cast %broadcast_in_dim3A_1043 : vector<16xf32> to vector<1x16xf32>
    tpu.vector_store %arg9[%swap3A_1087, %swap3A_1088], %swap3A_1091 {strides = array<i32>} : memref<64x64xf32, #tpu.memory_space<vmem>>, vector<1x16xf32>,
    %swap3A_1092 = arith.constant 2 : i32
    %swap3A_1093 = arith.index_cast %swap3A_1092 : i32 to index
    %swap3A_1094 = arith.constant 0 : index
    %swap3A_1095 = tpu.vector_load %arg9[%swap3A_1093, %swap3A_1094] {strides = array<i32>} : memref<64x64xf32, #tpu.memory_space<vmem>>, vector<1x16xf32>,
    %swap3A_1096 = vector.shape_cast %swap3A_1095 : vector<1x16xf32> to vector<16xf32>
    %swap3A_1097 = vector.shape_cast %broadcast_in_dim3A_1043 : vector<16xf32> to vector<1x16xf32>
    tpu.vector_store %arg9[%swap3A_1093, %swap3A_1094], %swap3A_1097 {strides = array<i32>} : memref<64x64xf32, #tpu.memory_space<vmem>>, vector<1x16xf32>,
    %swap3A_1098 = arith.constant 2 : i32
    %swap3A_1099 = arith.index_cast %swap3A_1098 : i32 to index
    %swap3A_1100 = arith.constant 16 : index
    %swap3A_1101 = tpu.vector_load %arg9[%swap3A_1099, %swap3A_1100] {strides = array<i32>} : memref<64x64xf32, #tpu.memory_space<vmem>>, vector<1x16xf32>,
    %swap3A_1102 = vector.shape_cast %swap3A_1101 : vector<1x16xf32> to vector<16xf32>
    %swap3A_1103 = vector.shape_cast %broadcast_in_dim3A_1043 : vector<16xf32> to vector<1x16xf32>
    tpu.vector_store %arg9[%swap3A_1099, %swap3A_1100], %swap3A_1103 {strides = array<i32>} : memref<64x64xf32, #tpu.memory_space<vmem>>, vector<1x16xf32>,
    %swap3A_1104 = arith.constant 2 : i32
    %swap3A_1105 = arith.index_cast %swap3A_1104 : i32 to index
    %swap3A_1106 = arith.constant 32 : index
    %swap3A_1107 = tpu.vector_load %arg9[%swap3A_1105, %swap3A_1106] {strides = array<i32>} : memref<64x64xf32, #tpu.memory_space<vmem>>, vector<1x16xf32>,
    %swap3A_1108 = vector.shape_cast %swap3A_1107 : vector<1x16xf32> to vector<16xf32>
    %swap3A_1109 = vector.shape_cast %broadcast_in_dim3A_1043 : vector<16xf32> to vector<1x16xf32>
    tpu.vector_store %arg9[%swap3A_1105, %swap3A_1106], %swap3A_1109 {strides = array<i32>} : memref<64x64xf32, #tpu.memory_space<vmem>>, vector<1x16xf32>,
    %swap3A_1110 = arith.constant 2 : i32
    %swap3A_1111 = arith.index_cast %swap3A_1110 : i32 to index
    %swap3A_1112 = arith.constant 48 : index
    %swap3A_1113 = tpu.vector_load %arg9[%swap3A_1111, %swap3A_1112] {strides = array<i32>} : memref<64x64xf32, #tpu.memory_space<vmem>>, vector<1x16xf32>,
    %swap3A_1114 = vector.shape_cast %swap3A_1113 : vector<1x16xf32> to vector<16xf32>
    %swap3A_1115 = vector.shape_cast %broadcast_in_dim3A_1043 : vector<16xf32> to vector<1x16xf32>
    tpu.vector_store %arg9[%swap3A_1111, %swap3A_1112], %swap3A_1115 {strides = array<i32>} : memref<64x64xf32, #tpu.memory_space<vmem>>, vector<1x16xf32>,
    %swap3A_1116 = arith.constant 3 : i32
    %swap3A_1117 = arith.index_cast %swap3A_1116 : i32 to index
    %swap3A_1118 = arith.constant 0 : index
    %swap3A_1119 = tpu.vector_load %arg9[%swap3A_1117, %swap3A_1118] {strides = array<i32>} : memref<64x64xf32, #tpu.memory_space<vmem>>, vector<1x16xf32>,
    %swap3A_1120 = vector.shape_cast %swap3A_1119 : vector<1x16xf32> to vector<16xf32>
    %swap3A_1121 = vector.shape_cast %broadcast_in_dim3A_1043 : vector<16xf32> to vector<1x16xf32>
    tpu.vector_store %arg9[%swap3A_1117, %swap3A_1118], %swap3A_1121 {strides = array<i32>} : memref<64x64xf32, #tpu.memory_space<vmem>>, vector<1x16xf32>,
    %swap3A_1122 = arith.constant 3 : i32
    %swap3A_1123 = arith.index_cast %swap3A_1122 : i32 to index
    %swap3A_1124 = arith.constant 16 : index
    %swap3A_1125 = tpu.vector_load %arg9[%swap3A_1123, %swap3A_1124] {strides = array<i32>} : memref<64x64xf32, #tpu.memory_space<vmem>>, vector<1x16xf32>,
    %swap3A_1126 = vector.shape_cast %swap3A_1125 : vector<1x16xf32> to vector<16xf32>
    %swap3A_1127 = vector.shape_cast %broadcast_in_dim3A_1043 : vector<16xf32> to vector<1x16xf32>
    tpu.vector_store %arg9[%swap3A_1123, %swap3A_1124], %swap3A_1127 {strides = array<i32>} : memref<64x64xf32, #tpu.memory_space<vmem>>, vector<1x16xf32>,
    %swap3A_1128 = arith.constant 3 : i32
    %swap3A_1129 = arith.index_cast %swap3A_1128 : i32 to index
    %swap3A_1130 = arith.constant 32 : index
    %swap3A_1131 = tpu.vector_load %arg9[%swap3A_1129, %swap3A_1130] {strides = array<i32>} : memref<64x64xf32, #tpu.memory_space<vmem>>, vector<1x16xf32>,
    %swap3A_1132 = vector.shape_cast %swap3A_1131 : vector<1x16xf32> to vector<16xf32>
    %swap3A_1133 = vector.shape_cast %broadcast_in_dim3A_1043 : vector<16xf32> to vector<1x16xf32>
    tpu.vector_store %arg9[%swap3A_1129, %swap3A_1130], %swap3A_1133 {strides = array<i32>} : memref<64x64xf32, #tpu.memory_space<vmem>>, vector<1x16xf32>,
    %swap3A_1134 = arith.constant 3 : i32
    %swap3A_1135 = arith.index_cast %swap3A_1134 : i32 to index
    %swap3A_1136 = arith.constant 48 : index
    %swap3A_1137 = tpu.vector_load %arg9[%swap3A_1135, %swap3A_1136] {strides = array<i32>} : memref<64x64xf32, #tpu.memory_space<vmem>>, vector<1x16xf32>,
    %swap3A_1138 = vector.shape_cast %swap3A_1137 : vector<1x16xf32> to vector<16xf32>
    %swap3A_1139 = vector.shape_cast %broadcast_in_dim3A_1043 : vector<16xf32> to vector<1x16xf32>
    tpu.vector_store %arg9[%swap3A_1135, %swap3A_1136], %swap3A_1139 {strides = array<i32>} : memref<64x64xf32, #tpu.memory_space<vmem>>, vector<1x16xf32>,
    %swap3A_1140 = arith.constant 4 : i32
    %swap3A_1141 = arith.index_cast %swap3A_1140 : i32 to index
    %swap3A_1142 = arith.constant 0 : index
    %swap3A_1143 = tpu.vector_load %arg9[%swap3A_1141, %swap3A_1142] {strides = array<i32>} : memref<64x64xf32, #tpu.memory_space<vmem>>, vector<1x16xf32>,
    %swap3A_1144 = vector.shape_cast %swap3A_1143 : vector<1x16xf32> to vector<16xf32>
    %swap3A_1145 = vector.shape_cast %broadcast_in_dim3A_1043 : vector<16xf32> to vector<1x16xf32>
    tpu.vector_store %arg9[%swap3A_1141, %swap3A_1142], %swap3A_1145 {strides = array<i32>} : memref<64x64xf32, #tpu.memory_space<vmem>>, vector<1x16xf32>,
    %swap3A_1146 = arith.constant 4 : i32
    %swap3A_1147 = arith.index_cast %swap3A_1146 : i32 to index
    %swap3A_1148 = arith.constant 16 : index
    %swap3A_1149 = tpu.vector_load %arg9[%swap3A_1147, %swap3A_1148] {strides = array<i32>} : memref<64x64xf32, #tpu.memory_space<vmem>>, vector<1x16xf32>,
    %swap3A_1150 = vector.shape_cast %swap3A_1149 : vector<1x16xf32> to vector<16xf32>
    %swap3A_1151 = vector.shape_cast %broadcast_in_dim3A_1043 : vector<16xf32> to vector<1x16xf32>
    tpu.vector_store %arg9[%swap3A_1147, %swap3A_1148], %swap3A_1151 {strides = array<i32>} : memref<64x64xf32, #tpu.memory_space<vmem>>, vector<1x16xf32>,
    %swap3A_1152 = arith.constant 4 : i32
    %swap3A_1153 = arith.index_cast %swap3A_1152 : i32 to index
    %swap3A_1154 = arith.constant 32 : index
    %swap3A_1155 = tpu.vector_load %arg9[%swap3A_1153, %swap3A_1154] {strides = array<i32>} : memref<64x64xf32, #tpu.memory_space<vmem>>, vector<1x16xf32>,
    %swap3A_1156 = vector.shape_cast %swap3A_1155 : vector<1x16xf32> to vector<16xf32>
    %swap3A_1157 = vector.shape_cast %broadcast_in_dim3A_1043 : vector<16xf32> to vector<1x16xf32>
    tpu.vector_store %arg9[%swap3A_1153, %swap3A_1154], %swap3A_1157 {strides = array<i32>} : memref<64x64xf32, #tpu.memory_space<vmem>>, vector<1x16xf32>,
    %swap3A_1158 = arith.constant 4 : i32
    %swap3A_1159 = arith.index_cast %swap3A_1158 : i32 to index
    %swap3A_1160 = arith.constant 48 : index
    %swap3A_1161 = tpu.vector_load %arg9[%swap3A_1159, %swap3A_1160] {strides = array<i32>} : memref<64x64xf32, #tpu.memory_space<vmem>>, vector<1x16xf32>,
    %swap3A_1162 = vector.shape_cast %swap3A_1161 : vector<1x16xf32> to vector<16xf32>
    %swap3A_1163 = vector.shape_cast %broadcast_in_dim3A_1043 : vector<16xf32> to vector<1x16xf32>
    tpu.vector_store %arg9[%swap3A_1159, %swap3A_1160], %swap3A_1163 {strides = array<i32>} : memref<64x64xf32, #tpu.memory_space<vmem>>, vector<1x16xf32>,
    %swap3A_1164 = arith.constant 5 : i32
    %swap3A_1165 = arith.index_cast %swap3A_1164 : i32 to index
    %swap3A_1166 = arith.constant 0 : index
    %swap3A_1167 = tpu.vector_load %arg9[%swap3A_1165, %swap3A_1166] {strides = array<i32>} : memref<64x64xf32, #tpu.memory_space<vmem>>, vector<1x16xf32>,
    %swap3A_1168 = vector.shape_cast %swap3A_1167 : vector<1x16xf32> to vector<16xf32>
    %swap3A_1169 = vector.shape_cast %broadcast_in_dim3A_1043 : vector<16xf32> to vector<1x16xf32>
    tpu.vector_store %arg9[%swap3A_1165, %swap3A_1166], %swap3A_1169 {strides = array<i32>} : memref<64x64xf32, #tpu.memory_space<vmem>>, vector<1x16xf32>,
    %swap3A_1170 = arith.constant 5 : i32
    %swap3A_1171 = arith.index_cast %swap3A_1170 : i32 to index
    %swap3A_1172 = arith.constant 16 : index
    %swap3A_1173 = tpu.vector_load %arg9[%swap3A_1171, %swap3A_1172] {strides = array<i32>} : memref<64x64xf32, #tpu.memory_space<vmem>>, vector<1x16xf32>,
    %swap3A_1174 = vector.shape_cast %swap3A_1173 : vector<1x16xf32> to vector<16xf32>
    %swap3A_1175 = vector.shape_cast %broadcast_in_dim3A_1043 : vector<16xf32> to vector<1x16xf32>
    tpu.vector_store %arg9[%swap3A_1171, %swap3A_1172], %swap3A_1175 {strides = array<i32>} : memref<64x64xf32, #tpu.memory_space<vmem>>, vector<1x16xf32>,
    %swap3A_1176 = arith.constant 5 : i32
    %swap3A_1177 = arith.index_cast %swap3A_1176 : i32 to index
    %swap3A_1178 = arith.constant 32 : index
    %swap3A_1179 = tpu.vector_load %arg9[%swap3A_1177, %swap3A_1178] {strides = array<i32>} : memref<64x64xf32, #tpu.memory_space<vmem>>, vector<1x16xf32>,
    %swap3A_1180 = vector.shape_cast %swap3A_1179 : vector<1x16xf32> to vector<16xf32>
    %swap3A_1181 = vector.shape_cast %broadcast_in_dim3A_1043 : vector<16xf32> to vector<1x16xf32>
    tpu.vector_store %arg9[%swap3A_1177, %swap3A_1178], %swap3A_1181 {strides = array<i32>} : memref<64x64xf32, #tpu.memory_space<vmem>>, vector<1x16xf32>,
    %swap3A_1182 = arith.constant 5 : i32
    %swap3A_1183 = arith.index_cast %swap3A_1182 : i32 to index
    %swap3A_1184 = arith.constant 48 : index
    %swap3A_1185 = tpu.vector_load %arg9[%swap3A_1183, %swap3A_1184] {strides = array<i32>} : memref<64x64xf32, #tpu.memory_space<vmem>>, vector<1x16xf32>,
    %swap3A_1186 = vector.shape_cast %swap3A_1185 : vector<1x16xf32> to vector<16xf32>
    %swap3A_1187 = vector.shape_cast %broadcast_in_dim3A_1043 : vector<16xf32> to vector<1x16xf32>
    tpu.vector_store %arg9[%swap3A_1183, %swap3A_1184], %swap3A_1187 {strides = array<i32>} : memref<64x64xf32, #tpu.memory_space<vmem>>, vector<1x16xf32>,
    %swap3A_1188 = arith.constant 6 : i32
    %swap3A_1189 = arith.index_cast %swap3A_1188 : i32 to index
    %swap3A_1190 = arith.constant 0 : index
    %swap3A_1191 = tpu.vector_load %arg9[%swap3A_1189, %swap3A_1190] {strides = array<i32>} : memref<64x64xf32, #tpu.memory_space<vmem>>, vector<1x16xf32>,
    %swap3A_1192 = vector.shape_cast %swap3A_1191 : vector<1x16xf32> to vector<16xf32>
    %swap3A_1193 = vector.shape_cast %broadcast_in_dim3A_1043 : vector<16xf32> to vector<1x16xf32>
    tpu.vector_store %arg9[%swap3A_1189, %swap3A_1190], %swap3A_1193 {strides = array<i32>} : memref<64x64xf32, #tpu.memory_space<vmem>>, vector<1x16xf32>,
    %swap3A_1194 = arith.constant 6 : i32
    %swap3A_1195 = arith.index_cast %swap3A_1194 : i32 to index
    %swap3A_1196 = arith.constant 16 : index
    %swap3A_1197 = tpu.vector_load %arg9[%swap3A_1195, %swap3A_1196] {strides = array<i32>} : memref<64x64xf32, #tpu.memory_space<vmem>>, vector<1x16xf32>,
    %swap3A_1198 = vector.shape_cast %swap3A_1197 : vector<1x16xf32> to vector<16xf32>
    %swap3A_1199 = vector.shape_cast %broadcast_in_dim3A_1043 : vector<16xf32> to vector<1x16xf32>
    tpu.vector_store %arg9[%swap3A_1195, %swap3A_1196], %swap3A_1199 {strides = array<i32>} : memref<64x64xf32, #tpu.memory_space<vmem>>, vector<1x16xf32>,
    %swap3A_1200 = arith.constant 6 : i32
    %swap3A_1201 = arith.index_cast %swap3A_1200 : i32 to index
    %swap3A_1202 = arith.constant 32 : index
    %swap3A_1203 = tpu.vector_load %arg9[%swap3A_1201, %swap3A_1202] {strides = array<i32>} : memref<64x64xf32, #tpu.memory_space<vmem>>, vector<1x16xf32>,
    %swap3A_1204 = vector.shape_cast %swap3A_1203 : vector<1x16xf32> to vector<16xf32>
    %swap3A_1205 = vector.shape_cast %broadcast_in_dim3A_1043 : vector<16xf32> to vector<1x16xf32>
    tpu.vector_store %arg9[%swap3A_1201, %swap3A_1202], %swap3A_1205 {strides = array<i32>} : memref<64x64xf32, #tpu.memory_space<vmem>>, vector<1x16xf32>,
    %swap3A_1206 = arith.constant 6 : i32
    %swap3A_1207 = arith.index_cast %swap3A_1206 : i32 to index
    %swap3A_1208 = arith.constant 48 : index
    %swap3A_1209 = tpu.vector_load %arg9[%swap3A_1207, %swap3A_1208] {strides = array<i32>} : memref<64x64xf32, #tpu.memory_space<vmem>>, vector<1x16xf32>,
    %swap3A_1210 = vector.shape_cast %swap3A_1209 : vector<1x16xf32> to vector<16xf32>
    %swap3A_1211 = vector.shape_cast %broadcast_in_dim3A_1043 : vector<16xf32> to vector<1x16xf32>
    tpu.vector_store %arg9[%swap3A_1207, %swap3A_1208], %swap3A_1211 {strides = array<i32>} : memref<64x64xf32, #tpu.memory_space<vmem>>, vector<1x16xf32>,
    %swap3A_1212 = arith.constant 7 : i32
    %swap3A_1213 = arith.index_cast %swap3A_1212 : i32 to index
    %swap3A_1214 = arith.constant 0 : index
    %swap3A_1215 = tpu.vector_load %arg9[%swap3A_1213, %swap3A_1214] {strides = array<i32>} : memref<64x64xf32, #tpu.memory_space<vmem>>, vector<1x16xf32>,
    %swap3A_1216 = vector.shape_cast %swap3A_1215 : vector<1x16xf32> to vector<16xf32>
    %swap3A_1217 = vector.shape_cast %broadcast_in_dim3A_1043 : vector<16xf32> to vector<1x16xf32>
    tpu.vector_store %arg9[%swap3A_1213, %swap3A_1214], %swap3A_1217 {strides = array<i32>} : memref<64x64xf32, #tpu.memory_space<vmem>>, vector<1x16xf32>,
    %swap3A_1218 = arith.constant 7 : i32
    %swap3A_1219 = arith.index_cast %swap3A_1218 : i32 to index
    %swap3A_1220 = arith.constant 16 : index
    %swap3A_1221 = tpu.vector_load %arg9[%swap3A_1219, %swap3A_1220] {strides = array<i32>} : memref<64x64xf32, #tpu.memory_space<vmem>>, vector<1x16xf32>,
    %swap3A_1222 = vector.shape_cast %swap3A_1221 : vector<1x16xf32> to vector<16xf32>
    %swap3A_1223 = vector.shape_cast %broadcast_in_dim3A_1043 : vector<16xf32> to vector<1x16xf32>
    tpu.vector_store %arg9[%swap3A_1219, %swap3A_1220], %swap3A_1223 {strides = array<i32>} : memref<64x64xf32, #tpu.memory_space<vmem>>, vector<1x16xf32>,
    %swap3A_1224 = arith.constant 7 : i32
    %swap3A_1225 = arith.index_cast %swap3A_1224 : i32 to index
    %swap3A_1226 = arith.constant 32 : index
    %swap3A_1227 = tpu.vector_load %arg9[%swap3A_1225, %swap3A_1226] {strides = array<i32>} : memref<64x64xf32, #tpu.memory_space<vmem>>, vector<1x16xf32>,
    %swap3A_1228 = vector.shape_cast %swap3A_1227 : vector<1x16xf32> to vector<16xf32>
    %swap3A_1229 = vector.shape_cast %broadcast_in_dim3A_1043 : vector<16xf32> to vector<1x16xf32>
    tpu.vector_store %arg9[%swap3A_1225, %swap3A_1226], %swap3A_1229 {strides = array<i32>} : memref<64x64xf32, #tpu.memory_space<vmem>>, vector<1x16xf32>,
    %swap3A_1230 = arith.constant 7 : i32
    %swap3A_1231 = arith.index_cast %swap3A_1230 : i32 to index
    %swap3A_1232 = arith.constant 48 : index
    %swap3A_1233 = tpu.vector_load %arg9[%swap3A_1231, %swap3A_1232] {strides = array<i32>} : memref<64x64xf32, #tpu.memory_space<vmem>>, vector<1x16xf32>,
    %swap3A_1234 = vector.shape_cast %swap3A_1233 : vector<1x16xf32> to vector<16xf32>
    %swap3A_1235 = vector.shape_cast %broadcast_in_dim3A_1043 : vector<16xf32> to vector<1x16xf32>
    tpu.vector_store %arg9[%swap3A_1231, %swap3A_1232], %swap3A_1235 {strides = array<i32>} : memref<64x64xf32, #tpu.memory_space<vmem>>, vector<1x16xf32>,
    %swap3A_1236 = arith.constant 8 : i32
    %swap3A_1237 = arith.index_cast %swap3A_1236 : i32 to index
    %swap3A_1238 = arith.constant 0 : index
    %swap3A_1239 = tpu.vector_load %arg9[%swap3A_1237, %swap3A_1238] {strides = array<i32>} : memref<64x64xf32, #tpu.memory_space<vmem>>, vector<1x16xf32>,
    %swap3A_1240 = vector.shape_cast %swap3A_1239 : vector<1x16xf32> to vector<16xf32>
    %swap3A_1241 = vector.shape_cast %broadcast_in_dim3A_1043 : vector<16xf32> to vector<1x16xf32>
    tpu.vector_store %arg9[%swap3A_1237, %swap3A_1238], %swap3A_1241 {strides = array<i32>} : memref<64x64xf32, #tpu.memory_space<vmem>>, vector<1x16xf32>,
    %swap3A_1242 = arith.constant 8 : i32
    %swap3A_1243 = arith.index_cast %swap3A_1242 : i32 to index
    %swap3A_1244 = arith.constant 16 : index
    %swap3A_1245 = tpu.vector_load %arg9[%swap3A_1243, %swap3A_1244] {strides = array<i32>} : memref<64x64xf32, #tpu.memory_space<vmem>>, vector<1x16xf32>,
    %swap3A_1246 = vector.shape_cast %swap3A_1245 : vector<1x16xf32> to vector<16xf32>
    %swap3A_1247 = vector.shape_cast %broadcast_in_dim3A_1043 : vector<16xf32> to vector<1x16xf32>
    tpu.vector_store %arg9[%swap3A_1243, %swap3A_1244], %swap3A_1247 {strides = array<i32>} : memref<64x64xf32, #tpu.memory_space<vmem>>, vector<1x16xf32>,
    %swap3A_1248 = arith.constant 8 : i32
    %swap3A_1249 = arith.index_cast %swap3A_1248 : i32 to index
    %swap3A_1250 = arith.constant 32 : index
    %swap3A_1251 = tpu.vector_load %arg9[%swap3A_1249, %swap3A_1250] {strides = array<i32>} : memref<64x64xf32, #tpu.memory_space<vmem>>, vector<1x16xf32>,
    %swap3A_1252 = vector.shape_cast %swap3A_1251 : vector<1x16xf32> to vector<16xf32>
    %swap3A_1253 = vector.shape_cast %broadcast_in_dim3A_1043 : vector<16xf32> to vector<1x16xf32>
    tpu.vector_store %arg9[%swap3A_1249, %swap3A_1250], %swap3A_1253 {strides = array<i32>} : memref<64x64xf32, #tpu.memory_space<vmem>>, vector<1x16xf32>,
    %swap3A_1254 = arith.constant 8 : i32
    %swap3A_1255 = arith.index_cast %swap3A_1254 : i32 to index
    %swap3A_1256 = arith.constant 48 : index
    %swap3A_1257 = tpu.vector_load %arg9[%swap3A_1255, %swap3A_1256] {strides = array<i32>} : memref<64x64xf32, #tpu.memory_space<vmem>>, vector<1x16xf32>,
    %swap3A_1258 = vector.shape_cast %swap3A_1257 : vector<1x16xf32> to vector<16xf32>
    %swap3A_1259 = vector.shape_cast %broadcast_in_dim3A_1043 : vector<16xf32> to vector<1x16xf32>
    tpu.vector_store %arg9[%swap3A_1255, %swap3A_1256], %swap3A_1259 {strides = array<i32>} : memref<64x64xf32, #tpu.memory_space<vmem>>, vector<1x16xf32>,
    %swap3A_1260 = arith.constant 9 : i32
    %swap3A_1261 = arith.index_cast %swap3A_1260 : i32 to index
    %swap3A_1262 = arith.constant 0 : index
    %swap3A_1263 = tpu.vector_load %arg9[%swap3A_1261, %swap3A_1262] {strides = array<i32>} : memref<64x64xf32, #tpu.memory_space<vmem>>, vector<1x16xf32>,
    %swap3A_1264 = vector.shape_cast %swap3A_1263 : vector<1x16xf32> to vector<16xf32>
    %swap3A_1265 = vector.shape_cast %broadcast_in_dim3A_1043 : vector<16xf32> to vector<1x16xf32>
    tpu.vector_store %arg9[%swap3A_1261, %swap3A_1262], %swap3A_1265 {strides = array<i32>} : memref<64x64xf32, #tpu.memory_space<vmem>>, vector<1x16xf32>,
    %swap3A_1266 = arith.constant 9 : i32
    %swap3A_1267 = arith.index_cast %swap3A_1266 : i32 to index
    %swap3A_1268 = arith.constant 16 : index
    %swap3A_1269 = tpu.vector_load %arg9[%swap3A_1267, %swap3A_1268] {strides = array<i32>} : memref<64x64xf32, #tpu.memory_space<vmem>>, vector<1x16xf32>,
    %swap3A_1270 = vector.shape_cast %swap3A_1269 : vector<1x16xf32> to vector<16xf32>
    %swap3A_1271 = vector.shape_cast %broadcast_in_dim3A_1043 : vector<16xf32> to vector<1x16xf32>
    tpu.vector_store %arg9[%swap3A_1267, %swap3A_1268], %swap3A_1271 {strides = array<i32>} : memref<64x64xf32, #tpu.memory_space<vmem>>, vector<1x16xf32>,
    %swap3A_1272 = arith.constant 9 : i32
    %swap3A_1273 = arith.index_cast %swap3A_1272 : i32 to index
    %swap3A_1274 = arith.constant 32 : index
    %swap3A_1275 = tpu.vector_load %arg9[%swap3A_1273, %swap3A_1274] {strides = array<i32>} : memref<64x64xf32, #tpu.memory_space<vmem>>, vector<1x16xf32>,
    %swap3A_1276 = vector.shape_cast %swap3A_1275 : vector<1x16xf32> to vector<16xf32>
    %swap3A_1277 = vector.shape_cast %broadcast_in_dim3A_1043 : vector<16xf32> to vector<1x16xf32>
    tpu.vector_store %arg9[%swap3A_1273, %swap3A_1274], %swap3A_1277 {strides = array<i32>} : memref<64x64xf32, #tpu.memory_space<vmem>>, vector<1x16xf32>,
    %swap3A_1278 = arith.constant 9 : i32
    %swap3A_1279 = arith.index_cast %swap3A_1278 : i32 to index
    %swap3A_1280 = arith.constant 48 : index
    %swap3A_1281 = tpu.vector_load %arg9[%swap3A_1279, %swap3A_1280] {strides = array<i32>} : memref<64x64xf32, #tpu.memory_space<vmem>>, vector<1x16xf32>,
    %swap3A_1282 = vector.shape_cast %swap3A_1281 : vector<1x16xf32> to vector<16xf32>
    %swap3A_1283 = vector.shape_cast %broadcast_in_dim3A_1043 : vector<16xf32> to vector<1x16xf32>
    tpu.vector_store %arg9[%swap3A_1279, %swap3A_1280], %swap3A_1283 {strides = array<i32>} : memref<64x64xf32, #tpu.memory_space<vmem>>, vector<1x16xf32>,
    %swap3A_1284 = arith.constant 10 : i32
    %swap3A_1285 = arith.index_cast %swap3A_1284 : i32 to index
    %swap3A_1286 = arith.constant 0 : index
    %swap3A_1287 = tpu.vector_load %arg9[%swap3A_1285, %swap3A_1286] {strides = array<i32>} : memref<64x64xf32, #tpu.memory_space<vmem>>, vector<1x16xf32>,
    %swap3A_1288 = vector.shape_cast %swap3A_1287 : vector<1x16xf32> to vector<16xf32>
    %swap3A_1289 = vector.shape_cast %broadcast_in_dim3A_1043 : vector<16xf32> to vector<1x16xf32>
    tpu.vector_store %arg9[%swap3A_1285, %swap3A_1286], %swap3A_1289 {strides = array<i32>} : memref<64x64xf32, #tpu.memory_space<vmem>>, vector<1x16xf32>,
    %swap3A_1290 = arith.constant 10 : i32
    %swap3A_1291 = arith.index_cast %swap3A_1290 : i32 to index
    %swap3A_1292 = arith.constant 16 : index
    %swap3A_1293 = tpu.vector_load %arg9[%swap3A_1291, %swap3A_1292] {strides = array<i32>} : memref<64x64xf32, #tpu.memory_space<vmem>>, vector<1x16xf32>,
    %swap3A_1294 = vector.shape_cast %swap3A_1293 : vector<1x16xf32> to vector<16xf32>
    %swap3A_1295 = vector.shape_cast %broadcast_in_dim3A_1043 : vector<16xf32> to vector<1x16xf32>
    tpu.vector_store %arg9[%swap3A_1291, %swap3A_1292], %swap3A_1295 {strides = array<i32>} : memref<64x64xf32, #tpu.memory_space<vmem>>, vector<1x16xf32>,
    %swap3A_1296 = arith.constant 10 : i32
    %swap3A_1297 = arith.index_cast %swap3A_1296 : i32 to index
    %swap3A_1298 = arith.constant 32 : index
    %swap3A_1299 = tpu.vector_load %arg9[%swap3A_1297, %swap3A_1298] {strides = array<i32>} : memref<64x64xf32, #tpu.memory_space<vmem>>, vector<1x16xf32>,
    %swap3A_1300 = vector.shape_cast %swap3A_1299 : vector<1x16xf32> to vector<16xf32>
    %swap3A_1301 = vector.shape_cast %broadcast_in_dim3A_1043 : vector<16xf32> to vector<1x16xf32>
    tpu.vector_store %arg9[%swap3A_1297, %swap3A_1298], %swap3A_1301 {strides = array<i32>} : memref<64x64xf32, #tpu.memory_space<vmem>>, vector<1x16xf32>,
    %swap3A_1302 = arith.constant 10 : i32
    %swap3A_1303 = arith.index_cast %swap3A_1302 : i32 to index
    %swap3A_1304 = arith.constant 48 : index
    %swap3A_1305 = tpu.vector_load %arg9[%swap3A_1303, %swap3A_1304] {strides = array<i32>} : memref<64x64xf32, #tpu.memory_space<vmem>>, vector<1x16xf32>,
    %swap3A_1306 = vector.shape_cast %swap3A_1305 : vector<1x16xf32> to vector<16xf32>
    %swap3A_1307 = vector.shape_cast %broadcast_in_dim3A_1043 : vector<16xf32> to vector<1x16xf32>
    tpu.vector_store %arg9[%swap3A_1303, %swap3A_1304], %swap3A_1307 {strides = array<i32>} : memref<64x64xf32, #tpu.memory_space<vmem>>, vector<1x16xf32>,
    %swap3A_1308 = arith.constant 11 : i32
    %swap3A_1309 = arith.index_cast %swap3A_1308 : i32 to index
    %swap3A_1310 = arith.constant 0 : index
    %swap3A_1311 = tpu.vector_load %arg9[%swap3A_1309, %swap3A_1310] {strides = array<i32>} : memref<64x64xf32, #tpu.memory_space<vmem>>, vector<1x16xf32>,
    %swap3A_1312 = vector.shape_cast %swap3A_1311 : vector<1x16xf32> to vector<16xf32>
    %swap3A_1313 = vector.shape_cast %broadcast_in_dim3A_1043 : vector<16xf32> to vector<1x16xf32>
    tpu.vector_store %arg9[%swap3A_1309, %swap3A_1310], %swap3A_1313 {strides = array<i32>} : memref<64x64xf32, #tpu.memory_space<vmem>>, vector<1x16xf32>,
    %swap3A_1314 = arith.constant 11 : i32
    %swap3A_1315 = arith.index_cast %swap3A_1314 : i32 to index
    %swap3A_1316 = arith.constant 16 : index
    %swap3A_1317 = tpu.vector_load %arg9[%swap3A_1315, %swap3A_1316] {strides = array<i32>} : memref<64x64xf32, #tpu.memory_space<vmem>>, vector<1x16xf32>,
    %swap3A_1318 = vector.shape_cast %swap3A_1317 : vector<1x16xf32> to vector<16xf32>
    %swap3A_1319 = vector.shape_cast %broadcast_in_dim3A_1043 : vector<16xf32> to vector<1x16xf32>
    tpu.vector_store %arg9[%swap3A_1315, %swap3A_1316], %swap3A_1319 {strides = array<i32>} : memref<64x64xf32, #tpu.memory_space<vmem>>, vector<1x16xf32>,
    %swap3A_1320 = arith.constant 11 : i32
    %swap3A_1321 = arith.index_cast %swap3A_1320 : i32 to index
    %swap3A_1322 = arith.constant 32 : index
    %swap3A_1323 = tpu.vector_load %arg9[%swap3A_1321, %swap3A_1322] {strides = array<i32>} : memref<64x64xf32, #tpu.memory_space<vmem>>, vector<1x16xf32>,
    %swap3A_1324 = vector.shape_cast %swap3A_1323 : vector<1x16xf32> to vector<16xf32>
    %swap3A_1325 = vector.shape_cast %broadcast_in_dim3A_1043 : vector<16xf32> to vector<1x16xf32>
    tpu.vector_store %arg9[%swap3A_1321, %swap3A_1322], %swap3A_1325 {strides = array<i32>} : memref<64x64xf32, #tpu.memory_space<vmem>>, vector<1x16xf32>,
    %swap3A_1326 = arith.constant 11 : i32
    %swap3A_1327 = arith.index_cast %swap3A_1326 : i32 to index
    %swap3A_1328 = arith.constant 48 : index
    %swap3A_1329 = tpu.vector_load %arg9[%swap3A_1327, %swap3A_1328] {strides = array<i32>} : memref<64x64xf32, #tpu.memory_space<vmem>>, vector<1x16xf32>,
    %swap3A_1330 = vector.shape_cast %swap3A_1329 : vector<1x16xf32> to vector<16xf32>
    %swap3A_1331 = vector.shape_cast %broadcast_in_dim3A_1043 : vector<16xf32> to vector<1x16xf32>
    tpu.vector_store %arg9[%swap3A_1327, %swap3A_1328], %swap3A_1331 {strides = array<i32>} : memref<64x64xf32, #tpu.memory_space<vmem>>, vector<1x16xf32>,
    %swap3A_1332 = arith.constant 12 : i32
    %swap3A_1333 = arith.index_cast %swap3A_1332 : i32 to index
    %swap3A_1334 = arith.constant 0 : index
    %swap3A_1335 = tpu.vector_load %arg9[%swap3A_1333, %swap3A_1334] {strides = array<i32>} : memref<64x64xf32, #tpu.memory_space<vmem>>, vector<1x16xf32>,
    %swap3A_1336 = vector.shape_cast %swap3A_1335 : vector<1x16xf32> to vector<16xf32>
    %swap3A_1337 = vector.shape_cast %broadcast_in_dim3A_1043 : vector<16xf32> to vector<1x16xf32>
    tpu.vector_store %arg9[%swap3A_1333, %swap3A_1334], %swap3A_1337 {strides = array<i32>} : memref<64x64xf32, #tpu.memory_space<vmem>>, vector<1x16xf32>,
    %swap3A_1338 = arith.constant 12 : i32
    %swap3A_1339 = arith.index_cast %swap3A_1338 : i32 to index
    %swap3A_1340 = arith.constant 16 : index
    %swap3A_1341 = tpu.vector_load %arg9[%swap3A_1339, %swap3A_1340] {strides = array<i32>} : memref<64x64xf32, #tpu.memory_space<vmem>>, vector<1x16xf32>,
    %swap3A_1342 = vector.shape_cast %swap3A_1341 : vector<1x16xf32> to vector<16xf32>
    %swap3A_1343 = vector.shape_cast %broadcast_in_dim3A_1043 : vector<16xf32> to vector<1x16xf32>
    tpu.vector_store %arg9[%swap3A_1339, %swap3A_1340], %swap3A_1343 {strides = array<i32>} : memref<64x64xf32, #tpu.memory_space<vmem>>, vector<1x16xf32>,
    %swap3A_1344 = arith.constant 12 : i32
    %swap3A_1345 = arith.index_cast %swap3A_1344 : i32 to index
    %swap3A_1346 = arith.constant 32 : index
    %swap3A_1347 = tpu.vector_load %arg9[%swap3A_1345, %swap3A_1346] {strides = array<i32>} : memref<64x64xf32, #tpu.memory_space<vmem>>, vector<1x16xf32>,
    %swap3A_1348 = vector.shape_cast %swap3A_1347 : vector<1x16xf32> to vector<16xf32>
    %swap3A_1349 = vector.shape_cast %broadcast_in_dim3A_1043 : vector<16xf32> to vector<1x16xf32>
    tpu.vector_store %arg9[%swap3A_1345, %swap3A_1346], %swap3A_1349 {strides = array<i32>} : memref<64x64xf32, #tpu.memory_space<vmem>>, vector<1x16xf32>,
    %swap3A_1350 = arith.constant 12 : i32
    %swap3A_1351 = arith.index_cast %swap3A_1350 : i32 to index
    %swap3A_1352 = arith.constant 48 : index
    %swap3A_1353 = tpu.vector_load %arg9[%swap3A_1351, %swap3A_1352] {strides = array<i32>} : memref<64x64xf32, #tpu.memory_space<vmem>>, vector<1x16xf32>,
    %swap3A_1354 = vector.shape_cast %swap3A_1353 : vector<1x16xf32> to vector<16xf32>
    %swap3A_1355 = vector.shape_cast %broadcast_in_dim3A_1043 : vector<16xf32> to vector<1x16xf32>
    tpu.vector_store %arg9[%swap3A_1351, %swap3A_1352], %swap3A_1355 {strides = array<i32>} : memref<64x64xf32, #tpu.memory_space<vmem>>, vector<1x16xf32>,
    %swap3A_1356 = arith.constant 13 : i32
    %swap3A_1357 = arith.index_cast %swap3A_1356 : i32 to index
    %swap3A_1358 = arith.constant 0 : index
    %swap3A_1359 = tpu.vector_load %arg9[%swap3A_1357, %swap3A_1358] {strides = array<i32>} : memref<64x64xf32, #tpu.memory_space<vmem>>, vector<1x16xf32>,
    %swap3A_1360 = vector.shape_cast %swap3A_1359 : vector<1x16xf32> to vector<16xf32>
    %swap3A_1361 = vector.shape_cast %broadcast_in_dim3A_1043 : vector<16xf32> to vector<1x16xf32>
    tpu.vector_store %arg9[%swap3A_1357, %swap3A_1358], %swap3A_1361 {strides = array<i32>} : memref<64x64xf32, #tpu.memory_space<vmem>>, vector<1x16xf32>,
    %swap3A_1362 = arith.constant 13 : i32
    %swap3A_1363 = arith.index_cast %swap3A_1362 : i32 to index
    %swap3A_1364 = arith.constant 16 : index
    %swap3A_1365 = tpu.vector_load %arg9[%swap3A_1363, %swap3A_1364] {strides = array<i32>} : memref<64x64xf32, #tpu.memory_space<vmem>>, vector<1x16xf32>,
    %swap3A_1366 = vector.shape_cast %swap3A_1365 : vector<1x16xf32> to vector<16xf32>
    %swap3A_1367 = vector.shape_cast %broadcast_in_dim3A_1043 : vector<16xf32> to vector<1x16xf32>
    tpu.vector_store %arg9[%swap3A_1363, %swap3A_1364], %swap3A_1367 {strides = array<i32>} : memref<64x64xf32, #tpu.memory_space<vmem>>, vector<1x16xf32>,
    %swap3A_1368 = arith.constant 13 : i32
    %swap3A_1369 = arith.index_cast %swap3A_1368 : i32 to index
    %swap3A_1370 = arith.constant 32 : index
    %swap3A_1371 = tpu.vector_load %arg9[%swap3A_1369, %swap3A_1370] {strides = array<i32>} : memref<64x64xf32, #tpu.memory_space<vmem>>, vector<1x16xf32>,
    %swap3A_1372 = vector.shape_cast %swap3A_1371 : vector<1x16xf32> to vector<16xf32>
    %swap3A_1373 = vector.shape_cast %broadcast_in_dim3A_1043 : vector<16xf32> to vector<1x16xf32>
    tpu.vector_store %arg9[%swap3A_1369, %swap3A_1370], %swap3A_1373 {strides = array<i32>} : memref<64x64xf32, #tpu.memory_space<vmem>>, vector<1x16xf32>,
    %swap3A_1374 = arith.constant 13 : i32
    %swap3A_1375 = arith.index_cast %swap3A_1374 : i32 to index
    %swap3A_1376 = arith.constant 48 : index
    %swap3A_1377 = tpu.vector_load %arg9[%swap3A_1375, %swap3A_1376] {strides = array<i32>} : memref<64x64xf32, #tpu.memory_space<vmem>>, vector<1x16xf32>,
    %swap3A_1378 = vector.shape_cast %swap3A_1377 : vector<1x16xf32> to vector<16xf32>
    %swap3A_1379 = vector.shape_cast %broadcast_in_dim3A_1043 : vector<16xf32> to vector<1x16xf32>
    tpu.vector_store %arg9[%swap3A_1375, %swap3A_1376], %swap3A_1379 {strides = array<i32>} : memref<64x64xf32, #tpu.memory_space<vmem>>, vector<1x16xf32>,
    %swap3A_1380 = arith.constant 14 : i32
    %swap3A_1381 = arith.index_cast %swap3A_1380 : i32 to index
    %swap3A_1382 = arith.constant 0 : index
    %swap3A_1383 = tpu.vector_load %arg9[%swap3A_1381, %swap3A_1382] {strides = array<i32>} : memref<64x64xf32, #tpu.memory_space<vmem>>, vector<1x16xf32>,
    %swap3A_1384 = vector.shape_cast %swap3A_1383 : vector<1x16xf32> to vector<16xf32>
    %swap3A_1385 = vector.shape_cast %broadcast_in_dim3A_1043 : vector<16xf32> to vector<1x16xf32>
    tpu.vector_store %arg9[%swap3A_1381, %swap3A_1382], %swap3A_1385 {strides = array<i32>} : memref<64x64xf32, #tpu.memory_space<vmem>>, vector<1x16xf32>,
    %swap3A_1386 = arith.constant 14 : i32
    %swap3A_1387 = arith.index_cast %swap3A_1386 : i32 to index
    %swap3A_1388 = arith.constant 16 : index
    %swap3A_1389 = tpu.vector_load %arg9[%swap3A_1387, %swap3A_1388] {strides = array<i32>} : memref<64x64xf32, #tpu.memory_space<vmem>>, vector<1x16xf32>,
    %swap3A_1390 = vector.shape_cast %swap3A_1389 : vector<1x16xf32> to vector<16xf32>
    %swap3A_1391 = vector.shape_cast %broadcast_in_dim3A_1043 : vector<16xf32> to vector<1x16xf32>
    tpu.vector_store %arg9[%swap3A_1387, %swap3A_1388], %swap3A_1391 {strides = array<i32>} : memref<64x64xf32, #tpu.memory_space<vmem>>, vector<1x16xf32>,
    %swap3A_1392 = arith.constant 14 : i32
    %swap3A_1393 = arith.index_cast %swap3A_1392 : i32 to index
    %swap3A_1394 = arith.constant 32 : index
    %swap3A_1395 = tpu.vector_load %arg9[%swap3A_1393, %swap3A_1394] {strides = array<i32>} : memref<64x64xf32, #tpu.memory_space<vmem>>, vector<1x16xf32>,
    %swap3A_1396 = vector.shape_cast %swap3A_1395 : vector<1x16xf32> to vector<16xf32>
    %swap3A_1397 = vector.shape_cast %broadcast_in_dim3A_1043 : vector<16xf32> to vector<1x16xf32>
    tpu.vector_store %arg9[%swap3A_1393, %swap3A_1394], %swap3A_1397 {strides = array<i32>} : memref<64x64xf32, #tpu.memory_space<vmem>>, vector<1x16xf32>,
    %swap3A_1398 = arith.constant 14 : i32
    %swap3A_1399 = arith.index_cast %swap3A_1398 : i32 to index
    %swap3A_1400 = arith.constant 48 : index
    %swap3A_1401 = tpu.vector_load %arg9[%swap3A_1399, %swap3A_1400] {strides = array<i32>} : memref<64x64xf32, #tpu.memory_space<vmem>>, vector<1x16xf32>,
    %swap3A_1402 = vector.shape_cast %swap3A_1401 : vector<1x16xf32> to vector<16xf32>
    %swap3A_1403 = vector.shape_cast %broadcast_in_dim3A_1043 : vector<16xf32> to vector<1x16xf32>
    tpu.vector_store %arg9[%swap3A_1399, %swap3A_1400], %swap3A_1403 {strides = array<i32>} : memref<64x64xf32, #tpu.memory_space<vmem>>, vector<1x16xf32>,
    %swap3A_1404 = arith.constant 15 : i32
    %swap3A_1405 = arith.index_cast %swap3A_1404 : i32 to index
    %swap3A_1406 = arith.constant 0 : index
    %swap3A_1407 = tpu.vector_load %arg9[%swap3A_1405, %swap3A_1406] {strides = array<i32>} : memref<64x64xf32, #tpu.memory_space<vmem>>, vector<1x16xf32>,
    %swap3A_1408 = vector.shape_cast %swap3A_1407 : vector<1x16xf32> to vector<16xf32>
    %swap3A_1409 = vector.shape_cast %broadcast_in_dim3A_1043 : vector<16xf32> to vector<1x16xf32>
    tpu.vector_store %arg9[%swap3A_1405, %swap3A_1406], %swap3A_1409 {strides = array<i32>} : memref<64x64xf32, #tpu.memory_space<vmem>>, vector<1x16xf32>,
    %swap3A_1410 = arith.constant 15 : i32
    %swap3A_1411 = arith.index_cast %swap3A_1410 : i32 to index
    %swap3A_1412 = arith.constant 16 : index
    %swap3A_1413 = tpu.vector_load %arg9[%swap3A_1411, %swap3A_1412] {strides = array<i32>} : memref<64x64xf32, #tpu.memory_space<vmem>>, vector<1x16xf32>,
    %swap3A_1414 = vector.shape_cast %swap3A_1413 : vector<1x16xf32> to vector<16xf32>
    %swap3A_1415 = vector.shape_cast %broadcast_in_dim3A_1043 : vector<16xf32> to vector<1x16xf32>
    tpu.vector_store %arg9[%swap3A_1411, %swap3A_1412], %swap3A_1415 {strides = array<i32>} : memref<64x64xf32, #tpu.memory_space<vmem>>, vector<1x16xf32>,
    %swap3A_1416 = arith.constant 15 : i32
    %swap3A_1417 = arith.index_cast %swap3A_1416 : i32 to index
    %swap3A_1418 = arith.constant 32 : index
    %swap3A_1419 = tpu.vector_load %arg9[%swap3A_1417, %swap3A_1418] {strides = array<i32>} : memref<64x64xf32, #tpu.memory_space<vmem>>, vector<1x16xf32>,
    %swap3A_1420 = vector.shape_cast %swap3A_1419 : vector<1x16xf32> to vector<16xf32>
    %swap3A_1421 = vector.shape_cast %broadcast_in_dim3A_1043 : vector<16xf32> to vector<1x16xf32>
    tpu.vector_store %arg9[%swap3A_1417, %swap3A_1418], %swap3A_1421 {strides = array<i32>} : memref<64x64xf32, #tpu.memory_space<vmem>>, vector<1x16xf32>,
    %swap3A_1422 = arith.constant 15 : i32
    %swap3A_1423 = arith.index_cast %swap3A_1422 : i32 to index
    %swap3A_1424 = arith.constant 48 : index
    %swap3A_1425 = tpu.vector_load %arg9[%swap3A_1423, %swap3A_1424] {strides = array<i32>} : memref<64x64xf32, #tpu.memory_space<vmem>>, vector<1x16xf32>,
    %swap3A_1426 = vector.shape_cast %swap3A_1425 : vector<1x16xf32> to vector<16xf32>
    %swap3A_1427 = vector.shape_cast %broadcast_in_dim3A_1043 : vector<16xf32> to vector<1x16xf32>
    tpu.vector_store %arg9[%swap3A_1423, %swap3A_1424], %swap3A_1427 {strides = array<i32>} : memref<64x64xf32, #tpu.memory_space<vmem>>, vector<1x16xf32>,
    %swap3A_1428 = arith.constant 16 : i32
    %swap3A_1429 = arith.index_cast %swap3A_1428 : i32 to index
    %swap3A_1430 = arith.constant 0 : index
    %swap3A_1431 = tpu.vector_load %arg9[%swap3A_1429, %swap3A_1430] {strides = array<i32>} : memref<64x64xf32, #tpu.memory_space<vmem>>, vector<1x16xf32>,
    %swap3A_1432 = vector.shape_cast %swap3A_1431 : vector<1x16xf32> to vector<16xf32>
    %swap3A_1433 = vector.shape_cast %broadcast_in_dim3A_1043 : vector<16xf32> to vector<1x16xf32>
    tpu.vector_store %arg9[%swap3A_1429, %swap3A_1430], %swap3A_1433 {strides = array<i32>} : memref<64x64xf32, #tpu.memory_space<vmem>>, vector<1x16xf32>,
    %swap3A_1434 = arith.constant 16 : i32
    %swap3A_1435 = arith.index_cast %swap3A_1434 : i32 to index
    %swap3A_1436 = arith.constant 16 : index
    %swap3A_1437 = tpu.vector_load %arg9[%swap3A_1435, %swap3A_1436] {strides = array<i32>} : memref<64x64xf32, #tpu.memory_space<vmem>>, vector<1x16xf32>,
    %swap3A_1438 = vector.shape_cast %swap3A_1437 : vector<1x16xf32> to vector<16xf32>
    %swap3A_1439 = vector.shape_cast %broadcast_in_dim3A_1043 : vector<16xf32> to vector<1x16xf32>
    tpu.vector_store %arg9[%swap3A_1435, %swap3A_1436], %swap3A_1439 {strides = array<i32>} : memref<64x64xf32, #tpu.memory_space<vmem>>, vector<1x16xf32>,
    %swap3A_1440 = arith.constant 16 : i32
    %swap3A_1441 = arith.index_cast %swap3A_1440 : i32 to index
    %swap3A_1442 = arith.constant 32 : index
    %swap3A_1443 = tpu.vector_load %arg9[%swap3A_1441, %swap3A_1442] {strides = array<i32>} : memref<64x64xf32, #tpu.memory_space<vmem>>, vector<1x16xf32>,
    %swap3A_1444 = vector.shape_cast %swap3A_1443 : vector<1x16xf32> to vector<16xf32>
    %swap3A_1445 = vector.shape_cast %broadcast_in_dim3A_1043 : vector<16xf32> to vector<1x16xf32>
    tpu.vector_store %arg9[%swap3A_1441, %swap3A_1442], %swap3A_1445 {strides = array<i32>} : memref<64x64xf32, #tpu.memory_space<vmem>>, vector<1x16xf32>,
    %swap3A_1446 = arith.constant 16 : i32
    %swap3A_1447 = arith.index_cast %swap3A_1446 : i32 to index
    %swap3A_1448 = arith.constant 48 : index
    %swap3A_1449 = tpu.vector_load %arg9[%swap3A_1447, %swap3A_1448] {strides = array<i32>} : memref<64x64xf32, #tpu.memory_space<vmem>>, vector<1x16xf32>,
    %swap3A_1450 = vector.shape_cast %swap3A_1449 : vector<1x16xf32> to vector<16xf32>
    %swap3A_1451 = vector.shape_cast %broadcast_in_dim3A_1043 : vector<16xf32> to vector<1x16xf32>
    tpu.vector_store %arg9[%swap3A_1447, %swap3A_1448], %swap3A_1451 {strides = array<i32>} : memref<64x64xf32, #tpu.memory_space<vmem>>, vector<1x16xf32>,
    %swap3A_1452 = arith.constant 17 : i32
    %swap3A_1453 = arith.index_cast %swap3A_1452 : i32 to index
    %swap3A_1454 = arith.constant 0 : index
    %swap3A_1455 = tpu.vector_load %arg9[%swap3A_1453, %swap3A_1454] {strides = array<i32>} : memref<64x64xf32, #tpu.memory_space<vmem>>, vector<1x16xf32>,
    %swap3A_1456 = vector.shape_cast %swap3A_1455 : vector<1x16xf32> to vector<16xf32>
    %swap3A_1457 = vector.shape_cast %broadcast_in_dim3A_1043 : vector<16xf32> to vector<1x16xf32>
    tpu.vector_store %arg9[%swap3A_1453, %swap3A_1454], %swap3A_1457 {strides = array<i32>} : memref<64x64xf32, #tpu.memory_space<vmem>>, vector<1x16xf32>,
    %swap3A_1458 = arith.constant 17 : i32
    %swap3A_1459 = arith.index_cast %swap3A_1458 : i32 to index
    %swap3A_1460 = arith.constant 16 : index
    %swap3A_1461 = tpu.vector_load %arg9[%swap3A_1459, %swap3A_1460] {strides = array<i32>} : memref<64x64xf32, #tpu.memory_space<vmem>>, vector<1x16xf32>,
    %swap3A_1462 = vector.shape_cast %swap3A_1461 : vector<1x16xf32> to vector<16xf32>
    %swap3A_1463 = vector.shape_cast %broadcast_in_dim3A_1043 : vector<16xf32> to vector<1x16xf32>
    tpu.vector_store %arg9[%swap3A_1459, %swap3A_1460], %swap3A_1463 {strides = array<i32>} : memref<64x64xf32, #tpu.memory_space<vmem>>, vector<1x16xf32>,
    %swap3A_1464 = arith.constant 17 : i32
    %swap3A_1465 = arith.index_cast %swap3A_1464 : i32 to index
    %swap3A_1466 = arith.constant 32 : index
    %swap3A_1467 = tpu.vector_load %arg9[%swap3A_1465, %swap3A_1466] {strides = array<i32>} : memref<64x64xf32, #tpu.memory_space<vmem>>, vector<1x16xf32>,
    %swap3A_1468 = vector.shape_cast %swap3A_1467 : vector<1x16xf32> to vector<16xf32>
    %swap3A_1469 = vector.shape_cast %broadcast_in_dim3A_1043 : vector<16xf32> to vector<1x16xf32>
    tpu.vector_store %arg9[%swap3A_1465, %swap3A_1466], %swap3A_1469 {strides = array<i32>} : memref<64x64xf32, #tpu.memory_space<vmem>>, vector<1x16xf32>,
    %swap3A_1470 = arith.constant 17 : i32
    %swap3A_1471 = arith.index_cast %swap3A_1470 : i32 to index
    %swap3A_1472 = arith.constant 48 : index
    %swap3A_1473 = tpu.vector_load %arg9[%swap3A_1471, %swap3A_1472] {strides = array<i32>} : memref<64x64xf32, #tpu.memory_space<vmem>>, vector<1x16xf32>,
    %swap3A_1474 = vector.shape_cast %swap3A_1473 : vector<1x16xf32> to vector<16xf32>
    %swap3A_1475 = vector.shape_cast %broadcast_in_dim3A_1043 : vector<16xf32> to vector<1x16xf32>
    tpu.vector_store %arg9[%swap3A_1471, %swap3A_1472], %swap3A_1475 {strides = array<i32>} : memref<64x64xf32, #tpu.memory_space<vmem>>, vector<1x16xf32>,
    %swap3A_1476 = arith.constant 18 : i32
    %swap3A_1477 = arith.index_cast %swap3A_1476 : i32 to index
    %swap3A_1478 = arith.constant 0 : index
    %swap3A_1479 = tpu.vector_load %arg9[%swap3A_1477, %swap3A_1478] {strides = array<i32>} : memref<64x64xf32, #tpu.memory_space<vmem>>, vector<1x16xf32>,
    %swap3A_1480 = vector.shape_cast %swap3A_1479 : vector<1x16xf32> to vector<16xf32>
    %swap3A_1481 = vector.shape_cast %broadcast_in_dim3A_1043 : vector<16xf32> to vector<1x16xf32>
    tpu.vector_store %arg9[%swap3A_1477, %swap3A_1478], %swap3A_1481 {strides = array<i32>} : memref<64x64xf32, #tpu.memory_space<vmem>>, vector<1x16xf32>,
    %swap3A_1482 = arith.constant 18 : i32
    %swap3A_1483 = arith.index_cast %swap3A_1482 : i32 to index
    %swap3A_1484 = arith.constant 16 : index
    %swap3A_1485 = tpu.vector_load %arg9[%swap3A_1483, %swap3A_1484] {strides = array<i32>} : memref<64x64xf32, #tpu.memory_space<vmem>>, vector<1x16xf32>,
    %swap3A_1486 = vector.shape_cast %swap3A_1485 : vector<1x16xf32> to vector<16xf32>
    %swap3A_1487 = vector.shape_cast %broadcast_in_dim3A_1043 : vector<16xf32> to vector<1x16xf32>
    tpu.vector_store %arg9[%swap3A_1483, %swap3A_1484], %swap3A_1487 {strides = array<i32>} : memref<64x64xf32, #tpu.memory_space<vmem>>, vector<1x16xf32>,
    %swap3A_1488 = arith.constant 18 : i32
    %swap3A_1489 = arith.index_cast %swap3A_1488 : i32 to index
    %swap3A_1490 = arith.constant 32 : index
    %swap3A_1491 = tpu.vector_load %arg9[%swap3A_1489, %swap3A_1490] {strides = array<i32>} : memref<64x64xf32, #tpu.memory_space<vmem>>, vector<1x16xf32>,
    %swap3A_1492 = vector.shape_cast %swap3A_1491 : vector<1x16xf32> to vector<16xf32>
    %swap3A_1493 = vector.shape_cast %broadcast_in_dim3A_1043 : vector<16xf32> to vector<1x16xf32>
    tpu.vector_store %arg9[%swap3A_1489, %swap3A_1490], %swap3A_1493 {strides = array<i32>} : memref<64x64xf32, #tpu.memory_space<vmem>>, vector<1x16xf32>,
    %swap3A_1494 = arith.constant 18 : i32
    %swap3A_1495 = arith.index_cast %swap3A_1494 : i32 to index
    %swap3A_1496 = arith.constant 48 : index
    %swap3A_1497 = tpu.vector_load %arg9[%swap3A_1495, %swap3A_1496] {strides = array<i32>} : memref<64x64xf32, #tpu.memory_space<vmem>>, vector<1x16xf32>,
    %swap3A_1498 = vector.shape_cast %swap3A_1497 : vector<1x16xf32> to vector<16xf32>
    %swap3A_1499 = vector.shape_cast %broadcast_in_dim3A_1043 : vector<16xf32> to vector<1x16xf32>
    tpu.vector_store %arg9[%swap3A_1495, %swap3A_1496], %swap3A_1499 {strides = array<i32>} : memref<64x64xf32, #tpu.memory_space<vmem>>, vector<1x16xf32>,
    %swap3A_1500 = arith.constant 19 : i32
    %swap3A_1501 = arith.index_cast %swap3A_1500 : i32 to index
    %swap3A_1502 = arith.constant 0 : index
    %swap3A_1503 = tpu.vector_load %arg9[%swap3A_1501, %swap3A_1502] {strides = array<i32>} : memref<64x64xf32, #tpu.memory_space<vmem>>, vector<1x16xf32>,
    %swap3A_1504 = vector.shape_cast %swap3A_1503 : vector<1x16xf32> to vector<16xf32>
    %swap3A_1505 = vector.shape_cast %broadcast_in_dim3A_1043 : vector<16xf32> to vector<1x16xf32>
    tpu.vector_store %arg9[%swap3A_1501, %swap3A_1502], %swap3A_1505 {strides = array<i32>} : memref<64x64xf32, #tpu.memory_space<vmem>>, vector<1x16xf32>,
    %swap3A_1506 = arith.constant 19 : i32
    %swap3A_1507 = arith.index_cast %swap3A_1506 : i32 to index
    %swap3A_1508 = arith.constant 16 : index
    %swap3A_1509 = tpu.vector_load %arg9[%swap3A_1507, %swap3A_1508] {strides = array<i32>} : memref<64x64xf32, #tpu.memory_space<vmem>>, vector<1x16xf32>,
    %swap3A_1510 = vector.shape_cast %swap3A_1509 : vector<1x16xf32> to vector<16xf32>
    %swap3A_1511 = vector.shape_cast %broadcast_in_dim3A_1043 : vector<16xf32> to vector<1x16xf32>
    tpu.vector_store %arg9[%swap3A_1507, %swap3A_1508], %swap3A_1511 {strides = array<i32>} : memref<64x64xf32, #tpu.memory_space<vmem>>, vector<1x16xf32>,
    %swap3A_1512 = arith.constant 19 : i32
    %swap3A_1513 = arith.index_cast %swap3A_1512 : i32 to index
    %swap3A_1514 = arith.constant 32 : index
    %swap3A_1515 = tpu.vector_load %arg9[%swap3A_1513, %swap3A_1514] {strides = array<i32>} : memref<64x64xf32, #tpu.memory_space<vmem>>, vector<1x16xf32>,
    %swap3A_1516 = vector.shape_cast %swap3A_1515 : vector<1x16xf32> to vector<16xf32>
    %swap3A_1517 = vector.shape_cast %broadcast_in_dim3A_1043 : vector<16xf32> to vector<1x16xf32>
    tpu.vector_store %arg9[%swap3A_1513, %swap3A_1514], %swap3A_1517 {strides = array<i32>} : memref<64x64xf32, #tpu.memory_space<vmem>>, vector<1x16xf32>,
    %swap3A_1518 = arith.constant 19 : i32
    %swap3A_1519 = arith.index_cast %swap3A_1518 : i32 to index
    %swap3A_1520 = arith.constant 48 : index
    %swap3A_1521 = tpu.vector_load %arg9[%swap3A_1519, %swap3A_1520] {strides = array<i32>} : memref<64x64xf32, #tpu.memory_space<vmem>>, vector<1x16xf32>,
    %swap3A_1522 = vector.shape_cast %swap3A_1521 : vector<1x16xf32> to vector<16xf32>
    %swap3A_1523 = vector.shape_cast %broadcast_in_dim3A_1043 : vector<16xf32> to vector<1x16xf32>
    tpu.vector_store %arg9[%swap3A_1519, %swap3A_1520], %swap3A_1523 {strides = array<i32>} : memref<64x64xf32, #tpu.memory_space<vmem>>, vector<1x16xf32>,
    %swap3A_1524 = arith.constant 20 : i32
    %swap3A_1525 = arith.index_cast %swap3A_1524 : i32 to index
    %swap3A_1526 = arith.constant 0 : index
    %swap3A_1527 = tpu.vector_load %arg9[%swap3A_1525, %swap3A_1526] {strides = array<i32>} : memref<64x64xf32, #tpu.memory_space<vmem>>, vector<1x16xf32>,
    %swap3A_1528 = vector.shape_cast %swap3A_1527 : vector<1x16xf32> to vector<16xf32>
    %swap3A_1529 = vector.shape_cast %broadcast_in_dim3A_1043 : vector<16xf32> to vector<1x16xf32>
    tpu.vector_store %arg9[%swap3A_1525, %swap3A_1526], %swap3A_1529 {strides = array<i32>} : memref<64x64xf32, #tpu.memory_space<vmem>>, vector<1x16xf32>,
    %swap3A_1530 = arith.constant 20 : i32
    %swap3A_1531 = arith.index_cast %swap3A_1530 : i32 to index
    %swap3A_1532 = arith.constant 16 : index
    %swap3A_1533 = tpu.vector_load %arg9[%swap3A_1531, %swap3A_1532] {strides = array<i32>} : memref<64x64xf32, #tpu.memory_space<vmem>>, vector<1x16xf32>,
    %swap3A_1534 = vector.shape_cast %swap3A_1533 : vector<1x16xf32> to vector<16xf32>
    %swap3A_1535 = vector.shape_cast %broadcast_in_dim3A_1043 : vector<16xf32> to vector<1x16xf32>
    tpu.vector_store %arg9[%swap3A_1531, %swap3A_1532], %swap3A_1535 {strides = array<i32>} : memref<64x64xf32, #tpu.memory_space<vmem>>, vector<1x16xf32>,
    %swap3A_1536 = arith.constant 20 : i32
    %swap3A_1537 = arith.index_cast %swap3A_1536 : i32 to index
    %swap3A_1538 = arith.constant 32 : index
    %swap3A_1539 = tpu.vector_load %arg9[%swap3A_1537, %swap3A_1538] {strides = array<i32>} : memref<64x64xf32, #tpu.memory_space<vmem>>, vector<1x16xf32>,
    %swap3A_1540 = vector.shape_cast %swap3A_1539 : vector<1x16xf32> to vector<16xf32>
    %swap3A_1541 = vector.shape_cast %broadcast_in_dim3A_1043 : vector<16xf32> to vector<1x16xf32>
    tpu.vector_store %arg9[%swap3A_1537, %swap3A_1538], %swap3A_1541 {strides = array<i32>} : memref<64x64xf32, #tpu.memory_space<vmem>>, vector<1x16xf32>,
    %swap3A_1542 = arith.constant 20 : i32
    %swap3A_1543 = arith.index_cast %swap3A_1542 : i32 to index
    %swap3A_1544 = arith.constant 48 : index
    %swap3A_1545 = tpu.vector_load %arg9[%swap3A_1543, %swap3A_1544] {strides = array<i32>} : memref<64x64xf32, #tpu.memory_space<vmem>>, vector<1x16xf32>,
    %swap3A_1546 = vector.shape_cast %swap3A_1545 : vector<1x16xf32> to vector<16xf32>
    %swap3A_1547 = vector.shape_cast %broadcast_in_dim3A_1043 : vector<16xf32> to vector<1x16xf32>
    tpu.vector_store %arg9[%swap3A_1543, %swap3A_1544], %swap3A_1547 {strides = array<i32>} : memref<64x64xf32, #tpu.memory_space<vmem>>, vector<1x16xf32>,
    %swap3A_1548 = arith.constant 21 : i32
    %swap3A_1549 = arith.index_cast %swap3A_1548 : i32 to index
    %swap3A_1550 = arith.constant 0 : index
    %swap3A_1551 = tpu.vector_load %arg9[%swap3A_1549, %swap3A_1550] {strides = array<i32>} : memref<64x64xf32, #tpu.memory_space<vmem>>, vector<1x16xf32>,
    %swap3A_1552 = vector.shape_cast %swap3A_1551 : vector<1x16xf32> to vector<16xf32>
    %swap3A_1553 = vector.shape_cast %broadcast_in_dim3A_1043 : vector<16xf32> to vector<1x16xf32>
    tpu.vector_store %arg9[%swap3A_1549, %swap3A_1550], %swap3A_1553 {strides = array<i32>} : memref<64x64xf32, #tpu.memory_space<vmem>>, vector<1x16xf32>,
    %swap3A_1554 = arith.constant 21 : i32
    %swap3A_1555 = arith.index_cast %swap3A_1554 : i32 to index
    %swap3A_1556 = arith.constant 16 : index
    %swap3A_1557 = tpu.vector_load %arg9[%swap3A_1555, %swap3A_1556] {strides = array<i32>} : memref<64x64xf32, #tpu.memory_space<vmem>>, vector<1x16xf32>,
    %swap3A_1558 = vector.shape_cast %swap3A_1557 : vector<1x16xf32> to vector<16xf32>
    %swap3A_1559 = vector.shape_cast %broadcast_in_dim3A_1043 : vector<16xf32> to vector<1x16xf32>
    tpu.vector_store %arg9[%swap3A_1555, %swap3A_1556], %swap3A_1559 {strides = array<i32>} : memref<64x64xf32, #tpu.memory_space<vmem>>, vector<1x16xf32>,
    %swap3A_1560 = arith.constant 21 : i32
    %swap3A_1561 = arith.index_cast %swap3A_1560 : i32 to index
    %swap3A_1562 = arith.constant 32 : index
    %swap3A_1563 = tpu.vector_load %arg9[%swap3A_1561, %swap3A_1562] {strides = array<i32>} : memref<64x64xf32, #tpu.memory_space<vmem>>, vector<1x16xf32>,
    %swap3A_1564 = vector.shape_cast %swap3A_1563 : vector<1x16xf32> to vector<16xf32>
    %swap3A_1565 = vector.shape_cast %broadcast_in_dim3A_1043 : vector<16xf32> to vector<1x16xf32>
    tpu.vector_store %arg9[%swap3A_1561, %swap3A_1562], %swap3A_1565 {strides = array<i32>} : memref<64x64xf32, #tpu.memory_space<vmem>>, vector<1x16xf32>,
    %swap3A_1566 = arith.constant 21 : i32
    %swap3A_1567 = arith.index_cast %swap3A_1566 : i32 to index
    %swap3A_1568 = arith.constant 48 : index
    %swap3A_1569 = tpu.vector_load %arg9[%swap3A_1567, %swap3A_1568] {strides = array<i32>} : memref<64x64xf32, #tpu.memory_space<vmem>>, vector<1x16xf32>,
    %swap3A_1570 = vector.shape_cast %swap3A_1569 : vector<1x16xf32> to vector<16xf32>
    %swap3A_1571 = vector.shape_cast %broadcast_in_dim3A_1043 : vector<16xf32> to vector<1x16xf32>
    tpu.vector_store %arg9[%swap3A_1567, %swap3A_1568], %swap3A_1571 {strides = array<i32>} : memref<64x64xf32, #tpu.memory_space<vmem>>, vector<1x16xf32>,
    %swap3A_1572 = arith.constant 22 : i32
    %swap3A_1573 = arith.index_cast %swap3A_1572 : i32 to index
    %swap3A_1574 = arith.constant 0 : index
    %swap3A_1575 = tpu.vector_load %arg9[%swap3A_1573, %swap3A_1574] {strides = array<i32>} : memref<64x64xf32, #tpu.memory_space<vmem>>, vector<1x16xf32>,
    %swap3A_1576 = vector.shape_cast %swap3A_1575 : vector<1x16xf32> to vector<16xf32>
    %swap3A_1577 = vector.shape_cast %broadcast_in_dim3A_1043 : vector<16xf32> to vector<1x16xf32>
    tpu.vector_store %arg9[%swap3A_1573, %swap3A_1574], %swap3A_1577 {strides = array<i32>} : memref<64x64xf32, #tpu.memory_space<vmem>>, vector<1x16xf32>,
    %swap3A_1578 = arith.constant 22 : i32
    %swap3A_1579 = arith.index_cast %swap3A_1578 : i32 to index
    %swap3A_1580 = arith.constant 16 : index
    %swap3A_1581 = tpu.vector_load %arg9[%swap3A_1579, %swap3A_1580] {strides = array<i32>} : memref<64x64xf32, #tpu.memory_space<vmem>>, vector<1x16xf32>,
    %swap3A_1582 = vector.shape_cast %swap3A_1581 : vector<1x16xf32> to vector<16xf32>
    %swap3A_1583 = vector.shape_cast %broadcast_in_dim3A_1043 : vector<16xf32> to vector<1x16xf32>
    tpu.vector_store %arg9[%swap3A_1579, %swap3A_1580], %swap3A_1583 {strides = array<i32>} : memref<64x64xf32, #tpu.memory_space<vmem>>, vector<1x16xf32>,
    %swap3A_1584 = arith.constant 22 : i32
    %swap3A_1585 = arith.index_cast %swap3A_1584 : i32 to index
    %swap3A_1586 = arith.constant 32 : index
    %swap3A_1587 = tpu.vector_load %arg9[%swap3A_1585, %swap3A_1586] {strides = array<i32>} : memref<64x64xf32, #tpu.memory_space<vmem>>, vector<1x16xf32>,
    %swap3A_1588 = vector.shape_cast %swap3A_1587 : vector<1x16xf32> to vector<16xf32>
    %swap3A_1589 = vector.shape_cast %broadcast_in_dim3A_1043 : vector<16xf32> to vector<1x16xf32>
    tpu.vector_store %arg9[%swap3A_1585, %swap3A_1586], %swap3A_1589 {strides = array<i32>} : memref<64x64xf32, #tpu.memory_space<vmem>>, vector<1x16xf32>,
    %swap3A_1590 = arith.constant 22 : i32
    %swap3A_1591 = arith.index_cast %swap3A_1590 : i32 to index
    %swap3A_1592 = arith.constant 48 : index
    %swap3A_1593 = tpu.vector_load %arg9[%swap3A_1591, %swap3A_1592] {strides = array<i32>} : memref<64x64xf32, #tpu.memory_space<vmem>>, vector<1x16xf32>,
    %swap3A_1594 = vector.shape_cast %swap3A_1593 : vector<1x16xf32> to vector<16xf32>
    %swap3A_1595 = vector.shape_cast %broadcast_in_dim3A_1043 : vector<16xf32> to vector<1x16xf32>
    tpu.vector_store %arg9[%swap3A_1591, %swap3A_1592], %swap3A_1595 {strides = array<i32>} : memref<64x64xf32, #tpu.memory_space<vmem>>, vector<1x16xf32>,
    %swap3A_1596 = arith.constant 23 : i32
    %swap3A_1597 = arith.index_cast %swap3A_1596 : i32 to index
    %swap3A_1598 = arith.constant 0 : index
    %swap3A_1599 = tpu.vector_load %arg9[%swap3A_1597, %swap3A_1598] {strides = array<i32>} : memref<64x64xf32, #tpu.memory_space<vmem>>, vector<1x16xf32>,
    %swap3A_1600 = vector.shape_cast %swap3A_1599 : vector<1x16xf32> to vector<16xf32>
    %swap3A_1601 = vector.shape_cast %broadcast_in_dim3A_1043 : vector<16xf32> to vector<1x16xf32>
    tpu.vector_store %arg9[%swap3A_1597, %swap3A_1598], %swap3A_1601 {strides = array<i32>} : memref<64x64xf32, #tpu.memory_space<vmem>>, vector<1x16xf32>,
    %swap3A_1602 = arith.constant 23 : i32
    %swap3A_1603 = arith.index_cast %swap3A_1602 : i32 to index
    %swap3A_1604 = arith.constant 16 : index
    %swap3A_1605 = tpu.vector_load %arg9[%swap3A_1603, %swap3A_1604] {strides = array<i32>} : memref<64x64xf32, #tpu.memory_space<vmem>>, vector<1x16xf32>,
    %swap3A_1606 = vector.shape_cast %swap3A_1605 : vector<1x16xf32> to vector<16xf32>
    %swap3A_1607 = vector.shape_cast %broadcast_in_dim3A_1043 : vector<16xf32> to vector<1x16xf32>
    tpu.vector_store %arg9[%swap3A_1603, %swap3A_1604], %swap3A_1607 {strides = array<i32>} : memref<64x64xf32, #tpu.memory_space<vmem>>, vector<1x16xf32>,
    %swap3A_1608 = arith.constant 23 : i32
    %swap3A_1609 = arith.index_cast %swap3A_1608 : i32 to index
    %swap3A_1610 = arith.constant 32 : index
    %swap3A_1611 = tpu.vector_load %arg9[%swap3A_1609, %swap3A_1610] {strides = array<i32>} : memref<64x64xf32, #tpu.memory_space<vmem>>, vector<1x16xf32>,
    %swap3A_1612 = vector.shape_cast %swap3A_1611 : vector<1x16xf32> to vector<16xf32>
    %swap3A_1613 = vector.shape_cast %broadcast_in_dim3A_1043 : vector<16xf32> to vector<1x16xf32>
    tpu.vector_store %arg9[%swap3A_1609, %swap3A_1610], %swap3A_1613 {strides = array<i32>} : memref<64x64xf32, #tpu.memory_space<vmem>>, vector<1x16xf32>,
    %swap3A_1614 = arith.constant 23 : i32
    %swap3A_1615 = arith.index_cast %swap3A_1614 : i32 to index
    %swap3A_1616 = arith.constant 48 : index
    %swap3A_1617 = tpu.vector_load %arg9[%swap3A_1615, %swap3A_1616] {strides = array<i32>} : memref<64x64xf32, #tpu.memory_space<vmem>>, vector<1x16xf32>,
    %swap3A_1618 = vector.shape_cast %swap3A_1617 : vector<1x16xf32> to vector<16xf32>
    %swap3A_1619 = vector.shape_cast %broadcast_in_dim3A_1043 : vector<16xf32> to vector<1x16xf32>
    tpu.vector_store %arg9[%swap3A_1615, %swap3A_1616], %swap3A_1619 {strides = array<i32>} : memref<64x64xf32, #tpu.memory_space<vmem>>, vector<1x16xf32>,
    %swap3A_1620 = arith.constant 24 : i32
    %swap3A_1621 = arith.index_cast %swap3A_1620 : i32 to index
    %swap3A_1622 = arith.constant 0 : index
    %swap3A_1623 = tpu.vector_load %arg9[%swap3A_1621, %swap3A_1622] {strides = array<i32>} : memref<64x64xf32, #tpu.memory_space<vmem>>, vector<1x16xf32>,
    %swap3A_1624 = vector.shape_cast %swap3A_1623 : vector<1x16xf32> to vector<16xf32>
    %swap3A_1625 = vector.shape_cast %broadcast_in_dim3A_1043 : vector<16xf32> to vector<1x16xf32>
    tpu.vector_store %arg9[%swap3A_1621, %swap3A_1622], %swap3A_1625 {strides = array<i32>} : memref<64x64xf32, #tpu.memory_space<vmem>>, vector<1x16xf32>,
    %swap3A_1626 = arith.constant 24 : i32
    %swap3A_1627 = arith.index_cast %swap3A_1626 : i32 to index
    %swap3A_1628 = arith.constant 16 : index
    %swap3A_1629 = tpu.vector_load %arg9[%swap3A_1627, %swap3A_1628] {strides = array<i32>} : memref<64x64xf32, #tpu.memory_space<vmem>>, vector<1x16xf32>,
    %swap3A_1630 = vector.shape_cast %swap3A_1629 : vector<1x16xf32> to vector<16xf32>
    %swap3A_1631 = vector.shape_cast %broadcast_in_dim3A_1043 : vector<16xf32> to vector<1x16xf32>
    tpu.vector_store %arg9[%swap3A_1627, %swap3A_1628], %swap3A_1631 {strides = array<i32>} : memref<64x64xf32, #tpu.memory_space<vmem>>, vector<1x16xf32>,
    %swap3A_1632 = arith.constant 24 : i32
    %swap3A_1633 = arith.index_cast %swap3A_1632 : i32 to index
    %swap3A_1634 = arith.constant 32 : index
    %swap3A_1635 = tpu.vector_load %arg9[%swap3A_1633, %swap3A_1634] {strides = array<i32>} : memref<64x64xf32, #tpu.memory_space<vmem>>, vector<1x16xf32>,
    %swap3A_1636 = vector.shape_cast %swap3A_1635 : vector<1x16xf32> to vector<16xf32>
    %swap3A_1637 = vector.shape_cast %broadcast_in_dim3A_1043 : vector<16xf32> to vector<1x16xf32>
    tpu.vector_store %arg9[%swap3A_1633, %swap3A_1634], %swap3A_1637 {strides = array<i32>} : memref<64x64xf32, #tpu.memory_space<vmem>>, vector<1x16xf32>,
    %swap3A_1638 = arith.constant 24 : i32
    %swap3A_1639 = arith.index_cast %swap3A_1638 : i32 to index
    %swap3A_1640 = arith.constant 48 : index
    %swap3A_1641 = tpu.vector_load %arg9[%swap3A_1639, %swap3A_1640] {strides = array<i32>} : memref<64x64xf32, #tpu.memory_space<vmem>>, vector<1x16xf32>,
    %swap3A_1642 = vector.shape_cast %swap3A_1641 : vector<1x16xf32> to vector<16xf32>
    %swap3A_1643 = vector.shape_cast %broadcast_in_dim3A_1043 : vector<16xf32> to vector<1x16xf32>
    tpu.vector_store %arg9[%swap3A_1639, %swap3A_1640], %swap3A_1643 {strides = array<i32>} : memref<64x64xf32, #tpu.memory_space<vmem>>, vector<1x16xf32>,
    %swap3A_1644 = arith.constant 25 : i32
    %swap3A_1645 = arith.index_cast %swap3A_1644 : i32 to index
    %swap3A_1646 = arith.constant 0 : index
    %swap3A_1647 = tpu.vector_load %arg9[%swap3A_1645, %swap3A_1646] {strides = array<i32>} : memref<64x64xf32, #tpu.memory_space<vmem>>, vector<1x16xf32>,
    %swap3A_1648 = vector.shape_cast %swap3A_1647 : vector<1x16xf32> to vector<16xf32>
    %swap3A_1649 = vector.shape_cast %broadcast_in_dim3A_1043 : vector<16xf32> to vector<1x16xf32>
    tpu.vector_store %arg9[%swap3A_1645, %swap3A_1646], %swap3A_1649 {strides = array<i32>} : memref<64x64xf32, #tpu.memory_space<vmem>>, vector<1x16xf32>,
    %swap3A_1650 = arith.constant 25 : i32
    %swap3A_1651 = arith.index_cast %swap3A_1650 : i32 to index
    %swap3A_1652 = arith.constant 16 : index
    %swap3A_1653 = tpu.vector_load %arg9[%swap3A_1651, %swap3A_1652] {strides = array<i32>} : memref<64x64xf32, #tpu.memory_space<vmem>>, vector<1x16xf32>,
    %swap3A_1654 = vector.shape_cast %swap3A_1653 : vector<1x16xf32> to vector<16xf32>
    %swap3A_1655 = vector.shape_cast %broadcast_in_dim3A_1043 : vector<16xf32> to vector<1x16xf32>
    tpu.vector_store %arg9[%swap3A_1651, %swap3A_1652], %swap3A_1655 {strides = array<i32>} : memref<64x64xf32, #tpu.memory_space<vmem>>, vector<1x16xf32>,
    %swap3A_1656 = arith.constant 25 : i32
    %swap3A_1657 = arith.index_cast %swap3A_1656 : i32 to index
    %swap3A_1658 = arith.constant 32 : index
    %swap3A_1659 = tpu.vector_load %arg9[%swap3A_1657, %swap3A_1658] {strides = array<i32>} : memref<64x64xf32, #tpu.memory_space<vmem>>, vector<1x16xf32>,
    %swap3A_1660 = vector.shape_cast %swap3A_1659 : vector<1x16xf32> to vector<16xf32>
    %swap3A_1661 = vector.shape_cast %broadcast_in_dim3A_1043 : vector<16xf32> to vector<1x16xf32>
    tpu.vector_store %arg9[%swap3A_1657, %swap3A_1658], %swap3A_1661 {strides = array<i32>} : memref<64x64xf32, #tpu.memory_space<vmem>>, vector<1x16xf32>,
    %swap3A_1662 = arith.constant 25 : i32
    %swap3A_1663 = arith.index_cast %swap3A_1662 : i32 to index
    %swap3A_1664 = arith.constant 48 : index
    %swap3A_1665 = tpu.vector_load %arg9[%swap3A_1663, %swap3A_1664] {strides = array<i32>} : memref<64x64xf32, #tpu.memory_space<vmem>>, vector<1x16xf32>,
    %swap3A_1666 = vector.shape_cast %swap3A_1665 : vector<1x16xf32> to vector<16xf32>
    %swap3A_1667 = vector.shape_cast %broadcast_in_dim3A_1043 : vector<16xf32> to vector<1x16xf32>
    tpu.vector_store %arg9[%swap3A_1663, %swap3A_1664], %swap3A_1667 {strides = array<i32>} : memref<64x64xf32, #tpu.memory_space<vmem>>, vector<1x16xf32>,
    %swap3A_1668 = arith.constant 26 : i32
    %swap3A_1669 = arith.index_cast %swap3A_1668 : i32 to index
    %swap3A_1670 = arith.constant 0 : index
    %swap3A_1671 = tpu.vector_load %arg9[%swap3A_1669, %swap3A_1670] {strides = array<i32>} : memref<64x64xf32, #tpu.memory_space<vmem>>, vector<1x16xf32>,
    %swap3A_1672 = vector.shape_cast %swap3A_1671 : vector<1x16xf32> to vector<16xf32>
    %swap3A_1673 = vector.shape_cast %broadcast_in_dim3A_1043 : vector<16xf32> to vector<1x16xf32>
    tpu.vector_store %arg9[%swap3A_1669, %swap3A_1670], %swap3A_1673 {strides = array<i32>} : memref<64x64xf32, #tpu.memory_space<vmem>>, vector<1x16xf32>,
    %swap3A_1674 = arith.constant 26 : i32
    %swap3A_1675 = arith.index_cast %swap3A_1674 : i32 to index
    %swap3A_1676 = arith.constant 16 : index
    %swap3A_1677 = tpu.vector_load %arg9[%swap3A_1675, %swap3A_1676] {strides = array<i32>} : memref<64x64xf32, #tpu.memory_space<vmem>>, vector<1x16xf32>,
    %swap3A_1678 = vector.shape_cast %swap3A_1677 : vector<1x16xf32> to vector<16xf32>
    %swap3A_1679 = vector.shape_cast %broadcast_in_dim3A_1043 : vector<16xf32> to vector<1x16xf32>
    tpu.vector_store %arg9[%swap3A_1675, %swap3A_1676], %swap3A_1679 {strides = array<i32>} : memref<64x64xf32, #tpu.memory_space<vmem>>, vector<1x16xf32>,
    %swap3A_1680 = arith.constant 26 : i32
    %swap3A_1681 = arith.index_cast %swap3A_1680 : i32 to index
    %swap3A_1682 = arith.constant 32 : index
    %swap3A_1683 = tpu.vector_load %arg9[%swap3A_1681, %swap3A_1682] {strides = array<i32>} : memref<64x64xf32, #tpu.memory_space<vmem>>, vector<1x16xf32>,
    %swap3A_1684 = vector.shape_cast %swap3A_1683 : vector<1x16xf32> to vector<16xf32>
    %swap3A_1685 = vector.shape_cast %broadcast_in_dim3A_1043 : vector<16xf32> to vector<1x16xf32>
    tpu.vector_store %arg9[%swap3A_1681, %swap3A_1682], %swap3A_1685 {strides = array<i32>} : memref<64x64xf32, #tpu.memory_space<vmem>>, vector<1x16xf32>,
    %swap3A_1686 = arith.constant 26 : i32
    %swap3A_1687 = arith.index_cast %swap3A_1686 : i32 to index
    %swap3A_1688 = arith.constant 48 : index
    %swap3A_1689 = tpu.vector_load %arg9[%swap3A_1687, %swap3A_1688] {strides = array<i32>} : memref<64x64xf32, #tpu.memory_space<vmem>>, vector<1x16xf32>,
    %swap3A_1690 = vector.shape_cast %swap3A_1689 : vector<1x16xf32> to vector<16xf32>
    %swap3A_1691 = vector.shape_cast %broadcast_in_dim3A_1043 : vector<16xf32> to vector<1x16xf32>
    tpu.vector_store %arg9[%swap3A_1687, %swap3A_1688], %swap3A_1691 {strides = array<i32>} : memref<64x64xf32, #tpu.memory_space<vmem>>, vector<1x16xf32>,
    %swap3A_1692 = arith.constant 27 : i32
    %swap3A_1693 = arith.index_cast %swap3A_1692 : i32 to index
    %swap3A_1694 = arith.constant 0 : index
    %swap3A_1695 = tpu.vector_load %arg9[%swap3A_1693, %swap3A_1694] {strides = array<i32>} : memref<64x64xf32, #tpu.memory_space<vmem>>, vector<1x16xf32>,
    %swap3A_1696 = vector.shape_cast %swap3A_1695 : vector<1x16xf32> to vector<16xf32>
    %swap3A_1697 = vector.shape_cast %broadcast_in_dim3A_1043 : vector<16xf32> to vector<1x16xf32>
    tpu.vector_store %arg9[%swap3A_1693, %swap3A_1694], %swap3A_1697 {strides = array<i32>} : memref<64x64xf32, #tpu.memory_space<vmem>>, vector<1x16xf32>,
    %swap3A_1698 = arith.constant 27 : i32
    %swap3A_1699 = arith.index_cast %swap3A_1698 : i32 to index
    %swap3A_1700 = arith.constant 16 : index
    %swap3A_1701 = tpu.vector_load %arg9[%swap3A_1699, %swap3A_1700] {strides = array<i32>} : memref<64x64xf32, #tpu.memory_space<vmem>>, vector<1x16xf32>,
    %swap3A_1702 = vector.shape_cast %swap3A_1701 : vector<1x16xf32> to vector<16xf32>
    %swap3A_1703 = vector.shape_cast %broadcast_in_dim3A_1043 : vector<16xf32> to vector<1x16xf32>
    tpu.vector_store %arg9[%swap3A_1699, %swap3A_1700], %swap3A_1703 {strides = array<i32>} : memref<64x64xf32, #tpu.memory_space<vmem>>, vector<1x16xf32>,
    %swap3A_1704 = arith.constant 27 : i32
    %swap3A_1705 = arith.index_cast %swap3A_1704 : i32 to index
    %swap3A_1706 = arith.constant 32 : index
    %swap3A_1707 = tpu.vector_load %arg9[%swap3A_1705, %swap3A_1706] {strides = array<i32>} : memref<64x64xf32, #tpu.memory_space<vmem>>, vector<1x16xf32>,
    %swap3A_1708 = vector.shape_cast %swap3A_1707 : vector<1x16xf32> to vector<16xf32>
    %swap3A_1709 = vector.shape_cast %broadcast_in_dim3A_1043 : vector<16xf32> to vector<1x16xf32>
    tpu.vector_store %arg9[%swap3A_1705, %swap3A_1706], %swap3A_1709 {strides = array<i32>} : memref<64x64xf32, #tpu.memory_space<vmem>>, vector<1x16xf32>,
    %swap3A_1710 = arith.constant 27 : i32
    %swap3A_1711 = arith.index_cast %swap3A_1710 : i32 to index
    %swap3A_1712 = arith.constant 48 : index
    %swap3A_1713 = tpu.vector_load %arg9[%swap3A_1711, %swap3A_1712] {strides = array<i32>} : memref<64x64xf32, #tpu.memory_space<vmem>>, vector<1x16xf32>,
    %swap3A_1714 = vector.shape_cast %swap3A_1713 : vector<1x16xf32> to vector<16xf32>
    %swap3A_1715 = vector.shape_cast %broadcast_in_dim3A_1043 : vector<16xf32> to vector<1x16xf32>
    tpu.vector_store %arg9[%swap3A_1711, %swap3A_1712], %swap3A_1715 {strides = array<i32>} : memref<64x64xf32, #tpu.memory_space<vmem>>, vector<1x16xf32>,
    %swap3A_1716 = arith.constant 28 : i32
    %swap3A_1717 = arith.index_cast %swap3A_1716 : i32 to index
    %swap3A_1718 = arith.constant 0 : index
    %swap3A_1719 = tpu.vector_load %arg9[%swap3A_1717, %swap3A_1718] {strides = array<i32>} : memref<64x64xf32, #tpu.memory_space<vmem>>, vector<1x16xf32>,
    %swap3A_1720 = vector.shape_cast %swap3A_1719 : vector<1x16xf32> to vector<16xf32>
    %swap3A_1721 = vector.shape_cast %broadcast_in_dim3A_1043 : vector<16xf32> to vector<1x16xf32>
    tpu.vector_store %arg9[%swap3A_1717, %swap3A_1718], %swap3A_1721 {strides = array<i32>} : memref<64x64xf32, #tpu.memory_space<vmem>>, vector<1x16xf32>,
    %swap3A_1722 = arith.constant 28 : i32
    %swap3A_1723 = arith.index_cast %swap3A_1722 : i32 to index
    %swap3A_1724 = arith.constant 16 : index
    %swap3A_1725 = tpu.vector_load %arg9[%swap3A_1723, %swap3A_1724] {strides = array<i32>} : memref<64x64xf32, #tpu.memory_space<vmem>>, vector<1x16xf32>,
    %swap3A_1726 = vector.shape_cast %swap3A_1725 : vector<1x16xf32> to vector<16xf32>
    %swap3A_1727 = vector.shape_cast %broadcast_in_dim3A_1043 : vector<16xf32> to vector<1x16xf32>
    tpu.vector_store %arg9[%swap3A_1723, %swap3A_1724], %swap3A_1727 {strides = array<i32>} : memref<64x64xf32, #tpu.memory_space<vmem>>, vector<1x16xf32>,
    %swap3A_1728 = arith.constant 28 : i32
    %swap3A_1729 = arith.index_cast %swap3A_1728 : i32 to index
    %swap3A_1730 = arith.constant 32 : index
    %swap3A_1731 = tpu.vector_load %arg9[%swap3A_1729, %swap3A_1730] {strides = array<i32>} : memref<64x64xf32, #tpu.memory_space<vmem>>, vector<1x16xf32>,
    %swap3A_1732 = vector.shape_cast %swap3A_1731 : vector<1x16xf32> to vector<16xf32>
    %swap3A_1733 = vector.shape_cast %broadcast_in_dim3A_1043 : vector<16xf32> to vector<1x16xf32>
    tpu.vector_store %arg9[%swap3A_1729, %swap3A_1730], %swap3A_1733 {strides = array<i32>} : memref<64x64xf32, #tpu.memory_space<vmem>>, vector<1x16xf32>,
    %swap3A_1734 = arith.constant 28 : i32
    %swap3A_1735 = arith.index_cast %swap3A_1734 : i32 to index
    %swap3A_1736 = arith.constant 48 : index
    %swap3A_1737 = tpu.vector_load %arg9[%swap3A_1735, %swap3A_1736] {strides = array<i32>} : memref<64x64xf32, #tpu.memory_space<vmem>>, vector<1x16xf32>,
    %swap3A_1738 = vector.shape_cast %swap3A_1737 : vector<1x16xf32> to vector<16xf32>
    %swap3A_1739 = vector.shape_cast %broadcast_in_dim3A_1043 : vector<16xf32> to vector<1x16xf32>
    tpu.vector_store %arg9[%swap3A_1735, %swap3A_1736], %swap3A_1739 {strides = array<i32>} : memref<64x64xf32, #tpu.memory_space<vmem>>, vector<1x16xf32>,
    %swap3A_1740 = arith.constant 29 : i32
    %swap3A_1741 = arith.index_cast %swap3A_1740 : i32 to index
    %swap3A_1742 = arith.constant 0 : index
    %swap3A_1743 = tpu.vector_load %arg9[%swap3A_1741, %swap3A_1742] {strides = array<i32>} : memref<64x64xf32, #tpu.memory_space<vmem>>, vector<1x16xf32>,
    %swap3A_1744 = vector.shape_cast %swap3A_1743 : vector<1x16xf32> to vector<16xf32>
    %swap3A_1745 = vector.shape_cast %broadcast_in_dim3A_1043 : vector<16xf32> to vector<1x16xf32>
    tpu.vector_store %arg9[%swap3A_1741, %swap3A_1742], %swap3A_1745 {strides = array<i32>} : memref<64x64xf32, #tpu.memory_space<vmem>>, vector<1x16xf32>,
    %swap3A_1746 = arith.constant 29 : i32
    %swap3A_1747 = arith.index_cast %swap3A_1746 : i32 to index
    %swap3A_1748 = arith.constant 16 : index
    %swap3A_1749 = tpu.vector_load %arg9[%swap3A_1747, %swap3A_1748] {strides = array<i32>} : memref<64x64xf32, #tpu.memory_space<vmem>>, vector<1x16xf32>,
    %swap3A_1750 = vector.shape_cast %swap3A_1749 : vector<1x16xf32> to vector<16xf32>
    %swap3A_1751 = vector.shape_cast %broadcast_in_dim3A_1043 : vector<16xf32> to vector<1x16xf32>
    tpu.vector_store %arg9[%swap3A_1747, %swap3A_1748], %swap3A_1751 {strides = array<i32>} : memref<64x64xf32, #tpu.memory_space<vmem>>, vector<1x16xf32>,
    %swap3A_1752 = arith.constant 29 : i32
    %swap3A_1753 = arith.index_cast %swap3A_1752 : i32 to index
    %swap3A_1754 = arith.constant 32 : index
    %swap3A_1755 = tpu.vector_load %arg9[%swap3A_1753, %swap3A_1754] {strides = array<i32>} : memref<64x64xf32, #tpu.memory_space<vmem>>, vector<1x16xf32>,
    %swap3A_1756 = vector.shape_cast %swap3A_1755 : vector<1x16xf32> to vector<16xf32>
    %swap3A_1757 = vector.shape_cast %broadcast_in_dim3A_1043 : vector<16xf32> to vector<1x16xf32>
    tpu.vector_store %arg9[%swap3A_1753, %swap3A_1754], %swap3A_1757 {strides = array<i32>} : memref<64x64xf32, #tpu.memory_space<vmem>>, vector<1x16xf32>,
    %swap3A_1758 = arith.constant 29 : i32
    %swap3A_1759 = arith.index_cast %swap3A_1758 : i32 to index
    %swap3A_1760 = arith.constant 48 : index
    %swap3A_1761 = tpu.vector_load %arg9[%swap3A_1759, %swap3A_1760] {strides = array<i32>} : memref<64x64xf32, #tpu.memory_space<vmem>>, vector<1x16xf32>,
    %swap3A_1762 = vector.shape_cast %swap3A_1761 : vector<1x16xf32> to vector<16xf32>
    %swap3A_1763 = vector.shape_cast %broadcast_in_dim3A_1043 : vector<16xf32> to vector<1x16xf32>
    tpu.vector_store %arg9[%swap3A_1759, %swap3A_1760], %swap3A_1763 {strides = array<i32>} : memref<64x64xf32, #tpu.memory_space<vmem>>, vector<1x16xf32>,
    %swap3A_1764 = arith.constant 30 : i32
    %swap3A_1765 = arith.index_cast %swap3A_1764 : i32 to index
    %swap3A_1766 = arith.constant 0 : index
    %swap3A_1767 = tpu.vector_load %arg9[%swap3A_1765, %swap3A_1766] {strides = array<i32>} : memref<64x64xf32, #tpu.memory_space<vmem>>, vector<1x16xf32>,
    %swap3A_1768 = vector.shape_cast %swap3A_1767 : vector<1x16xf32> to vector<16xf32>
    %swap3A_1769 = vector.shape_cast %broadcast_in_dim3A_1043 : vector<16xf32> to vector<1x16xf32>
    tpu.vector_store %arg9[%swap3A_1765, %swap3A_1766], %swap3A_1769 {strides = array<i32>} : memref<64x64xf32, #tpu.memory_space<vmem>>, vector<1x16xf32>,
    %swap3A_1770 = arith.constant 30 : i32
    %swap3A_1771 = arith.index_cast %swap3A_1770 : i32 to index
    %swap3A_1772 = arith.constant 16 : index
    %swap3A_1773 = tpu.vector_load %arg9[%swap3A_1771, %swap3A_1772] {strides = array<i32>} : memref<64x64xf32, #tpu.memory_space<vmem>>, vector<1x16xf32>,
    %swap3A_1774 = vector.shape_cast %swap3A_1773 : vector<1x16xf32> to vector<16xf32>
    %swap3A_1775 = vector.shape_cast %broadcast_in_dim3A_1043 : vector<16xf32> to vector<1x16xf32>
    tpu.vector_store %arg9[%swap3A_1771, %swap3A_1772], %swap3A_1775 {strides = array<i32>} : memref<64x64xf32, #tpu.memory_space<vmem>>, vector<1x16xf32>,
    %swap3A_1776 = arith.constant 30 : i32
    %swap3A_1777 = arith.index_cast %swap3A_1776 : i32 to index
    %swap3A_1778 = arith.constant 32 : index
    %swap3A_1779 = tpu.vector_load %arg9[%swap3A_1777, %swap3A_1778] {strides = array<i32>} : memref<64x64xf32, #tpu.memory_space<vmem>>, vector<1x16xf32>,
    %swap3A_1780 = vector.shape_cast %swap3A_1779 : vector<1x16xf32> to vector<16xf32>
    %swap3A_1781 = vector.shape_cast %broadcast_in_dim3A_1043 : vector<16xf32> to vector<1x16xf32>
    tpu.vector_store %arg9[%swap3A_1777, %swap3A_1778], %swap3A_1781 {strides = array<i32>} : memref<64x64xf32, #tpu.memory_space<vmem>>, vector<1x16xf32>,
    %swap3A_1782 = arith.constant 30 : i32
    %swap3A_1783 = arith.index_cast %swap3A_1782 : i32 to index
    %swap3A_1784 = arith.constant 48 : index
    %swap3A_1785 = tpu.vector_load %arg9[%swap3A_1783, %swap3A_1784] {strides = array<i32>} : memref<64x64xf32, #tpu.memory_space<vmem>>, vector<1x16xf32>,
    %swap3A_1786 = vector.shape_cast %swap3A_1785 : vector<1x16xf32> to vector<16xf32>
    %swap3A_1787 = vector.shape_cast %broadcast_in_dim3A_1043 : vector<16xf32> to vector<1x16xf32>
    tpu.vector_store %arg9[%swap3A_1783, %swap3A_1784], %swap3A_1787 {strides = array<i32>} : memref<64x64xf32, #tpu.memory_space<vmem>>, vector<1x16xf32>,
    %swap3A_1788 = arith.constant 31 : i32
    %swap3A_1789 = arith.index_cast %swap3A_1788 : i32 to index
    %swap3A_1790 = arith.constant 0 : index
    %swap3A_1791 = tpu.vector_load %arg9[%swap3A_1789, %swap3A_1790] {strides = array<i32>} : memref<64x64xf32, #tpu.memory_space<vmem>>, vector<1x16xf32>,
    %swap3A_1792 = vector.shape_cast %swap3A_1791 : vector<1x16xf32> to vector<16xf32>
    %swap3A_1793 = vector.shape_cast %broadcast_in_dim3A_1043 : vector<16xf32> to vector<1x16xf32>
    tpu.vector_store %arg9[%swap3A_1789, %swap3A_1790], %swap3A_1793 {strides = array<i32>} : memref<64x64xf32, #tpu.memory_space<vmem>>, vector<1x16xf32>,
    %swap3A_1794 = arith.constant 31 : i32
    %swap3A_1795 = arith.index_cast %swap3A_1794 : i32 to index
    %swap3A_1796 = arith.constant 16 : index
    %swap3A_1797 = tpu.vector_load %arg9[%swap3A_1795, %swap3A_1796] {strides = array<i32>} : memref<64x64xf32, #tpu.memory_space<vmem>>, vector<1x16xf32>,
    %swap3A_1798 = vector.shape_cast %swap3A_1797 : vector<1x16xf32> to vector<16xf32>
    %swap3A_1799 = vector.shape_cast %broadcast_in_dim3A_1043 : vector<16xf32> to vector<1x16xf32>
    tpu.vector_store %arg9[%swap3A_1795, %swap3A_1796], %swap3A_1799 {strides = array<i32>} : memref<64x64xf32, #tpu.memory_space<vmem>>, vector<1x16xf32>,
    %swap3A_1800 = arith.constant 31 : i32
    %swap3A_1801 = arith.index_cast %swap3A_1800 : i32 to index
    %swap3A_1802 = arith.constant 32 : index
    %swap3A_1803 = tpu.vector_load %arg9[%swap3A_1801, %swap3A_1802] {strides = array<i32>} : memref<64x64xf32, #tpu.memory_space<vmem>>, vector<1x16xf32>,
    %swap3A_1804 = vector.shape_cast %swap3A_1803 : vector<1x16xf32> to vector<16xf32>
    %swap3A_1805 = vector.shape_cast %broadcast_in_dim3A_1043 : vector<16xf32> to vector<1x16xf32>
    tpu.vector_store %arg9[%swap3A_1801, %swap3A_1802], %swap3A_1805 {strides = array<i32>} : memref<64x64xf32, #tpu.memory_space<vmem>>, vector<1x16xf32>,
    %swap3A_1806 = arith.constant 31 : i32
    %swap3A_1807 = arith.index_cast %swap3A_1806 : i32 to index
    %swap3A_1808 = arith.constant 48 : index
    %swap3A_1809 = tpu.vector_load %arg9[%swap3A_1807, %swap3A_1808] {strides = array<i32>} : memref<64x64xf32, #tpu.memory_space<vmem>>, vector<1x16xf32>,
    %swap3A_1810 = vector.shape_cast %swap3A_1809 : vector<1x16xf32> to vector<16xf32>
    %swap3A_1811 = vector.shape_cast %broadcast_in_dim3A_1043 : vector<16xf32> to vector<1x16xf32>
    tpu.vector_store %arg9[%swap3A_1807, %swap3A_1808], %swap3A_1811 {strides = array<i32>} : memref<64x64xf32, #tpu.memory_space<vmem>>, vector<1x16xf32>,
    %swap3A_1812 = arith.constant 32 : i32
    %swap3A_1813 = arith.index_cast %swap3A_1812 : i32 to index
    %swap3A_1814 = arith.constant 0 : index
    %swap3A_1815 = tpu.vector_load %arg9[%swap3A_1813, %swap3A_1814] {strides = array<i32>} : memref<64x64xf32, #tpu.memory_space<vmem>>, vector<1x16xf32>,
    %swap3A_1816 = vector.shape_cast %swap3A_1815 : vector<1x16xf32> to vector<16xf32>
    %swap3A_1817 = vector.shape_cast %broadcast_in_dim3A_1043 : vector<16xf32> to vector<1x16xf32>
    tpu.vector_store %arg9[%swap3A_1813, %swap3A_1814], %swap3A_1817 {strides = array<i32>} : memref<64x64xf32, #tpu.memory_space<vmem>>, vector<1x16xf32>,
    %swap3A_1818 = arith.constant 32 : i32
    %swap3A_1819 = arith.index_cast %swap3A_1818 : i32 to index
    %swap3A_1820 = arith.constant 16 : index
    %swap3A_1821 = tpu.vector_load %arg9[%swap3A_1819, %swap3A_1820] {strides = array<i32>} : memref<64x64xf32, #tpu.memory_space<vmem>>, vector<1x16xf32>,
    %swap3A_1822 = vector.shape_cast %swap3A_1821 : vector<1x16xf32> to vector<16xf32>
    %swap3A_1823 = vector.shape_cast %broadcast_in_dim3A_1043 : vector<16xf32> to vector<1x16xf32>
    tpu.vector_store %arg9[%swap3A_1819, %swap3A_1820], %swap3A_1823 {strides = array<i32>} : memref<64x64xf32, #tpu.memory_space<vmem>>, vector<1x16xf32>,
    %swap3A_1824 = arith.constant 32 : i32
    %swap3A_1825 = arith.index_cast %swap3A_1824 : i32 to index
    %swap3A_1826 = arith.constant 32 : index
    %swap3A_1827 = tpu.vector_load %arg9[%swap3A_1825, %swap3A_1826] {strides = array<i32>} : memref<64x64xf32, #tpu.memory_space<vmem>>, vector<1x16xf32>,
    %swap3A_1828 = vector.shape_cast %swap3A_1827 : vector<1x16xf32> to vector<16xf32>
    %swap3A_1829 = vector.shape_cast %broadcast_in_dim3A_1043 : vector<16xf32> to vector<1x16xf32>
    tpu.vector_store %arg9[%swap3A_1825, %swap3A_1826], %swap3A_1829 {strides = array<i32>} : memref<64x64xf32, #tpu.memory_space<vmem>>, vector<1x16xf32>,
    %swap3A_1830 = arith.constant 32 : i32
    %swap3A_1831 = arith.index_cast %swap3A_1830 : i32 to index
    %swap3A_1832 = arith.constant 48 : index
    %swap3A_1833 = tpu.vector_load %arg9[%swap3A_1831, %swap3A_1832] {strides = array<i32>} : memref<64x64xf32, #tpu.memory_space<vmem>>, vector<1x16xf32>,
    %swap3A_1834 = vector.shape_cast %swap3A_1833 : vector<1x16xf32> to vector<16xf32>
    %swap3A_1835 = vector.shape_cast %broadcast_in_dim3A_1043 : vector<16xf32> to vector<1x16xf32>
    tpu.vector_store %arg9[%swap3A_1831, %swap3A_1832], %swap3A_1835 {strides = array<i32>} : memref<64x64xf32, #tpu.memory_space<vmem>>, vector<1x16xf32>,
    %swap3A_1836 = arith.constant 33 : i32
    %swap3A_1837 = arith.index_cast %swap3A_1836 : i32 to index
    %swap3A_1838 = arith.constant 0 : index
    %swap3A_1839 = tpu.vector_load %arg9[%swap3A_1837, %swap3A_1838] {strides = array<i32>} : memref<64x64xf32, #tpu.memory_space<vmem>>, vector<1x16xf32>,
    %swap3A_1840 = vector.shape_cast %swap3A_1839 : vector<1x16xf32> to vector<16xf32>
    %swap3A_1841 = vector.shape_cast %broadcast_in_dim3A_1043 : vector<16xf32> to vector<1x16xf32>
    tpu.vector_store %arg9[%swap3A_1837, %swap3A_1838], %swap3A_1841 {strides = array<i32>} : memref<64x64xf32, #tpu.memory_space<vmem>>, vector<1x16xf32>,
    %swap3A_1842 = arith.constant 33 : i32
    %swap3A_1843 = arith.index_cast %swap3A_1842 : i32 to index
    %swap3A_1844 = arith.constant 16 : index
    %swap3A_1845 = tpu.vector_load %arg9[%swap3A_1843, %swap3A_1844] {strides = array<i32>} : memref<64x64xf32, #tpu.memory_space<vmem>>, vector<1x16xf32>,
    %swap3A_1846 = vector.shape_cast %swap3A_1845 : vector<1x16xf32> to vector<16xf32>
    %swap3A_1847 = vector.shape_cast %broadcast_in_dim3A_1043 : vector<16xf32> to vector<1x16xf32>
    tpu.vector_store %arg9[%swap3A_1843, %swap3A_1844], %swap3A_1847 {strides = array<i32>} : memref<64x64xf32, #tpu.memory_space<vmem>>, vector<1x16xf32>,
    %swap3A_1848 = arith.constant 33 : i32
    %swap3A_1849 = arith.index_cast %swap3A_1848 : i32 to index
    %swap3A_1850 = arith.constant 32 : index
    %swap3A_1851 = tpu.vector_load %arg9[%swap3A_1849, %swap3A_1850] {strides = array<i32>} : memref<64x64xf32, #tpu.memory_space<vmem>>, vector<1x16xf32>,
    %swap3A_1852 = vector.shape_cast %swap3A_1851 : vector<1x16xf32> to vector<16xf32>
    %swap3A_1853 = vector.shape_cast %broadcast_in_dim3A_1043 : vector<16xf32> to vector<1x16xf32>
    tpu.vector_store %arg9[%swap3A_1849, %swap3A_1850], %swap3A_1853 {strides = array<i32>} : memref<64x64xf32, #tpu.memory_space<vmem>>, vector<1x16xf32>,
    %swap3A_1854 = arith.constant 33 : i32
    %swap3A_1855 = arith.index_cast %swap3A_1854 : i32 to index
    %swap3A_1856 = arith.constant 48 : index
    %swap3A_1857 = tpu.vector_load %arg9[%swap3A_1855, %swap3A_1856] {strides = array<i32>} : memref<64x64xf32, #tpu.memory_space<vmem>>, vector<1x16xf32>,
    %swap3A_1858 = vector.shape_cast %swap3A_1857 : vector<1x16xf32> to vector<16xf32>
    %swap3A_1859 = vector.shape_cast %broadcast_in_dim3A_1043 : vector<16xf32> to vector<1x16xf32>
    tpu.vector_store %arg9[%swap3A_1855, %swap3A_1856], %swap3A_1859 {strides = array<i32>} : memref<64x64xf32, #tpu.memory_space<vmem>>, vector<1x16xf32>,
    %swap3A_1860 = arith.constant 34 : i32
    %swap3A_1861 = arith.index_cast %swap3A_1860 : i32 to index
    %swap3A_1862 = arith.constant 0 : index
    %swap3A_1863 = tpu.vector_load %arg9[%swap3A_1861, %swap3A_1862] {strides = array<i32>} : memref<64x64xf32, #tpu.memory_space<vmem>>, vector<1x16xf32>,
    %swap3A_1864 = vector.shape_cast %swap3A_1863 : vector<1x16xf32> to vector<16xf32>
    %swap3A_1865 = vector.shape_cast %broadcast_in_dim3A_1043 : vector<16xf32> to vector<1x16xf32>
    tpu.vector_store %arg9[%swap3A_1861, %swap3A_1862], %swap3A_1865 {strides = array<i32>} : memref<64x64xf32, #tpu.memory_space<vmem>>, vector<1x16xf32>,
    %swap3A_1866 = arith.constant 34 : i32
    %swap3A_1867 = arith.index_cast %swap3A_1866 : i32 to index
    %swap3A_1868 = arith.constant 16 : index
    %swap3A_1869 = tpu.vector_load %arg9[%swap3A_1867, %swap3A_1868] {strides = array<i32>} : memref<64x64xf32, #tpu.memory_space<vmem>>, vector<1x16xf32>,
    %swap3A_1870 = vector.shape_cast %swap3A_1869 : vector<1x16xf32> to vector<16xf32>
    %swap3A_1871 = vector.shape_cast %broadcast_in_dim3A_1043 : vector<16xf32> to vector<1x16xf32>
    tpu.vector_store %arg9[%swap3A_1867, %swap3A_1868], %swap3A_1871 {strides = array<i32>} : memref<64x64xf32, #tpu.memory_space<vmem>>, vector<1x16xf32>,
    %swap3A_1872 = arith.constant 34 : i32
    %swap3A_1873 = arith.index_cast %swap3A_1872 : i32 to index
    %swap3A_1874 = arith.constant 32 : index
    %swap3A_1875 = tpu.vector_load %arg9[%swap3A_1873, %swap3A_1874] {strides = array<i32>} : memref<64x64xf32, #tpu.memory_space<vmem>>, vector<1x16xf32>,
    %swap3A_1876 = vector.shape_cast %swap3A_1875 : vector<1x16xf32> to vector<16xf32>
    %swap3A_1877 = vector.shape_cast %broadcast_in_dim3A_1043 : vector<16xf32> to vector<1x16xf32>
    tpu.vector_store %arg9[%swap3A_1873, %swap3A_1874], %swap3A_1877 {strides = array<i32>} : memref<64x64xf32, #tpu.memory_space<vmem>>, vector<1x16xf32>,
    %swap3A_1878 = arith.constant 34 : i32
    %swap3A_1879 = arith.index_cast %swap3A_1878 : i32 to index
    %swap3A_1880 = arith.constant 48 : index
    %swap3A_1881 = tpu.vector_load %arg9[%swap3A_1879, %swap3A_1880] {strides = array<i32>} : memref<64x64xf32, #tpu.memory_space<vmem>>, vector<1x16xf32>,
    %swap3A_1882 = vector.shape_cast %swap3A_1881 : vector<1x16xf32> to vector<16xf32>
    %swap3A_1883 = vector.shape_cast %broadcast_in_dim3A_1043 : vector<16xf32> to vector<1x16xf32>
    tpu.vector_store %arg9[%swap3A_1879, %swap3A_1880], %swap3A_1883 {strides = array<i32>} : memref<64x64xf32, #tpu.memory_space<vmem>>, vector<1x16xf32>,
    %swap3A_1884 = arith.constant 35 : i32
    %swap3A_1885 = arith.index_cast %swap3A_1884 : i32 to index
    %swap3A_1886 = arith.constant 0 : index
    %swap3A_1887 = tpu.vector_load %arg9[%swap3A_1885, %swap3A_1886] {strides = array<i32>} : memref<64x64xf32, #tpu.memory_space<vmem>>, vector<1x16xf32>,
    %swap3A_1888 = vector.shape_cast %swap3A_1887 : vector<1x16xf32> to vector<16xf32>
    %swap3A_1889 = vector.shape_cast %broadcast_in_dim3A_1043 : vector<16xf32> to vector<1x16xf32>
    tpu.vector_store %arg9[%swap3A_1885, %swap3A_1886], %swap3A_1889 {strides = array<i32>} : memref<64x64xf32, #tpu.memory_space<vmem>>, vector<1x16xf32>,
    %swap3A_1890 = arith.constant 35 : i32
    %swap3A_1891 = arith.index_cast %swap3A_1890 : i32 to index
    %swap3A_1892 = arith.constant 16 : index
    %swap3A_1893 = tpu.vector_load %arg9[%swap3A_1891, %swap3A_1892] {strides = array<i32>} : memref<64x64xf32, #tpu.memory_space<vmem>>, vector<1x16xf32>,
    %swap3A_1894 = vector.shape_cast %swap3A_1893 : vector<1x16xf32> to vector<16xf32>
    %swap3A_1895 = vector.shape_cast %broadcast_in_dim3A_1043 : vector<16xf32> to vector<1x16xf32>
    tpu.vector_store %arg9[%swap3A_1891, %swap3A_1892], %swap3A_1895 {strides = array<i32>} : memref<64x64xf32, #tpu.memory_space<vmem>>, vector<1x16xf32>,
    %swap3A_1896 = arith.constant 35 : i32
    %swap3A_1897 = arith.index_cast %swap3A_1896 : i32 to index
    %swap3A_1898 = arith.constant 32 : index
    %swap3A_1899 = tpu.vector_load %arg9[%swap3A_1897, %swap3A_1898] {strides = array<i32>} : memref<64x64xf32, #tpu.memory_space<vmem>>, vector<1x16xf32>,
    %swap3A_1900 = vector.shape_cast %swap3A_1899 : vector<1x16xf32> to vector<16xf32>
    %swap3A_1901 = vector.shape_cast %broadcast_in_dim3A_1043 : vector<16xf32> to vector<1x16xf32>
    tpu.vector_store %arg9[%swap3A_1897, %swap3A_1898], %swap3A_1901 {strides = array<i32>} : memref<64x64xf32, #tpu.memory_space<vmem>>, vector<1x16xf32>,
    %swap3A_1902 = arith.constant 35 : i32
    %swap3A_1903 = arith.index_cast %swap3A_1902 : i32 to index
    %swap3A_1904 = arith.constant 48 : index
    %swap3A_1905 = tpu.vector_load %arg9[%swap3A_1903, %swap3A_1904] {strides = array<i32>} : memref<64x64xf32, #tpu.memory_space<vmem>>, vector<1x16xf32>,
    %swap3A_1906 = vector.shape_cast %swap3A_1905 : vector<1x16xf32> to vector<16xf32>
    %swap3A_1907 = vector.shape_cast %broadcast_in_dim3A_1043 : vector<16xf32> to vector<1x16xf32>
    tpu.vector_store %arg9[%swap3A_1903, %swap3A_1904], %swap3A_1907 {strides = array<i32>} : memref<64x64xf32, #tpu.memory_space<vmem>>, vector<1x16xf32>,
    %swap3A_1908 = arith.constant 36 : i32
    %swap3A_1909 = arith.index_cast %swap3A_1908 : i32 to index
    %swap3A_1910 = arith.constant 0 : index
    %swap3A_1911 = tpu.vector_load %arg9[%swap3A_1909, %swap3A_1910] {strides = array<i32>} : memref<64x64xf32, #tpu.memory_space<vmem>>, vector<1x16xf32>,
    %swap3A_1912 = vector.shape_cast %swap3A_1911 : vector<1x16xf32> to vector<16xf32>
    %swap3A_1913 = vector.shape_cast %broadcast_in_dim3A_1043 : vector<16xf32> to vector<1x16xf32>
    tpu.vector_store %arg9[%swap3A_1909, %swap3A_1910], %swap3A_1913 {strides = array<i32>} : memref<64x64xf32, #tpu.memory_space<vmem>>, vector<1x16xf32>,
    %swap3A_1914 = arith.constant 36 : i32
    %swap3A_1915 = arith.index_cast %swap3A_1914 : i32 to index
    %swap3A_1916 = arith.constant 16 : index
    %swap3A_1917 = tpu.vector_load %arg9[%swap3A_1915, %swap3A_1916] {strides = array<i32>} : memref<64x64xf32, #tpu.memory_space<vmem>>, vector<1x16xf32>,
    %swap3A_1918 = vector.shape_cast %swap3A_1917 : vector<1x16xf32> to vector<16xf32>
    %swap3A_1919 = vector.shape_cast %broadcast_in_dim3A_1043 : vector<16xf32> to vector<1x16xf32>
    tpu.vector_store %arg9[%swap3A_1915, %swap3A_1916], %swap3A_1919 {strides = array<i32>} : memref<64x64xf32, #tpu.memory_space<vmem>>, vector<1x16xf32>,
    %swap3A_1920 = arith.constant 36 : i32
    %swap3A_1921 = arith.index_cast %swap3A_1920 : i32 to index
    %swap3A_1922 = arith.constant 32 : index
    %swap3A_1923 = tpu.vector_load %arg9[%swap3A_1921, %swap3A_1922] {strides = array<i32>} : memref<64x64xf32, #tpu.memory_space<vmem>>, vector<1x16xf32>,
    %swap3A_1924 = vector.shape_cast %swap3A_1923 : vector<1x16xf32> to vector<16xf32>
    %swap3A_1925 = vector.shape_cast %broadcast_in_dim3A_1043 : vector<16xf32> to vector<1x16xf32>
    tpu.vector_store %arg9[%swap3A_1921, %swap3A_1922], %swap3A_1925 {strides = array<i32>} : memref<64x64xf32, #tpu.memory_space<vmem>>, vector<1x16xf32>,
    %swap3A_1926 = arith.constant 36 : i32
    %swap3A_1927 = arith.index_cast %swap3A_1926 : i32 to index
    %swap3A_1928 = arith.constant 48 : index
    %swap3A_1929 = tpu.vector_load %arg9[%swap3A_1927, %swap3A_1928] {strides = array<i32>} : memref<64x64xf32, #tpu.memory_space<vmem>>, vector<1x16xf32>,
    %swap3A_1930 = vector.shape_cast %swap3A_1929 : vector<1x16xf32> to vector<16xf32>
    %swap3A_1931 = vector.shape_cast %broadcast_in_dim3A_1043 : vector<16xf32> to vector<1x16xf32>
    tpu.vector_store %arg9[%swap3A_1927, %swap3A_1928], %swap3A_1931 {strides = array<i32>} : memref<64x64xf32, #tpu.memory_space<vmem>>, vector<1x16xf32>,
    %swap3A_1932 = arith.constant 37 : i32
    %swap3A_1933 = arith.index_cast %swap3A_1932 : i32 to index
    %swap3A_1934 = arith.constant 0 : index
    %swap3A_1935 = tpu.vector_load %arg9[%swap3A_1933, %swap3A_1934] {strides = array<i32>} : memref<64x64xf32, #tpu.memory_space<vmem>>, vector<1x16xf32>,
    %swap3A_1936 = vector.shape_cast %swap3A_1935 : vector<1x16xf32> to vector<16xf32>
    %swap3A_1937 = vector.shape_cast %broadcast_in_dim3A_1043 : vector<16xf32> to vector<1x16xf32>
    tpu.vector_store %arg9[%swap3A_1933, %swap3A_1934], %swap3A_1937 {strides = array<i32>} : memref<64x64xf32, #tpu.memory_space<vmem>>, vector<1x16xf32>,
    %swap3A_1938 = arith.constant 37 : i32
    %swap3A_1939 = arith.index_cast %swap3A_1938 : i32 to index
    %swap3A_1940 = arith.constant 16 : index
    %swap3A_1941 = tpu.vector_load %arg9[%swap3A_1939, %swap3A_1940] {strides = array<i32>} : memref<64x64xf32, #tpu.memory_space<vmem>>, vector<1x16xf32>,
    %swap3A_1942 = vector.shape_cast %swap3A_1941 : vector<1x16xf32> to vector<16xf32>
    %swap3A_1943 = vector.shape_cast %broadcast_in_dim3A_1043 : vector<16xf32> to vector<1x16xf32>
    tpu.vector_store %arg9[%swap3A_1939, %swap3A_1940], %swap3A_1943 {strides = array<i32>} : memref<64x64xf32, #tpu.memory_space<vmem>>, vector<1x16xf32>,
    %swap3A_1944 = arith.constant 37 : i32
    %swap3A_1945 = arith.index_cast %swap3A_1944 : i32 to index
    %swap3A_1946 = arith.constant 32 : index
    %swap3A_1947 = tpu.vector_load %arg9[%swap3A_1945, %swap3A_1946] {strides = array<i32>} : memref<64x64xf32, #tpu.memory_space<vmem>>, vector<1x16xf32>,
    %swap3A_1948 = vector.shape_cast %swap3A_1947 : vector<1x16xf32> to vector<16xf32>
    %swap3A_1949 = vector.shape_cast %broadcast_in_dim3A_1043 : vector<16xf32> to vector<1x16xf32>
    tpu.vector_store %arg9[%swap3A_1945, %swap3A_1946], %swap3A_1949 {strides = array<i32>} : memref<64x64xf32, #tpu.memory_space<vmem>>, vector<1x16xf32>,
    %swap3A_1950 = arith.constant 37 : i32
    %swap3A_1951 = arith.index_cast %swap3A_1950 : i32 to index
    %swap3A_1952 = arith.constant 48 : index
    %swap3A_1953 = tpu.vector_load %arg9[%swap3A_1951, %swap3A_1952] {strides = array<i32>} : memref<64x64xf32, #tpu.memory_space<vmem>>, vector<1x16xf32>,
    %swap3A_1954 = vector.shape_cast %swap3A_1953 : vector<1x16xf32> to vector<16xf32>
    %swap3A_1955 = vector.shape_cast %broadcast_in_dim3A_1043 : vector<16xf32> to vector<1x16xf32>
    tpu.vector_store %arg9[%swap3A_1951, %swap3A_1952], %swap3A_1955 {strides = array<i32>} : memref<64x64xf32, #tpu.memory_space<vmem>>, vector<1x16xf32>,
    %swap3A_1956 = arith.constant 38 : i32
    %swap3A_1957 = arith.index_cast %swap3A_1956 : i32 to index
    %swap3A_1958 = arith.constant 0 : index
    %swap3A_1959 = tpu.vector_load %arg9[%swap3A_1957, %swap3A_1958] {strides = array<i32>} : memref<64x64xf32, #tpu.memory_space<vmem>>, vector<1x16xf32>,
    %swap3A_1960 = vector.shape_cast %swap3A_1959 : vector<1x16xf32> to vector<16xf32>
    %swap3A_1961 = vector.shape_cast %broadcast_in_dim3A_1043 : vector<16xf32> to vector<1x16xf32>
    tpu.vector_store %arg9[%swap3A_1957, %swap3A_1958], %swap3A_1961 {strides = array<i32>} : memref<64x64xf32, #tpu.memory_space<vmem>>, vector<1x16xf32>,
    %swap3A_1962 = arith.constant 38 : i32
    %swap3A_1963 = arith.index_cast %swap3A_1962 : i32 to index
    %swap3A_1964 = arith.constant 16 : index
    %swap3A_1965 = tpu.vector_load %arg9[%swap3A_1963, %swap3A_1964] {strides = array<i32>} : memref<64x64xf32, #tpu.memory_space<vmem>>, vector<1x16xf32>,
    %swap3A_1966 = vector.shape_cast %swap3A_1965 : vector<1x16xf32> to vector<16xf32>
    %swap3A_1967 = vector.shape_cast %broadcast_in_dim3A_1043 : vector<16xf32> to vector<1x16xf32>
    tpu.vector_store %arg9[%swap3A_1963, %swap3A_1964], %swap3A_1967 {strides = array<i32>} : memref<64x64xf32, #tpu.memory_space<vmem>>, vector<1x16xf32>,
    %swap3A_1968 = arith.constant 38 : i32
    %swap3A_1969 = arith.index_cast %swap3A_1968 : i32 to index
    %swap3A_1970 = arith.constant 32 : index
    %swap3A_1971 = tpu.vector_load %arg9[%swap3A_1969, %swap3A_1970] {strides = array<i32>} : memref<64x64xf32, #tpu.memory_space<vmem>>, vector<1x16xf32>,
    %swap3A_1972 = vector.shape_cast %swap3A_1971 : vector<1x16xf32> to vector<16xf32>
    %swap3A_1973 = vector.shape_cast %broadcast_in_dim3A_1043 : vector<16xf32> to vector<1x16xf32>
    tpu.vector_store %arg9[%swap3A_1969, %swap3A_1970], %swap3A_1973 {strides = array<i32>} : memref<64x64xf32, #tpu.memory_space<vmem>>, vector<1x16xf32>,
    %swap3A_1974 = arith.constant 38 : i32
    %swap3A_1975 = arith.index_cast %swap3A_1974 : i32 to index
    %swap3A_1976 = arith.constant 48 : index
    %swap3A_1977 = tpu.vector_load %arg9[%swap3A_1975, %swap3A_1976] {strides = array<i32>} : memref<64x64xf32, #tpu.memory_space<vmem>>, vector<1x16xf32>,
    %swap3A_1978 = vector.shape_cast %swap3A_1977 : vector<1x16xf32> to vector<16xf32>
    %swap3A_1979 = vector.shape_cast %broadcast_in_dim3A_1043 : vector<16xf32> to vector<1x16xf32>
    tpu.vector_store %arg9[%swap3A_1975, %swap3A_1976], %swap3A_1979 {strides = array<i32>} : memref<64x64xf32, #tpu.memory_space<vmem>>, vector<1x16xf32>,
    %swap3A_1980 = arith.constant 39 : i32
    %swap3A_1981 = arith.index_cast %swap3A_1980 : i32 to index
    %swap3A_1982 = arith.constant 0 : index
    %swap3A_1983 = tpu.vector_load %arg9[%swap3A_1981, %swap3A_1982] {strides = array<i32>} : memref<64x64xf32, #tpu.memory_space<vmem>>, vector<1x16xf32>,
    %swap3A_1984 = vector.shape_cast %swap3A_1983 : vector<1x16xf32> to vector<16xf32>
    %swap3A_1985 = vector.shape_cast %broadcast_in_dim3A_1043 : vector<16xf32> to vector<1x16xf32>
    tpu.vector_store %arg9[%swap3A_1981, %swap3A_1982], %swap3A_1985 {strides = array<i32>} : memref<64x64xf32, #tpu.memory_space<vmem>>, vector<1x16xf32>,
    %swap3A_1986 = arith.constant 39 : i32
    %swap3A_1987 = arith.index_cast %swap3A_1986 : i32 to index
    %swap3A_1988 = arith.constant 16 : index
    %swap3A_1989 = tpu.vector_load %arg9[%swap3A_1987, %swap3A_1988] {strides = array<i32>} : memref<64x64xf32, #tpu.memory_space<vmem>>, vector<1x16xf32>,
    %swap3A_1990 = vector.shape_cast %swap3A_1989 : vector<1x16xf32> to vector<16xf32>
    %swap3A_1991 = vector.shape_cast %broadcast_in_dim3A_1043 : vector<16xf32> to vector<1x16xf32>
    tpu.vector_store %arg9[%swap3A_1987, %swap3A_1988], %swap3A_1991 {strides = array<i32>} : memref<64x64xf32, #tpu.memory_space<vmem>>, vector<1x16xf32>,
    %swap3A_1992 = arith.constant 39 : i32
    %swap3A_1993 = arith.index_cast %swap3A_1992 : i32 to index
    %swap3A_1994 = arith.constant 32 : index
    %swap3A_1995 = tpu.vector_load %arg9[%swap3A_1993, %swap3A_1994] {strides = array<i32>} : memref<64x64xf32, #tpu.memory_space<vmem>>, vector<1x16xf32>,
    %swap3A_1996 = vector.shape_cast %swap3A_1995 : vector<1x16xf32> to vector<16xf32>
    %swap3A_1997 = vector.shape_cast %broadcast_in_dim3A_1043 : vector<16xf32> to vector<1x16xf32>
    tpu.vector_store %arg9[%swap3A_1993, %swap3A_1994], %swap3A_1997 {strides = array<i32>} : memref<64x64xf32, #tpu.memory_space<vmem>>, vector<1x16xf32>,
    %swap3A_1998 = arith.constant 39 : i32
    %swap3A_1999 = arith.index_cast %swap3A_1998 : i32 to index
    %swap3A_2000 = arith.constant 48 : index
    %swap3A_2001 = tpu.vector_load %arg9[%swap3A_1999, %swap3A_2000] {strides = array<i32>} : memref<64x64xf32, #tpu.memory_space<vmem>>, vector<1x16xf32>,
    %swap3A_2002 = vector.shape_cast %swap3A_2001 : vector<1x16xf32> to vector<16xf32>
    %swap3A_2003 = vector.shape_cast %broadcast_in_dim3A_1043 : vector<16xf32> to vector<1x16xf32>
    tpu.vector_store %arg9[%swap3A_1999, %swap3A_2000], %swap3A_2003 {strides = array<i32>} : memref<64x64xf32, #tpu.memory_space<vmem>>, vector<1x16xf32>,
    %swap3A_2004 = arith.constant 40 : i32
    %swap3A_2005 = arith.index_cast %swap3A_2004 : i32 to index
    %swap3A_2006 = arith.constant 0 : index
    %swap3A_2007 = tpu.vector_load %arg9[%swap3A_2005, %swap3A_2006] {strides = array<i32>} : memref<64x64xf32, #tpu.memory_space<vmem>>, vector<1x16xf32>,
    %swap3A_2008 = vector.shape_cast %swap3A_2007 : vector<1x16xf32> to vector<16xf32>
    %swap3A_2009 = vector.shape_cast %broadcast_in_dim3A_1043 : vector<16xf32> to vector<1x16xf32>
    tpu.vector_store %arg9[%swap3A_2005, %swap3A_2006], %swap3A_2009 {strides = array<i32>} : memref<64x64xf32, #tpu.memory_space<vmem>>, vector<1x16xf32>,
    %swap3A_2010 = arith.constant 40 : i32
    %swap3A_2011 = arith.index_cast %swap3A_2010 : i32 to index
    %swap3A_2012 = arith.constant 16 : index
    %swap3A_2013 = tpu.vector_load %arg9[%swap3A_2011, %swap3A_2012] {strides = array<i32>} : memref<64x64xf32, #tpu.memory_space<vmem>>, vector<1x16xf32>,
    %swap3A_2014 = vector.shape_cast %swap3A_2013 : vector<1x16xf32> to vector<16xf32>
    %swap3A_2015 = vector.shape_cast %broadcast_in_dim3A_1043 : vector<16xf32> to vector<1x16xf32>
    tpu.vector_store %arg9[%swap3A_2011, %swap3A_2012], %swap3A_2015 {strides = array<i32>} : memref<64x64xf32, #tpu.memory_space<vmem>>, vector<1x16xf32>,
    %swap3A_2016 = arith.constant 40 : i32
    %swap3A_2017 = arith.index_cast %swap3A_2016 : i32 to index
    %swap3A_2018 = arith.constant 32 : index
    %swap3A_2019 = tpu.vector_load %arg9[%swap3A_2017, %swap3A_2018] {strides = array<i32>} : memref<64x64xf32, #tpu.memory_space<vmem>>, vector<1x16xf32>,
    %swap3A_2020 = vector.shape_cast %swap3A_2019 : vector<1x16xf32> to vector<16xf32>
    %swap3A_2021 = vector.shape_cast %broadcast_in_dim3A_1043 : vector<16xf32> to vector<1x16xf32>
    tpu.vector_store %arg9[%swap3A_2017, %swap3A_2018], %swap3A_2021 {strides = array<i32>} : memref<64x64xf32, #tpu.memory_space<vmem>>, vector<1x16xf32>,
    %swap3A_2022 = arith.constant 40 : i32
    %swap3A_2023 = arith.index_cast %swap3A_2022 : i32 to index
    %swap3A_2024 = arith.constant 48 : index
    %swap3A_2025 = tpu.vector_load %arg9[%swap3A_2023, %swap3A_2024] {strides = array<i32>} : memref<64x64xf32, #tpu.memory_space<vmem>>, vector<1x16xf32>,
    %swap3A_2026 = vector.shape_cast %swap3A_2025 : vector<1x16xf32> to vector<16xf32>
    %swap3A_2027 = vector.shape_cast %broadcast_in_dim3A_1043 : vector<16xf32> to vector<1x16xf32>
    tpu.vector_store %arg9[%swap3A_2023, %swap3A_2024], %swap3A_2027 {strides = array<i32>} : memref<64x64xf32, #tpu.memory_space<vmem>>, vector<1x16xf32>,
    %swap3A_2028 = arith.constant 41 : i32
    %swap3A_2029 = arith.index_cast %swap3A_2028 : i32 to index
    %swap3A_2030 = arith.constant 0 : index
    %swap3A_2031 = tpu.vector_load %arg9[%swap3A_2029, %swap3A_2030] {strides = array<i32>} : memref<64x64xf32, #tpu.memory_space<vmem>>, vector<1x16xf32>,
    %swap3A_2032 = vector.shape_cast %swap3A_2031 : vector<1x16xf32> to vector<16xf32>
    %swap3A_2033 = vector.shape_cast %broadcast_in_dim3A_1043 : vector<16xf32> to vector<1x16xf32>
    tpu.vector_store %arg9[%swap3A_2029, %swap3A_2030], %swap3A_2033 {strides = array<i32>} : memref<64x64xf32, #tpu.memory_space<vmem>>, vector<1x16xf32>,
    %swap3A_2034 = arith.constant 41 : i32
    %swap3A_2035 = arith.index_cast %swap3A_2034 : i32 to index
    %swap3A_2036 = arith.constant 16 : index
    %swap3A_2037 = tpu.vector_load %arg9[%swap3A_2035, %swap3A_2036] {strides = array<i32>} : memref<64x64xf32, #tpu.memory_space<vmem>>, vector<1x16xf32>,
    %swap3A_2038 = vector.shape_cast %swap3A_2037 : vector<1x16xf32> to vector<16xf32>
    %swap3A_2039 = vector.shape_cast %broadcast_in_dim3A_1043 : vector<16xf32> to vector<1x16xf32>
    tpu.vector_store %arg9[%swap3A_2035, %swap3A_2036], %swap3A_2039 {strides = array<i32>} : memref<64x64xf32, #tpu.memory_space<vmem>>, vector<1x16xf32>,
    %swap3A_2040 = arith.constant 41 : i32
    %swap3A_2041 = arith.index_cast %swap3A_2040 : i32 to index
    %swap3A_2042 = arith.constant 32 : index
    %swap3A_2043 = tpu.vector_load %arg9[%swap3A_2041, %swap3A_2042] {strides = array<i32>} : memref<64x64xf32, #tpu.memory_space<vmem>>, vector<1x16xf32>,
    %swap3A_2044 = vector.shape_cast %swap3A_2043 : vector<1x16xf32> to vector<16xf32>
    %swap3A_2045 = vector.shape_cast %broadcast_in_dim3A_1043 : vector<16xf32> to vector<1x16xf32>
    tpu.vector_store %arg9[%swap3A_2041, %swap3A_2042], %swap3A_2045 {strides = array<i32>} : memref<64x64xf32, #tpu.memory_space<vmem>>, vector<1x16xf32>,
    %swap3A_2046 = arith.constant 41 : i32
    %swap3A_2047 = arith.index_cast %swap3A_2046 : i32 to index
    %swap3A_2048 = arith.constant 48 : index
    %swap3A_2049 = tpu.vector_load %arg9[%swap3A_2047, %swap3A_2048] {strides = array<i32>} : memref<64x64xf32, #tpu.memory_space<vmem>>, vector<1x16xf32>,
    %swap3A_2050 = vector.shape_cast %swap3A_2049 : vector<1x16xf32> to vector<16xf32>
    %swap3A_2051 = vector.shape_cast %broadcast_in_dim3A_1043 : vector<16xf32> to vector<1x16xf32>
    tpu.vector_store %arg9[%swap3A_2047, %swap3A_2048], %swap3A_2051 {strides = array<i32>} : memref<64x64xf32, #tpu.memory_space<vmem>>, vector<1x16xf32>,
    %swap3A_2052 = arith.constant 42 : i32
    %swap3A_2053 = arith.index_cast %swap3A_2052 : i32 to index
    %swap3A_2054 = arith.constant 0 : index
    %swap3A_2055 = tpu.vector_load %arg9[%swap3A_2053, %swap3A_2054] {strides = array<i32>} : memref<64x64xf32, #tpu.memory_space<vmem>>, vector<1x16xf32>,
    %swap3A_2056 = vector.shape_cast %swap3A_2055 : vector<1x16xf32> to vector<16xf32>
    %swap3A_2057 = vector.shape_cast %broadcast_in_dim3A_1043 : vector<16xf32> to vector<1x16xf32>
    tpu.vector_store %arg9[%swap3A_2053, %swap3A_2054], %swap3A_2057 {strides = array<i32>} : memref<64x64xf32, #tpu.memory_space<vmem>>, vector<1x16xf32>,
    %swap3A_2058 = arith.constant 42 : i32
    %swap3A_2059 = arith.index_cast %swap3A_2058 : i32 to index
    %swap3A_2060 = arith.constant 16 : index
    %swap3A_2061 = tpu.vector_load %arg9[%swap3A_2059, %swap3A_2060] {strides = array<i32>} : memref<64x64xf32, #tpu.memory_space<vmem>>, vector<1x16xf32>,
    %swap3A_2062 = vector.shape_cast %swap3A_2061 : vector<1x16xf32> to vector<16xf32>
    %swap3A_2063 = vector.shape_cast %broadcast_in_dim3A_1043 : vector<16xf32> to vector<1x16xf32>
    tpu.vector_store %arg9[%swap3A_2059, %swap3A_2060], %swap3A_2063 {strides = array<i32>} : memref<64x64xf32, #tpu.memory_space<vmem>>, vector<1x16xf32>,
    %swap3A_2064 = arith.constant 42 : i32
    %swap3A_2065 = arith.index_cast %swap3A_2064 : i32 to index
    %swap3A_2066 = arith.constant 32 : index
    %swap3A_2067 = tpu.vector_load %arg9[%swap3A_2065, %swap3A_2066] {strides = array<i32>} : memref<64x64xf32, #tpu.memory_space<vmem>>, vector<1x16xf32>,
    %swap3A_2068 = vector.shape_cast %swap3A_2067 : vector<1x16xf32> to vector<16xf32>
    %swap3A_2069 = vector.shape_cast %broadcast_in_dim3A_1043 : vector<16xf32> to vector<1x16xf32>
    tpu.vector_store %arg9[%swap3A_2065, %swap3A_2066], %swap3A_2069 {strides = array<i32>} : memref<64x64xf32, #tpu.memory_space<vmem>>, vector<1x16xf32>,
    %swap3A_2070 = arith.constant 42 : i32
    %swap3A_2071 = arith.index_cast %swap3A_2070 : i32 to index
    %swap3A_2072 = arith.constant 48 : index
    %swap3A_2073 = tpu.vector_load %arg9[%swap3A_2071, %swap3A_2072] {strides = array<i32>} : memref<64x64xf32, #tpu.memory_space<vmem>>, vector<1x16xf32>,
    %swap3A_2074 = vector.shape_cast %swap3A_2073 : vector<1x16xf32> to vector<16xf32>
    %swap3A_2075 = vector.shape_cast %broadcast_in_dim3A_1043 : vector<16xf32> to vector<1x16xf32>
    tpu.vector_store %arg9[%swap3A_2071, %swap3A_2072], %swap3A_2075 {strides = array<i32>} : memref<64x64xf32, #tpu.memory_space<vmem>>, vector<1x16xf32>,
    %swap3A_2076 = arith.constant 43 : i32
    %swap3A_2077 = arith.index_cast %swap3A_2076 : i32 to index
    %swap3A_2078 = arith.constant 0 : index
    %swap3A_2079 = tpu.vector_load %arg9[%swap3A_2077, %swap3A_2078] {strides = array<i32>} : memref<64x64xf32, #tpu.memory_space<vmem>>, vector<1x16xf32>,
    %swap3A_2080 = vector.shape_cast %swap3A_2079 : vector<1x16xf32> to vector<16xf32>
    %swap3A_2081 = vector.shape_cast %broadcast_in_dim3A_1043 : vector<16xf32> to vector<1x16xf32>
    tpu.vector_store %arg9[%swap3A_2077, %swap3A_2078], %swap3A_2081 {strides = array<i32>} : memref<64x64xf32, #tpu.memory_space<vmem>>, vector<1x16xf32>,
    %swap3A_2082 = arith.constant 43 : i32
    %swap3A_2083 = arith.index_cast %swap3A_2082 : i32 to index
    %swap3A_2084 = arith.constant 16 : index
    %swap3A_2085 = tpu.vector_load %arg9[%swap3A_2083, %swap3A_2084] {strides = array<i32>} : memref<64x64xf32, #tpu.memory_space<vmem>>, vector<1x16xf32>,
    %swap3A_2086 = vector.shape_cast %swap3A_2085 : vector<1x16xf32> to vector<16xf32>
    %swap3A_2087 = vector.shape_cast %broadcast_in_dim3A_1043 : vector<16xf32> to vector<1x16xf32>
    tpu.vector_store %arg9[%swap3A_2083, %swap3A_2084], %swap3A_2087 {strides = array<i32>} : memref<64x64xf32, #tpu.memory_space<vmem>>, vector<1x16xf32>,
    %swap3A_2088 = arith.constant 43 : i32
    %swap3A_2089 = arith.index_cast %swap3A_2088 : i32 to index
    %swap3A_2090 = arith.constant 32 : index
    %swap3A_2091 = tpu.vector_load %arg9[%swap3A_2089, %swap3A_2090] {strides = array<i32>} : memref<64x64xf32, #tpu.memory_space<vmem>>, vector<1x16xf32>,
    %swap3A_2092 = vector.shape_cast %swap3A_2091 : vector<1x16xf32> to vector<16xf32>
    %swap3A_2093 = vector.shape_cast %broadcast_in_dim3A_1043 : vector<16xf32> to vector<1x16xf32>
    tpu.vector_store %arg9[%swap3A_2089, %swap3A_2090], %swap3A_2093 {strides = array<i32>} : memref<64x64xf32, #tpu.memory_space<vmem>>, vector<1x16xf32>,
    %swap3A_2094 = arith.constant 43 : i32
    %swap3A_2095 = arith.index_cast %swap3A_2094 : i32 to index
    %swap3A_2096 = arith.constant 48 : index
    %swap3A_2097 = tpu.vector_load %arg9[%swap3A_2095, %swap3A_2096] {strides = array<i32>} : memref<64x64xf32, #tpu.memory_space<vmem>>, vector<1x16xf32>,
    %swap3A_2098 = vector.shape_cast %swap3A_2097 : vector<1x16xf32> to vector<16xf32>
    %swap3A_2099 = vector.shape_cast %broadcast_in_dim3A_1043 : vector<16xf32> to vector<1x16xf32>
    tpu.vector_store %arg9[%swap3A_2095, %swap3A_2096], %swap3A_2099 {strides = array<i32>} : memref<64x64xf32, #tpu.memory_space<vmem>>, vector<1x16xf32>,
    %swap3A_2100 = arith.constant 44 : i32
    %swap3A_2101 = arith.index_cast %swap3A_2100 : i32 to index
    %swap3A_2102 = arith.constant 0 : index
    %swap3A_2103 = tpu.vector_load %arg9[%swap3A_2101, %swap3A_2102] {strides = array<i32>} : memref<64x64xf32, #tpu.memory_space<vmem>>, vector<1x16xf32>,
    %swap3A_2104 = vector.shape_cast %swap3A_2103 : vector<1x16xf32> to vector<16xf32>
    %swap3A_2105 = vector.shape_cast %broadcast_in_dim3A_1043 : vector<16xf32> to vector<1x16xf32>
    tpu.vector_store %arg9[%swap3A_2101, %swap3A_2102], %swap3A_2105 {strides = array<i32>} : memref<64x64xf32, #tpu.memory_space<vmem>>, vector<1x16xf32>,
    %swap3A_2106 = arith.constant 44 : i32
    %swap3A_2107 = arith.index_cast %swap3A_2106 : i32 to index
    %swap3A_2108 = arith.constant 16 : index
    %swap3A_2109 = tpu.vector_load %arg9[%swap3A_2107, %swap3A_2108] {strides = array<i32>} : memref<64x64xf32, #tpu.memory_space<vmem>>, vector<1x16xf32>,
    %swap3A_2110 = vector.shape_cast %swap3A_2109 : vector<1x16xf32> to vector<16xf32>
    %swap3A_2111 = vector.shape_cast %broadcast_in_dim3A_1043 : vector<16xf32> to vector<1x16xf32>
    tpu.vector_store %arg9[%swap3A_2107, %swap3A_2108], %swap3A_2111 {strides = array<i32>} : memref<64x64xf32, #tpu.memory_space<vmem>>, vector<1x16xf32>,
    %swap3A_2112 = arith.constant 44 : i32
    %swap3A_2113 = arith.index_cast %swap3A_2112 : i32 to index
    %swap3A_2114 = arith.constant 32 : index
    %swap3A_2115 = tpu.vector_load %arg9[%swap3A_2113, %swap3A_2114] {strides = array<i32>} : memref<64x64xf32, #tpu.memory_space<vmem>>, vector<1x16xf32>,
    %swap3A_2116 = vector.shape_cast %swap3A_2115 : vector<1x16xf32> to vector<16xf32>
    %swap3A_2117 = vector.shape_cast %broadcast_in_dim3A_1043 : vector<16xf32> to vector<1x16xf32>
    tpu.vector_store %arg9[%swap3A_2113, %swap3A_2114], %swap3A_2117 {strides = array<i32>} : memref<64x64xf32, #tpu.memory_space<vmem>>, vector<1x16xf32>,
    %swap3A_2118 = arith.constant 44 : i32
    %swap3A_2119 = arith.index_cast %swap3A_2118 : i32 to index
    %swap3A_2120 = arith.constant 48 : index
    %swap3A_2121 = tpu.vector_load %arg9[%swap3A_2119, %swap3A_2120] {strides = array<i32>} : memref<64x64xf32, #tpu.memory_space<vmem>>, vector<1x16xf32>,
    %swap3A_2122 = vector.shape_cast %swap3A_2121 : vector<1x16xf32> to vector<16xf32>
    %swap3A_2123 = vector.shape_cast %broadcast_in_dim3A_1043 : vector<16xf32> to vector<1x16xf32>
    tpu.vector_store %arg9[%swap3A_2119, %swap3A_2120], %swap3A_2123 {strides = array<i32>} : memref<64x64xf32, #tpu.memory_space<vmem>>, vector<1x16xf32>,
    %swap3A_2124 = arith.constant 45 : i32
    %swap3A_2125 = arith.index_cast %swap3A_2124 : i32 to index
    %swap3A_2126 = arith.constant 0 : index
    %swap3A_2127 = tpu.vector_load %arg9[%swap3A_2125, %swap3A_2126] {strides = array<i32>} : memref<64x64xf32, #tpu.memory_space<vmem>>, vector<1x16xf32>,
    %swap3A_2128 = vector.shape_cast %swap3A_2127 : vector<1x16xf32> to vector<16xf32>
    %swap3A_2129 = vector.shape_cast %broadcast_in_dim3A_1043 : vector<16xf32> to vector<1x16xf32>
    tpu.vector_store %arg9[%swap3A_2125, %swap3A_2126], %swap3A_2129 {strides = array<i32>} : memref<64x64xf32, #tpu.memory_space<vmem>>, vector<1x16xf32>,
    %swap3A_2130 = arith.constant 45 : i32
    %swap3A_2131 = arith.index_cast %swap3A_2130 : i32 to index
    %swap3A_2132 = arith.constant 16 : index
    %swap3A_2133 = tpu.vector_load %arg9[%swap3A_2131, %swap3A_2132] {strides = array<i32>} : memref<64x64xf32, #tpu.memory_space<vmem>>, vector<1x16xf32>,
    %swap3A_2134 = vector.shape_cast %swap3A_2133 : vector<1x16xf32> to vector<16xf32>
    %swap3A_2135 = vector.shape_cast %broadcast_in_dim3A_1043 : vector<16xf32> to vector<1x16xf32>
    tpu.vector_store %arg9[%swap3A_2131, %swap3A_2132], %swap3A_2135 {strides = array<i32>} : memref<64x64xf32, #tpu.memory_space<vmem>>, vector<1x16xf32>,
    %swap3A_2136 = arith.constant 45 : i32
    %swap3A_2137 = arith.index_cast %swap3A_2136 : i32 to index
    %swap3A_2138 = arith.constant 32 : index
    %swap3A_2139 = tpu.vector_load %arg9[%swap3A_2137, %swap3A_2138] {strides = array<i32>} : memref<64x64xf32, #tpu.memory_space<vmem>>, vector<1x16xf32>,
    %swap3A_2140 = vector.shape_cast %swap3A_2139 : vector<1x16xf32> to vector<16xf32>
    %swap3A_2141 = vector.shape_cast %broadcast_in_dim3A_1043 : vector<16xf32> to vector<1x16xf32>
    tpu.vector_store %arg9[%swap3A_2137, %swap3A_2138], %swap3A_2141 {strides = array<i32>} : memref<64x64xf32, #tpu.memory_space<vmem>>, vector<1x16xf32>,
    %swap3A_2142 = arith.constant 45 : i32
    %swap3A_2143 = arith.index_cast %swap3A_2142 : i32 to index
    %swap3A_2144 = arith.constant 48 : index
    %swap3A_2145 = tpu.vector_load %arg9[%swap3A_2143, %swap3A_2144] {strides = array<i32>} : memref<64x64xf32, #tpu.memory_space<vmem>>, vector<1x16xf32>,
    %swap3A_2146 = vector.shape_cast %swap3A_2145 : vector<1x16xf32> to vector<16xf32>
    %swap3A_2147 = vector.shape_cast %broadcast_in_dim3A_1043 : vector<16xf32> to vector<1x16xf32>
    tpu.vector_store %arg9[%swap3A_2143, %swap3A_2144], %swap3A_2147 {strides = array<i32>} : memref<64x64xf32, #tpu.memory_space<vmem>>, vector<1x16xf32>,
    %swap3A_2148 = arith.constant 46 : i32
    %swap3A_2149 = arith.index_cast %swap3A_2148 : i32 to index
    %swap3A_2150 = arith.constant 0 : index
    %swap3A_2151 = tpu.vector_load %arg9[%swap3A_2149, %swap3A_2150] {strides = array<i32>} : memref<64x64xf32, #tpu.memory_space<vmem>>, vector<1x16xf32>,
    %swap3A_2152 = vector.shape_cast %swap3A_2151 : vector<1x16xf32> to vector<16xf32>
    %swap3A_2153 = vector.shape_cast %broadcast_in_dim3A_1043 : vector<16xf32> to vector<1x16xf32>
    tpu.vector_store %arg9[%swap3A_2149, %swap3A_2150], %swap3A_2153 {strides = array<i32>} : memref<64x64xf32, #tpu.memory_space<vmem>>, vector<1x16xf32>,
    %swap3A_2154 = arith.constant 46 : i32
    %swap3A_2155 = arith.index_cast %swap3A_2154 : i32 to index
    %swap3A_2156 = arith.constant 16 : index
    %swap3A_2157 = tpu.vector_load %arg9[%swap3A_2155, %swap3A_2156] {strides = array<i32>} : memref<64x64xf32, #tpu.memory_space<vmem>>, vector<1x16xf32>,
    %swap3A_2158 = vector.shape_cast %swap3A_2157 : vector<1x16xf32> to vector<16xf32>
    %swap3A_2159 = vector.shape_cast %broadcast_in_dim3A_1043 : vector<16xf32> to vector<1x16xf32>
    tpu.vector_store %arg9[%swap3A_2155, %swap3A_2156], %swap3A_2159 {strides = array<i32>} : memref<64x64xf32, #tpu.memory_space<vmem>>, vector<1x16xf32>,
    %swap3A_2160 = arith.constant 46 : i32
    %swap3A_2161 = arith.index_cast %swap3A_2160 : i32 to index
    %swap3A_2162 = arith.constant 32 : index
    %swap3A_2163 = tpu.vector_load %arg9[%swap3A_2161, %swap3A_2162] {strides = array<i32>} : memref<64x64xf32, #tpu.memory_space<vmem>>, vector<1x16xf32>,
    %swap3A_2164 = vector.shape_cast %swap3A_2163 : vector<1x16xf32> to vector<16xf32>
    %swap3A_2165 = vector.shape_cast %broadcast_in_dim3A_1043 : vector<16xf32> to vector<1x16xf32>
    tpu.vector_store %arg9[%swap3A_2161, %swap3A_2162], %swap3A_2165 {strides = array<i32>} : memref<64x64xf32, #tpu.memory_space<vmem>>, vector<1x16xf32>,
    %swap3A_2166 = arith.constant 46 : i32
    %swap3A_2167 = arith.index_cast %swap3A_2166 : i32 to index
    %swap3A_2168 = arith.constant 48 : index
    %swap3A_2169 = tpu.vector_load %arg9[%swap3A_2167, %swap3A_2168] {strides = array<i32>} : memref<64x64xf32, #tpu.memory_space<vmem>>, vector<1x16xf32>,
    %swap3A_2170 = vector.shape_cast %swap3A_2169 : vector<1x16xf32> to vector<16xf32>
    %swap3A_2171 = vector.shape_cast %broadcast_in_dim3A_1043 : vector<16xf32> to vector<1x16xf32>
    tpu.vector_store %arg9[%swap3A_2167, %swap3A_2168], %swap3A_2171 {strides = array<i32>} : memref<64x64xf32, #tpu.memory_space<vmem>>, vector<1x16xf32>,
    %swap3A_2172 = arith.constant 47 : i32
    %swap3A_2173 = arith.index_cast %swap3A_2172 : i32 to index
    %swap3A_2174 = arith.constant 0 : index
    %swap3A_2175 = tpu.vector_load %arg9[%swap3A_2173, %swap3A_2174] {strides = array<i32>} : memref<64x64xf32, #tpu.memory_space<vmem>>, vector<1x16xf32>,
    %swap3A_2176 = vector.shape_cast %swap3A_2175 : vector<1x16xf32> to vector<16xf32>
    %swap3A_2177 = vector.shape_cast %broadcast_in_dim3A_1043 : vector<16xf32> to vector<1x16xf32>
    tpu.vector_store %arg9[%swap3A_2173, %swap3A_2174], %swap3A_2177 {strides = array<i32>} : memref<64x64xf32, #tpu.memory_space<vmem>>, vector<1x16xf32>,
    %swap3A_2178 = arith.constant 47 : i32
    %swap3A_2179 = arith.index_cast %swap3A_2178 : i32 to index
    %swap3A_2180 = arith.constant 16 : index
    %swap3A_2181 = tpu.vector_load %arg9[%swap3A_2179, %swap3A_2180] {strides = array<i32>} : memref<64x64xf32, #tpu.memory_space<vmem>>, vector<1x16xf32>,
    %swap3A_2182 = vector.shape_cast %swap3A_2181 : vector<1x16xf32> to vector<16xf32>
    %swap3A_2183 = vector.shape_cast %broadcast_in_dim3A_1043 : vector<16xf32> to vector<1x16xf32>
    tpu.vector_store %arg9[%swap3A_2179, %swap3A_2180], %swap3A_2183 {strides = array<i32>} : memref<64x64xf32, #tpu.memory_space<vmem>>, vector<1x16xf32>,
    %swap3A_2184 = arith.constant 47 : i32
    %swap3A_2185 = arith.index_cast %swap3A_2184 : i32 to index
    %swap3A_2186 = arith.constant 32 : index
    %swap3A_2187 = tpu.vector_load %arg9[%swap3A_2185, %swap3A_2186] {strides = array<i32>} : memref<64x64xf32, #tpu.memory_space<vmem>>, vector<1x16xf32>,
    %swap3A_2188 = vector.shape_cast %swap3A_2187 : vector<1x16xf32> to vector<16xf32>
    %swap3A_2189 = vector.shape_cast %broadcast_in_dim3A_1043 : vector<16xf32> to vector<1x16xf32>
    tpu.vector_store %arg9[%swap3A_2185, %swap3A_2186], %swap3A_2189 {strides = array<i32>} : memref<64x64xf32, #tpu.memory_space<vmem>>, vector<1x16xf32>,
    %swap3A_2190 = arith.constant 47 : i32
    %swap3A_2191 = arith.index_cast %swap3A_2190 : i32 to index
    %swap3A_2192 = arith.constant 48 : index
    %swap3A_2193 = tpu.vector_load %arg9[%swap3A_2191, %swap3A_2192] {strides = array<i32>} : memref<64x64xf32, #tpu.memory_space<vmem>>, vector<1x16xf32>,
    %swap3A_2194 = vector.shape_cast %swap3A_2193 : vector<1x16xf32> to vector<16xf32>
    %swap3A_2195 = vector.shape_cast %broadcast_in_dim3A_1043 : vector<16xf32> to vector<1x16xf32>
    tpu.vector_store %arg9[%swap3A_2191, %swap3A_2192], %swap3A_2195 {strides = array<i32>} : memref<64x64xf32, #tpu.memory_space<vmem>>, vector<1x16xf32>,
    %swap3A_2196 = arith.constant 48 : i32
    %swap3A_2197 = arith.index_cast %swap3A_2196 : i32 to index
    %swap3A_2198 = arith.constant 0 : index
    %swap3A_2199 = tpu.vector_load %arg9[%swap3A_2197, %swap3A_2198] {strides = array<i32>} : memref<64x64xf32, #tpu.memory_space<vmem>>, vector<1x16xf32>,
    %swap3A_2200 = vector.shape_cast %swap3A_2199 : vector<1x16xf32> to vector<16xf32>
    %swap3A_2201 = vector.shape_cast %broadcast_in_dim3A_1043 : vector<16xf32> to vector<1x16xf32>
    tpu.vector_store %arg9[%swap3A_2197, %swap3A_2198], %swap3A_2201 {strides = array<i32>} : memref<64x64xf32, #tpu.memory_space<vmem>>, vector<1x16xf32>,
    %swap3A_2202 = arith.constant 48 : i32
    %swap3A_2203 = arith.index_cast %swap3A_2202 : i32 to index
    %swap3A_2204 = arith.constant 16 : index
    %swap3A_2205 = tpu.vector_load %arg9[%swap3A_2203, %swap3A_2204] {strides = array<i32>} : memref<64x64xf32, #tpu.memory_space<vmem>>, vector<1x16xf32>,
    %swap3A_2206 = vector.shape_cast %swap3A_2205 : vector<1x16xf32> to vector<16xf32>
    %swap3A_2207 = vector.shape_cast %broadcast_in_dim3A_1043 : vector<16xf32> to vector<1x16xf32>
    tpu.vector_store %arg9[%swap3A_2203, %swap3A_2204], %swap3A_2207 {strides = array<i32>} : memref<64x64xf32, #tpu.memory_space<vmem>>, vector<1x16xf32>,
    %swap3A_2208 = arith.constant 48 : i32
    %swap3A_2209 = arith.index_cast %swap3A_2208 : i32 to index
    %swap3A_2210 = arith.constant 32 : index
    %swap3A_2211 = tpu.vector_load %arg9[%swap3A_2209, %swap3A_2210] {strides = array<i32>} : memref<64x64xf32, #tpu.memory_space<vmem>>, vector<1x16xf32>,
    %swap3A_2212 = vector.shape_cast %swap3A_2211 : vector<1x16xf32> to vector<16xf32>
    %swap3A_2213 = vector.shape_cast %broadcast_in_dim3A_1043 : vector<16xf32> to vector<1x16xf32>
    tpu.vector_store %arg9[%swap3A_2209, %swap3A_2210], %swap3A_2213 {strides = array<i32>} : memref<64x64xf32, #tpu.memory_space<vmem>>, vector<1x16xf32>,
    %swap3A_2214 = arith.constant 48 : i32
    %swap3A_2215 = arith.index_cast %swap3A_2214 : i32 to index
    %swap3A_2216 = arith.constant 48 : index
    %swap3A_2217 = tpu.vector_load %arg9[%swap3A_2215, %swap3A_2216] {strides = array<i32>} : memref<64x64xf32, #tpu.memory_space<vmem>>, vector<1x16xf32>,
    %swap3A_2218 = vector.shape_cast %swap3A_2217 : vector<1x16xf32> to vector<16xf32>
    %swap3A_2219 = vector.shape_cast %broadcast_in_dim3A_1043 : vector<16xf32> to vector<1x16xf32>
    tpu.vector_store %arg9[%swap3A_2215, %swap3A_2216], %swap3A_2219 {strides = array<i32>} : memref<64x64xf32, #tpu.memory_space<vmem>>, vector<1x16xf32>,
    %swap3A_2220 = arith.constant 49 : i32
    %swap3A_2221 = arith.index_cast %swap3A_2220 : i32 to index
    %swap3A_2222 = arith.constant 0 : index
    %swap3A_2223 = tpu.vector_load %arg9[%swap3A_2221, %swap3A_2222] {strides = array<i32>} : memref<64x64xf32, #tpu.memory_space<vmem>>, vector<1x16xf32>,
    %swap3A_2224 = vector.shape_cast %swap3A_2223 : vector<1x16xf32> to vector<16xf32>
    %swap3A_2225 = vector.shape_cast %broadcast_in_dim3A_1043 : vector<16xf32> to vector<1x16xf32>
    tpu.vector_store %arg9[%swap3A_2221, %swap3A_2222], %swap3A_2225 {strides = array<i32>} : memref<64x64xf32, #tpu.memory_space<vmem>>, vector<1x16xf32>,
    %swap3A_2226 = arith.constant 49 : i32
    %swap3A_2227 = arith.index_cast %swap3A_2226 : i32 to index
    %swap3A_2228 = arith.constant 16 : index
    %swap3A_2229 = tpu.vector_load %arg9[%swap3A_2227, %swap3A_2228] {strides = array<i32>} : memref<64x64xf32, #tpu.memory_space<vmem>>, vector<1x16xf32>,
    %swap3A_2230 = vector.shape_cast %swap3A_2229 : vector<1x16xf32> to vector<16xf32>
    %swap3A_2231 = vector.shape_cast %broadcast_in_dim3A_1043 : vector<16xf32> to vector<1x16xf32>
    tpu.vector_store %arg9[%swap3A_2227, %swap3A_2228], %swap3A_2231 {strides = array<i32>} : memref<64x64xf32, #tpu.memory_space<vmem>>, vector<1x16xf32>,
    %swap3A_2232 = arith.constant 49 : i32
    %swap3A_2233 = arith.index_cast %swap3A_2232 : i32 to index
    %swap3A_2234 = arith.constant 32 : index
    %swap3A_2235 = tpu.vector_load %arg9[%swap3A_2233, %swap3A_2234] {strides = array<i32>} : memref<64x64xf32, #tpu.memory_space<vmem>>, vector<1x16xf32>,
    %swap3A_2236 = vector.shape_cast %swap3A_2235 : vector<1x16xf32> to vector<16xf32>
    %swap3A_2237 = vector.shape_cast %broadcast_in_dim3A_1043 : vector<16xf32> to vector<1x16xf32>
    tpu.vector_store %arg9[%swap3A_2233, %swap3A_2234], %swap3A_2237 {strides = array<i32>} : memref<64x64xf32, #tpu.memory_space<vmem>>, vector<1x16xf32>,
    %swap3A_2238 = arith.constant 49 : i32
    %swap3A_2239 = arith.index_cast %swap3A_2238 : i32 to index
    %swap3A_2240 = arith.constant 48 : index
    %swap3A_2241 = tpu.vector_load %arg9[%swap3A_2239, %swap3A_2240] {strides = array<i32>} : memref<64x64xf32, #tpu.memory_space<vmem>>, vector<1x16xf32>,
    %swap3A_2242 = vector.shape_cast %swap3A_2241 : vector<1x16xf32> to vector<16xf32>
    %swap3A_2243 = vector.shape_cast %broadcast_in_dim3A_1043 : vector<16xf32> to vector<1x16xf32>
    tpu.vector_store %arg9[%swap3A_2239, %swap3A_2240], %swap3A_2243 {strides = array<i32>} : memref<64x64xf32, #tpu.memory_space<vmem>>, vector<1x16xf32>,
    %swap3A_2244 = arith.constant 50 : i32
    %swap3A_2245 = arith.index_cast %swap3A_2244 : i32 to index
    %swap3A_2246 = arith.constant 0 : index
    %swap3A_2247 = tpu.vector_load %arg9[%swap3A_2245, %swap3A_2246] {strides = array<i32>} : memref<64x64xf32, #tpu.memory_space<vmem>>, vector<1x16xf32>,
    %swap3A_2248 = vector.shape_cast %swap3A_2247 : vector<1x16xf32> to vector<16xf32>
    %swap3A_2249 = vector.shape_cast %broadcast_in_dim3A_1043 : vector<16xf32> to vector<1x16xf32>
    tpu.vector_store %arg9[%swap3A_2245, %swap3A_2246], %swap3A_2249 {strides = array<i32>} : memref<64x64xf32, #tpu.memory_space<vmem>>, vector<1x16xf32>,
    %swap3A_2250 = arith.constant 50 : i32
    %swap3A_2251 = arith.index_cast %swap3A_2250 : i32 to index
    %swap3A_2252 = arith.constant 16 : index
    %swap3A_2253 = tpu.vector_load %arg9[%swap3A_2251, %swap3A_2252] {strides = array<i32>} : memref<64x64xf32, #tpu.memory_space<vmem>>, vector<1x16xf32>,
    %swap3A_2254 = vector.shape_cast %swap3A_2253 : vector<1x16xf32> to vector<16xf32>
    %swap3A_2255 = vector.shape_cast %broadcast_in_dim3A_1043 : vector<16xf32> to vector<1x16xf32>
    tpu.vector_store %arg9[%swap3A_2251, %swap3A_2252], %swap3A_2255 {strides = array<i32>} : memref<64x64xf32, #tpu.memory_space<vmem>>, vector<1x16xf32>,
    %swap3A_2256 = arith.constant 50 : i32
    %swap3A_2257 = arith.index_cast %swap3A_2256 : i32 to index
    %swap3A_2258 = arith.constant 32 : index
    %swap3A_2259 = tpu.vector_load %arg9[%swap3A_2257, %swap3A_2258] {strides = array<i32>} : memref<64x64xf32, #tpu.memory_space<vmem>>, vector<1x16xf32>,
    %swap3A_2260 = vector.shape_cast %swap3A_2259 : vector<1x16xf32> to vector<16xf32>
    %swap3A_2261 = vector.shape_cast %broadcast_in_dim3A_1043 : vector<16xf32> to vector<1x16xf32>
    tpu.vector_store %arg9[%swap3A_2257, %swap3A_2258], %swap3A_2261 {strides = array<i32>} : memref<64x64xf32, #tpu.memory_space<vmem>>, vector<1x16xf32>,
    %swap3A_2262 = arith.constant 50 : i32
    %swap3A_2263 = arith.index_cast %swap3A_2262 : i32 to index
    %swap3A_2264 = arith.constant 48 : index
    %swap3A_2265 = tpu.vector_load %arg9[%swap3A_2263, %swap3A_2264] {strides = array<i32>} : memref<64x64xf32, #tpu.memory_space<vmem>>, vector<1x16xf32>,
    %swap3A_2266 = vector.shape_cast %swap3A_2265 : vector<1x16xf32> to vector<16xf32>
    %swap3A_2267 = vector.shape_cast %broadcast_in_dim3A_1043 : vector<16xf32> to vector<1x16xf32>
    tpu.vector_store %arg9[%swap3A_2263, %swap3A_2264], %swap3A_2267 {strides = array<i32>} : memref<64x64xf32, #tpu.memory_space<vmem>>, vector<1x16xf32>,
    %swap3A_2268 = arith.constant 51 : i32
    %swap3A_2269 = arith.index_cast %swap3A_2268 : i32 to index
    %swap3A_2270 = arith.constant 0 : index
    %swap3A_2271 = tpu.vector_load %arg9[%swap3A_2269, %swap3A_2270] {strides = array<i32>} : memref<64x64xf32, #tpu.memory_space<vmem>>, vector<1x16xf32>,
    %swap3A_2272 = vector.shape_cast %swap3A_2271 : vector<1x16xf32> to vector<16xf32>
    %swap3A_2273 = vector.shape_cast %broadcast_in_dim3A_1043 : vector<16xf32> to vector<1x16xf32>
    tpu.vector_store %arg9[%swap3A_2269, %swap3A_2270], %swap3A_2273 {strides = array<i32>} : memref<64x64xf32, #tpu.memory_space<vmem>>, vector<1x16xf32>,
    %swap3A_2274 = arith.constant 51 : i32
    %swap3A_2275 = arith.index_cast %swap3A_2274 : i32 to index
    %swap3A_2276 = arith.constant 16 : index
    %swap3A_2277 = tpu.vector_load %arg9[%swap3A_2275, %swap3A_2276] {strides = array<i32>} : memref<64x64xf32, #tpu.memory_space<vmem>>, vector<1x16xf32>,
    %swap3A_2278 = vector.shape_cast %swap3A_2277 : vector<1x16xf32> to vector<16xf32>
    %swap3A_2279 = vector.shape_cast %broadcast_in_dim3A_1043 : vector<16xf32> to vector<1x16xf32>
    tpu.vector_store %arg9[%swap3A_2275, %swap3A_2276], %swap3A_2279 {strides = array<i32>} : memref<64x64xf32, #tpu.memory_space<vmem>>, vector<1x16xf32>,
    %swap3A_2280 = arith.constant 51 : i32
    %swap3A_2281 = arith.index_cast %swap3A_2280 : i32 to index
    %swap3A_2282 = arith.constant 32 : index
    %swap3A_2283 = tpu.vector_load %arg9[%swap3A_2281, %swap3A_2282] {strides = array<i32>} : memref<64x64xf32, #tpu.memory_space<vmem>>, vector<1x16xf32>,
    %swap3A_2284 = vector.shape_cast %swap3A_2283 : vector<1x16xf32> to vector<16xf32>
    %swap3A_2285 = vector.shape_cast %broadcast_in_dim3A_1043 : vector<16xf32> to vector<1x16xf32>
    tpu.vector_store %arg9[%swap3A_2281, %swap3A_2282], %swap3A_2285 {strides = array<i32>} : memref<64x64xf32, #tpu.memory_space<vmem>>, vector<1x16xf32>,
    %swap3A_2286 = arith.constant 51 : i32
    %swap3A_2287 = arith.index_cast %swap3A_2286 : i32 to index
    %swap3A_2288 = arith.constant 48 : index
    %swap3A_2289 = tpu.vector_load %arg9[%swap3A_2287, %swap3A_2288] {strides = array<i32>} : memref<64x64xf32, #tpu.memory_space<vmem>>, vector<1x16xf32>,
    %swap3A_2290 = vector.shape_cast %swap3A_2289 : vector<1x16xf32> to vector<16xf32>
    %swap3A_2291 = vector.shape_cast %broadcast_in_dim3A_1043 : vector<16xf32> to vector<1x16xf32>
    tpu.vector_store %arg9[%swap3A_2287, %swap3A_2288], %swap3A_2291 {strides = array<i32>} : memref<64x64xf32, #tpu.memory_space<vmem>>, vector<1x16xf32>,
    %swap3A_2292 = arith.constant 52 : i32
    %swap3A_2293 = arith.index_cast %swap3A_2292 : i32 to index
    %swap3A_2294 = arith.constant 0 : index
    %swap3A_2295 = tpu.vector_load %arg9[%swap3A_2293, %swap3A_2294] {strides = array<i32>} : memref<64x64xf32, #tpu.memory_space<vmem>>, vector<1x16xf32>,
    %swap3A_2296 = vector.shape_cast %swap3A_2295 : vector<1x16xf32> to vector<16xf32>
    %swap3A_2297 = vector.shape_cast %broadcast_in_dim3A_1043 : vector<16xf32> to vector<1x16xf32>
    tpu.vector_store %arg9[%swap3A_2293, %swap3A_2294], %swap3A_2297 {strides = array<i32>} : memref<64x64xf32, #tpu.memory_space<vmem>>, vector<1x16xf32>,
    %swap3A_2298 = arith.constant 52 : i32
    %swap3A_2299 = arith.index_cast %swap3A_2298 : i32 to index
    %swap3A_2300 = arith.constant 16 : index
    %swap3A_2301 = tpu.vector_load %arg9[%swap3A_2299, %swap3A_2300] {strides = array<i32>} : memref<64x64xf32, #tpu.memory_space<vmem>>, vector<1x16xf32>,
    %swap3A_2302 = vector.shape_cast %swap3A_2301 : vector<1x16xf32> to vector<16xf32>
    %swap3A_2303 = vector.shape_cast %broadcast_in_dim3A_1043 : vector<16xf32> to vector<1x16xf32>
    tpu.vector_store %arg9[%swap3A_2299, %swap3A_2300], %swap3A_2303 {strides = array<i32>} : memref<64x64xf32, #tpu.memory_space<vmem>>, vector<1x16xf32>,
    %swap3A_2304 = arith.constant 52 : i32
    %swap3A_2305 = arith.index_cast %swap3A_2304 : i32 to index
    %swap3A_2306 = arith.constant 32 : index
    %swap3A_2307 = tpu.vector_load %arg9[%swap3A_2305, %swap3A_2306] {strides = array<i32>} : memref<64x64xf32, #tpu.memory_space<vmem>>, vector<1x16xf32>,
    %swap3A_2308 = vector.shape_cast %swap3A_2307 : vector<1x16xf32> to vector<16xf32>
    %swap3A_2309 = vector.shape_cast %broadcast_in_dim3A_1043 : vector<16xf32> to vector<1x16xf32>
    tpu.vector_store %arg9[%swap3A_2305, %swap3A_2306], %swap3A_2309 {strides = array<i32>} : memref<64x64xf32, #tpu.memory_space<vmem>>, vector<1x16xf32>,
    %swap3A_2310 = arith.constant 52 : i32
    %swap3A_2311 = arith.index_cast %swap3A_2310 : i32 to index
    %swap3A_2312 = arith.constant 48 : index
    %swap3A_2313 = tpu.vector_load %arg9[%swap3A_2311, %swap3A_2312] {strides = array<i32>} : memref<64x64xf32, #tpu.memory_space<vmem>>, vector<1x16xf32>,
    %swap3A_2314 = vector.shape_cast %swap3A_2313 : vector<1x16xf32> to vector<16xf32>
    %swap3A_2315 = vector.shape_cast %broadcast_in_dim3A_1043 : vector<16xf32> to vector<1x16xf32>
    tpu.vector_store %arg9[%swap3A_2311, %swap3A_2312], %swap3A_2315 {strides = array<i32>} : memref<64x64xf32, #tpu.memory_space<vmem>>, vector<1x16xf32>,
    %swap3A_2316 = arith.constant 53 : i32
    %swap3A_2317 = arith.index_cast %swap3A_2316 : i32 to index
    %swap3A_2318 = arith.constant 0 : index
    %swap3A_2319 = tpu.vector_load %arg9[%swap3A_2317, %swap3A_2318] {strides = array<i32>} : memref<64x64xf32, #tpu.memory_space<vmem>>, vector<1x16xf32>,
    %swap3A_2320 = vector.shape_cast %swap3A_2319 : vector<1x16xf32> to vector<16xf32>
    %swap3A_2321 = vector.shape_cast %broadcast_in_dim3A_1043 : vector<16xf32> to vector<1x16xf32>
    tpu.vector_store %arg9[%swap3A_2317, %swap3A_2318], %swap3A_2321 {strides = array<i32>} : memref<64x64xf32, #tpu.memory_space<vmem>>, vector<1x16xf32>,
    %swap3A_2322 = arith.constant 53 : i32
    %swap3A_2323 = arith.index_cast %swap3A_2322 : i32 to index
    %swap3A_2324 = arith.constant 16 : index
    %swap3A_2325 = tpu.vector_load %arg9[%swap3A_2323, %swap3A_2324] {strides = array<i32>} : memref<64x64xf32, #tpu.memory_space<vmem>>, vector<1x16xf32>,
    %swap3A_2326 = vector.shape_cast %swap3A_2325 : vector<1x16xf32> to vector<16xf32>
    %swap3A_2327 = vector.shape_cast %broadcast_in_dim3A_1043 : vector<16xf32> to vector<1x16xf32>
    tpu.vector_store %arg9[%swap3A_2323, %swap3A_2324], %swap3A_2327 {strides = array<i32>} : memref<64x64xf32, #tpu.memory_space<vmem>>, vector<1x16xf32>,
    %swap3A_2328 = arith.constant 53 : i32
    %swap3A_2329 = arith.index_cast %swap3A_2328 : i32 to index
    %swap3A_2330 = arith.constant 32 : index
    %swap3A_2331 = tpu.vector_load %arg9[%swap3A_2329, %swap3A_2330] {strides = array<i32>} : memref<64x64xf32, #tpu.memory_space<vmem>>, vector<1x16xf32>,
    %swap3A_2332 = vector.shape_cast %swap3A_2331 : vector<1x16xf32> to vector<16xf32>
    %swap3A_2333 = vector.shape_cast %broadcast_in_dim3A_1043 : vector<16xf32> to vector<1x16xf32>
    tpu.vector_store %arg9[%swap3A_2329, %swap3A_2330], %swap3A_2333 {strides = array<i32>} : memref<64x64xf32, #tpu.memory_space<vmem>>, vector<1x16xf32>,
    %swap3A_2334 = arith.constant 53 : i32
    %swap3A_2335 = arith.index_cast %swap3A_2334 : i32 to index
    %swap3A_2336 = arith.constant 48 : index
    %swap3A_2337 = tpu.vector_load %arg9[%swap3A_2335, %swap3A_2336] {strides = array<i32>} : memref<64x64xf32, #tpu.memory_space<vmem>>, vector<1x16xf32>,
    %swap3A_2338 = vector.shape_cast %swap3A_2337 : vector<1x16xf32> to vector<16xf32>
    %swap3A_2339 = vector.shape_cast %broadcast_in_dim3A_1043 : vector<16xf32> to vector<1x16xf32>
    tpu.vector_store %arg9[%swap3A_2335, %swap3A_2336], %swap3A_2339 {strides = array<i32>} : memref<64x64xf32, #tpu.memory_space<vmem>>, vector<1x16xf32>,
    %swap3A_2340 = arith.constant 54 : i32
    %swap3A_2341 = arith.index_cast %swap3A_2340 : i32 to index
    %swap3A_2342 = arith.constant 0 : index
    %swap3A_2343 = tpu.vector_load %arg9[%swap3A_2341, %swap3A_2342] {strides = array<i32>} : memref<64x64xf32, #tpu.memory_space<vmem>>, vector<1x16xf32>,
    %swap3A_2344 = vector.shape_cast %swap3A_2343 : vector<1x16xf32> to vector<16xf32>
    %swap3A_2345 = vector.shape_cast %broadcast_in_dim3A_1043 : vector<16xf32> to vector<1x16xf32>
    tpu.vector_store %arg9[%swap3A_2341, %swap3A_2342], %swap3A_2345 {strides = array<i32>} : memref<64x64xf32, #tpu.memory_space<vmem>>, vector<1x16xf32>,
    %swap3A_2346 = arith.constant 54 : i32
    %swap3A_2347 = arith.index_cast %swap3A_2346 : i32 to index
    %swap3A_2348 = arith.constant 16 : index
    %swap3A_2349 = tpu.vector_load %arg9[%swap3A_2347, %swap3A_2348] {strides = array<i32>} : memref<64x64xf32, #tpu.memory_space<vmem>>, vector<1x16xf32>,
    %swap3A_2350 = vector.shape_cast %swap3A_2349 : vector<1x16xf32> to vector<16xf32>
    %swap3A_2351 = vector.shape_cast %broadcast_in_dim3A_1043 : vector<16xf32> to vector<1x16xf32>
    tpu.vector_store %arg9[%swap3A_2347, %swap3A_2348], %swap3A_2351 {strides = array<i32>} : memref<64x64xf32, #tpu.memory_space<vmem>>, vector<1x16xf32>,
    %swap3A_2352 = arith.constant 54 : i32
    %swap3A_2353 = arith.index_cast %swap3A_2352 : i32 to index
    %swap3A_2354 = arith.constant 32 : index
    %swap3A_2355 = tpu.vector_load %arg9[%swap3A_2353, %swap3A_2354] {strides = array<i32>} : memref<64x64xf32, #tpu.memory_space<vmem>>, vector<1x16xf32>,
    %swap3A_2356 = vector.shape_cast %swap3A_2355 : vector<1x16xf32> to vector<16xf32>
    %swap3A_2357 = vector.shape_cast %broadcast_in_dim3A_1043 : vector<16xf32> to vector<1x16xf32>
    tpu.vector_store %arg9[%swap3A_2353, %swap3A_2354], %swap3A_2357 {strides = array<i32>} : memref<64x64xf32, #tpu.memory_space<vmem>>, vector<1x16xf32>,
    %swap3A_2358 = arith.constant 54 : i32
    %swap3A_2359 = arith.index_cast %swap3A_2358 : i32 to index
    %swap3A_2360 = arith.constant 48 : index
    %swap3A_2361 = tpu.vector_load %arg9[%swap3A_2359, %swap3A_2360] {strides = array<i32>} : memref<64x64xf32, #tpu.memory_space<vmem>>, vector<1x16xf32>,
    %swap3A_2362 = vector.shape_cast %swap3A_2361 : vector<1x16xf32> to vector<16xf32>
    %swap3A_2363 = vector.shape_cast %broadcast_in_dim3A_1043 : vector<16xf32> to vector<1x16xf32>
    tpu.vector_store %arg9[%swap3A_2359, %swap3A_2360], %swap3A_2363 {strides = array<i32>} : memref<64x64xf32, #tpu.memory_space<vmem>>, vector<1x16xf32>,
    %swap3A_2364 = arith.constant 55 : i32
    %swap3A_2365 = arith.index_cast %swap3A_2364 : i32 to index
    %swap3A_2366 = arith.constant 0 : index
    %swap3A_2367 = tpu.vector_load %arg9[%swap3A_2365, %swap3A_2366] {strides = array<i32>} : memref<64x64xf32, #tpu.memory_space<vmem>>, vector<1x16xf32>,
    %swap3A_2368 = vector.shape_cast %swap3A_2367 : vector<1x16xf32> to vector<16xf32>
    %swap3A_2369 = vector.shape_cast %broadcast_in_dim3A_1043 : vector<16xf32> to vector<1x16xf32>
    tpu.vector_store %arg9[%swap3A_2365, %swap3A_2366], %swap3A_2369 {strides = array<i32>} : memref<64x64xf32, #tpu.memory_space<vmem>>, vector<1x16xf32>,
    %swap3A_2370 = arith.constant 55 : i32
    %swap3A_2371 = arith.index_cast %swap3A_2370 : i32 to index
    %swap3A_2372 = arith.constant 16 : index
    %swap3A_2373 = tpu.vector_load %arg9[%swap3A_2371, %swap3A_2372] {strides = array<i32>} : memref<64x64xf32, #tpu.memory_space<vmem>>, vector<1x16xf32>,
    %swap3A_2374 = vector.shape_cast %swap3A_2373 : vector<1x16xf32> to vector<16xf32>
    %swap3A_2375 = vector.shape_cast %broadcast_in_dim3A_1043 : vector<16xf32> to vector<1x16xf32>
    tpu.vector_store %arg9[%swap3A_2371, %swap3A_2372], %swap3A_2375 {strides = array<i32>} : memref<64x64xf32, #tpu.memory_space<vmem>>, vector<1x16xf32>,
    %swap3A_2376 = arith.constant 55 : i32
    %swap3A_2377 = arith.index_cast %swap3A_2376 : i32 to index
    %swap3A_2378 = arith.constant 32 : index
    %swap3A_2379 = tpu.vector_load %arg9[%swap3A_2377, %swap3A_2378] {strides = array<i32>} : memref<64x64xf32, #tpu.memory_space<vmem>>, vector<1x16xf32>,
    %swap3A_2380 = vector.shape_cast %swap3A_2379 : vector<1x16xf32> to vector<16xf32>
    %swap3A_2381 = vector.shape_cast %broadcast_in_dim3A_1043 : vector<16xf32> to vector<1x16xf32>
    tpu.vector_store %arg9[%swap3A_2377, %swap3A_2378], %swap3A_2381 {strides = array<i32>} : memref<64x64xf32, #tpu.memory_space<vmem>>, vector<1x16xf32>,
    %swap3A_2382 = arith.constant 55 : i32
    %swap3A_2383 = arith.index_cast %swap3A_2382 : i32 to index
    %swap3A_2384 = arith.constant 48 : index
    %swap3A_2385 = tpu.vector_load %arg9[%swap3A_2383, %swap3A_2384] {strides = array<i32>} : memref<64x64xf32, #tpu.memory_space<vmem>>, vector<1x16xf32>,
    %swap3A_2386 = vector.shape_cast %swap3A_2385 : vector<1x16xf32> to vector<16xf32>
    %swap3A_2387 = vector.shape_cast %broadcast_in_dim3A_1043 : vector<16xf32> to vector<1x16xf32>
    tpu.vector_store %arg9[%swap3A_2383, %swap3A_2384], %swap3A_2387 {strides = array<i32>} : memref<64x64xf32, #tpu.memory_space<vmem>>, vector<1x16xf32>,
    %swap3A_2388 = arith.constant 56 : i32
    %swap3A_2389 = arith.index_cast %swap3A_2388 : i32 to index
    %swap3A_2390 = arith.constant 0 : index
    %swap3A_2391 = tpu.vector_load %arg9[%swap3A_2389, %swap3A_2390] {strides = array<i32>} : memref<64x64xf32, #tpu.memory_space<vmem>>, vector<1x16xf32>,
    %swap3A_2392 = vector.shape_cast %swap3A_2391 : vector<1x16xf32> to vector<16xf32>
    %swap3A_2393 = vector.shape_cast %broadcast_in_dim3A_1043 : vector<16xf32> to vector<1x16xf32>
    tpu.vector_store %arg9[%swap3A_2389, %swap3A_2390], %swap3A_2393 {strides = array<i32>} : memref<64x64xf32, #tpu.memory_space<vmem>>, vector<1x16xf32>,
    %swap3A_2394 = arith.constant 56 : i32
    %swap3A_2395 = arith.index_cast %swap3A_2394 : i32 to index
    %swap3A_2396 = arith.constant 16 : index
    %swap3A_2397 = tpu.vector_load %arg9[%swap3A_2395, %swap3A_2396] {strides = array<i32>} : memref<64x64xf32, #tpu.memory_space<vmem>>, vector<1x16xf32>,
    %swap3A_2398 = vector.shape_cast %swap3A_2397 : vector<1x16xf32> to vector<16xf32>
    %swap3A_2399 = vector.shape_cast %broadcast_in_dim3A_1043 : vector<16xf32> to vector<1x16xf32>
    tpu.vector_store %arg9[%swap3A_2395, %swap3A_2396], %swap3A_2399 {strides = array<i32>} : memref<64x64xf32, #tpu.memory_space<vmem>>, vector<1x16xf32>,
    %swap3A_2400 = arith.constant 56 : i32
    %swap3A_2401 = arith.index_cast %swap3A_2400 : i32 to index
    %swap3A_2402 = arith.constant 32 : index
    %swap3A_2403 = tpu.vector_load %arg9[%swap3A_2401, %swap3A_2402] {strides = array<i32>} : memref<64x64xf32, #tpu.memory_space<vmem>>, vector<1x16xf32>,
    %swap3A_2404 = vector.shape_cast %swap3A_2403 : vector<1x16xf32> to vector<16xf32>
    %swap3A_2405 = vector.shape_cast %broadcast_in_dim3A_1043 : vector<16xf32> to vector<1x16xf32>
    tpu.vector_store %arg9[%swap3A_2401, %swap3A_2402], %swap3A_2405 {strides = array<i32>} : memref<64x64xf32, #tpu.memory_space<vmem>>, vector<1x16xf32>,
    %swap3A_2406 = arith.constant 56 : i32
    %swap3A_2407 = arith.index_cast %swap3A_2406 : i32 to index
    %swap3A_2408 = arith.constant 48 : index
    %swap3A_2409 = tpu.vector_load %arg9[%swap3A_2407, %swap3A_2408] {strides = array<i32>} : memref<64x64xf32, #tpu.memory_space<vmem>>, vector<1x16xf32>,
    %swap3A_2410 = vector.shape_cast %swap3A_2409 : vector<1x16xf32> to vector<16xf32>
    %swap3A_2411 = vector.shape_cast %broadcast_in_dim3A_1043 : vector<16xf32> to vector<1x16xf32>
    tpu.vector_store %arg9[%swap3A_2407, %swap3A_2408], %swap3A_2411 {strides = array<i32>} : memref<64x64xf32, #tpu.memory_space<vmem>>, vector<1x16xf32>,
    %swap3A_2412 = arith.constant 57 : i32
    %swap3A_2413 = arith.index_cast %swap3A_2412 : i32 to index
    %swap3A_2414 = arith.constant 0 : index
    %swap3A_2415 = tpu.vector_load %arg9[%swap3A_2413, %swap3A_2414] {strides = array<i32>} : memref<64x64xf32, #tpu.memory_space<vmem>>, vector<1x16xf32>,
    %swap3A_2416 = vector.shape_cast %swap3A_2415 : vector<1x16xf32> to vector<16xf32>
    %swap3A_2417 = vector.shape_cast %broadcast_in_dim3A_1043 : vector<16xf32> to vector<1x16xf32>
    tpu.vector_store %arg9[%swap3A_2413, %swap3A_2414], %swap3A_2417 {strides = array<i32>} : memref<64x64xf32, #tpu.memory_space<vmem>>, vector<1x16xf32>,
    %swap3A_2418 = arith.constant 57 : i32
    %swap3A_2419 = arith.index_cast %swap3A_2418 : i32 to index
    %swap3A_2420 = arith.constant 16 : index
    %swap3A_2421 = tpu.vector_load %arg9[%swap3A_2419, %swap3A_2420] {strides = array<i32>} : memref<64x64xf32, #tpu.memory_space<vmem>>, vector<1x16xf32>,
    %swap3A_2422 = vector.shape_cast %swap3A_2421 : vector<1x16xf32> to vector<16xf32>
    %swap3A_2423 = vector.shape_cast %broadcast_in_dim3A_1043 : vector<16xf32> to vector<1x16xf32>
    tpu.vector_store %arg9[%swap3A_2419, %swap3A_2420], %swap3A_2423 {strides = array<i32>} : memref<64x64xf32, #tpu.memory_space<vmem>>, vector<1x16xf32>,
    %swap3A_2424 = arith.constant 57 : i32
    %swap3A_2425 = arith.index_cast %swap3A_2424 : i32 to index
    %swap3A_2426 = arith.constant 32 : index
    %swap3A_2427 = tpu.vector_load %arg9[%swap3A_2425, %swap3A_2426] {strides = array<i32>} : memref<64x64xf32, #tpu.memory_space<vmem>>, vector<1x16xf32>,
    %swap3A_2428 = vector.shape_cast %swap3A_2427 : vector<1x16xf32> to vector<16xf32>
    %swap3A_2429 = vector.shape_cast %broadcast_in_dim3A_1043 : vector<16xf32> to vector<1x16xf32>
    tpu.vector_store %arg9[%swap3A_2425, %swap3A_2426], %swap3A_2429 {strides = array<i32>} : memref<64x64xf32, #tpu.memory_space<vmem>>, vector<1x16xf32>,
    %swap3A_2430 = arith.constant 57 : i32
    %swap3A_2431 = arith.index_cast %swap3A_2430 : i32 to index
    %swap3A_2432 = arith.constant 48 : index
    %swap3A_2433 = tpu.vector_load %arg9[%swap3A_2431, %swap3A_2432] {strides = array<i32>} : memref<64x64xf32, #tpu.memory_space<vmem>>, vector<1x16xf32>,
    %swap3A_2434 = vector.shape_cast %swap3A_2433 : vector<1x16xf32> to vector<16xf32>
    %swap3A_2435 = vector.shape_cast %broadcast_in_dim3A_1043 : vector<16xf32> to vector<1x16xf32>
    tpu.vector_store %arg9[%swap3A_2431, %swap3A_2432], %swap3A_2435 {strides = array<i32>} : memref<64x64xf32, #tpu.memory_space<vmem>>, vector<1x16xf32>,
    %swap3A_2436 = arith.constant 58 : i32
    %swap3A_2437 = arith.index_cast %swap3A_2436 : i32 to index
    %swap3A_2438 = arith.constant 0 : index
    %swap3A_2439 = tpu.vector_load %arg9[%swap3A_2437, %swap3A_2438] {strides = array<i32>} : memref<64x64xf32, #tpu.memory_space<vmem>>, vector<1x16xf32>,
    %swap3A_2440 = vector.shape_cast %swap3A_2439 : vector<1x16xf32> to vector<16xf32>
    %swap3A_2441 = vector.shape_cast %broadcast_in_dim3A_1043 : vector<16xf32> to vector<1x16xf32>
    tpu.vector_store %arg9[%swap3A_2437, %swap3A_2438], %swap3A_2441 {strides = array<i32>} : memref<64x64xf32, #tpu.memory_space<vmem>>, vector<1x16xf32>,
    %swap3A_2442 = arith.constant 58 : i32
    %swap3A_2443 = arith.index_cast %swap3A_2442 : i32 to index
    %swap3A_2444 = arith.constant 16 : index
    %swap3A_2445 = tpu.vector_load %arg9[%swap3A_2443, %swap3A_2444] {strides = array<i32>} : memref<64x64xf32, #tpu.memory_space<vmem>>, vector<1x16xf32>,
    %swap3A_2446 = vector.shape_cast %swap3A_2445 : vector<1x16xf32> to vector<16xf32>
    %swap3A_2447 = vector.shape_cast %broadcast_in_dim3A_1043 : vector<16xf32> to vector<1x16xf32>
    tpu.vector_store %arg9[%swap3A_2443, %swap3A_2444], %swap3A_2447 {strides = array<i32>} : memref<64x64xf32, #tpu.memory_space<vmem>>, vector<1x16xf32>,
    %swap3A_2448 = arith.constant 58 : i32
    %swap3A_2449 = arith.index_cast %swap3A_2448 : i32 to index
    %swap3A_2450 = arith.constant 32 : index
    %swap3A_2451 = tpu.vector_load %arg9[%swap3A_2449, %swap3A_2450] {strides = array<i32>} : memref<64x64xf32, #tpu.memory_space<vmem>>, vector<1x16xf32>,
    %swap3A_2452 = vector.shape_cast %swap3A_2451 : vector<1x16xf32> to vector<16xf32>
    %swap3A_2453 = vector.shape_cast %broadcast_in_dim3A_1043 : vector<16xf32> to vector<1x16xf32>
    tpu.vector_store %arg9[%swap3A_2449, %swap3A_2450], %swap3A_2453 {strides = array<i32>} : memref<64x64xf32, #tpu.memory_space<vmem>>, vector<1x16xf32>,
    %swap3A_2454 = arith.constant 58 : i32
    %swap3A_2455 = arith.index_cast %swap3A_2454 : i32 to index
    %swap3A_2456 = arith.constant 48 : index
    %swap3A_2457 = tpu.vector_load %arg9[%swap3A_2455, %swap3A_2456] {strides = array<i32>} : memref<64x64xf32, #tpu.memory_space<vmem>>, vector<1x16xf32>,
    %swap3A_2458 = vector.shape_cast %swap3A_2457 : vector<1x16xf32> to vector<16xf32>
    %swap3A_2459 = vector.shape_cast %broadcast_in_dim3A_1043 : vector<16xf32> to vector<1x16xf32>
    tpu.vector_store %arg9[%swap3A_2455, %swap3A_2456], %swap3A_2459 {strides = array<i32>} : memref<64x64xf32, #tpu.memory_space<vmem>>, vector<1x16xf32>,
    %swap3A_2460 = arith.constant 59 : i32
    %swap3A_2461 = arith.index_cast %swap3A_2460 : i32 to index
    %swap3A_2462 = arith.constant 0 : index
    %swap3A_2463 = tpu.vector_load %arg9[%swap3A_2461, %swap3A_2462] {strides = array<i32>} : memref<64x64xf32, #tpu.memory_space<vmem>>, vector<1x16xf32>,
    %swap3A_2464 = vector.shape_cast %swap3A_2463 : vector<1x16xf32> to vector<16xf32>
    %swap3A_2465 = vector.shape_cast %broadcast_in_dim3A_1043 : vector<16xf32> to vector<1x16xf32>
    tpu.vector_store %arg9[%swap3A_2461, %swap3A_2462], %swap3A_2465 {strides = array<i32>} : memref<64x64xf32, #tpu.memory_space<vmem>>, vector<1x16xf32>,
    %swap3A_2466 = arith.constant 59 : i32
    %swap3A_2467 = arith.index_cast %swap3A_2466 : i32 to index
    %swap3A_2468 = arith.constant 16 : index
    %swap3A_2469 = tpu.vector_load %arg9[%swap3A_2467, %swap3A_2468] {strides = array<i32>} : memref<64x64xf32, #tpu.memory_space<vmem>>, vector<1x16xf32>,
    %swap3A_2470 = vector.shape_cast %swap3A_2469 : vector<1x16xf32> to vector<16xf32>
    %swap3A_2471 = vector.shape_cast %broadcast_in_dim3A_1043 : vector<16xf32> to vector<1x16xf32>
    tpu.vector_store %arg9[%swap3A_2467, %swap3A_2468], %swap3A_2471 {strides = array<i32>} : memref<64x64xf32, #tpu.memory_space<vmem>>, vector<1x16xf32>,
    %swap3A_2472 = arith.constant 59 : i32
    %swap3A_2473 = arith.index_cast %swap3A_2472 : i32 to index
    %swap3A_2474 = arith.constant 32 : index
    %swap3A_2475 = tpu.vector_load %arg9[%swap3A_2473, %swap3A_2474] {strides = array<i32>} : memref<64x64xf32, #tpu.memory_space<vmem>>, vector<1x16xf32>,
    %swap3A_2476 = vector.shape_cast %swap3A_2475 : vector<1x16xf32> to vector<16xf32>
    %swap3A_2477 = vector.shape_cast %broadcast_in_dim3A_1043 : vector<16xf32> to vector<1x16xf32>
    tpu.vector_store %arg9[%swap3A_2473, %swap3A_2474], %swap3A_2477 {strides = array<i32>} : memref<64x64xf32, #tpu.memory_space<vmem>>, vector<1x16xf32>,
    %swap3A_2478 = arith.constant 59 : i32
    %swap3A_2479 = arith.index_cast %swap3A_2478 : i32 to index
    %swap3A_2480 = arith.constant 48 : index
    %swap3A_2481 = tpu.vector_load %arg9[%swap3A_2479, %swap3A_2480] {strides = array<i32>} : memref<64x64xf32, #tpu.memory_space<vmem>>, vector<1x16xf32>,
    %swap3A_2482 = vector.shape_cast %swap3A_2481 : vector<1x16xf32> to vector<16xf32>
    %swap3A_2483 = vector.shape_cast %broadcast_in_dim3A_1043 : vector<16xf32> to vector<1x16xf32>
    tpu.vector_store %arg9[%swap3A_2479, %swap3A_2480], %swap3A_2483 {strides = array<i32>} : memref<64x64xf32, #tpu.memory_space<vmem>>, vector<1x16xf32>,
    %swap3A_2484 = arith.constant 60 : i32
    %swap3A_2485 = arith.index_cast %swap3A_2484 : i32 to index
    %swap3A_2486 = arith.constant 0 : index
    %swap3A_2487 = tpu.vector_load %arg9[%swap3A_2485, %swap3A_2486] {strides = array<i32>} : memref<64x64xf32, #tpu.memory_space<vmem>>, vector<1x16xf32>,
    %swap3A_2488 = vector.shape_cast %swap3A_2487 : vector<1x16xf32> to vector<16xf32>
    %swap3A_2489 = vector.shape_cast %broadcast_in_dim3A_1043 : vector<16xf32> to vector<1x16xf32>
    tpu.vector_store %arg9[%swap3A_2485, %swap3A_2486], %swap3A_2489 {strides = array<i32>} : memref<64x64xf32, #tpu.memory_space<vmem>>, vector<1x16xf32>,
    %swap3A_2490 = arith.constant 60 : i32
    %swap3A_2491 = arith.index_cast %swap3A_2490 : i32 to index
    %swap3A_2492 = arith.constant 16 : index
    %swap3A_2493 = tpu.vector_load %arg9[%swap3A_2491, %swap3A_2492] {strides = array<i32>} : memref<64x64xf32, #tpu.memory_space<vmem>>, vector<1x16xf32>,
    %swap3A_2494 = vector.shape_cast %swap3A_2493 : vector<1x16xf32> to vector<16xf32>
    %swap3A_2495 = vector.shape_cast %broadcast_in_dim3A_1043 : vector<16xf32> to vector<1x16xf32>
    tpu.vector_store %arg9[%swap3A_2491, %swap3A_2492], %swap3A_2495 {strides = array<i32>} : memref<64x64xf32, #tpu.memory_space<vmem>>, vector<1x16xf32>,
    %swap3A_2496 = arith.constant 60 : i32
    %swap3A_2497 = arith.index_cast %swap3A_2496 : i32 to index
    %swap3A_2498 = arith.constant 32 : index
    %swap3A_2499 = tpu.vector_load %arg9[%swap3A_2497, %swap3A_2498] {strides = array<i32>} : memref<64x64xf32, #tpu.memory_space<vmem>>, vector<1x16xf32>,
    %swap3A_2500 = vector.shape_cast %swap3A_2499 : vector<1x16xf32> to vector<16xf32>
    %swap3A_2501 = vector.shape_cast %broadcast_in_dim3A_1043 : vector<16xf32> to vector<1x16xf32>
    tpu.vector_store %arg9[%swap3A_2497, %swap3A_2498], %swap3A_2501 {strides = array<i32>} : memref<64x64xf32, #tpu.memory_space<vmem>>, vector<1x16xf32>,
    %swap3A_2502 = arith.constant 60 : i32
    %swap3A_2503 = arith.index_cast %swap3A_2502 : i32 to index
    %swap3A_2504 = arith.constant 48 : index
    %swap3A_2505 = tpu.vector_load %arg9[%swap3A_2503, %swap3A_2504] {strides = array<i32>} : memref<64x64xf32, #tpu.memory_space<vmem>>, vector<1x16xf32>,
    %swap3A_2506 = vector.shape_cast %swap3A_2505 : vector<1x16xf32> to vector<16xf32>
    %swap3A_2507 = vector.shape_cast %broadcast_in_dim3A_1043 : vector<16xf32> to vector<1x16xf32>
    tpu.vector_store %arg9[%swap3A_2503, %swap3A_2504], %swap3A_2507 {strides = array<i32>} : memref<64x64xf32, #tpu.memory_space<vmem>>, vector<1x16xf32>,
    %swap3A_2508 = arith.constant 61 : i32
    %swap3A_2509 = arith.index_cast %swap3A_2508 : i32 to index
    %swap3A_2510 = arith.constant 0 : index
    %swap3A_2511 = tpu.vector_load %arg9[%swap3A_2509, %swap3A_2510] {strides = array<i32>} : memref<64x64xf32, #tpu.memory_space<vmem>>, vector<1x16xf32>,
    %swap3A_2512 = vector.shape_cast %swap3A_2511 : vector<1x16xf32> to vector<16xf32>
    %swap3A_2513 = vector.shape_cast %broadcast_in_dim3A_1043 : vector<16xf32> to vector<1x16xf32>
    tpu.vector_store %arg9[%swap3A_2509, %swap3A_2510], %swap3A_2513 {strides = array<i32>} : memref<64x64xf32, #tpu.memory_space<vmem>>, vector<1x16xf32>,
    %swap3A_2514 = arith.constant 61 : i32
    %swap3A_2515 = arith.index_cast %swap3A_2514 : i32 to index
    %swap3A_2516 = arith.constant 16 : index
    %swap3A_2517 = tpu.vector_load %arg9[%swap3A_2515, %swap3A_2516] {strides = array<i32>} : memref<64x64xf32, #tpu.memory_space<vmem>>, vector<1x16xf32>,
    %swap3A_2518 = vector.shape_cast %swap3A_2517 : vector<1x16xf32> to vector<16xf32>
    %swap3A_2519 = vector.shape_cast %broadcast_in_dim3A_1043 : vector<16xf32> to vector<1x16xf32>
    tpu.vector_store %arg9[%swap3A_2515, %swap3A_2516], %swap3A_2519 {strides = array<i32>} : memref<64x64xf32, #tpu.memory_space<vmem>>, vector<1x16xf32>,
    %swap3A_2520 = arith.constant 61 : i32
    %swap3A_2521 = arith.index_cast %swap3A_2520 : i32 to index
    %swap3A_2522 = arith.constant 32 : index
    %swap3A_2523 = tpu.vector_load %arg9[%swap3A_2521, %swap3A_2522] {strides = array<i32>} : memref<64x64xf32, #tpu.memory_space<vmem>>, vector<1x16xf32>,
    %swap3A_2524 = vector.shape_cast %swap3A_2523 : vector<1x16xf32> to vector<16xf32>
    %swap3A_2525 = vector.shape_cast %broadcast_in_dim3A_1043 : vector<16xf32> to vector<1x16xf32>
    tpu.vector_store %arg9[%swap3A_2521, %swap3A_2522], %swap3A_2525 {strides = array<i32>} : memref<64x64xf32, #tpu.memory_space<vmem>>, vector<1x16xf32>,
    %swap3A_2526 = arith.constant 61 : i32
    %swap3A_2527 = arith.index_cast %swap3A_2526 : i32 to index
    %swap3A_2528 = arith.constant 48 : index
    %swap3A_2529 = tpu.vector_load %arg9[%swap3A_2527, %swap3A_2528] {strides = array<i32>} : memref<64x64xf32, #tpu.memory_space<vmem>>, vector<1x16xf32>,
    %swap3A_2530 = vector.shape_cast %swap3A_2529 : vector<1x16xf32> to vector<16xf32>
    %swap3A_2531 = vector.shape_cast %broadcast_in_dim3A_1043 : vector<16xf32> to vector<1x16xf32>
    tpu.vector_store %arg9[%swap3A_2527, %swap3A_2528], %swap3A_2531 {strides = array<i32>} : memref<64x64xf32, #tpu.memory_space<vmem>>, vector<1x16xf32>,
    %swap3A_2532 = arith.constant 62 : i32
    %swap3A_2533 = arith.index_cast %swap3A_2532 : i32 to index
    %swap3A_2534 = arith.constant 0 : index
    %swap3A_2535 = tpu.vector_load %arg9[%swap3A_2533, %swap3A_2534] {strides = array<i32>} : memref<64x64xf32, #tpu.memory_space<vmem>>, vector<1x16xf32>,
    %swap3A_2536 = vector.shape_cast %swap3A_2535 : vector<1x16xf32> to vector<16xf32>
    %swap3A_2537 = vector.shape_cast %broadcast_in_dim3A_1043 : vector<16xf32> to vector<1x16xf32>
    tpu.vector_store %arg9[%swap3A_2533, %swap3A_2534], %swap3A_2537 {strides = array<i32>} : memref<64x64xf32, #tpu.memory_space<vmem>>, vector<1x16xf32>,
    %swap3A_2538 = arith.constant 62 : i32
    %swap3A_2539 = arith.index_cast %swap3A_2538 : i32 to index
    %swap3A_2540 = arith.constant 16 : index
    %swap3A_2541 = tpu.vector_load %arg9[%swap3A_2539, %swap3A_2540] {strides = array<i32>} : memref<64x64xf32, #tpu.memory_space<vmem>>, vector<1x16xf32>,
    %swap3A_2542 = vector.shape_cast %swap3A_2541 : vector<1x16xf32> to vector<16xf32>
    %swap3A_2543 = vector.shape_cast %broadcast_in_dim3A_1043 : vector<16xf32> to vector<1x16xf32>
    tpu.vector_store %arg9[%swap3A_2539, %swap3A_2540], %swap3A_2543 {strides = array<i32>} : memref<64x64xf32, #tpu.memory_space<vmem>>, vector<1x16xf32>,
    %swap3A_2544 = arith.constant 62 : i32
    %swap3A_2545 = arith.index_cast %swap3A_2544 : i32 to index
    %swap3A_2546 = arith.constant 32 : index
    %swap3A_2547 = tpu.vector_load %arg9[%swap3A_2545, %swap3A_2546] {strides = array<i32>} : memref<64x64xf32, #tpu.memory_space<vmem>>, vector<1x16xf32>,
    %swap3A_2548 = vector.shape_cast %swap3A_2547 : vector<1x16xf32> to vector<16xf32>
    %swap3A_2549 = vector.shape_cast %broadcast_in_dim3A_1043 : vector<16xf32> to vector<1x16xf32>
    tpu.vector_store %arg9[%swap3A_2545, %swap3A_2546], %swap3A_2549 {strides = array<i32>} : memref<64x64xf32, #tpu.memory_space<vmem>>, vector<1x16xf32>,
    %swap3A_2550 = arith.constant 62 : i32
    %swap3A_2551 = arith.index_cast %swap3A_2550 : i32 to index
    %swap3A_2552 = arith.constant 48 : index
    %swap3A_2553 = tpu.vector_load %arg9[%swap3A_2551, %swap3A_2552] {strides = array<i32>} : memref<64x64xf32, #tpu.memory_space<vmem>>, vector<1x16xf32>,
    %swap3A_2554 = vector.shape_cast %swap3A_2553 : vector<1x16xf32> to vector<16xf32>
    %swap3A_2555 = vector.shape_cast %broadcast_in_dim3A_1043 : vector<16xf32> to vector<1x16xf32>
    tpu.vector_store %arg9[%swap3A_2551, %swap3A_2552], %swap3A_2555 {strides = array<i32>} : memref<64x64xf32, #tpu.memory_space<vmem>>, vector<1x16xf32>,
    %swap3A_2556 = arith.constant 63 : i32
    %swap3A_2557 = arith.index_cast %swap3A_2556 : i32 to index
    %swap3A_2558 = arith.constant 0 : index
    %swap3A_2559 = tpu.vector_load %arg9[%swap3A_2557, %swap3A_2558] {strides = array<i32>} : memref<64x64xf32, #tpu.memory_space<vmem>>, vector<1x16xf32>,
    %swap3A_2560 = vector.shape_cast %swap3A_2559 : vector<1x16xf32> to vector<16xf32>
    %swap3A_2561 = vector.shape_cast %broadcast_in_dim3A_1043 : vector<16xf32> to vector<1x16xf32>
    tpu.vector_store %arg9[%swap3A_2557, %swap3A_2558], %swap3A_2561 {strides = array<i32>} : memref<64x64xf32, #tpu.memory_space<vmem>>, vector<1x16xf32>,
    %swap3A_2562 = arith.constant 63 : i32
    %swap3A_2563 = arith.index_cast %swap3A_2562 : i32 to index
    %swap3A_2564 = arith.constant 16 : index
    %swap3A_2565 = tpu.vector_load %arg9[%swap3A_2563, %swap3A_2564] {strides = array<i32>} : memref<64x64xf32, #tpu.memory_space<vmem>>, vector<1x16xf32>,
    %swap3A_2566 = vector.shape_cast %swap3A_2565 : vector<1x16xf32> to vector<16xf32>
    %swap3A_2567 = vector.shape_cast %broadcast_in_dim3A_1043 : vector<16xf32> to vector<1x16xf32>
    tpu.vector_store %arg9[%swap3A_2563, %swap3A_2564], %swap3A_2567 {strides = array<i32>} : memref<64x64xf32, #tpu.memory_space<vmem>>, vector<1x16xf32>,
    %swap3A_2568 = arith.constant 63 : i32
    %swap3A_2569 = arith.index_cast %swap3A_2568 : i32 to index
    %swap3A_2570 = arith.constant 32 : index
    %swap3A_2571 = tpu.vector_load %arg9[%swap3A_2569, %swap3A_2570] {strides = array<i32>} : memref<64x64xf32, #tpu.memory_space<vmem>>, vector<1x16xf32>,
    %swap3A_2572 = vector.shape_cast %swap3A_2571 : vector<1x16xf32> to vector<16xf32>
    %swap3A_2573 = vector.shape_cast %broadcast_in_dim3A_1043 : vector<16xf32> to vector<1x16xf32>
    tpu.vector_store %arg9[%swap3A_2569, %swap3A_2570], %swap3A_2573 {strides = array<i32>} : memref<64x64xf32, #tpu.memory_space<vmem>>, vector<1x16xf32>,
    %swap3A_2574 = arith.constant 63 : i32
    %swap3A_2575 = arith.index_cast %swap3A_2574 : i32 to index
    %swap3A_2576 = arith.constant 48 : index
    %swap3A_2577 = tpu.vector_load %arg9[%swap3A_2575, %swap3A_2576] {strides = array<i32>} : memref<64x64xf32, #tpu.memory_space<vmem>>, vector<1x16xf32>,
    %swap3A_2578 = vector.shape_cast %swap3A_2577 : vector<1x16xf32> to vector<16xf32>
    %swap3A_2579 = vector.shape_cast %broadcast_in_dim3A_1043 : vector<16xf32> to vector<1x16xf32>
    tpu.vector_store %arg9[%swap3A_2575, %swap3A_2576], %swap3A_2579 {strides = array<i32>} : memref<64x64xf32, #tpu.memory_space<vmem>>, vector<1x16xf32>,
    %scan3A = arith.constant 0 : i32
    %scan3A_2580 = arith.constant 0 : i32
    %scan3A_2581 = arith.constant 8 : i32
    %scan3A_2582 = arith.addi %scan3A_2580, %scan3A_2581 : i32
    %scan3A_2583 = arith.constant 1 : i32
    scf.for %scan3A_2585 = %scan3A_2580 to %scan3A_2582 step %scan3A_2583  : i32 {
      %mul3A_2586 = arith.constant 10240 : i32
      %mul3A_2587 = arith.muli %add3A, %mul3A_2586 : i32
      %mul3A_2588 = arith.constant 1280 : i32
      %mul3A_2589 = arith.muli %scan3A_2585, %mul3A_2588 : i32
      %add3A_2590 = arith.addi %mul3A_2587, %mul3A_2589 : i32
      "tpu.region"() ({
        %run_scoped3A_2761 = tpu.sem_alloc : memref<!tpu.dma_semaphore, #tpu.memory_space<semaphore_mem>>
        %dma_start3A_2762 = tpu.memref_slice %arg2[%add3A_2590] : memref<327680xi32, #tpu.memory_space<hbm>> -> memref<1280xi32, #tpu.memory_space<hbm>>
        %dma_start3A_2763 = tpu.memref_slice %arg2[%add3A_2590] : memref<327680xi32, #tpu.memory_space<hbm>> -> memref<1280xi32, #tpu.memory_space<hbm>>
        tpu.enqueue_dma source(%dma_start3A_2763 : memref<1280xi32, #tpu.memory_space<hbm>>) target(%arg6 : memref<1280xi32, #tpu.memory_space<vmem>>) target_semaphore(%run_scoped3A_2761 : memref<!tpu.dma_semaphore, #tpu.memory_space<semaphore_mem>>)
        %dma_wait3A_2764 = tpu.memref_slice %arg2[%add3A_2590] : memref<327680xi32, #tpu.memory_space<hbm>> -> memref<1280xi32, #tpu.memory_space<hbm>>
        %dma_wait3A_2765 = tpu.memref_slice %arg2[%add3A_2590] : memref<327680xi32, #tpu.memory_space<hbm>> -> memref<1280xi32, #tpu.memory_space<hbm>>
        tpu.wait_dma2 semaphore(%run_scoped3A_2761 : memref<!tpu.dma_semaphore, #tpu.memory_space<semaphore_mem>>) src(%dma_wait3A_2765 : memref<1280xi32, #tpu.memory_space<hbm>>) dst(%arg6 : memref<1280xi32, #tpu.memory_space<vmem>>)
        tpu.yield
      }) : () -> ()
      %dma_start3A = arith.constant 0 : i32
      %dma_start3A_2591 = arith.constant 0 : i32
      %dma_start3A_2592 = tpu.memref_slice %arg8[%dma_start3A, %dma_start3A_2591] : memref<1280x64xf32, #tpu.memory_space<vmem>> -> memref<128x64xf32, #tpu.memory_space<vmem>>
      %dma_start3A_2593 = arith.constant 0 : i32
      %dma_start3A_2594 = tpu.memref_slice %arg6[%dma_start3A_2593] : memref<1280xi32, #tpu.memory_space<vmem>> -> memref<128xi32, #tpu.memory_space<vmem>>
      %dma_start3A_2595 = arith.constant 0 : i32
      %dma_start3A_2596 = arith.constant 0 : i32
      %dma_start3A_2597 = tpu.memref_slice %arg4[%dma_start3A_2595, %dma_start3A_2596] : memref<100352x64xf32, #tpu.memory_space<hbm>> -> memref<100352x64xf32, #tpu.memory_space<hbm>>
      tpu.enqueue_indirect_dma source(%dma_start3A_2597 : memref<100352x64xf32, #tpu.memory_space<hbm>>) target(%dma_start3A_2592 : memref<128x64xf32, #tpu.memory_space<vmem>>) offsets(%dma_start3A_2594 : memref<128xi32, #tpu.memory_space<vmem>>) semaphore(%arg11 : memref<!tpu.dma_semaphore, #tpu.memory_space<semaphore_mem>>)
      %dma_start3A_2598 = arith.constant 128 : i32
      %dma_start3A_2599 = arith.constant 0 : i32
      %dma_start3A_2600 = tpu.memref_slice %arg8[%dma_start3A_2598, %dma_start3A_2599] : memref<1280x64xf32, #tpu.memory_space<vmem>> -> memref<128x64xf32, #tpu.memory_space<vmem>>
      %dma_start3A_2601 = arith.constant 128 : i32
      %dma_start3A_2602 = tpu.memref_slice %arg6[%dma_start3A_2601] : memref<1280xi32, #tpu.memory_space<vmem>> -> memref<128xi32, #tpu.memory_space<vmem>>
      %dma_start3A_2603 = arith.constant 0 : i32
      %dma_start3A_2604 = arith.constant 0 : i32
      %dma_start3A_2605 = tpu.memref_slice %arg4[%dma_start3A_2603, %dma_start3A_2604] : memref<100352x64xf32, #tpu.memory_space<hbm>> -> memref<100352x64xf32, #tpu.memory_space<hbm>>
      tpu.enqueue_indirect_dma source(%dma_start3A_2605 : memref<100352x64xf32, #tpu.memory_space<hbm>>) target(%dma_start3A_2600 : memref<128x64xf32, #tpu.memory_space<vmem>>) offsets(%dma_start3A_2602 : memref<128xi32, #tpu.memory_space<vmem>>) semaphore(%arg11 : memref<!tpu.dma_semaphore, #tpu.memory_space<semaphore_mem>>)
      %dma_start3A_2606 = arith.constant 256 : i32
      %dma_start3A_2607 = arith.constant 0 : i32
      %dma_start3A_2608 = tpu.memref_slice %arg8[%dma_start3A_2606, %dma_start3A_2607] : memref<1280x64xf32, #tpu.memory_space<vmem>> -> memref<128x64xf32, #tpu.memory_space<vmem>>
      %dma_start3A_2609 = arith.constant 256 : i32
      %dma_start3A_2610 = tpu.memref_slice %arg6[%dma_start3A_2609] : memref<1280xi32, #tpu.memory_space<vmem>> -> memref<128xi32, #tpu.memory_space<vmem>>
      %dma_start3A_2611 = arith.constant 0 : i32
      %dma_start3A_2612 = arith.constant 0 : i32
      %dma_start3A_2613 = tpu.memref_slice %arg4[%dma_start3A_2611, %dma_start3A_2612] : memref<100352x64xf32, #tpu.memory_space<hbm>> -> memref<100352x64xf32, #tpu.memory_space<hbm>>
      tpu.enqueue_indirect_dma source(%dma_start3A_2613 : memref<100352x64xf32, #tpu.memory_space<hbm>>) target(%dma_start3A_2608 : memref<128x64xf32, #tpu.memory_space<vmem>>) offsets(%dma_start3A_2610 : memref<128xi32, #tpu.memory_space<vmem>>) semaphore(%arg11 : memref<!tpu.dma_semaphore, #tpu.memory_space<semaphore_mem>>)
      %dma_start3A_2614 = arith.constant 384 : i32
      %dma_start3A_2615 = arith.constant 0 : i32
      %dma_start3A_2616 = tpu.memref_slice %arg8[%dma_start3A_2614, %dma_start3A_2615] : memref<1280x64xf32, #tpu.memory_space<vmem>> -> memref<128x64xf32, #tpu.memory_space<vmem>>
      %dma_start3A_2617 = arith.constant 384 : i32
      %dma_start3A_2618 = tpu.memref_slice %arg6[%dma_start3A_2617] : memref<1280xi32, #tpu.memory_space<vmem>> -> memref<128xi32, #tpu.memory_space<vmem>>
      %dma_start3A_2619 = arith.constant 0 : i32
      %dma_start3A_2620 = arith.constant 0 : i32
      %dma_start3A_2621 = tpu.memref_slice %arg4[%dma_start3A_2619, %dma_start3A_2620] : memref<100352x64xf32, #tpu.memory_space<hbm>> -> memref<100352x64xf32, #tpu.memory_space<hbm>>
      tpu.enqueue_indirect_dma source(%dma_start3A_2621 : memref<100352x64xf32, #tpu.memory_space<hbm>>) target(%dma_start3A_2616 : memref<128x64xf32, #tpu.memory_space<vmem>>) offsets(%dma_start3A_2618 : memref<128xi32, #tpu.memory_space<vmem>>) semaphore(%arg11 : memref<!tpu.dma_semaphore, #tpu.memory_space<semaphore_mem>>)
      %dma_start3A_2622 = arith.constant 512 : i32
      %dma_start3A_2623 = arith.constant 0 : i32
      %dma_start3A_2624 = tpu.memref_slice %arg8[%dma_start3A_2622, %dma_start3A_2623] : memref<1280x64xf32, #tpu.memory_space<vmem>> -> memref<128x64xf32, #tpu.memory_space<vmem>>
      %dma_start3A_2625 = arith.constant 512 : i32
      %dma_start3A_2626 = tpu.memref_slice %arg6[%dma_start3A_2625] : memref<1280xi32, #tpu.memory_space<vmem>> -> memref<128xi32, #tpu.memory_space<vmem>>
      %dma_start3A_2627 = arith.constant 0 : i32
      %dma_start3A_2628 = arith.constant 0 : i32
      %dma_start3A_2629 = tpu.memref_slice %arg4[%dma_start3A_2627, %dma_start3A_2628] : memref<100352x64xf32, #tpu.memory_space<hbm>> -> memref<100352x64xf32, #tpu.memory_space<hbm>>
      tpu.enqueue_indirect_dma source(%dma_start3A_2629 : memref<100352x64xf32, #tpu.memory_space<hbm>>) target(%dma_start3A_2624 : memref<128x64xf32, #tpu.memory_space<vmem>>) offsets(%dma_start3A_2626 : memref<128xi32, #tpu.memory_space<vmem>>) semaphore(%arg11 : memref<!tpu.dma_semaphore, #tpu.memory_space<semaphore_mem>>)
      %dma_start3A_2630 = arith.constant 640 : i32
      %dma_start3A_2631 = arith.constant 0 : i32
      %dma_start3A_2632 = tpu.memref_slice %arg8[%dma_start3A_2630, %dma_start3A_2631] : memref<1280x64xf32, #tpu.memory_space<vmem>> -> memref<128x64xf32, #tpu.memory_space<vmem>>
      %dma_start3A_2633 = arith.constant 640 : i32
      %dma_start3A_2634 = tpu.memref_slice %arg6[%dma_start3A_2633] : memref<1280xi32, #tpu.memory_space<vmem>> -> memref<128xi32, #tpu.memory_space<vmem>>
      %dma_start3A_2635 = arith.constant 0 : i32
      %dma_start3A_2636 = arith.constant 0 : i32
      %dma_start3A_2637 = tpu.memref_slice %arg4[%dma_start3A_2635, %dma_start3A_2636] : memref<100352x64xf32, #tpu.memory_space<hbm>> -> memref<100352x64xf32, #tpu.memory_space<hbm>>
      tpu.enqueue_indirect_dma source(%dma_start3A_2637 : memref<100352x64xf32, #tpu.memory_space<hbm>>) target(%dma_start3A_2632 : memref<128x64xf32, #tpu.memory_space<vmem>>) offsets(%dma_start3A_2634 : memref<128xi32, #tpu.memory_space<vmem>>) semaphore(%arg11 : memref<!tpu.dma_semaphore, #tpu.memory_space<semaphore_mem>>)
      %dma_start3A_2638 = arith.constant 768 : i32
      %dma_start3A_2639 = arith.constant 0 : i32
      %dma_start3A_2640 = tpu.memref_slice %arg8[%dma_start3A_2638, %dma_start3A_2639] : memref<1280x64xf32, #tpu.memory_space<vmem>> -> memref<128x64xf32, #tpu.memory_space<vmem>>
      %dma_start3A_2641 = arith.constant 768 : i32
      %dma_start3A_2642 = tpu.memref_slice %arg6[%dma_start3A_2641] : memref<1280xi32, #tpu.memory_space<vmem>> -> memref<128xi32, #tpu.memory_space<vmem>>
      %dma_start3A_2643 = arith.constant 0 : i32
      %dma_start3A_2644 = arith.constant 0 : i32
      %dma_start3A_2645 = tpu.memref_slice %arg4[%dma_start3A_2643, %dma_start3A_2644] : memref<100352x64xf32, #tpu.memory_space<hbm>> -> memref<100352x64xf32, #tpu.memory_space<hbm>>
      tpu.enqueue_indirect_dma source(%dma_start3A_2645 : memref<100352x64xf32, #tpu.memory_space<hbm>>) target(%dma_start3A_2640 : memref<128x64xf32, #tpu.memory_space<vmem>>) offsets(%dma_start3A_2642 : memref<128xi32, #tpu.memory_space<vmem>>) semaphore(%arg11 : memref<!tpu.dma_semaphore, #tpu.memory_space<semaphore_mem>>)
      %dma_start3A_2646 = arith.constant 896 : i32
      %dma_start3A_2647 = arith.constant 0 : i32
      %dma_start3A_2648 = tpu.memref_slice %arg8[%dma_start3A_2646, %dma_start3A_2647] : memref<1280x64xf32, #tpu.memory_space<vmem>> -> memref<128x64xf32, #tpu.memory_space<vmem>>
      %dma_start3A_2649 = arith.constant 896 : i32
      %dma_start3A_2650 = tpu.memref_slice %arg6[%dma_start3A_2649] : memref<1280xi32, #tpu.memory_space<vmem>> -> memref<128xi32, #tpu.memory_space<vmem>>
      %dma_start3A_2651 = arith.constant 0 : i32
      %dma_start3A_2652 = arith.constant 0 : i32
      %dma_start3A_2653 = tpu.memref_slice %arg4[%dma_start3A_2651, %dma_start3A_2652] : memref<100352x64xf32, #tpu.memory_space<hbm>> -> memref<100352x64xf32, #tpu.memory_space<hbm>>
      tpu.enqueue_indirect_dma source(%dma_start3A_2653 : memref<100352x64xf32, #tpu.memory_space<hbm>>) target(%dma_start3A_2648 : memref<128x64xf32, #tpu.memory_space<vmem>>) offsets(%dma_start3A_2650 : memref<128xi32, #tpu.memory_space<vmem>>) semaphore(%arg11 : memref<!tpu.dma_semaphore, #tpu.memory_space<semaphore_mem>>)
      %dma_start3A_2654 = arith.constant 1024 : i32
      %dma_start3A_2655 = arith.constant 0 : i32
      %dma_start3A_2656 = tpu.memref_slice %arg8[%dma_start3A_2654, %dma_start3A_2655] : memref<1280x64xf32, #tpu.memory_space<vmem>> -> memref<128x64xf32, #tpu.memory_space<vmem>>
      %dma_start3A_2657 = arith.constant 1024 : i32
      %dma_start3A_2658 = tpu.memref_slice %arg6[%dma_start3A_2657] : memref<1280xi32, #tpu.memory_space<vmem>> -> memref<128xi32, #tpu.memory_space<vmem>>
      %dma_start3A_2659 = arith.constant 0 : i32
      %dma_start3A_2660 = arith.constant 0 : i32
      %dma_start3A_2661 = tpu.memref_slice %arg4[%dma_start3A_2659, %dma_start3A_2660] : memref<100352x64xf32, #tpu.memory_space<hbm>> -> memref<100352x64xf32, #tpu.memory_space<hbm>>
      tpu.enqueue_indirect_dma source(%dma_start3A_2661 : memref<100352x64xf32, #tpu.memory_space<hbm>>) target(%dma_start3A_2656 : memref<128x64xf32, #tpu.memory_space<vmem>>) offsets(%dma_start3A_2658 : memref<128xi32, #tpu.memory_space<vmem>>) semaphore(%arg11 : memref<!tpu.dma_semaphore, #tpu.memory_space<semaphore_mem>>)
      %dma_start3A_2662 = arith.constant 1152 : i32
      %dma_start3A_2663 = arith.constant 0 : i32
      %dma_start3A_2664 = tpu.memref_slice %arg8[%dma_start3A_2662, %dma_start3A_2663] : memref<1280x64xf32, #tpu.memory_space<vmem>> -> memref<128x64xf32, #tpu.memory_space<vmem>>
      %dma_start3A_2665 = arith.constant 1152 : i32
      %dma_start3A_2666 = tpu.memref_slice %arg6[%dma_start3A_2665] : memref<1280xi32, #tpu.memory_space<vmem>> -> memref<128xi32, #tpu.memory_space<vmem>>
      %dma_start3A_2667 = arith.constant 0 : i32
      %dma_start3A_2668 = arith.constant 0 : i32
      %dma_start3A_2669 = tpu.memref_slice %arg4[%dma_start3A_2667, %dma_start3A_2668] : memref<100352x64xf32, #tpu.memory_space<hbm>> -> memref<100352x64xf32, #tpu.memory_space<hbm>>
      tpu.enqueue_indirect_dma source(%dma_start3A_2669 : memref<100352x64xf32, #tpu.memory_space<hbm>>) target(%dma_start3A_2664 : memref<128x64xf32, #tpu.memory_space<vmem>>) offsets(%dma_start3A_2666 : memref<128xi32, #tpu.memory_space<vmem>>) semaphore(%arg11 : memref<!tpu.dma_semaphore, #tpu.memory_space<semaphore_mem>>)
      "tpu.region"() ({
        %run_scoped3A_2761 = tpu.sem_alloc : memref<!tpu.dma_semaphore, #tpu.memory_space<semaphore_mem>>
        %dma_start3A_2762 = arith.constant 0 : i32
        %dma_start3A_2763 = tpu.memref_slice %arg10[%mul3A_4, %dma_start3A_2762] : memref<1024x64xf32, #tpu.memory_space<vmem_shared>> -> memref<64x64xf32, #tpu.memory_space<vmem_shared>>
        %dma_start3A_2764 = arith.constant 0 : i32
        %dma_start3A_2765 = tpu.memref_slice %arg10[%mul3A_4, %dma_start3A_2764] : memref<1024x64xf32, #tpu.memory_space<vmem_shared>> -> memref<64x64xf32, #tpu.memory_space<vmem_shared>>
        tpu.enqueue_dma source(%arg9 : memref<64x64xf32, #tpu.memory_space<vmem>>) target(%dma_start3A_2765 : memref<64x64xf32, #tpu.memory_space<vmem_shared>>) target_semaphore(%run_scoped3A_2761 : memref<!tpu.dma_semaphore, #tpu.memory_space<semaphore_mem>>)
        %dma_wait3A_2766 = arith.constant 0 : i32
        %dma_wait3A_2767 = tpu.memref_slice %arg10[%mul3A_4, %dma_wait3A_2766] : memref<1024x64xf32, #tpu.memory_space<vmem_shared>> -> memref<64x64xf32, #tpu.memory_space<vmem_shared>>
        %dma_wait3A_2768 = arith.constant 0 : i32
        %dma_wait3A_2769 = tpu.memref_slice %arg10[%mul3A_4, %dma_wait3A_2768] : memref<1024x64xf32, #tpu.memory_space<vmem_shared>> -> memref<64x64xf32, #tpu.memory_space<vmem_shared>>
        tpu.wait_dma2 semaphore(%run_scoped3A_2761 : memref<!tpu.dma_semaphore, #tpu.memory_space<semaphore_mem>>) src(%arg9 : memref<64x64xf32, #tpu.memory_space<vmem>>) dst(%dma_wait3A_2769 : memref<64x64xf32, #tpu.memory_space<vmem_shared>>)
        tpu.yield
      }) : () -> ()
      %dma_wait3A = arith.constant 0 : i32
      %dma_wait3A_2670 = arith.constant 0 : i32
      %dma_wait3A_2671 = tpu.memref_slice %arg8[%dma_wait3A, %dma_wait3A_2670] : memref<1280x64xf32, #tpu.memory_space<vmem>> -> memref<128x64xf32, #tpu.memory_space<vmem>>
      %dma_wait3A_2672 = arith.constant 0 : i32
      %dma_wait3A_2673 = tpu.memref_slice %arg6[%dma_wait3A_2672] : memref<1280xi32, #tpu.memory_space<vmem>> -> memref<128xi32, #tpu.memory_space<vmem>>
      %dma_wait3A_2674 = arith.constant 0 : i32
      %dma_wait3A_2675 = arith.constant 0 : i32
      %dma_wait3A_2676 = tpu.memref_slice %arg4[%dma_wait3A_2674, %dma_wait3A_2675] : memref<100352x64xf32, #tpu.memory_space<hbm>> -> memref<100352x64xf32, #tpu.memory_space<hbm>>
      tpu.wait_indirect_dma semaphore(%arg11 : memref<!tpu.dma_semaphore, #tpu.memory_space<semaphore_mem>>) src(%dma_wait3A_2676 : memref<100352x64xf32, #tpu.memory_space<hbm>>) dst(%dma_wait3A_2671 : memref<128x64xf32, #tpu.memory_space<vmem>>)
      %dma_wait3A_2677 = arith.constant 128 : i32
      %dma_wait3A_2678 = arith.constant 0 : i32
      %dma_wait3A_2679 = tpu.memref_slice %arg8[%dma_wait3A_2677, %dma_wait3A_2678] : memref<1280x64xf32, #tpu.memory_space<vmem>> -> memref<128x64xf32, #tpu.memory_space<vmem>>
      %dma_wait3A_2680 = arith.constant 128 : i32
      %dma_wait3A_2681 = tpu.memref_slice %arg6[%dma_wait3A_2680] : memref<1280xi32, #tpu.memory_space<vmem>> -> memref<128xi32, #tpu.memory_space<vmem>>
      %dma_wait3A_2682 = arith.constant 0 : i32
      %dma_wait3A_2683 = arith.constant 0 : i32
      %dma_wait3A_2684 = tpu.memref_slice %arg4[%dma_wait3A_2682, %dma_wait3A_2683] : memref<100352x64xf32, #tpu.memory_space<hbm>> -> memref<100352x64xf32, #tpu.memory_space<hbm>>
      tpu.wait_indirect_dma semaphore(%arg11 : memref<!tpu.dma_semaphore, #tpu.memory_space<semaphore_mem>>) src(%dma_wait3A_2684 : memref<100352x64xf32, #tpu.memory_space<hbm>>) dst(%dma_wait3A_2679 : memref<128x64xf32, #tpu.memory_space<vmem>>)
      %dma_wait3A_2685 = arith.constant 256 : i32
      %dma_wait3A_2686 = arith.constant 0 : i32
      %dma_wait3A_2687 = tpu.memref_slice %arg8[%dma_wait3A_2685, %dma_wait3A_2686] : memref<1280x64xf32, #tpu.memory_space<vmem>> -> memref<128x64xf32, #tpu.memory_space<vmem>>
      %dma_wait3A_2688 = arith.constant 256 : i32
      %dma_wait3A_2689 = tpu.memref_slice %arg6[%dma_wait3A_2688] : memref<1280xi32, #tpu.memory_space<vmem>> -> memref<128xi32, #tpu.memory_space<vmem>>
      %dma_wait3A_2690 = arith.constant 0 : i32
      %dma_wait3A_2691 = arith.constant 0 : i32
      %dma_wait3A_2692 = tpu.memref_slice %arg4[%dma_wait3A_2690, %dma_wait3A_2691] : memref<100352x64xf32, #tpu.memory_space<hbm>> -> memref<100352x64xf32, #tpu.memory_space<hbm>>
      tpu.wait_indirect_dma semaphore(%arg11 : memref<!tpu.dma_semaphore, #tpu.memory_space<semaphore_mem>>) src(%dma_wait3A_2692 : memref<100352x64xf32, #tpu.memory_space<hbm>>) dst(%dma_wait3A_2687 : memref<128x64xf32, #tpu.memory_space<vmem>>)
      %dma_wait3A_2693 = arith.constant 384 : i32
      %dma_wait3A_2694 = arith.constant 0 : i32
      %dma_wait3A_2695 = tpu.memref_slice %arg8[%dma_wait3A_2693, %dma_wait3A_2694] : memref<1280x64xf32, #tpu.memory_space<vmem>> -> memref<128x64xf32, #tpu.memory_space<vmem>>
      %dma_wait3A_2696 = arith.constant 384 : i32
      %dma_wait3A_2697 = tpu.memref_slice %arg6[%dma_wait3A_2696] : memref<1280xi32, #tpu.memory_space<vmem>> -> memref<128xi32, #tpu.memory_space<vmem>>
      %dma_wait3A_2698 = arith.constant 0 : i32
      %dma_wait3A_2699 = arith.constant 0 : i32
      %dma_wait3A_2700 = tpu.memref_slice %arg4[%dma_wait3A_2698, %dma_wait3A_2699] : memref<100352x64xf32, #tpu.memory_space<hbm>> -> memref<100352x64xf32, #tpu.memory_space<hbm>>
      tpu.wait_indirect_dma semaphore(%arg11 : memref<!tpu.dma_semaphore, #tpu.memory_space<semaphore_mem>>) src(%dma_wait3A_2700 : memref<100352x64xf32, #tpu.memory_space<hbm>>) dst(%dma_wait3A_2695 : memref<128x64xf32, #tpu.memory_space<vmem>>)
      %dma_wait3A_2701 = arith.constant 512 : i32
      %dma_wait3A_2702 = arith.constant 0 : i32
      %dma_wait3A_2703 = tpu.memref_slice %arg8[%dma_wait3A_2701, %dma_wait3A_2702] : memref<1280x64xf32, #tpu.memory_space<vmem>> -> memref<128x64xf32, #tpu.memory_space<vmem>>
      %dma_wait3A_2704 = arith.constant 512 : i32
      %dma_wait3A_2705 = tpu.memref_slice %arg6[%dma_wait3A_2704] : memref<1280xi32, #tpu.memory_space<vmem>> -> memref<128xi32, #tpu.memory_space<vmem>>
      %dma_wait3A_2706 = arith.constant 0 : i32
      %dma_wait3A_2707 = arith.constant 0 : i32
      %dma_wait3A_2708 = tpu.memref_slice %arg4[%dma_wait3A_2706, %dma_wait3A_2707] : memref<100352x64xf32, #tpu.memory_space<hbm>> -> memref<100352x64xf32, #tpu.memory_space<hbm>>
      tpu.wait_indirect_dma semaphore(%arg11 : memref<!tpu.dma_semaphore, #tpu.memory_space<semaphore_mem>>) src(%dma_wait3A_2708 : memref<100352x64xf32, #tpu.memory_space<hbm>>) dst(%dma_wait3A_2703 : memref<128x64xf32, #tpu.memory_space<vmem>>)
      %dma_wait3A_2709 = arith.constant 640 : i32
      %dma_wait3A_2710 = arith.constant 0 : i32
      %dma_wait3A_2711 = tpu.memref_slice %arg8[%dma_wait3A_2709, %dma_wait3A_2710] : memref<1280x64xf32, #tpu.memory_space<vmem>> -> memref<128x64xf32, #tpu.memory_space<vmem>>
      %dma_wait3A_2712 = arith.constant 640 : i32
      %dma_wait3A_2713 = tpu.memref_slice %arg6[%dma_wait3A_2712] : memref<1280xi32, #tpu.memory_space<vmem>> -> memref<128xi32, #tpu.memory_space<vmem>>
      %dma_wait3A_2714 = arith.constant 0 : i32
      %dma_wait3A_2715 = arith.constant 0 : i32
      %dma_wait3A_2716 = tpu.memref_slice %arg4[%dma_wait3A_2714, %dma_wait3A_2715] : memref<100352x64xf32, #tpu.memory_space<hbm>> -> memref<100352x64xf32, #tpu.memory_space<hbm>>
      tpu.wait_indirect_dma semaphore(%arg11 : memref<!tpu.dma_semaphore, #tpu.memory_space<semaphore_mem>>) src(%dma_wait3A_2716 : memref<100352x64xf32, #tpu.memory_space<hbm>>) dst(%dma_wait3A_2711 : memref<128x64xf32, #tpu.memory_space<vmem>>)
      %dma_wait3A_2717 = arith.constant 768 : i32
      %dma_wait3A_2718 = arith.constant 0 : i32
      %dma_wait3A_2719 = tpu.memref_slice %arg8[%dma_wait3A_2717, %dma_wait3A_2718] : memref<1280x64xf32, #tpu.memory_space<vmem>> -> memref<128x64xf32, #tpu.memory_space<vmem>>
      %dma_wait3A_2720 = arith.constant 768 : i32
      %dma_wait3A_2721 = tpu.memref_slice %arg6[%dma_wait3A_2720] : memref<1280xi32, #tpu.memory_space<vmem>> -> memref<128xi32, #tpu.memory_space<vmem>>
      %dma_wait3A_2722 = arith.constant 0 : i32
      %dma_wait3A_2723 = arith.constant 0 : i32
      %dma_wait3A_2724 = tpu.memref_slice %arg4[%dma_wait3A_2722, %dma_wait3A_2723] : memref<100352x64xf32, #tpu.memory_space<hbm>> -> memref<100352x64xf32, #tpu.memory_space<hbm>>
      tpu.wait_indirect_dma semaphore(%arg11 : memref<!tpu.dma_semaphore, #tpu.memory_space<semaphore_mem>>) src(%dma_wait3A_2724 : memref<100352x64xf32, #tpu.memory_space<hbm>>) dst(%dma_wait3A_2719 : memref<128x64xf32, #tpu.memory_space<vmem>>)
      %dma_wait3A_2725 = arith.constant 896 : i32
      %dma_wait3A_2726 = arith.constant 0 : i32
      %dma_wait3A_2727 = tpu.memref_slice %arg8[%dma_wait3A_2725, %dma_wait3A_2726] : memref<1280x64xf32, #tpu.memory_space<vmem>> -> memref<128x64xf32, #tpu.memory_space<vmem>>
      %dma_wait3A_2728 = arith.constant 896 : i32
      %dma_wait3A_2729 = tpu.memref_slice %arg6[%dma_wait3A_2728] : memref<1280xi32, #tpu.memory_space<vmem>> -> memref<128xi32, #tpu.memory_space<vmem>>
      %dma_wait3A_2730 = arith.constant 0 : i32
      %dma_wait3A_2731 = arith.constant 0 : i32
      %dma_wait3A_2732 = tpu.memref_slice %arg4[%dma_wait3A_2730, %dma_wait3A_2731] : memref<100352x64xf32, #tpu.memory_space<hbm>> -> memref<100352x64xf32, #tpu.memory_space<hbm>>
      tpu.wait_indirect_dma semaphore(%arg11 : memref<!tpu.dma_semaphore, #tpu.memory_space<semaphore_mem>>) src(%dma_wait3A_2732 : memref<100352x64xf32, #tpu.memory_space<hbm>>) dst(%dma_wait3A_2727 : memref<128x64xf32, #tpu.memory_space<vmem>>)
      %dma_wait3A_2733 = arith.constant 1024 : i32
      %dma_wait3A_2734 = arith.constant 0 : i32
      %dma_wait3A_2735 = tpu.memref_slice %arg8[%dma_wait3A_2733, %dma_wait3A_2734] : memref<1280x64xf32, #tpu.memory_space<vmem>> -> memref<128x64xf32, #tpu.memory_space<vmem>>
      %dma_wait3A_2736 = arith.constant 1024 : i32
      %dma_wait3A_2737 = tpu.memref_slice %arg6[%dma_wait3A_2736] : memref<1280xi32, #tpu.memory_space<vmem>> -> memref<128xi32, #tpu.memory_space<vmem>>
      %dma_wait3A_2738 = arith.constant 0 : i32
      %dma_wait3A_2739 = arith.constant 0 : i32
      %dma_wait3A_2740 = tpu.memref_slice %arg4[%dma_wait3A_2738, %dma_wait3A_2739] : memref<100352x64xf32, #tpu.memory_space<hbm>> -> memref<100352x64xf32, #tpu.memory_space<hbm>>
      tpu.wait_indirect_dma semaphore(%arg11 : memref<!tpu.dma_semaphore, #tpu.memory_space<semaphore_mem>>) src(%dma_wait3A_2740 : memref<100352x64xf32, #tpu.memory_space<hbm>>) dst(%dma_wait3A_2735 : memref<128x64xf32, #tpu.memory_space<vmem>>)
      %dma_wait3A_2741 = arith.constant 1152 : i32
      %dma_wait3A_2742 = arith.constant 0 : i32
      %dma_wait3A_2743 = tpu.memref_slice %arg8[%dma_wait3A_2741, %dma_wait3A_2742] : memref<1280x64xf32, #tpu.memory_space<vmem>> -> memref<128x64xf32, #tpu.memory_space<vmem>>
      %dma_wait3A_2744 = arith.constant 1152 : i32
      %dma_wait3A_2745 = tpu.memref_slice %arg6[%dma_wait3A_2744] : memref<1280xi32, #tpu.memory_space<vmem>> -> memref<128xi32, #tpu.memory_space<vmem>>
      %dma_wait3A_2746 = arith.constant 0 : i32
      %dma_wait3A_2747 = arith.constant 0 : i32
      %dma_wait3A_2748 = tpu.memref_slice %arg4[%dma_wait3A_2746, %dma_wait3A_2747] : memref<100352x64xf32, #tpu.memory_space<hbm>> -> memref<100352x64xf32, #tpu.memory_space<hbm>>
      tpu.wait_indirect_dma semaphore(%arg11 : memref<!tpu.dma_semaphore, #tpu.memory_space<semaphore_mem>>) src(%dma_wait3A_2748 : memref<100352x64xf32, #tpu.memory_space<hbm>>) dst(%dma_wait3A_2743 : memref<128x64xf32, #tpu.memory_space<vmem>>)
      %run_scoped3A = arith.constant 0 : i32
      "tpu.region"() ({
        %run_scoped3A_2761 = tpu.sem_alloc : memref<!tpu.dma_semaphore, #tpu.memory_space<semaphore_mem>>
        %dma_start3A_2762 = arith.constant 0 : i32
        %dma_start3A_2763 = arith.constant 0 : i32
        %dma_start3A_2764 = tpu.memref_slice %arg8[%dma_start3A_2762, %dma_start3A_2763] : memref<1280x64xf32, #tpu.memory_space<vmem>> -> memref<128x64xf32, #tpu.memory_space<vmem>>
        %dma_start3A_2765 = arith.constant 0 : i32
        %dma_start3A_2766 = tpu.memref_slice %arg7[%run_scoped3A, %dma_start3A_2765] : memref<10x128xi32, #tpu.memory_space<vmem>> -> memref<1x128xi32, #tpu.memory_space<vmem>>
        %dma_start3A_2767 = tpu.memref_squeeze %dma_start3A_2766 : memref<1x128xi32, #tpu.memory_space<vmem>> -> memref<128xi32, #tpu.memory_space<vmem>>
        %dma_start3A_2768 = arith.constant 0 : i32
        %dma_start3A_2769 = arith.constant 0 : i32
        %dma_start3A_2770 = tpu.memref_slice %arg10[%dma_start3A_2768, %dma_start3A_2769] : memref<1024x64xf32, #tpu.memory_space<vmem_shared>> -> memref<1024x64xf32, #tpu.memory_space<vmem_shared>>
        tpu.enqueue_indirect_dma source(%dma_start3A_2764 : memref<128x64xf32, #tpu.memory_space<vmem>>) target(%dma_start3A_2770 : memref<1024x64xf32, #tpu.memory_space<vmem_shared>>) offsets(%dma_start3A_2767 : memref<128xi32, #tpu.memory_space<vmem>>) semaphore(%run_scoped3A_2761 : memref<!tpu.dma_semaphore, #tpu.memory_space<semaphore_mem>>) {add = true}
        %dma_wait3A_2771 = arith.constant 0 : i32
        %dma_wait3A_2772 = arith.constant 0 : i32
        %dma_wait3A_2773 = tpu.memref_slice %arg8[%dma_wait3A_2771, %dma_wait3A_2772] : memref<1280x64xf32, #tpu.memory_space<vmem>> -> memref<128x64xf32, #tpu.memory_space<vmem>>
        %dma_wait3A_2774 = arith.constant 0 : i32
        %dma_wait3A_2775 = tpu.memref_slice %arg7[%run_scoped3A, %dma_wait3A_2774] : memref<10x128xi32, #tpu.memory_space<vmem>> -> memref<1x128xi32, #tpu.memory_space<vmem>>
        %dma_wait3A_2776 = tpu.memref_squeeze %dma_wait3A_2775 : memref<1x128xi32, #tpu.memory_space<vmem>> -> memref<128xi32, #tpu.memory_space<vmem>>
        %dma_wait3A_2777 = arith.constant 0 : i32
        %dma_wait3A_2778 = arith.constant 0 : i32
        %dma_wait3A_2779 = tpu.memref_slice %arg10[%dma_wait3A_2777, %dma_wait3A_2778] : memref<1024x64xf32, #tpu.memory_space<vmem_shared>> -> memref<1024x64xf32, #tpu.memory_space<vmem_shared>>
        tpu.wait_indirect_dma semaphore(%run_scoped3A_2761 : memref<!tpu.dma_semaphore, #tpu.memory_space<semaphore_mem>>) src(%dma_wait3A_2773 : memref<128x64xf32, #tpu.memory_space<vmem>>) dst(%dma_wait3A_2779 : memref<1024x64xf32, #tpu.memory_space<vmem_shared>>)
        tpu.yield
      }) : () -> ()
      %run_scoped3A_2749 = arith.constant 1 : i32
      "tpu.region"() ({
        %run_scoped3A_2761 = tpu.sem_alloc : memref<!tpu.dma_semaphore, #tpu.memory_space<semaphore_mem>>
        %dma_start3A_2762 = arith.constant 128 : i32
        %dma_start3A_2763 = arith.constant 0 : i32
        %dma_start3A_2764 = tpu.memref_slice %arg8[%dma_start3A_2762, %dma_start3A_2763] : memref<1280x64xf32, #tpu.memory_space<vmem>> -> memref<128x64xf32, #tpu.memory_space<vmem>>
        %dma_start3A_2765 = arith.constant 0 : i32
        %dma_start3A_2766 = tpu.memref_slice %arg7[%run_scoped3A_2749, %dma_start3A_2765] : memref<10x128xi32, #tpu.memory_space<vmem>> -> memref<1x128xi32, #tpu.memory_space<vmem>>
        %dma_start3A_2767 = tpu.memref_squeeze %dma_start3A_2766 : memref<1x128xi32, #tpu.memory_space<vmem>> -> memref<128xi32, #tpu.memory_space<vmem>>
        %dma_start3A_2768 = arith.constant 0 : i32
        %dma_start3A_2769 = arith.constant 0 : i32
        %dma_start3A_2770 = tpu.memref_slice %arg10[%dma_start3A_2768, %dma_start3A_2769] : memref<1024x64xf32, #tpu.memory_space<vmem_shared>> -> memref<1024x64xf32, #tpu.memory_space<vmem_shared>>
        tpu.enqueue_indirect_dma source(%dma_start3A_2764 : memref<128x64xf32, #tpu.memory_space<vmem>>) target(%dma_start3A_2770 : memref<1024x64xf32, #tpu.memory_space<vmem_shared>>) offsets(%dma_start3A_2767 : memref<128xi32, #tpu.memory_space<vmem>>) semaphore(%run_scoped3A_2761 : memref<!tpu.dma_semaphore, #tpu.memory_space<semaphore_mem>>) {add = true}
        %dma_wait3A_2771 = arith.constant 128 : i32
        %dma_wait3A_2772 = arith.constant 0 : i32
        %dma_wait3A_2773 = tpu.memref_slice %arg8[%dma_wait3A_2771, %dma_wait3A_2772] : memref<1280x64xf32, #tpu.memory_space<vmem>> -> memref<128x64xf32, #tpu.memory_space<vmem>>
        %dma_wait3A_2774 = arith.constant 0 : i32
        %dma_wait3A_2775 = tpu.memref_slice %arg7[%run_scoped3A_2749, %dma_wait3A_2774] : memref<10x128xi32, #tpu.memory_space<vmem>> -> memref<1x128xi32, #tpu.memory_space<vmem>>
        %dma_wait3A_2776 = tpu.memref_squeeze %dma_wait3A_2775 : memref<1x128xi32, #tpu.memory_space<vmem>> -> memref<128xi32, #tpu.memory_space<vmem>>
        %dma_wait3A_2777 = arith.constant 0 : i32
        %dma_wait3A_2778 = arith.constant 0 : i32
        %dma_wait3A_2779 = tpu.memref_slice %arg10[%dma_wait3A_2777, %dma_wait3A_2778] : memref<1024x64xf32, #tpu.memory_space<vmem_shared>> -> memref<1024x64xf32, #tpu.memory_space<vmem_shared>>
        tpu.wait_indirect_dma semaphore(%run_scoped3A_2761 : memref<!tpu.dma_semaphore, #tpu.memory_space<semaphore_mem>>) src(%dma_wait3A_2773 : memref<128x64xf32, #tpu.memory_space<vmem>>) dst(%dma_wait3A_2779 : memref<1024x64xf32, #tpu.memory_space<vmem_shared>>)
        tpu.yield
      }) : () -> ()
      %run_scoped3A_2750 = arith.constant 2 : i32
      "tpu.region"() ({
        %run_scoped3A_2761 = tpu.sem_alloc : memref<!tpu.dma_semaphore, #tpu.memory_space<semaphore_mem>>
        %dma_start3A_2762 = arith.constant 256 : i32
        %dma_start3A_2763 = arith.constant 0 : i32
        %dma_start3A_2764 = tpu.memref_slice %arg8[%dma_start3A_2762, %dma_start3A_2763] : memref<1280x64xf32, #tpu.memory_space<vmem>> -> memref<128x64xf32, #tpu.memory_space<vmem>>
        %dma_start3A_2765 = arith.constant 0 : i32
        %dma_start3A_2766 = tpu.memref_slice %arg7[%run_scoped3A_2750, %dma_start3A_2765] : memref<10x128xi32, #tpu.memory_space<vmem>> -> memref<1x128xi32, #tpu.memory_space<vmem>>
        %dma_start3A_2767 = tpu.memref_squeeze %dma_start3A_2766 : memref<1x128xi32, #tpu.memory_space<vmem>> -> memref<128xi32, #tpu.memory_space<vmem>>
        %dma_start3A_2768 = arith.constant 0 : i32
        %dma_start3A_2769 = arith.constant 0 : i32
        %dma_start3A_2770 = tpu.memref_slice %arg10[%dma_start3A_2768, %dma_start3A_2769] : memref<1024x64xf32, #tpu.memory_space<vmem_shared>> -> memref<1024x64xf32, #tpu.memory_space<vmem_shared>>
        tpu.enqueue_indirect_dma source(%dma_start3A_2764 : memref<128x64xf32, #tpu.memory_space<vmem>>) target(%dma_start3A_2770 : memref<1024x64xf32, #tpu.memory_space<vmem_shared>>) offsets(%dma_start3A_2767 : memref<128xi32, #tpu.memory_space<vmem>>) semaphore(%run_scoped3A_2761 : memref<!tpu.dma_semaphore, #tpu.memory_space<semaphore_mem>>) {add = true}
        %dma_wait3A_2771 = arith.constant 256 : i32
        %dma_wait3A_2772 = arith.constant 0 : i32
        %dma_wait3A_2773 = tpu.memref_slice %arg8[%dma_wait3A_2771, %dma_wait3A_2772] : memref<1280x64xf32, #tpu.memory_space<vmem>> -> memref<128x64xf32, #tpu.memory_space<vmem>>
        %dma_wait3A_2774 = arith.constant 0 : i32
        %dma_wait3A_2775 = tpu.memref_slice %arg7[%run_scoped3A_2750, %dma_wait3A_2774] : memref<10x128xi32, #tpu.memory_space<vmem>> -> memref<1x128xi32, #tpu.memory_space<vmem>>
        %dma_wait3A_2776 = tpu.memref_squeeze %dma_wait3A_2775 : memref<1x128xi32, #tpu.memory_space<vmem>> -> memref<128xi32, #tpu.memory_space<vmem>>
        %dma_wait3A_2777 = arith.constant 0 : i32
        %dma_wait3A_2778 = arith.constant 0 : i32
        %dma_wait3A_2779 = tpu.memref_slice %arg10[%dma_wait3A_2777, %dma_wait3A_2778] : memref<1024x64xf32, #tpu.memory_space<vmem_shared>> -> memref<1024x64xf32, #tpu.memory_space<vmem_shared>>
        tpu.wait_indirect_dma semaphore(%run_scoped3A_2761 : memref<!tpu.dma_semaphore, #tpu.memory_space<semaphore_mem>>) src(%dma_wait3A_2773 : memref<128x64xf32, #tpu.memory_space<vmem>>) dst(%dma_wait3A_2779 : memref<1024x64xf32, #tpu.memory_space<vmem_shared>>)
        tpu.yield
      }) : () -> ()
      %run_scoped3A_2751 = arith.constant 3 : i32
      "tpu.region"() ({
        %run_scoped3A_2761 = tpu.sem_alloc : memref<!tpu.dma_semaphore, #tpu.memory_space<semaphore_mem>>
        %dma_start3A_2762 = arith.constant 384 : i32
        %dma_start3A_2763 = arith.constant 0 : i32
        %dma_start3A_2764 = tpu.memref_slice %arg8[%dma_start3A_2762, %dma_start3A_2763] : memref<1280x64xf32, #tpu.memory_space<vmem>> -> memref<128x64xf32, #tpu.memory_space<vmem>>
        %dma_start3A_2765 = arith.constant 0 : i32
        %dma_start3A_2766 = tpu.memref_slice %arg7[%run_scoped3A_2751, %dma_start3A_2765] : memref<10x128xi32, #tpu.memory_space<vmem>> -> memref<1x128xi32, #tpu.memory_space<vmem>>
        %dma_start3A_2767 = tpu.memref_squeeze %dma_start3A_2766 : memref<1x128xi32, #tpu.memory_space<vmem>> -> memref<128xi32, #tpu.memory_space<vmem>>
        %dma_start3A_2768 = arith.constant 0 : i32
        %dma_start3A_2769 = arith.constant 0 : i32
        %dma_start3A_2770 = tpu.memref_slice %arg10[%dma_start3A_2768, %dma_start3A_2769] : memref<1024x64xf32, #tpu.memory_space<vmem_shared>> -> memref<1024x64xf32, #tpu.memory_space<vmem_shared>>
        tpu.enqueue_indirect_dma source(%dma_start3A_2764 : memref<128x64xf32, #tpu.memory_space<vmem>>) target(%dma_start3A_2770 : memref<1024x64xf32, #tpu.memory_space<vmem_shared>>) offsets(%dma_start3A_2767 : memref<128xi32, #tpu.memory_space<vmem>>) semaphore(%run_scoped3A_2761 : memref<!tpu.dma_semaphore, #tpu.memory_space<semaphore_mem>>) {add = true}
        %dma_wait3A_2771 = arith.constant 384 : i32
        %dma_wait3A_2772 = arith.constant 0 : i32
        %dma_wait3A_2773 = tpu.memref_slice %arg8[%dma_wait3A_2771, %dma_wait3A_2772] : memref<1280x64xf32, #tpu.memory_space<vmem>> -> memref<128x64xf32, #tpu.memory_space<vmem>>
        %dma_wait3A_2774 = arith.constant 0 : i32
        %dma_wait3A_2775 = tpu.memref_slice %arg7[%run_scoped3A_2751, %dma_wait3A_2774] : memref<10x128xi32, #tpu.memory_space<vmem>> -> memref<1x128xi32, #tpu.memory_space<vmem>>
        %dma_wait3A_2776 = tpu.memref_squeeze %dma_wait3A_2775 : memref<1x128xi32, #tpu.memory_space<vmem>> -> memref<128xi32, #tpu.memory_space<vmem>>
        %dma_wait3A_2777 = arith.constant 0 : i32
        %dma_wait3A_2778 = arith.constant 0 : i32
        %dma_wait3A_2779 = tpu.memref_slice %arg10[%dma_wait3A_2777, %dma_wait3A_2778] : memref<1024x64xf32, #tpu.memory_space<vmem_shared>> -> memref<1024x64xf32, #tpu.memory_space<vmem_shared>>
        tpu.wait_indirect_dma semaphore(%run_scoped3A_2761 : memref<!tpu.dma_semaphore, #tpu.memory_space<semaphore_mem>>) src(%dma_wait3A_2773 : memref<128x64xf32, #tpu.memory_space<vmem>>) dst(%dma_wait3A_2779 : memref<1024x64xf32, #tpu.memory_space<vmem_shared>>)
        tpu.yield
      }) : () -> ()
      %run_scoped3A_2752 = arith.constant 4 : i32
      "tpu.region"() ({
        %run_scoped3A_2761 = tpu.sem_alloc : memref<!tpu.dma_semaphore, #tpu.memory_space<semaphore_mem>>
        %dma_start3A_2762 = arith.constant 512 : i32
        %dma_start3A_2763 = arith.constant 0 : i32
        %dma_start3A_2764 = tpu.memref_slice %arg8[%dma_start3A_2762, %dma_start3A_2763] : memref<1280x64xf32, #tpu.memory_space<vmem>> -> memref<128x64xf32, #tpu.memory_space<vmem>>
        %dma_start3A_2765 = arith.constant 0 : i32
        %dma_start3A_2766 = tpu.memref_slice %arg7[%run_scoped3A_2752, %dma_start3A_2765] : memref<10x128xi32, #tpu.memory_space<vmem>> -> memref<1x128xi32, #tpu.memory_space<vmem>>
        %dma_start3A_2767 = tpu.memref_squeeze %dma_start3A_2766 : memref<1x128xi32, #tpu.memory_space<vmem>> -> memref<128xi32, #tpu.memory_space<vmem>>
        %dma_start3A_2768 = arith.constant 0 : i32
        %dma_start3A_2769 = arith.constant 0 : i32
        %dma_start3A_2770 = tpu.memref_slice %arg10[%dma_start3A_2768, %dma_start3A_2769] : memref<1024x64xf32, #tpu.memory_space<vmem_shared>> -> memref<1024x64xf32, #tpu.memory_space<vmem_shared>>
        tpu.enqueue_indirect_dma source(%dma_start3A_2764 : memref<128x64xf32, #tpu.memory_space<vmem>>) target(%dma_start3A_2770 : memref<1024x64xf32, #tpu.memory_space<vmem_shared>>) offsets(%dma_start3A_2767 : memref<128xi32, #tpu.memory_space<vmem>>) semaphore(%run_scoped3A_2761 : memref<!tpu.dma_semaphore, #tpu.memory_space<semaphore_mem>>) {add = true}
        %dma_wait3A_2771 = arith.constant 512 : i32
        %dma_wait3A_2772 = arith.constant 0 : i32
        %dma_wait3A_2773 = tpu.memref_slice %arg8[%dma_wait3A_2771, %dma_wait3A_2772] : memref<1280x64xf32, #tpu.memory_space<vmem>> -> memref<128x64xf32, #tpu.memory_space<vmem>>
        %dma_wait3A_2774 = arith.constant 0 : i32
        %dma_wait3A_2775 = tpu.memref_slice %arg7[%run_scoped3A_2752, %dma_wait3A_2774] : memref<10x128xi32, #tpu.memory_space<vmem>> -> memref<1x128xi32, #tpu.memory_space<vmem>>
        %dma_wait3A_2776 = tpu.memref_squeeze %dma_wait3A_2775 : memref<1x128xi32, #tpu.memory_space<vmem>> -> memref<128xi32, #tpu.memory_space<vmem>>
        %dma_wait3A_2777 = arith.constant 0 : i32
        %dma_wait3A_2778 = arith.constant 0 : i32
        %dma_wait3A_2779 = tpu.memref_slice %arg10[%dma_wait3A_2777, %dma_wait3A_2778] : memref<1024x64xf32, #tpu.memory_space<vmem_shared>> -> memref<1024x64xf32, #tpu.memory_space<vmem_shared>>
        tpu.wait_indirect_dma semaphore(%run_scoped3A_2761 : memref<!tpu.dma_semaphore, #tpu.memory_space<semaphore_mem>>) src(%dma_wait3A_2773 : memref<128x64xf32, #tpu.memory_space<vmem>>) dst(%dma_wait3A_2779 : memref<1024x64xf32, #tpu.memory_space<vmem_shared>>)
        tpu.yield
      }) : () -> ()
      %run_scoped3A_2753 = arith.constant 5 : i32
      "tpu.region"() ({
        %run_scoped3A_2761 = tpu.sem_alloc : memref<!tpu.dma_semaphore, #tpu.memory_space<semaphore_mem>>
        %dma_start3A_2762 = arith.constant 640 : i32
        %dma_start3A_2763 = arith.constant 0 : i32
        %dma_start3A_2764 = tpu.memref_slice %arg8[%dma_start3A_2762, %dma_start3A_2763] : memref<1280x64xf32, #tpu.memory_space<vmem>> -> memref<128x64xf32, #tpu.memory_space<vmem>>
        %dma_start3A_2765 = arith.constant 0 : i32
        %dma_start3A_2766 = tpu.memref_slice %arg7[%run_scoped3A_2753, %dma_start3A_2765] : memref<10x128xi32, #tpu.memory_space<vmem>> -> memref<1x128xi32, #tpu.memory_space<vmem>>
        %dma_start3A_2767 = tpu.memref_squeeze %dma_start3A_2766 : memref<1x128xi32, #tpu.memory_space<vmem>> -> memref<128xi32, #tpu.memory_space<vmem>>
        %dma_start3A_2768 = arith.constant 0 : i32
        %dma_start3A_2769 = arith.constant 0 : i32
        %dma_start3A_2770 = tpu.memref_slice %arg10[%dma_start3A_2768, %dma_start3A_2769] : memref<1024x64xf32, #tpu.memory_space<vmem_shared>> -> memref<1024x64xf32, #tpu.memory_space<vmem_shared>>
        tpu.enqueue_indirect_dma source(%dma_start3A_2764 : memref<128x64xf32, #tpu.memory_space<vmem>>) target(%dma_start3A_2770 : memref<1024x64xf32, #tpu.memory_space<vmem_shared>>) offsets(%dma_start3A_2767 : memref<128xi32, #tpu.memory_space<vmem>>) semaphore(%run_scoped3A_2761 : memref<!tpu.dma_semaphore, #tpu.memory_space<semaphore_mem>>) {add = true}
        %dma_wait3A_2771 = arith.constant 640 : i32
        %dma_wait3A_2772 = arith.constant 0 : i32
        %dma_wait3A_2773 = tpu.memref_slice %arg8[%dma_wait3A_2771, %dma_wait3A_2772] : memref<1280x64xf32, #tpu.memory_space<vmem>> -> memref<128x64xf32, #tpu.memory_space<vmem>>
        %dma_wait3A_2774 = arith.constant 0 : i32
        %dma_wait3A_2775 = tpu.memref_slice %arg7[%run_scoped3A_2753, %dma_wait3A_2774] : memref<10x128xi32, #tpu.memory_space<vmem>> -> memref<1x128xi32, #tpu.memory_space<vmem>>
        %dma_wait3A_2776 = tpu.memref_squeeze %dma_wait3A_2775 : memref<1x128xi32, #tpu.memory_space<vmem>> -> memref<128xi32, #tpu.memory_space<vmem>>
        %dma_wait3A_2777 = arith.constant 0 : i32
        %dma_wait3A_2778 = arith.constant 0 : i32
        %dma_wait3A_2779 = tpu.memref_slice %arg10[%dma_wait3A_2777, %dma_wait3A_2778] : memref<1024x64xf32, #tpu.memory_space<vmem_shared>> -> memref<1024x64xf32, #tpu.memory_space<vmem_shared>>
        tpu.wait_indirect_dma semaphore(%run_scoped3A_2761 : memref<!tpu.dma_semaphore, #tpu.memory_space<semaphore_mem>>) src(%dma_wait3A_2773 : memref<128x64xf32, #tpu.memory_space<vmem>>) dst(%dma_wait3A_2779 : memref<1024x64xf32, #tpu.memory_space<vmem_shared>>)
        tpu.yield
      }) : () -> ()
      %run_scoped3A_2754 = arith.constant 6 : i32
      "tpu.region"() ({
        %run_scoped3A_2761 = tpu.sem_alloc : memref<!tpu.dma_semaphore, #tpu.memory_space<semaphore_mem>>
        %dma_start3A_2762 = arith.constant 768 : i32
        %dma_start3A_2763 = arith.constant 0 : i32
        %dma_start3A_2764 = tpu.memref_slice %arg8[%dma_start3A_2762, %dma_start3A_2763] : memref<1280x64xf32, #tpu.memory_space<vmem>> -> memref<128x64xf32, #tpu.memory_space<vmem>>
        %dma_start3A_2765 = arith.constant 0 : i32
        %dma_start3A_2766 = tpu.memref_slice %arg7[%run_scoped3A_2754, %dma_start3A_2765] : memref<10x128xi32, #tpu.memory_space<vmem>> -> memref<1x128xi32, #tpu.memory_space<vmem>>
        %dma_start3A_2767 = tpu.memref_squeeze %dma_start3A_2766 : memref<1x128xi32, #tpu.memory_space<vmem>> -> memref<128xi32, #tpu.memory_space<vmem>>
        %dma_start3A_2768 = arith.constant 0 : i32
        %dma_start3A_2769 = arith.constant 0 : i32
        %dma_start3A_2770 = tpu.memref_slice %arg10[%dma_start3A_2768, %dma_start3A_2769] : memref<1024x64xf32, #tpu.memory_space<vmem_shared>> -> memref<1024x64xf32, #tpu.memory_space<vmem_shared>>
        tpu.enqueue_indirect_dma source(%dma_start3A_2764 : memref<128x64xf32, #tpu.memory_space<vmem>>) target(%dma_start3A_2770 : memref<1024x64xf32, #tpu.memory_space<vmem_shared>>) offsets(%dma_start3A_2767 : memref<128xi32, #tpu.memory_space<vmem>>) semaphore(%run_scoped3A_2761 : memref<!tpu.dma_semaphore, #tpu.memory_space<semaphore_mem>>) {add = true}
        %dma_wait3A_2771 = arith.constant 768 : i32
        %dma_wait3A_2772 = arith.constant 0 : i32
        %dma_wait3A_2773 = tpu.memref_slice %arg8[%dma_wait3A_2771, %dma_wait3A_2772] : memref<1280x64xf32, #tpu.memory_space<vmem>> -> memref<128x64xf32, #tpu.memory_space<vmem>>
        %dma_wait3A_2774 = arith.constant 0 : i32
        %dma_wait3A_2775 = tpu.memref_slice %arg7[%run_scoped3A_2754, %dma_wait3A_2774] : memref<10x128xi32, #tpu.memory_space<vmem>> -> memref<1x128xi32, #tpu.memory_space<vmem>>
        %dma_wait3A_2776 = tpu.memref_squeeze %dma_wait3A_2775 : memref<1x128xi32, #tpu.memory_space<vmem>> -> memref<128xi32, #tpu.memory_space<vmem>>
        %dma_wait3A_2777 = arith.constant 0 : i32
        %dma_wait3A_2778 = arith.constant 0 : i32
        %dma_wait3A_2779 = tpu.memref_slice %arg10[%dma_wait3A_2777, %dma_wait3A_2778] : memref<1024x64xf32, #tpu.memory_space<vmem_shared>> -> memref<1024x64xf32, #tpu.memory_space<vmem_shared>>
        tpu.wait_indirect_dma semaphore(%run_scoped3A_2761 : memref<!tpu.dma_semaphore, #tpu.memory_space<semaphore_mem>>) src(%dma_wait3A_2773 : memref<128x64xf32, #tpu.memory_space<vmem>>) dst(%dma_wait3A_2779 : memref<1024x64xf32, #tpu.memory_space<vmem_shared>>)
        tpu.yield
      }) : () -> ()
      %run_scoped3A_2755 = arith.constant 7 : i32
      "tpu.region"() ({
        %run_scoped3A_2761 = tpu.sem_alloc : memref<!tpu.dma_semaphore, #tpu.memory_space<semaphore_mem>>
        %dma_start3A_2762 = arith.constant 896 : i32
        %dma_start3A_2763 = arith.constant 0 : i32
        %dma_start3A_2764 = tpu.memref_slice %arg8[%dma_start3A_2762, %dma_start3A_2763] : memref<1280x64xf32, #tpu.memory_space<vmem>> -> memref<128x64xf32, #tpu.memory_space<vmem>>
        %dma_start3A_2765 = arith.constant 0 : i32
        %dma_start3A_2766 = tpu.memref_slice %arg7[%run_scoped3A_2755, %dma_start3A_2765] : memref<10x128xi32, #tpu.memory_space<vmem>> -> memref<1x128xi32, #tpu.memory_space<vmem>>
        %dma_start3A_2767 = tpu.memref_squeeze %dma_start3A_2766 : memref<1x128xi32, #tpu.memory_space<vmem>> -> memref<128xi32, #tpu.memory_space<vmem>>
        %dma_start3A_2768 = arith.constant 0 : i32
        %dma_start3A_2769 = arith.constant 0 : i32
        %dma_start3A_2770 = tpu.memref_slice %arg10[%dma_start3A_2768, %dma_start3A_2769] : memref<1024x64xf32, #tpu.memory_space<vmem_shared>> -> memref<1024x64xf32, #tpu.memory_space<vmem_shared>>
        tpu.enqueue_indirect_dma source(%dma_start3A_2764 : memref<128x64xf32, #tpu.memory_space<vmem>>) target(%dma_start3A_2770 : memref<1024x64xf32, #tpu.memory_space<vmem_shared>>) offsets(%dma_start3A_2767 : memref<128xi32, #tpu.memory_space<vmem>>) semaphore(%run_scoped3A_2761 : memref<!tpu.dma_semaphore, #tpu.memory_space<semaphore_mem>>) {add = true}
        %dma_wait3A_2771 = arith.constant 896 : i32
        %dma_wait3A_2772 = arith.constant 0 : i32
        %dma_wait3A_2773 = tpu.memref_slice %arg8[%dma_wait3A_2771, %dma_wait3A_2772] : memref<1280x64xf32, #tpu.memory_space<vmem>> -> memref<128x64xf32, #tpu.memory_space<vmem>>
        %dma_wait3A_2774 = arith.constant 0 : i32
        %dma_wait3A_2775 = tpu.memref_slice %arg7[%run_scoped3A_2755, %dma_wait3A_2774] : memref<10x128xi32, #tpu.memory_space<vmem>> -> memref<1x128xi32, #tpu.memory_space<vmem>>
        %dma_wait3A_2776 = tpu.memref_squeeze %dma_wait3A_2775 : memref<1x128xi32, #tpu.memory_space<vmem>> -> memref<128xi32, #tpu.memory_space<vmem>>
        %dma_wait3A_2777 = arith.constant 0 : i32
        %dma_wait3A_2778 = arith.constant 0 : i32
        %dma_wait3A_2779 = tpu.memref_slice %arg10[%dma_wait3A_2777, %dma_wait3A_2778] : memref<1024x64xf32, #tpu.memory_space<vmem_shared>> -> memref<1024x64xf32, #tpu.memory_space<vmem_shared>>
        tpu.wait_indirect_dma semaphore(%run_scoped3A_2761 : memref<!tpu.dma_semaphore, #tpu.memory_space<semaphore_mem>>) src(%dma_wait3A_2773 : memref<128x64xf32, #tpu.memory_space<vmem>>) dst(%dma_wait3A_2779 : memref<1024x64xf32, #tpu.memory_space<vmem_shared>>)
        tpu.yield
      }) : () -> ()
      %run_scoped3A_2756 = arith.constant 8 : i32
      "tpu.region"() ({
        %run_scoped3A_2761 = tpu.sem_alloc : memref<!tpu.dma_semaphore, #tpu.memory_space<semaphore_mem>>
        %dma_start3A_2762 = arith.constant 1024 : i32
        %dma_start3A_2763 = arith.constant 0 : i32
        %dma_start3A_2764 = tpu.memref_slice %arg8[%dma_start3A_2762, %dma_start3A_2763] : memref<1280x64xf32, #tpu.memory_space<vmem>> -> memref<128x64xf32, #tpu.memory_space<vmem>>
        %dma_start3A_2765 = arith.constant 0 : i32
        %dma_start3A_2766 = tpu.memref_slice %arg7[%run_scoped3A_2756, %dma_start3A_2765] : memref<10x128xi32, #tpu.memory_space<vmem>> -> memref<1x128xi32, #tpu.memory_space<vmem>>
        %dma_start3A_2767 = tpu.memref_squeeze %dma_start3A_2766 : memref<1x128xi32, #tpu.memory_space<vmem>> -> memref<128xi32, #tpu.memory_space<vmem>>
        %dma_start3A_2768 = arith.constant 0 : i32
        %dma_start3A_2769 = arith.constant 0 : i32
        %dma_start3A_2770 = tpu.memref_slice %arg10[%dma_start3A_2768, %dma_start3A_2769] : memref<1024x64xf32, #tpu.memory_space<vmem_shared>> -> memref<1024x64xf32, #tpu.memory_space<vmem_shared>>
        tpu.enqueue_indirect_dma source(%dma_start3A_2764 : memref<128x64xf32, #tpu.memory_space<vmem>>) target(%dma_start3A_2770 : memref<1024x64xf32, #tpu.memory_space<vmem_shared>>) offsets(%dma_start3A_2767 : memref<128xi32, #tpu.memory_space<vmem>>) semaphore(%run_scoped3A_2761 : memref<!tpu.dma_semaphore, #tpu.memory_space<semaphore_mem>>) {add = true}
        %dma_wait3A_2771 = arith.constant 1024 : i32
        %dma_wait3A_2772 = arith.constant 0 : i32
        %dma_wait3A_2773 = tpu.memref_slice %arg8[%dma_wait3A_2771, %dma_wait3A_2772] : memref<1280x64xf32, #tpu.memory_space<vmem>> -> memref<128x64xf32, #tpu.memory_space<vmem>>
        %dma_wait3A_2774 = arith.constant 0 : i32
        %dma_wait3A_2775 = tpu.memref_slice %arg7[%run_scoped3A_2756, %dma_wait3A_2774] : memref<10x128xi32, #tpu.memory_space<vmem>> -> memref<1x128xi32, #tpu.memory_space<vmem>>
        %dma_wait3A_2776 = tpu.memref_squeeze %dma_wait3A_2775 : memref<1x128xi32, #tpu.memory_space<vmem>> -> memref<128xi32, #tpu.memory_space<vmem>>
        %dma_wait3A_2777 = arith.constant 0 : i32
        %dma_wait3A_2778 = arith.constant 0 : i32
        %dma_wait3A_2779 = tpu.memref_slice %arg10[%dma_wait3A_2777, %dma_wait3A_2778] : memref<1024x64xf32, #tpu.memory_space<vmem_shared>> -> memref<1024x64xf32, #tpu.memory_space<vmem_shared>>
        tpu.wait_indirect_dma semaphore(%run_scoped3A_2761 : memref<!tpu.dma_semaphore, #tpu.memory_space<semaphore_mem>>) src(%dma_wait3A_2773 : memref<128x64xf32, #tpu.memory_space<vmem>>) dst(%dma_wait3A_2779 : memref<1024x64xf32, #tpu.memory_space<vmem_shared>>)
        tpu.yield
      }) : () -> ()
      %run_scoped3A_2757 = arith.constant 9 : i32
      "tpu.region"() ({
        %run_scoped3A_2761 = tpu.sem_alloc : memref<!tpu.dma_semaphore, #tpu.memory_space<semaphore_mem>>
        %dma_start3A_2762 = arith.constant 1152 : i32
        %dma_start3A_2763 = arith.constant 0 : i32
        %dma_start3A_2764 = tpu.memref_slice %arg8[%dma_start3A_2762, %dma_start3A_2763] : memref<1280x64xf32, #tpu.memory_space<vmem>> -> memref<128x64xf32, #tpu.memory_space<vmem>>
        %dma_start3A_2765 = arith.constant 0 : i32
        %dma_start3A_2766 = tpu.memref_slice %arg7[%run_scoped3A_2757, %dma_start3A_2765] : memref<10x128xi32, #tpu.memory_space<vmem>> -> memref<1x128xi32, #tpu.memory_space<vmem>>
        %dma_start3A_2767 = tpu.memref_squeeze %dma_start3A_2766 : memref<1x128xi32, #tpu.memory_space<vmem>> -> memref<128xi32, #tpu.memory_space<vmem>>
        %dma_start3A_2768 = arith.constant 0 : i32
        %dma_start3A_2769 = arith.constant 0 : i32
        %dma_start3A_2770 = tpu.memref_slice %arg10[%dma_start3A_2768, %dma_start3A_2769] : memref<1024x64xf32, #tpu.memory_space<vmem_shared>> -> memref<1024x64xf32, #tpu.memory_space<vmem_shared>>
        tpu.enqueue_indirect_dma source(%dma_start3A_2764 : memref<128x64xf32, #tpu.memory_space<vmem>>) target(%dma_start3A_2770 : memref<1024x64xf32, #tpu.memory_space<vmem_shared>>) offsets(%dma_start3A_2767 : memref<128xi32, #tpu.memory_space<vmem>>) semaphore(%run_scoped3A_2761 : memref<!tpu.dma_semaphore, #tpu.memory_space<semaphore_mem>>) {add = true}
        %dma_wait3A_2771 = arith.constant 1152 : i32
        %dma_wait3A_2772 = arith.constant 0 : i32
        %dma_wait3A_2773 = tpu.memref_slice %arg8[%dma_wait3A_2771, %dma_wait3A_2772] : memref<1280x64xf32, #tpu.memory_space<vmem>> -> memref<128x64xf32, #tpu.memory_space<vmem>>
        %dma_wait3A_2774 = arith.constant 0 : i32
        %dma_wait3A_2775 = tpu.memref_slice %arg7[%run_scoped3A_2757, %dma_wait3A_2774] : memref<10x128xi32, #tpu.memory_space<vmem>> -> memref<1x128xi32, #tpu.memory_space<vmem>>
        %dma_wait3A_2776 = tpu.memref_squeeze %dma_wait3A_2775 : memref<1x128xi32, #tpu.memory_space<vmem>> -> memref<128xi32, #tpu.memory_space<vmem>>
        %dma_wait3A_2777 = arith.constant 0 : i32
        %dma_wait3A_2778 = arith.constant 0 : i32
        %dma_wait3A_2779 = tpu.memref_slice %arg10[%dma_wait3A_2777, %dma_wait3A_2778] : memref<1024x64xf32, #tpu.memory_space<vmem_shared>> -> memref<1024x64xf32, #tpu.memory_space<vmem_shared>>
        tpu.wait_indirect_dma semaphore(%run_scoped3A_2761 : memref<!tpu.dma_semaphore, #tpu.memory_space<semaphore_mem>>) src(%dma_wait3A_2773 : memref<128x64xf32, #tpu.memory_space<vmem>>) dst(%dma_wait3A_2779 : memref<1024x64xf32, #tpu.memory_space<vmem_shared>>)
        tpu.yield
      }) : () -> ()
      %mul3A_2758 = arith.constant 64 : i32
      %mul3A_2759 = arith.muli %scan3A_2585, %mul3A_2758 : i32
      %add3A_2760 = arith.addi %mul3A_2, %mul3A_2759 : i32
      "tpu.region"() ({
        %run_scoped3A_2761 = tpu.sem_alloc : memref<!tpu.dma_semaphore, #tpu.memory_space<semaphore_mem>>
        %dma_start3A_2762 = arith.constant 0 : i32
        %dma_start3A_2763 = tpu.memref_slice %arg5[%add3A_2760, %dma_start3A_2762] : memref<16384x128xf32, #tpu.memory_space<hbm>> -> memref<64x64xf32, #tpu.memory_space<hbm>>
        %dma_start3A_2764 = arith.constant 0 : i32
        %dma_start3A_2765 = tpu.memref_slice %arg10[%mul3A_4, %dma_start3A_2764] : memref<1024x64xf32, #tpu.memory_space<vmem_shared>> -> memref<64x64xf32, #tpu.memory_space<vmem_shared>>
        tpu.enqueue_dma source(%dma_start3A_2765 : memref<64x64xf32, #tpu.memory_space<vmem_shared>>) target(%dma_start3A_2763 : memref<64x64xf32, #tpu.memory_space<hbm>>) target_semaphore(%run_scoped3A_2761 : memref<!tpu.dma_semaphore, #tpu.memory_space<semaphore_mem>>)
        %dma_wait3A_2766 = arith.constant 0 : i32
        %dma_wait3A_2767 = tpu.memref_slice %arg5[%add3A_2760, %dma_wait3A_2766] : memref<16384x128xf32, #tpu.memory_space<hbm>> -> memref<64x64xf32, #tpu.memory_space<hbm>>
        %dma_wait3A_2768 = arith.constant 0 : i32
        %dma_wait3A_2769 = tpu.memref_slice %arg10[%mul3A_4, %dma_wait3A_2768] : memref<1024x64xf32, #tpu.memory_space<vmem_shared>> -> memref<64x64xf32, #tpu.memory_space<vmem_shared>>
        tpu.wait_dma2 semaphore(%run_scoped3A_2761 : memref<!tpu.dma_semaphore, #tpu.memory_space<semaphore_mem>>) src(%dma_wait3A_2769 : memref<64x64xf32, #tpu.memory_space<vmem_shared>>) dst(%dma_wait3A_2767 : memref<64x64xf32, #tpu.memory_space<hbm>>)
        tpu.yield
      }) : () -> ()
    }
    %scan3A_2584 = arith.constant 8 : i32
    return
  }
}

module attributes {stable_mosaic.version = 14 : i64} {
  func.func @body(%arg0: i32, %arg1: memref<64x1024xf32, #tpu.memory_space<vmem>>, %arg2: memref<64x1024xf32, #tpu.memory_space<vmem>>, %arg3: memref<131072xf32, #tpu.memory_space<vmem>>) attributes {dimension_semantics = [#tpu.dimension_semantics<arbitrary>], iteration_bounds = array<i64: 49>, scalar_prefetch = 0 : i64, scratch_operands = 0 : i64, tpu.core_type = #tpu.core_type<tc>, window_params = [{transform_indices = @transform_0, window_bounds = array<i64: 64, 1024>}, {transform_indices = @transform_1, window_bounds = array<i64: 64, 1024>}, {transform_indices = @transform_2, window_bounds = array<i64: 131072>}]} {
    %iota3A = tpu.iota {dimensions = array<i32: 0>} : vector<64x64xi32>
    %iota3A_0 = tpu.iota {dimensions = array<i32: 1>} : vector<64x64xi32>
    %eq3A = arith.cmpi eq, %iota3A, %iota3A_0 : vector<64x64xi32>
    %convert_element_type3A = arith.extui %eq3A : vector<64x64xi1> to vector<64x64xi32>
    %convert_element_type3A_1 = arith.sitofp %convert_element_type3A : vector<64x64xi32> to vector<64x64xf32>
    %get3A = arith.constant 0 : index
    %get3A_2 = arith.constant 0 : index
    %get3A_3 = vector.load %arg1[%get3A, %get3A_2] : memref<64x1024xf32, #tpu.memory_space<vmem>>, vector<64x1024xf32>
    %get3A_4 = arith.constant 0 : index
    %get3A_5 = arith.constant 0 : index
    %get3A_6 = vector.load %arg2[%get3A_4, %get3A_5] : memref<64x1024xf32, #tpu.memory_space<vmem>>, vector<64x1024xf32>
    %dot_general3A = arith.constant dense<0.000000e+00> : vector<1024x64xf32>
    %dot_general3A_7 = tpu.matmul %get3A_3, %convert_element_type3A_1, %dot_general3A {dimension_numbers = #tpu.dot_dimension_numbers<[0], [0], [1], [1], [0, 1, 1, 1], [], []>, transpose_lhs_hint = false} : vector<64x1024xf32>, vector<64x64xf32>, vector<1024x64xf32> -> vector<1024x64xf32>
    %dot_general3A_8 = arith.constant dense<0.000000e+00> : vector<1024x64xf32>
    %dot_general3A_9 = tpu.matmul %get3A_6, %convert_element_type3A_1, %dot_general3A_8 {dimension_numbers = #tpu.dot_dimension_numbers<[0], [0], [1], [1], [0, 1, 1, 1], [], []>, transpose_lhs_hint = false} : vector<64x1024xf32>, vector<64x64xf32>, vector<1024x64xf32> -> vector<1024x64xf32>
    %concatenate3A = tpu.concatenate %dot_general3A_7, %dot_general3A_9 in 1 : vector<1024x64xf32>, vector<1024x64xf32> -> vector<1024x128xf32>
    %reshape3A = vector.shape_cast %concatenate3A : vector<1024x128xf32> to vector<131072xf32>
    %swap3A = arith.constant 0 : index
    %swap3A_10 = vector.load %arg3[%swap3A] : memref<131072xf32, #tpu.memory_space<vmem>>, vector<131072xf32>
    tpu.vector_store %arg3[%swap3A], %reshape3A {strides = array<i32>} : memref<131072xf32, #tpu.memory_space<vmem>>, vector<131072xf32>,
    return
  }
  func.func @transform_0(%arg0: i32) -> (i32, i32) {
    %c0_i32 = arith.constant 0 : i32
    %c0_i32_0 = arith.constant 0 : i32
    return %c0_i32, %arg0 : i32, i32
  }
  func.func @transform_1(%arg0: i32) -> (i32, i32) {
    %add3A = arith.constant 49 : i32
    %add3A_0 = arith.addi %arg0, %add3A : i32
    %c0_i32 = arith.constant 0 : i32
    %c0_i32_1 = arith.constant 0 : i32
    return %c0_i32, %add3A_0 : i32, i32
  }
  func.func @transform_2(%arg0: i32) -> i32 {
    %c0_i32 = arith.constant 0 : i32
    return %arg0 : i32
  }
}

module attributes {stable_mosaic.version = 14 : i64} {
  func.func @body(%arg0: i32, %arg1: memref<64x1024xf32, #tpu.memory_space<vmem>>, %arg2: memref<64x1024xf32, #tpu.memory_space<vmem>>, %arg3: memref<64x1024xf32, #tpu.memory_space<vmem>>, %arg4: memref<64x1024xf32, #tpu.memory_space<vmem>>, %arg5: memref<131072xf32, #tpu.memory_space<vmem>>, %arg6: memref<131072xf32, #tpu.memory_space<vmem>>) attributes {dimension_semantics = [#tpu.dimension_semantics<arbitrary>], iteration_bounds = array<i64: 49>, scalar_prefetch = 0 : i64, scratch_operands = 0 : i64, tpu.core_type = #tpu.core_type<tc>, window_params = [{transform_indices = @transform_0, window_bounds = array<i64: 64, 1024>}, {transform_indices = @transform_1, window_bounds = array<i64: 64, 1024>}, {transform_indices = @transform_2, window_bounds = array<i64: 64, 1024>}, {transform_indices = @transform_3, window_bounds = array<i64: 64, 1024>}, {transform_indices = @transform_4, window_bounds = array<i64: 131072>}, {transform_indices = @transform_5, window_bounds = array<i64: 131072>}]} {
    %iota3A = tpu.iota {dimensions = array<i32: 0>} : vector<64x64xi32>
    %iota3A_0 = tpu.iota {dimensions = array<i32: 1>} : vector<64x64xi32>
    %eq3A = arith.cmpi eq, %iota3A, %iota3A_0 : vector<64x64xi32>
    %convert_element_type3A = arith.extui %eq3A : vector<64x64xi1> to vector<64x64xi32>
    %convert_element_type3A_1 = arith.sitofp %convert_element_type3A : vector<64x64xi32> to vector<64x64xf32>
    %get3A = arith.constant 0 : index
    %get3A_2 = arith.constant 0 : index
    %get3A_3 = vector.load %arg1[%get3A, %get3A_2] : memref<64x1024xf32, #tpu.memory_space<vmem>>, vector<64x1024xf32>
    %get3A_4 = arith.constant 0 : index
    %get3A_5 = arith.constant 0 : index
    %get3A_6 = vector.load %arg2[%get3A_4, %get3A_5] : memref<64x1024xf32, #tpu.memory_space<vmem>>, vector<64x1024xf32>
    %dot_general3A = arith.constant dense<0.000000e+00> : vector<1024x64xf32>
    %dot_general3A_7 = tpu.matmul %get3A_3, %convert_element_type3A_1, %dot_general3A {dimension_numbers = #tpu.dot_dimension_numbers<[0], [0], [1], [1], [0, 1, 1, 1], [], []>, transpose_lhs_hint = false} : vector<64x1024xf32>, vector<64x64xf32>, vector<1024x64xf32> -> vector<1024x64xf32>
    %dot_general3A_8 = arith.constant dense<0.000000e+00> : vector<1024x64xf32>
    %dot_general3A_9 = tpu.matmul %get3A_6, %convert_element_type3A_1, %dot_general3A_8 {dimension_numbers = #tpu.dot_dimension_numbers<[0], [0], [1], [1], [0, 1, 1, 1], [], []>, transpose_lhs_hint = false} : vector<64x1024xf32>, vector<64x64xf32>, vector<1024x64xf32> -> vector<1024x64xf32>
    %concatenate3A = tpu.concatenate %dot_general3A_7, %dot_general3A_9 in 1 : vector<1024x64xf32>, vector<1024x64xf32> -> vector<1024x128xf32>
    %reshape3A = vector.shape_cast %concatenate3A : vector<1024x128xf32> to vector<131072xf32>
    %swap3A = arith.constant 0 : index
    %swap3A_10 = vector.load %arg5[%swap3A] : memref<131072xf32, #tpu.memory_space<vmem>>, vector<131072xf32>
    tpu.vector_store %arg5[%swap3A], %reshape3A {strides = array<i32>} : memref<131072xf32, #tpu.memory_space<vmem>>, vector<131072xf32>,
    %get3A_11 = arith.constant 0 : index
    %get3A_12 = arith.constant 0 : index
    %get3A_13 = vector.load %arg3[%get3A_11, %get3A_12] : memref<64x1024xf32, #tpu.memory_space<vmem>>, vector<64x1024xf32>
    %get3A_14 = arith.constant 0 : index
    %get3A_15 = arith.constant 0 : index
    %get3A_16 = vector.load %arg4[%get3A_14, %get3A_15] : memref<64x1024xf32, #tpu.memory_space<vmem>>, vector<64x1024xf32>
    %dot_general3A_17 = arith.constant dense<0.000000e+00> : vector<1024x64xf32>
    %dot_general3A_18 = tpu.matmul %get3A_13, %convert_element_type3A_1, %dot_general3A_17 {dimension_numbers = #tpu.dot_dimension_numbers<[0], [0], [1], [1], [0, 1, 1, 1], [], []>, transpose_lhs_hint = false} : vector<64x1024xf32>, vector<64x64xf32>, vector<1024x64xf32> -> vector<1024x64xf32>
    %dot_general3A_19 = arith.constant dense<0.000000e+00> : vector<1024x64xf32>
    %dot_general3A_20 = tpu.matmul %get3A_16, %convert_element_type3A_1, %dot_general3A_19 {dimension_numbers = #tpu.dot_dimension_numbers<[0], [0], [1], [1], [0, 1, 1, 1], [], []>, transpose_lhs_hint = false} : vector<64x1024xf32>, vector<64x64xf32>, vector<1024x64xf32> -> vector<1024x64xf32>
    %concatenate3A_21 = tpu.concatenate %dot_general3A_18, %dot_general3A_20 in 1 : vector<1024x64xf32>, vector<1024x64xf32> -> vector<1024x128xf32>
    %reshape3A_22 = vector.shape_cast %concatenate3A_21 : vector<1024x128xf32> to vector<131072xf32>
    %swap3A_23 = arith.constant 0 : index
    %swap3A_24 = vector.load %arg6[%swap3A_23] : memref<131072xf32, #tpu.memory_space<vmem>>, vector<131072xf32>
    tpu.vector_store %arg6[%swap3A_23], %reshape3A_22 {strides = array<i32>} : memref<131072xf32, #tpu.memory_space<vmem>>, vector<131072xf32>,
    return
  }
  func.func @transform_0(%arg0: i32) -> (i32, i32) {
    %c0_i32 = arith.constant 0 : i32
    %c0_i32_0 = arith.constant 0 : i32
    return %c0_i32, %arg0 : i32, i32
  }
  func.func @transform_1(%arg0: i32) -> (i32, i32) {
    %add3A = arith.constant 49 : i32
    %add3A_0 = arith.addi %arg0, %add3A : i32
    %c0_i32 = arith.constant 0 : i32
    %c0_i32_1 = arith.constant 0 : i32
    return %c0_i32, %add3A_0 : i32, i32
  }
  func.func @transform_2(%arg0: i32) -> (i32, i32) {
    %c0_i32 = arith.constant 0 : i32
    %c0_i32_0 = arith.constant 0 : i32
    return %c0_i32, %arg0 : i32, i32
  }
  func.func @transform_3(%arg0: i32) -> (i32, i32) {
    %add3A = arith.constant 49 : i32
    %add3A_0 = arith.addi %arg0, %add3A : i32
    %c0_i32 = arith.constant 0 : i32
    %c0_i32_1 = arith.constant 0 : i32
    return %c0_i32, %add3A_0 : i32, i32
  }
  func.func @transform_4(%arg0: i32) -> i32 {
    %c0_i32 = arith.constant 0 : i32
    return %arg0 : i32
  }
  func.func @transform_5(%arg0: i32) -> i32 {
    %c0_i32 = arith.constant 0 : i32
    return %arg0 : i32
  }
}

module attributes {stable_mosaic.version = 14 : i64} {
  func.func @body(%arg0: i32, %arg1: memref<1024x128xf32, #tpu.memory_space<vmem>>, %arg2: memref<1024x128xf32, #tpu.memory_space<vmem>>, %arg3: memref<1024x128xf32, #tpu.memory_space<vmem>>, %arg4: memref<64x128xf32, #tpu.memory_space<vmem>>, %arg5: memref<64x128xf32, #tpu.memory_space<vmem>>, %arg6: memref<64x128xf32, #tpu.memory_space<vmem>>, %arg7: memref<128xf32, #tpu.memory_space<vmem>>, %arg8: memref<128xf32, #tpu.memory_space<vmem>>, %arg9: memref<1xf32, #tpu.memory_space<smem>>, %arg10: memref<1024xf32, #tpu.memory_space<vmem>>) attributes {dimension_semantics = [#tpu.dimension_semantics<arbitrary>], iteration_bounds = array<i64: 16>, scalar_prefetch = 0 : i64, scratch_operands = 0 : i64, tpu.core_type = #tpu.core_type<tc>, window_params = [{transform_indices = @transform_0, window_bounds = array<i64: 1024, 128>}, {transform_indices = @transform_1, window_bounds = array<i64: 1024, 128>}, {transform_indices = @transform_2, window_bounds = array<i64: 1024, 128>}, {pipeline_mode = #tpu.pipeline_mode<synchronous>, transform_indices = @transform_3, window_bounds = array<i64: 64, 128>}, {pipeline_mode = #tpu.pipeline_mode<synchronous>, transform_indices = @transform_4, window_bounds = array<i64: 64, 128>}, {pipeline_mode = #tpu.pipeline_mode<synchronous>, transform_indices = @transform_5, window_bounds = array<i64: 64, 128>}, {pipeline_mode = #tpu.pipeline_mode<synchronous>, transform_indices = @transform_6, window_bounds = array<i64: 128>}, {pipeline_mode = #tpu.pipeline_mode<synchronous>, transform_indices = @transform_7, window_bounds = array<i64: 128>}, {transform_indices = @transform_8, window_bounds = array<i64: 1>}, {transform_indices = @transform_9, window_bounds = array<i64: 1024>}]} {
    %get3A = arith.constant 0 : index
    %get3A_0 = arith.constant 0 : index
    %get3A_1 = vector.load %arg1[%get3A, %get3A_0] : memref<1024x128xf32, #tpu.memory_space<vmem>>, vector<1024x64xf32>
    %get3A_2 = arith.constant 0 : index
    %get3A_3 = arith.constant 0 : index
    %get3A_4 = vector.load %arg4[%get3A_2, %get3A_3] : memref<64x128xf32, #tpu.memory_space<vmem>>, vector<64x128xf32>
    %dot_general3A = arith.constant dense<0.000000e+00> : vector<1024x128xf32>
    %dot_general3A_5 = tpu.matmul %get3A_1, %get3A_4, %dot_general3A {dimension_numbers = #tpu.dot_dimension_numbers<[1], [0], [0], [1], [0, 0, 1, 1], [], []>, transpose_lhs_hint = false} : vector<1024x64xf32>, vector<64x128xf32>, vector<1024x128xf32> -> vector<1024x128xf32>
    %get3A_6 = arith.constant 0 : index
    %get3A_7 = arith.constant 0 : index
    %get3A_8 = vector.load %arg2[%get3A_6, %get3A_7] : memref<1024x128xf32, #tpu.memory_space<vmem>>, vector<1024x64xf32>
    %get3A_9 = arith.constant 0 : index
    %get3A_10 = arith.constant 0 : index
    %get3A_11 = vector.load %arg5[%get3A_9, %get3A_10] : memref<64x128xf32, #tpu.memory_space<vmem>>, vector<64x128xf32>
    %dot_general3A_12 = arith.constant dense<0.000000e+00> : vector<1024x128xf32>
    %dot_general3A_13 = tpu.matmul %get3A_8, %get3A_11, %dot_general3A_12 {dimension_numbers = #tpu.dot_dimension_numbers<[1], [0], [0], [1], [0, 0, 1, 1], [], []>, transpose_lhs_hint = false} : vector<1024x64xf32>, vector<64x128xf32>, vector<1024x128xf32> -> vector<1024x128xf32>
    %add3A = arith.addf %dot_general3A_5, %dot_general3A_13 : vector<1024x128xf32>
    %get3A_14 = arith.constant 0 : index
    %get3A_15 = arith.constant 0 : index
    %get3A_16 = vector.load %arg3[%get3A_14, %get3A_15] : memref<1024x128xf32, #tpu.memory_space<vmem>>, vector<1024x64xf32>
    %get3A_17 = arith.constant 0 : index
    %get3A_18 = arith.constant 0 : index
    %get3A_19 = vector.load %arg6[%get3A_17, %get3A_18] : memref<64x128xf32, #tpu.memory_space<vmem>>, vector<64x128xf32>
    %dot_general3A_20 = arith.constant dense<0.000000e+00> : vector<1024x128xf32>
    %dot_general3A_21 = tpu.matmul %get3A_16, %get3A_19, %dot_general3A_20 {dimension_numbers = #tpu.dot_dimension_numbers<[1], [0], [0], [1], [0, 0, 1, 1], [], []>, transpose_lhs_hint = false} : vector<1024x64xf32>, vector<64x128xf32>, vector<1024x128xf32> -> vector<1024x128xf32>
    %add3A_22 = arith.addf %add3A, %dot_general3A_21 : vector<1024x128xf32>
    %get3A_23 = arith.constant 0 : index
    %get3A_24 = vector.load %arg7[%get3A_23] : memref<128xf32, #tpu.memory_space<vmem>>, vector<128xf32>
    %broadcast_in_dim3A = vector.shape_cast %get3A_24 : vector<128xf32> to vector<1x128xf32>
    %add3A_25 = vector.broadcast %broadcast_in_dim3A : vector<1x128xf32> to vector<1024x128xf32>
    %add3A_26 = arith.addf %add3A_22, %add3A_25 : vector<1024x128xf32>
    %max3A = arith.constant 0.000000e+00 : f32
    %max3A_27 = vector.broadcast %max3A : f32 to vector<1024x128xf32>
    %max3A_28 = arith.maximumf %add3A_26, %max3A_27 : vector<1024x128xf32>
    %get3A_29 = arith.constant 0 : index
    %get3A_30 = vector.load %arg8[%get3A_29] : memref<128xf32, #tpu.memory_space<vmem>>, vector<128xf32>
    %broadcast_in_dim3A_31 = vector.shape_cast %get3A_30 : vector<128xf32> to vector<1x128xf32>
    %mul3A = vector.broadcast %broadcast_in_dim3A_31 : vector<1x128xf32> to vector<1024x128xf32>
    %mul3A_32 = arith.mulf %max3A_28, %mul3A : vector<1024x128xf32>
    %reduce_sum3A = arith.constant dense<0.000000e+00> : vector<1024xf32>
    %reduce_sum3A_33 = vector.multi_reduction <add>, %mul3A_32, %reduce_sum3A [1] : vector<1024x128xf32> to vector<1024xf32>
    %get3A_34 = arith.constant 0 : index
    %get3A_35 = memref.load %arg9[%get3A_34] : memref<1xf32, #tpu.memory_space<smem>>
    %add3A_36 = vector.broadcast %get3A_35 : f32 to vector<1024xf32>
    %add3A_37 = arith.addf %reduce_sum3A_33, %add3A_36 : vector<1024xf32>
    %swap3A = arith.constant 0 : index
    %swap3A_38 = vector.load %arg10[%swap3A] : memref<1024xf32, #tpu.memory_space<vmem>>, vector<1024xf32>
    tpu.vector_store %arg10[%swap3A], %add3A_37 {strides = array<i32>} : memref<1024xf32, #tpu.memory_space<vmem>>, vector<1024xf32>,
    return
  }
  func.func @transform_0(%arg0: i32) -> (i32, i32) {
    %c0_i32 = arith.constant 0 : i32
    %c0_i32_0 = arith.constant 0 : i32
    return %arg0, %c0_i32 : i32, i32
  }
  func.func @transform_1(%arg0: i32) -> (i32, i32) {
    %c0_i32 = arith.constant 0 : i32
    %c0_i32_0 = arith.constant 0 : i32
    return %arg0, %c0_i32 : i32, i32
  }
  func.func @transform_2(%arg0: i32) -> (i32, i32) {
    %c0_i32 = arith.constant 0 : i32
    %c0_i32_0 = arith.constant 0 : i32
    return %arg0, %c0_i32 : i32, i32
  }
  func.func @transform_3(%arg0: i32) -> (i32, i32) {
    %c0_i32 = arith.constant 0 : i32
    %c0_i32_0 = arith.constant 0 : i32
    %c0_i32_1 = arith.constant 0 : i32
    return %c0_i32, %c0_i32_0 : i32, i32
  }
  func.func @transform_4(%arg0: i32) -> (i32, i32) {
    %c0_i32 = arith.constant 0 : i32
    %c0_i32_0 = arith.constant 0 : i32
    %c0_i32_1 = arith.constant 0 : i32
    return %c0_i32, %c0_i32_0 : i32, i32
  }
  func.func @transform_5(%arg0: i32) -> (i32, i32) {
    %c0_i32 = arith.constant 0 : i32
    %c0_i32_0 = arith.constant 0 : i32
    %c0_i32_1 = arith.constant 0 : i32
    return %c0_i32, %c0_i32_0 : i32, i32
  }
  func.func @transform_6(%arg0: i32) -> i32 {
    %c0_i32 = arith.constant 0 : i32
    %c0_i32_0 = arith.constant 0 : i32
    return %c0_i32 : i32
  }
  func.func @transform_7(%arg0: i32) -> i32 {
    %c0_i32 = arith.constant 0 : i32
    %c0_i32_0 = arith.constant 0 : i32
    return %c0_i32 : i32
  }
  func.func @transform_8(%arg0: i32) -> i32 {
    %c0_i32 = arith.constant 0 : i32
    %c0_i32_0 = arith.constant 0 : i32
    return %c0_i32 : i32
  }
  func.func @transform_9(%arg0: i32) -> i32 {
    %c0_i32 = arith.constant 0 : i32
    return %arg0 : i32
  }
}

</mosaic_0001>

<sc_bundles>
// kernel: kernel.10.cloned.1.call-start
scs
__scs_entry_jumppad:
0x0: {  	(pc) =	sbr.rel $0x88, $3  }
0x1: {  	(tag) =	ssettag $0x0;
	lr =	simm.s32 $0x1  }
0x2: {  	[smem:$0x3F97] =	sst lr;
	_ =	strace $0xD0000000  }
0x3: {  	_ = 	snop  }
0x4: {  	_ = 	snop  }
0x5: {  	_ = 	snop  }
0x6: {  	_ = 	snop  }
0x7: {  	_ = 	snop  }
__scs_overlays_trampoline_lowered:
0x8: {  	[smem:$0x3FA6] =	sst s0  }
0x9: {  	[smem:$0x3FA7] =	sst s1  }
0xa: {  	[smem:$0x3FA8] =	sst s2  }
0xb: {  	[smem:$0x3FA9] =	sst s3  }
0xc: {  	[smem:$0x3FAA] =	sst s4  }
0xd: {  	[smem:$0x3FAB] =	sst s5  }
0xe: {  	[smem:$0x3FAC] =	sst s6  }
0xf: {  	[smem:$0x3FAD] =	sst s7  }
0x10: {  	[smem:$0x3FAE] =	sst s8  }
0x11: {  	[smem:$0x3FAF] =	sst s9;
	s0 =	simm.s32 @!p0 $0x0  }
0x12: {  	s1 =	sld [smem:$0x3F95];
	s0 =	simm.s32 @p0 $0x1  }
0x13: {  	[smem:$0x3FB0] =	sst s0;
	s0 =	simm.s32 @!p1 $0x0  }
0x14: {  	s2 =	sld [smem:$0x3F94];
	s0 =	simm.s32 @p1 $0x1  }
0x15: {  	[smem:$0x3FB1] =	sst s0;
	s0 =	simm.s32 @!p2 $0x0  }
0x16: {  	s3 =	sld [smem:$0x3FDB];
	s0 =	simm.s32 @p2 $0x1  }
0x17: {  	s4 =	simm.s32 $0x1BF5;
	[smem:$0x3FB3] =	sst s0  }
0x18: {  	s0 =	sld [smem:$0x3F96];
	_ =	swait.ge [sflag:s4], $0x0  }
0x19: {  	s7 =	sld [smem:$0x3F97]  }
0x1a: {  	s8 =	sadd.s32 $0xFFFFE003, lr  }
0x1b: {  	s9 =	sadd.s32 $0xFFFFFEF7, lr;
	s5 =	simm.s32 $0xFFFFFFFF;
	p2 =	slt.u32 s8, $0xFFFFF086  }
0x1c: {  	p1 =	slt.u32 s9, $0xF7A;
	s5 =	simm.s32 @!p2 $0x0  }
0x1d: {  	s5 =	simm.s32 @p1 $0x1;
	p0 =	seq.s32 s7, s2  }
0x1e: {  	s7 =	smul.u32 @!p0 $0xF7A, s2;
	p2 =	seq.s32 @!p0 s5, $0x0  }
0x1f: {  	s9 =	smul.u32 $0xF7A, s1;
	s8 =	simm.s32 @!p0 $0x1BF5;
	p2 =	por !p2, p0  }
0x20: {  	[sflag:s8] =	ssyncset.s32 @!p0 $0xFFFFF086;
	s6 =	sadd.s32 @!p0 s3, s7;
	s7 =	simm.s32 @!p0 $0x108  }
0x21: {  	s3 =	sadd.s32 s3, s9;
	s6 =	sadd.s32 @!p0 $0x88, s6;
	s7 =	simm.s32 @p2 $0x1082  }
0x22: {  	[simem:s7], [sflag:s8] =	dma.local @!p0 [hbm:s6], $0xF7A  }
0x23: {  	s9 =	sor.u32 $0xD0000000, s2;
	s6 =	simm.s32 $0x108;
	_ =	swait.ge @!p0 [sflag:s8], $0x0  }
0x24: {  	s3 =	sadd.s32 $0x88, s3;
	s6 =	simm.s32 @!p1 $0x1082;
	[sflag:s4] =	ssyncset.s32 $0xFFFFF086  }
0x25: {  	[simem:s6], [sflag:s4] =	dma.local [hbm:s3], $0xF7A  }
0x26: {  	[smem:$0x3F97] =	sst s1;
	(tag) =	ssettag s2;
	_ =	strace s9  }
0x27: {  	s1 =	sld [smem:$0x3FA7]  }
0x28: {  	s2 =	sld [smem:$0x3FA8]  }
0x29: {  	s4 =	sld [smem:$0x3FAA]  }
0x2a: {  	p0 =	seq.s32 s5, $0x0;
	s5 =	sld [smem:$0x3FAB]  }
0x2b: {  	s6 =	sld [smem:$0x3FAC]  }
0x2c: {  	s7 =	sld [smem:$0x3FAD]  }
0x2d: {  	s3 =	simm.s32 $0x108;
	s8 =	sld [smem:$0x3FAE]  }
0x2e: {  	s3 =	simm.s32 @!p0 $0x1082;
	s9 =	sld [smem:$0x3FAF]  }
0x2f: {  	lr =	sadd.s32 s0, s3;
	s0 =	sld [smem:$0x3FA6]  }
0x30: {  	s3 =	sld [smem:$0x3FA9]  }
0x31: {  	[smem:$0x3FB2] =	sst s10  }
0x32: {  	s10 =	sld [smem:$0x3FB0];
	_ =	sdelay $0x3  }
0x33: {  	p0 =	seq.s32 s10, $0x1;
	s10 =	sld [smem:$0x3FB2];
	_ =	sdelay $0x3  }
0x34: {  	[smem:$0x3FB2] =	sst s10  }
0x35: {  	s10 =	sld [smem:$0x3FB1];
	_ =	sdelay $0x3  }
0x36: {  	p1 =	seq.s32 s10, $0x1;
	s10 =	sld [smem:$0x3FB2];
	_ =	sdelay $0x3  }
0x37: {  	[smem:$0x3FB2] =	sst s10  }
0x38: {  	s10 =	sld [smem:$0x3FB3]  }
0x39: {  	_ = 	snop;
	(pc) =	sbr.ind lr, $3  }
0x3a: {  	_ = 	snop  }
0x3b: {  	_ = 	snop  }
0x3c: {  	p2 =	seq.s32 s10, $0x1;
	s10 =	sld [smem:$0x3FB2]  }
0x3d: {  	_ =	shalt  }
0x3e: {  	_ =	shalt  }
0x3f: {  	_ =	shalt  }
0x40: {  	_ =	shalt  }
0x41: {  	_ =	shalt  }
0x42: {  	_ =	shalt  }
0x43: {  	_ =	shalt  }
0x44: {  	_ =	shalt  }
0x45: {  	_ =	shalt  }
0x46: {  	_ =	shalt  }
0x47: {  	_ =	shalt  }
0x48: {  	_ =	shalt  }
0x49: {  	_ =	shalt  }
0x4a: {  	_ =	shalt  }
0x4b: {  	_ =	shalt  }
0x4c: {  	_ =	shalt  }
0x4d: {  	_ =	shalt  }
0x4e: {  	_ =	shalt  }
0x4f: {  	_ =	shalt  }
0x50: {  	_ =	shalt  }
0x51: {  	_ =	shalt  }
0x52: {  	_ =	shalt  }
0x53: {  	_ =	shalt  }
0x54: {  	_ =	shalt  }
0x55: {  	_ =	shalt  }
0x56: {  	_ =	shalt  }
0x57: {  	_ =	shalt  }
0x58: {  	_ =	shalt  }
0x59: {  	_ =	shalt  }
0x5a: {  	_ =	shalt  }
0x5b: {  	_ =	shalt  }
0x5c: {  	_ =	shalt  }
0x5d: {  	_ =	shalt  }
0x5e: {  	_ =	shalt  }
0x5f: {  	_ =	shalt  }
0x60: {  	_ =	shalt  }
0x61: {  	_ =	shalt  }
0x62: {  	_ =	shalt  }
0x63: {  	_ =	shalt  }
0x64: {  	_ =	shalt  }
0x65: {  	_ =	shalt  }
0x66: {  	_ =	shalt  }
0x67: {  	_ =	shalt  }
0x68: {  	_ =	shalt  }
0x69: {  	_ =	shalt  }
0x6a: {  	_ =	shalt  }
0x6b: {  	_ =	shalt  }
0x6c: {  	_ =	shalt  }
0x6d: {  	_ =	shalt  }
0x6e: {  	_ =	shalt  }
0x6f: {  	_ =	shalt  }
0x70: {  	_ =	shalt  }
0x71: {  	_ =	shalt  }
0x72: {  	_ =	shalt  }
0x73: {  	_ =	shalt  }
0x74: {  	_ =	shalt  }
0x75: {  	_ =	shalt  }
0x76: {  	_ =	shalt  }
0x77: {  	_ =	shalt  }
0x78: {  	_ =	shalt  }
0x79: {  	_ =	shalt  }
0x7a: {  	_ =	shalt  }
0x7b: {  	_ =	shalt  }
0x7c: {  	_ =	shalt  }
0x7d: {  	_ =	shalt  }
0x7e: {  	_ =	shalt  }
0x7f: {  	_ =	shalt  }
0x80: {  	_ =	shalt  }
0x81: {  	_ =	shalt  }
0x82: {  	_ =	shalt  }
0x83: {  	_ =	shalt  }
0x84: {  	_ =	shalt  }
0x85: {  	_ =	shalt  }
0x86: {  	_ =	shalt  }
0x87: {  	_ =	shalt  }
.Lfunc_end0:
.L_simem_size_0:
called_computation.1_lowered:
.L_overlay_start_0:
0x88: {  	s2 =	sld [smem:$0x3FD9]  }
0x89: {  	s3 =	sld [smem:$0x3FFE];
	_ =	sdelay $0x1  }
0x8a: {  	s1 =	srdreg.scid  }
0x8b: {  	s0 =	sand.u32 $0x1, s1  }
0x8c: {  	s17 =	sshll.u32 s0, $0xA;
	s2 =	sadd.s32 s3, s2  }
0x8d: {  	s2 =	sadd.s32 s2, s17  }
0x8e: {  	[smem:$0x3FBE] =	sst s2  }
0x8f: {  	_ = 	snop  }
0x90: {  	s18 =	sld [smem:$0x3FD0];
	(tm) =	ssettm $0x1  }
0x91: {  	s19 =	sld [smem:$0x3FFB];
	_ =	sdelay $0x3  }
0x92: {  	_ =	strace s19  }
0x93: {  	s2 =	sld [smem:$0x3FFC];
	_ =	sdelay $0x3  }
0x94: {  	_ =	strace s2  }
0x95: {  	s2 =	sld [smem:$0x3FFD];
	_ =	sdelay $0x3  }
0x96: {  	_ =	strace s2  }
0x97: {  	_ =	strace $0x8FFFFFFF  }
0x98: {  	s20 =	sld [smem:$0x3FDB];
	_ =	sdelay $0x1  }
0x99: {  	s4 =	simm.s32 $_scs_section_size  }
0x9a: {  	s5 =	simm.s32 $_size__tile_overlayer_lowered;
	s6 =	simm.s32 $_tile_overlayer_lowered  }
0x9b: {  	s7 =	simm.s32 $0x1BFF;
	s21 =	sshll.u32 s6, $0x1;
	s4 =	sadd.s32 s4, s20  }
0x9c: {  	s22 =	simm.s32 $0x0;
	s5 =	sshll.u32 s5, $0x1;
	s6 =	sadd.s32 s21, s4  }
0x9d: {  	[timem:s22], [sflag:s7] =	dma.local [hbm:s6], s5  }
0x9e: {  	_ =	swait.ge [sflag:s7], s5  }
0x9f: {  	s5 =	ssub.s32 $0x0, s5;
	[sflag:s7] =	ssyncset.done $0x0  }
0xa0: {  	[sflag:s7] =	ssyncadd.s32 s5;
	_ =	sdelay $0x1  }
0xa1: {  	s23 =	simm.s32 $0x1B8B  }
0xa2: {  	_ =	swait.ge [sflag:s23], $0x1  }
0xa3: {  	[sflag:s23] =	ssyncset.done $0x0  }
0xa4: {  	[sflag:s23] =	ssyncadd.s32 $0xFFFFFFFF  }
0xa5: {  	s5 =	sld [smem:$0x0]  }
0xa6: {  	s6 =	sand.u32 $0xFFFFFFFE, s1  }
0xa7: {  	p0 =	sne.s32 s1, s6  }
0xa8: {  	s6 =	sshll.u32 @p0 s6, $0xE  }
0xa9: {  	s6 =	sadd.s32 @p0 $0x11B8D, s6;
	s7 =	sshll.u32 @p0 s5, $0x11  }
0xaa: {  	s6 =	sor.u32 @p0 s7, s6  }
0xab: {  	[sflag:s6] =	ssyncadd.remote.s32 @p0 $0x1;
	_ =	sdelay $0x1  }
0xac: {  	s6 =	simm.s32 @p0 $0x1B8D  }
0xad: {  	_ =	swait.eq @p0 [sflag:s6], $0x1  }
0xae: {  	[sflag:s6] =	ssyncadd.s32 @p0 $0xFFFFFFFF  }
0xaf: {  	s7 =	sshll.u32 @!p0 s1, $0xE  }
0xb0: {  	s7 =	sor.u32 @!p0 $0x4000, s7;
	s6 =	simm.s32 @!p0 $0x1B8D  }
0xb1: {  	s5 =	sshll.u32 @!p0 s5, $0x11;
	s7 =	sadd.s32 @!p0 $0x11B8D, s7;
	_ =	swait.eq @!p0 [sflag:s6], $0x1  }
0xb2: {  	s5 =	sor.u32 @!p0 s5, s7;
	[sflag:s6] =	ssyncadd.s32 @!p0 $0xFFFFFFFF  }
0xb3: {  	s25 =	simm.s32 $0x1B8E;
	s24 =	sld [smem:$0x3FFE];
	[sflag:s5] =	ssyncadd.remote.s32 @!p0 $0x1  }
0xb4: {  	s26 =	simm.s32 $execute0_lowered;
	[smem:$0x3FD2] =	sst s25  }
0xb5: {  	s6 =	sshll.u32 s26, $0x1;
	_ =	strace $0x80000049;
	[dreg:$0x1] =	wrdreg $0xFFFFFFFF  }
0xb6: {  	s28 =	simm.s32 $_size_execute0_lowered;
	s4 =	sadd.s32 s4, s6;
	[dreg:$0x0] =	wrdreg $0x0  }
0xb7: {  	s6 =	sshll.u32 s28, $0x1;
	[dreg:$0x2] =	wrdreg s4  }
0xb8: {  	[dreg:$0x3] =	wrdreg s6  }
0xb9: {  	[dreg:$0x4] =	wrdreg $0xC0  }
0xba: {  	_ =	task [dreg:s22], $0x5FFFF  }
0xbb: {  	[dreg:$0x1] =	wrdreg $0xFFFFFFFF  }
0xbc: {  	[dreg:$0x0] =	wrdreg $0x60  }
0xbd: {  	[dreg:$0x2] =	wrdreg s18  }
0xbe: {  	[dreg:$0x3] =	wrdreg s24  }
0xbf: {  	[dreg:$0x4] =	wrdreg $0xA  }
0xc0: {  	_ =	task.clear_ibuf [dreg:s22], $0x5FFFF;
	_ =	strace $0x90000049  }
0xc1: {  	s29 =	simm.s32 $0xA;
	_ =	strace $0x8000004B  }
0xc2: {  	_ =	swait.ge [sflag:s29], $0x1  }
0xc3: {  	[sflag:s29] =	ssyncadd.s32 $0xFFFFFFFF  }
0xc4: {  	_ =	strace $0x9000004B  }
0xc5: {  	_ =	sfence  }
0xc6: {  	s30 =	sld [smem:$0x0];
	_ =	sdelay $0x2  }
0xc7: {  	s31 =	sshll.u32 s1, $0xD;
	s1 =	sshrl.u32 s1, $0x2  }
0xc8: {  	s4 =	sand.u32 $0x4000, s31;
	s1 =	sadd.s32 s1, s30  }
0xc9: {  	s0 =	sor.u32 s4, s0;
	s1 =	sshll.u32 s1, $0x11  }
0xca: {  	s0 =	sor.u32 s1, s0  }
0xcb: {  	s0 =	sadd.s32 $0x8F2B, s0  }
0xcc: {  	[sflag:s0] =	ssyncadd.remote.s32 $0x1  }
0xcd: {  	_ =	sfence.sel $0xFFFF  }
0xce: {  	[dreg:$0x0] =	wrdreg $0xFFFFFFFF;
	(pc) =	sbr.abs _section_cstart, $3  }
0xcf: {  	[dreg:$0x1] =	wrdreg $0xFFFFFFFF  }
0xd0: {  	_ =	task.clear_ibuf [dreg:s22], $0x2FFFF;
	_ =	strace $0x9FFFFFFF  }
0xd1: {  	(tm) =	ssettm $0x7FFFFFFF  }
tec
execute0_lowered:
.L_overlay_start_1:
0x0: {  	(tag) =	ssettag $0x1  }
0x1: {  	s1 =	srdreg.scid  }
0x2: {  	s3 =	rddreg [dreg:$0x0];
	s0 =	stileid.u32;
	s18 =	sand.u32 $0x1, s1  }
0x3: {  	s17 =	rddreg [dreg:$0x1];
	s4 =	sshll.u32 s0, $0xA;
	s5 =	sshll.u32 s18, $0x9  }
0x4: {  	s2 =	simm.s32 $0x0;
	s1 =	rddreg [dreg:$0x2];
	s14 =	sor.u32 s5, s4  }
0x5: {  	[smem:$0x7FF] =	sst s2;
	s16 =	sshrl.u32 s14, $0x3  }
0x6: {  	_ =	strace $0x8000004A;
	s4 =	sadd.s32 s3, s16;
	s3 =	simm.s32 $0x2  }
0x7: {  	[tilespmem:s2], [sflag:$0x2] =	stream.linear.gather [hbm4b:s4+s2], $0x200, $0x38;
	[tilespmem:$0x8200] =	vst v63  }
0x8: {  	_ =	swait.ge [sflag:s3], $0x200  }
0x9: {  	s6 =	simm.s32 $0x80;
	[sflag:s3] =	ssyncset.done $0x0  }
0xa: {  	s7 =	simm.s32 $0x200;
	s5 =	sadd.s32 $0x110200, s17;
	[sflag:s3] =	ssyncadd.s32 $0xFFFFFE00  }
0xb: {  	[tilespmem:s7], [sflag:$0x1] =	stream.indirect.gather [hbm4b:s5+s6], $0x40, s2, s6, $0xb8;
	[tilespmem:$0x8200] =	vst v63  }
0xc: {  	s8 =	simm.s32 $0x2200  }
0xd: {  	[tilespmem:s8], [sflag:$0x1] =	stream.indirect.gather [hbm4b:s5+s6], $0x40, s6, s6, $0xb8;
	[tilespmem:$0x8200] =	vst v63  }
0xe: {  	s9 =	simm.s32 $0x100;
	s10 =	simm.s32 $0x4200  }
0xf: {  	[tilespmem:s10], [sflag:$0x1] =	stream.indirect.gather [hbm4b:s5+s6], $0x40, s9, s6, $0xb8;
	[tilespmem:$0x8200] =	vst v63  }
0x10: {  	s11 =	simm.s32 $0x180;
	s12 =	simm.s32 $0x6200;
	s13 =	simm.s32 $0x1  }
0x11: {  	[tilespmem:s12], [sflag:$0x1] =	stream.indirect.gather [hbm4b:s5+s6], $0x40, s11, s6, $0xb8;
	[tilespmem:$0x8200] =	vst v63  }
0x12: {  	_ =	swait.ge [sflag:s13], $0x2000  }
0x13: {  	[sflag:s13] =	ssyncset.done $0x0  }
0x14: {  	[sflag:s13] =	ssyncadd.s32 $0xFFFFE000  }
0x15: {  	_ =	swait.ge [sflag:s13], $0x2000  }
0x16: {  	[sflag:s13] =	ssyncset.done $0x0  }
0x17: {  	[sflag:s13] =	ssyncadd.s32 $0xFFFFE000  }
0x18: {  	_ =	swait.ge [sflag:s13], $0x2000  }
0x19: {  	[sflag:s13] =	ssyncset.done $0x0  }
0x1a: {  	[sflag:s13] =	ssyncadd.s32 $0xFFFFE000  }
0x1b: {  	s14 =	sshll.u32 s14, $0x4;
	_ =	swait.ge [sflag:s13], $0x2000  }
0x1c: {  	s19 =	sadd.s32 s14, s17;
	[sflag:s13] =	ssyncset.done $0x0  }
0x1d: {  	s15 =	simm.s32 $0x40;
	s14 =	sadd.s32 $0x298A00, s19;
	[sflag:s13] =	ssyncadd.s32 $0xFFFFE000  }
0x1e: {  	[hbm4b:s14+s15] =	stream.strided.scatter [tilespmem:s7], [sflag:$0x2], $0x8000, s6, s15, $0x38;
	[tilespmem:$0x8200] =	vst v63  }
0x1f: {  	_ =	swait.ge [sflag:s3], $0x8000  }
0x20: {  	s16 =	sadd.s32 s16, s17;
	[sflag:s3] =	ssyncset.done $0x0  }
0x21: {  	s16 =	sadd.s32 $0x298200, s16;
	[sflag:s3] =	ssyncadd.s32 $0xFFFF8000  }
0x22: {  	[tilespmem:s2], [sflag:$0x2] =	stream.linear.gather [hbm4b:s16+s2], $0x200, $0x38;
	[tilespmem:$0x8200] =	vst v63  }
0x23: {  	_ =	swait.ge [sflag:s3], $0x200  }
0x24: {  	[sflag:s3] =	ssyncset.done $0x0  }
0x25: {  	s17 =	sadd.s32 $0x1D4200, s17;
	[sflag:s3] =	ssyncadd.s32 $0xFFFFFE00  }
0x26: {  	[tilespmem:s7], [sflag:$0x1] =	stream.indirect.gather [hbm4b:s17+s6], $0x40, s2, s6, $0xb8;
	[tilespmem:$0x8200] =	vst v63  }
0x27: {  	_ = 	snop  }
0x28: {  	[tilespmem:s8], [sflag:$0x1] =	stream.indirect.gather [hbm4b:s17+s6], $0x40, s6, s6, $0xb8;
	[tilespmem:$0x8200] =	vst v63  }
0x29: {  	_ = 	snop  }
0x2a: {  	[tilespmem:s10], [sflag:$0x1] =	stream.indirect.gather [hbm4b:s17+s6], $0x40, s9, s6, $0xb8;
	[tilespmem:$0x8200] =	vst v63  }
0x2b: {  	_ = 	snop  }
0x2c: {  	[tilespmem:s12], [sflag:$0x1] =	stream.indirect.gather [hbm4b:s17+s6], $0x40, s11, s6, $0xb8;
	[tilespmem:$0x8200] =	vst v63  }
0x2d: {  	_ =	swait.ge [sflag:s13], $0x2000  }
0x2e: {  	[sflag:s13] =	ssyncset.done $0x0  }
0x2f: {  	[sflag:s13] =	ssyncadd.s32 $0xFFFFE000  }
0x30: {  	_ =	swait.ge [sflag:s13], $0x2000  }
0x31: {  	[sflag:s13] =	ssyncset.done $0x0  }
0x32: {  	s18 =	ssub.s32 $0x2, s18;
	[sflag:s13] =	ssyncadd.s32 $0xFFFFE000  }
0x33: {  	s20 =	sshrl.u32 s18, $0x1;
	_ =	swait.ge [sflag:s13], $0x2000  }
0x34: {  	s20 =	ssub.s32 s18, s20;
	[sflag:s13] =	ssyncset.done $0x0  }
0x35: {  	s31 =	smax.u32 s20, $0x1;
	[sflag:s13] =	ssyncadd.s32 $0xFFFFE000  }
0x36: {  	p0 =	sne.s32 s31, $0x1;
	_ =	swait.ge [sflag:s13], $0x2000  }
.Ltmp0:
0x37: {  	[sflag:s13] =	ssyncset.done $0x0;
	(pc) =	sbr.rel @!p0 .LBB2_2-.Ltmp0, $4  }
0x38: {  	s18 =	sadd.s32 $0x2D8A00, s19;
	[sflag:s13] =	ssyncadd.s32 $0xFFFFE000  }
0x39: {  	[hbm4b:s18+s15] =	stream.strided.scatter [tilespmem:s7], [sflag:$0x2], $0x8000, s6, s15, $0x38;
	[tilespmem:$0x8200] =	vst v63  }
0x3a: {  	_ =	swait.ge [sflag:s3], $0x8000  }
0x3b: {  	s19 =	sadd.s32 $0xFFFFFFFF, s31;
	[sflag:s3] =	ssyncset.done $0x0  }
.LBB2_1:
0x3c: {  	p0 =	sne.s32 s19, $0x1;
	s19 =	sadd.s32 $0xFFFFFFFF, s19;
	[sflag:s3] =	ssyncadd.s32 $0xFFFF8000  }
0x3d: {  	[tilespmem:s2], [sflag:$0x2] =	stream.linear.gather [hbm4b:s4+s2], $0x200, $0x38;
	[tilespmem:$0x8200] =	vst v63  }
0x3e: {  	_ =	swait.ge [sflag:s3], $0x200  }
0x3f: {  	[sflag:s3] =	ssyncset.done $0x0  }
0x40: {  	[sflag:s3] =	ssyncadd.s32 $0xFFFFFE00  }
0x41: {  	[tilespmem:s7], [sflag:$0x1] =	stream.indirect.gather [hbm4b:s5+s6], $0x40, s2, s6, $0xb8;
	[tilespmem:$0x8200] =	vst v63  }
0x42: {  	_ = 	snop  }
0x43: {  	[tilespmem:s8], [sflag:$0x1] =	stream.indirect.gather [hbm4b:s5+s6], $0x40, s6, s6, $0xb8;
	[tilespmem:$0x8200] =	vst v63  }
0x44: {  	_ = 	snop  }
0x45: {  	[tilespmem:s10], [sflag:$0x1] =	stream.indirect.gather [hbm4b:s5+s6], $0x40, s9, s6, $0xb8;
	[tilespmem:$0x8200] =	vst v63  }
0x46: {  	_ = 	snop  }
0x47: {  	[tilespmem:s12], [sflag:$0x1] =	stream.indirect.gather [hbm4b:s5+s6], $0x40, s11, s6, $0xb8;
	[tilespmem:$0x8200] =	vst v63  }
0x48: {  	_ =	swait.ge [sflag:s13], $0x2000  }
0x49: {  	[sflag:s13] =	ssyncset.done $0x0  }
0x4a: {  	[sflag:s13] =	ssyncadd.s32 $0xFFFFE000  }
0x4b: {  	_ =	swait.ge [sflag:s13], $0x2000  }
0x4c: {  	[sflag:s13] =	ssyncset.done $0x0  }
0x4d: {  	[sflag:s13] =	ssyncadd.s32 $0xFFFFE000  }
0x4e: {  	_ =	swait.ge [sflag:s13], $0x2000  }
0x4f: {  	[sflag:s13] =	ssyncset.done $0x0  }
0x50: {  	[sflag:s13] =	ssyncadd.s32 $0xFFFFE000  }
0x51: {  	_ =	swait.ge [sflag:s13], $0x2000  }
0x52: {  	[sflag:s13] =	ssyncset.done $0x0  }
0x53: {  	[sflag:s13] =	ssyncadd.s32 $0xFFFFE000  }
0x54: {  	[hbm4b:s14+s15] =	stream.strided.scatter [tilespmem:s7], [sflag:$0x2], $0x8000, s6, s15, $0x38;
	[tilespmem:$0x8200] =	vst v63  }
0x55: {  	_ =	swait.ge [sflag:s3], $0x8000  }
0x56: {  	[sflag:s3] =	ssyncset.done $0x0  }
0x57: {  	[sflag:s3] =	ssyncadd.s32 $0xFFFF8000  }
0x58: {  	[tilespmem:s2], [sflag:$0x2] =	stream.linear.gather [hbm4b:s16+s2], $0x200, $0x38;
	[tilespmem:$0x8200] =	vst v63  }
0x59: {  	_ =	swait.ge [sflag:s3], $0x200  }
0x5a: {  	[sflag:s3] =	ssyncset.done $0x0  }
0x5b: {  	[sflag:s3] =	ssyncadd.s32 $0xFFFFFE00  }
0x5c: {  	[tilespmem:s7], [sflag:$0x1] =	stream.indirect.gather [hbm4b:s17+s6], $0x40, s2, s6, $0xb8;
	[tilespmem:$0x8200] =	vst v63  }
0x5d: {  	_ = 	snop  }
0x5e: {  	[tilespmem:s8], [sflag:$0x1] =	stream.indirect.gather [hbm4b:s17+s6], $0x40, s6, s6, $0xb8;
	[tilespmem:$0x8200] =	vst v63  }
0x5f: {  	_ = 	snop  }
0x60: {  	[tilespmem:s10], [sflag:$0x1] =	stream.indirect.gather [hbm4b:s17+s6], $0x40, s9, s6, $0xb8;
	[tilespmem:$0x8200] =	vst v63  }
0x61: {  	_ = 	snop  }
0x62: {  	[tilespmem:s12], [sflag:$0x1] =	stream.indirect.gather [hbm4b:s17+s6], $0x40, s11, s6, $0xb8;
	[tilespmem:$0x8200] =	vst v63  }
0x63: {  	_ =	swait.ge [sflag:s13], $0x2000  }
0x64: {  	[sflag:s13] =	ssyncset.done $0x0  }
0x65: {  	[sflag:s13] =	ssyncadd.s32 $0xFFFFE000  }
0x66: {  	_ =	swait.ge [sflag:s13], $0x2000  }
0x67: {  	[sflag:s13] =	ssyncset.done $0x0  }
0x68: {  	[sflag:s13] =	ssyncadd.s32 $0xFFFFE000  }
0x69: {  	_ =	swait.ge [sflag:s13], $0x2000  }
0x6a: {  	[sflag:s13] =	ssyncset.done $0x0  }
0x6b: {  	[sflag:s13] =	ssyncadd.s32 $0xFFFFE000  }
0x6c: {  	_ =	swait.ge [sflag:s13], $0x2000  }
.Ltmp1:
0x6d: {  	[sflag:s13] =	ssyncset.done $0x0;
	(pc) =	sbr.rel @p0 .LBB2_1-.Ltmp1, $4  }
0x6e: {  	[sflag:s13] =	ssyncadd.s32 $0xFFFFE000  }
0x6f: {  	[hbm4b:s18+s15] =	stream.strided.scatter [tilespmem:s7], [sflag:$0x2], $0x8000, s6, s15, $0x38;
	[tilespmem:$0x8200] =	vst v63  }
0x70: {  	_ =	swait.ge [sflag:s3], $0x8000  }
0x71: {  	[sflag:s3] =	ssyncset.done $0x0  }
.LBB2_2:
0x72: {  	[sflag:s3] =	ssyncadd.s32 $0xFFFF8000  }
0x73: {  	_ =	sfence.sel $0x180000  }
0x74: {  	[bflag:$0x0] =	sbarrier.arrive $0xFFFF  }
0x75: {  	p0 =	sne.s32 s0, $0x0;
	_ =	strace $0x9000004A  }
0x76: {  	s0 =	sadd.s32 @!p0 $0x100000, s1;
	[bflag:$0x2] =	sbarrier.arrive $0xFFFF  }
0x77: {  	[sflag:s0] =	ssyncadd.tile.s32 @!p0 $0x1;
	_ =	shalt  }
.Lfunc_end2:
_tile_overlayer_lowered:
.L_overlay_start_2:
0x78: {  	(tag) =	ssettag $0x2  }
0x79: {  	s0 =	rddreg [dreg:$0x0];
	s2 =	stileid.u32  }
0x7a: {  	s1 =	rddreg [dreg:$0x1];
	p0 =	sne.s32 s2, $0x0  }
0x7b: {  	s3 =	rddreg [dreg:$0x2];
	[bflag:$0x3] =	sbarrier.arrive $0xFFFF;
	s2 =	simm.s32 @!p0 $0x1C02  }
0x7c: {  	[timem:s3], [sflag:s2] =	dma.local @!p0 [hbm:s0], s1  }
0x7d: {  	s0 =	simm.s32 @!p0 $0x2  }
0x7e: {  	_ =	swait.ge @!p0 [sflag:s0], s1  }
0x7f: {  	s1 =	ssub.s32 @!p0 $0x0, s1;
	[sflag:s0] =	ssyncset.done @!p0 $0x0  }
0x80: {  	[sflag:s0] =	ssyncadd.s32 @!p0 s1  }
0x81: {  	[bflag:$0x3] =	sbarrier.arrive $0xFFFF  }
0x82: {  	_ =	shalt  }

// kernel: kernel.7.cloned.1.call-start
scs
__scs_entry_jumppad:
0x0: {  	(pc) =	sbr.rel $0x88, $3  }
0x1: {  	(tag) =	ssettag $0x0;
	lr =	simm.s32 $0x1  }
0x2: {  	[smem:$0x3F97] =	sst lr;
	_ =	strace $0xD0000000  }
0x3: {  	_ = 	snop  }
0x4: {  	_ = 	snop  }
0x5: {  	_ = 	snop  }
0x6: {  	_ = 	snop  }
0x7: {  	_ = 	snop  }
__scs_overlays_trampoline_lowered:
0x8: {  	[smem:$0x3FA6] =	sst s0  }
0x9: {  	[smem:$0x3FA7] =	sst s1  }
0xa: {  	[smem:$0x3FA8] =	sst s2  }
0xb: {  	[smem:$0x3FA9] =	sst s3  }
0xc: {  	[smem:$0x3FAA] =	sst s4  }
0xd: {  	[smem:$0x3FAB] =	sst s5  }
0xe: {  	[smem:$0x3FAC] =	sst s6  }
0xf: {  	[smem:$0x3FAD] =	sst s7  }
0x10: {  	[smem:$0x3FAE] =	sst s8  }
0x11: {  	[smem:$0x3FAF] =	sst s9;
	s0 =	simm.s32 @!p0 $0x0  }
0x12: {  	s1 =	sld [smem:$0x3F95];
	s0 =	simm.s32 @p0 $0x1  }
0x13: {  	[smem:$0x3FB0] =	sst s0;
	s0 =	simm.s32 @!p1 $0x0  }
0x14: {  	s2 =	sld [smem:$0x3F94];
	s0 =	simm.s32 @p1 $0x1  }
0x15: {  	[smem:$0x3FB1] =	sst s0;
	s0 =	simm.s32 @!p2 $0x0  }
0x16: {  	s3 =	sld [smem:$0x3FDB];
	s0 =	simm.s32 @p2 $0x1  }
0x17: {  	s4 =	simm.s32 $0x1BF5;
	[smem:$0x3FB3] =	sst s0  }
0x18: {  	s0 =	sld [smem:$0x3F96];
	_ =	swait.ge [sflag:s4], $0x0  }
0x19: {  	s7 =	sld [smem:$0x3F97]  }
0x1a: {  	s8 =	sadd.s32 $0xFFFFE003, lr  }
0x1b: {  	s9 =	sadd.s32 $0xFFFFFEF7, lr;
	s5 =	simm.s32 $0xFFFFFFFF;
	p2 =	slt.u32 s8, $0xFFFFF086  }
0x1c: {  	p1 =	slt.u32 s9, $0xF7A;
	s5 =	simm.s32 @!p2 $0x0  }
0x1d: {  	s5 =	simm.s32 @p1 $0x1;
	p0 =	seq.s32 s7, s2  }
0x1e: {  	s7 =	smul.u32 @!p0 $0xF7A, s2;
	p2 =	seq.s32 @!p0 s5, $0x0  }
0x1f: {  	s9 =	smul.u32 $0xF7A, s1;
	s8 =	simm.s32 @!p0 $0x1BF5;
	p2 =	por !p2, p0  }
0x20: {  	[sflag:s8] =	ssyncset.s32 @!p0 $0xFFFFF086;
	s6 =	sadd.s32 @!p0 s3, s7;
	s7 =	simm.s32 @!p0 $0x108  }
0x21: {  	s3 =	sadd.s32 s3, s9;
	s6 =	sadd.s32 @!p0 $0x88, s6;
	s7 =	simm.s32 @p2 $0x1082  }
0x22: {  	[simem:s7], [sflag:s8] =	dma.local @!p0 [hbm:s6], $0xF7A  }
0x23: {  	s9 =	sor.u32 $0xD0000000, s2;
	s6 =	simm.s32 $0x108;
	_ =	swait.ge @!p0 [sflag:s8], $0x0  }
0x24: {  	s3 =	sadd.s32 $0x88, s3;
	s6 =	simm.s32 @!p1 $0x1082;
	[sflag:s4] =	ssyncset.s32 $0xFFFFF086  }
0x25: {  	[simem:s6], [sflag:s4] =	dma.local [hbm:s3], $0xF7A  }
0x26: {  	[smem:$0x3F97] =	sst s1;
	(tag) =	ssettag s2;
	_ =	strace s9  }
0x27: {  	s1 =	sld [smem:$0x3FA7]  }
0x28: {  	s2 =	sld [smem:$0x3FA8]  }
0x29: {  	s4 =	sld [smem:$0x3FAA]  }
0x2a: {  	p0 =	seq.s32 s5, $0x0;
	s5 =	sld [smem:$0x3FAB]  }
0x2b: {  	s6 =	sld [smem:$0x3FAC]  }
0x2c: {  	s7 =	sld [smem:$0x3FAD]  }
0x2d: {  	s3 =	simm.s32 $0x108;
	s8 =	sld [smem:$0x3FAE]  }
0x2e: {  	s3 =	simm.s32 @!p0 $0x1082;
	s9 =	sld [smem:$0x3FAF]  }
0x2f: {  	lr =	sadd.s32 s0, s3;
	s0 =	sld [smem:$0x3FA6]  }
0x30: {  	s3 =	sld [smem:$0x3FA9]  }
0x31: {  	[smem:$0x3FB2] =	sst s10  }
0x32: {  	s10 =	sld [smem:$0x3FB0];
	_ =	sdelay $0x3  }
0x33: {  	p0 =	seq.s32 s10, $0x1;
	s10 =	sld [smem:$0x3FB2];
	_ =	sdelay $0x3  }
0x34: {  	[smem:$0x3FB2] =	sst s10  }
0x35: {  	s10 =	sld [smem:$0x3FB1];
	_ =	sdelay $0x3  }
0x36: {  	p1 =	seq.s32 s10, $0x1;
	s10 =	sld [smem:$0x3FB2];
	_ =	sdelay $0x3  }
0x37: {  	[smem:$0x3FB2] =	sst s10  }
0x38: {  	s10 =	sld [smem:$0x3FB3]  }
0x39: {  	_ = 	snop;
	(pc) =	sbr.ind lr, $3  }
0x3a: {  	_ = 	snop  }
0x3b: {  	_ = 	snop  }
0x3c: {  	p2 =	seq.s32 s10, $0x1;
	s10 =	sld [smem:$0x3FB2]  }
0x3d: {  	_ =	shalt  }
0x3e: {  	_ =	shalt  }
0x3f: {  	_ =	shalt  }
0x40: {  	_ =	shalt  }
0x41: {  	_ =	shalt  }
0x42: {  	_ =	shalt  }
0x43: {  	_ =	shalt  }
0x44: {  	_ =	shalt  }
0x45: {  	_ =	shalt  }
0x46: {  	_ =	shalt  }
0x47: {  	_ =	shalt  }
0x48: {  	_ =	shalt  }
0x49: {  	_ =	shalt  }
0x4a: {  	_ =	shalt  }
0x4b: {  	_ =	shalt  }
0x4c: {  	_ =	shalt  }
0x4d: {  	_ =	shalt  }
0x4e: {  	_ =	shalt  }
0x4f: {  	_ =	shalt  }
0x50: {  	_ =	shalt  }
0x51: {  	_ =	shalt  }
0x52: {  	_ =	shalt  }
0x53: {  	_ =	shalt  }
0x54: {  	_ =	shalt  }
0x55: {  	_ =	shalt  }
0x56: {  	_ =	shalt  }
0x57: {  	_ =	shalt  }
0x58: {  	_ =	shalt  }
0x59: {  	_ =	shalt  }
0x5a: {  	_ =	shalt  }
0x5b: {  	_ =	shalt  }
0x5c: {  	_ =	shalt  }
0x5d: {  	_ =	shalt  }
0x5e: {  	_ =	shalt  }
0x5f: {  	_ =	shalt  }
0x60: {  	_ =	shalt  }
0x61: {  	_ =	shalt  }
0x62: {  	_ =	shalt  }
0x63: {  	_ =	shalt  }
0x64: {  	_ =	shalt  }
0x65: {  	_ =	shalt  }
0x66: {  	_ =	shalt  }
0x67: {  	_ =	shalt  }
0x68: {  	_ =	shalt  }
0x69: {  	_ =	shalt  }
0x6a: {  	_ =	shalt  }
0x6b: {  	_ =	shalt  }
0x6c: {  	_ =	shalt  }
0x6d: {  	_ =	shalt  }
0x6e: {  	_ =	shalt  }
0x6f: {  	_ =	shalt  }
0x70: {  	_ =	shalt  }
0x71: {  	_ =	shalt  }
0x72: {  	_ =	shalt  }
0x73: {  	_ =	shalt  }
0x74: {  	_ =	shalt  }
0x75: {  	_ =	shalt  }
0x76: {  	_ =	shalt  }
0x77: {  	_ =	shalt  }
0x78: {  	_ =	shalt  }
0x79: {  	_ =	shalt  }
0x7a: {  	_ =	shalt  }
0x7b: {  	_ =	shalt  }
0x7c: {  	_ =	shalt  }
0x7d: {  	_ =	shalt  }
0x7e: {  	_ =	shalt  }
0x7f: {  	_ =	shalt  }
0x80: {  	_ =	shalt  }
0x81: {  	_ =	shalt  }
0x82: {  	_ =	shalt  }
0x83: {  	_ =	shalt  }
0x84: {  	_ =	shalt  }
0x85: {  	_ =	shalt  }
0x86: {  	_ =	shalt  }
0x87: {  	_ =	shalt  }
.Lfunc_end0:
.L_simem_size_0:
called_computation_lowered:
.L_overlay_start_0:
0x88: {  	s2 =	sld [smem:$0x3FD9]  }
0x89: {  	s3 =	sld [smem:$0x3FFE];
	_ =	sdelay $0x1  }
0x8a: {  	s1 =	srdreg.scid  }
0x8b: {  	s0 =	sand.u32 $0x1, s1  }
0x8c: {  	s16 =	sshll.u32 s0, $0xA;
	s2 =	sadd.s32 s3, s2  }
0x8d: {  	s2 =	sadd.s32 s2, s16  }
0x8e: {  	[smem:$0x3FBE] =	sst s2  }
0x8f: {  	_ = 	snop  }
0x90: {  	(tm) =	ssettm $0x1  }
0x91: {  	s17 =	sld [smem:$0x3FFB];
	_ =	sdelay $0x3  }
0x92: {  	_ =	strace s17  }
0x93: {  	s2 =	sld [smem:$0x3FFC];
	_ =	sdelay $0x3  }
0x94: {  	_ =	strace s2  }
0x95: {  	s2 =	sld [smem:$0x3FFD];
	_ =	sdelay $0x3  }
0x96: {  	_ =	strace s2  }
0x97: {  	_ =	strace $0x8FFFFFFF  }
0x98: {  	s18 =	sld [smem:$0x3FDB];
	_ =	sdelay $0x1  }
0x99: {  	s19 =	simm.s32 $_scs_section_size  }
0x9a: {  	s4 =	simm.s32 $_size__tile_overlayer_lowered;
	s5 =	simm.s32 $_tile_overlayer_lowered  }
0x9b: {  	s22 =	simm.s32 $0x1BFF;
	s21 =	sshll.u32 s5, $0x1;
	s2 =	sadd.s32 s19, s18  }
0x9c: {  	s6 =	simm.s32 $0x0;
	s20 =	sshll.u32 s4, $0x1;
	s4 =	sadd.s32 s21, s2  }
0x9d: {  	[timem:s6], [sflag:s22] =	dma.local [hbm:s4], s20  }
0x9e: {  	_ =	swait.ge [sflag:s22], s20  }
0x9f: {  	s3 =	ssub.s32 $0x0, s20;
	[sflag:s22] =	ssyncset.done $0x0  }
0xa0: {  	[sflag:s22] =	ssyncadd.s32 s3;
	_ =	sdelay $0x1  }
0xa1: {  	s23 =	simm.s32 $0x1B8B  }
0xa2: {  	_ =	swait.ge [sflag:s23], $0x1  }
0xa3: {  	[sflag:s23] =	ssyncset.done $0x0  }
0xa4: {  	s25 =	simm.s32 $0x1B8E;
	s24 =	sld [smem:$0x3FFE];
	[sflag:s23] =	ssyncadd.s32 $0xFFFFFFFF  }
0xa5: {  	s26 =	simm.s32 $execute0_lowered;
	[smem:$0x3FD2] =	sst s25  }
0xa6: {  	s4 =	sshll.u32 s26, $0x1;
	_ =	strace $0x80000046;
	[dreg:$0x1] =	wrdreg $0xFFFFFFFF  }
0xa7: {  	s28 =	simm.s32 $_size_execute0_lowered;
	s2 =	sadd.s32 s2, s4;
	[dreg:$0x0] =	wrdreg $0x0  }
0xa8: {  	s4 =	sshll.u32 s28, $0x1;
	[dreg:$0x2] =	wrdreg s2  }
0xa9: {  	[dreg:$0x3] =	wrdreg s4  }
0xaa: {  	[dreg:$0x4] =	wrdreg $0xC0  }
0xab: {  	_ =	task [dreg:s6], $0x5FFFF  }
0xac: {  	[dreg:$0x1] =	wrdreg $0xFFFFFFFF  }
0xad: {  	[dreg:$0x0] =	wrdreg $0x60  }
0xae: {  	[dreg:$0x2] =	wrdreg s24  }
0xaf: {  	[dreg:$0x3] =	wrdreg $0x15A000  }
0xb0: {  	[dreg:$0x4] =	wrdreg $0x9  }
0xb1: {  	_ =	task.clear_ibuf [dreg:s6], $0x5FFFF;
	_ =	strace $0x90000046  }
0xb2: {  	s29 =	simm.s32 $0x9;
	_ =	strace $0x80000048  }
0xb3: {  	_ =	swait.ge [sflag:s29], $0x1  }
0xb4: {  	[sflag:s29] =	ssyncadd.s32 $0xFFFFFFFF  }
0xb5: {  	_ =	strace $0x90000048  }
0xb6: {  	_ =	sfence  }
0xb7: {  	s30 =	sld [smem:$0x0];
	_ =	sdelay $0x2  }
0xb8: {  	s31 =	sshll.u32 s1, $0xD;
	s1 =	sshrl.u32 s1, $0x2  }
0xb9: {  	s3 =	sand.u32 $0x4000, s31;
	s1 =	sadd.s32 s1, s30  }
0xba: {  	s0 =	sor.u32 s3, s0;
	s1 =	sshll.u32 s1, $0x11  }
0xbb: {  	s0 =	sor.u32 s1, s0  }
0xbc: {  	s0 =	sadd.s32 $0x8F2B, s0  }
0xbd: {  	[sflag:s0] =	ssyncadd.remote.s32 $0x1  }
0xbe: {  	_ =	sfence.sel $0xFFFF  }
0xbf: {  	[dreg:$0x0] =	wrdreg $0xFFFFFFFF;
	(pc) =	sbr.abs _section_cstart, $3  }
0xc0: {  	[dreg:$0x1] =	wrdreg $0xFFFFFFFF  }
0xc1: {  	_ =	task.clear_ibuf [dreg:s6], $0x2FFFF;
	_ =	strace $0x9FFFFFFF  }
0xc2: {  	(tm) =	ssettm $0x7FFFFFFF  }
0xc3: {  	_ =	shalt  }
tec
execute0_lowered:
.L_overlay_start_1:
0x0: {  	(tag) =	ssettag $0x1  }
0x1: {  	s0 =	srdreg.scid;
	s4 =	rddreg [dreg:$0x0]  }
0x2: {  	s9 =	stileid.u32;
	s2 =	rddreg [dreg:$0x1];
	s3 =	simm.s32 $0x0  }
0x3: {  	s13 =	simm.s32 $0x100;
	s14 =	simm.s32 $0x180;
	s15 =	simm.s32 $0x200  }
0x4: {  	s10 =	simm.s32 $0x500;
	s16 =	simm.s32 $0x280;
	s17 =	simm.s32 $0x300  }
0x5: {  	s18 =	simm.s32 $0x380;
	[smem:$0x7FF] =	sst s3;
	s11 =	sadd.s32 $0x2000, s4  }
0x6: {  	s19 =	simm.s32 $0x400;
	_ =	strace $0x80000047;
	[dreg:$0x13] =	wrdreg s11  }
0x7: {  	s20 =	simm.s32 $0x480;
	s21 =	simm.s32 $0x14A00;
	[dreg:$0x4] =	wrdreg s13  }
0x8: {  	s22 =	simm.s32 $0x580;
	s23 =	simm.s32 $0x600;
	[dreg:$0x5] =	wrdreg s14  }
0x9: {  	s24 =	simm.s32 $0x680;
	s25 =	simm.s32 $0x700;
	[dreg:$0x6] =	wrdreg s15  }
0xa: {  	s26 =	simm.s32 $0x780;
	s31 =	simm.s32 $0x800;
	[dreg:$0x7] =	wrdreg s16  }
0xb: {  	s28 =	simm.s32 $0x10;
	s29 =	simm.s32 $0x8;
	[dreg:$0x8] =	wrdreg s17  }
0xc: {  	s30 =	simm.s32 $0x0;
	s0 =	sand.u32 $0x1, s0;
	[dreg:$0x9] =	wrdreg s18  }
0xd: {  	s1 =	smul.u32 $0x5000, s9;
	s6 =	sshll.u32 s9, $0xE;
	[dreg:$0xa] =	wrdreg s19  }
0xe: {  	s9 =	sshll.u32 s9, $0x6;
	s5 =	smul.u32 $0x2800, s0;
	[dreg:$0xb] =	wrdreg s20  }
0xf: {  	s7 =	ssub.s32 $0x2, s0;
	s0 =	sshll.u32 s0, $0xD;
	[dreg:$0xc] =	wrdreg s21  }
0x10: {  	s11 =	simm.s32 $0x2;
	s13 =	simm.s32 $0xA00;
	[dreg:$0xd] =	wrdreg s22  }
0x11: {  	s14 =	simm.s32 $0x2A00;
	s15 =	simm.s32 $0x4A00;
	[dreg:$0xe] =	wrdreg s23  }
0x12: {  	s16 =	simm.s32 $0x6A00;
	s17 =	simm.s32 $0x8A00;
	[dreg:$0xf] =	wrdreg s24  }
0x13: {  	s18 =	simm.s32 $0xAA00;
	s19 =	simm.s32 $0xCA00;
	[dreg:$0x10] =	wrdreg s25  }
0x14: {  	s20 =	simm.s32 $0xEA00;
	s21 =	simm.s32 $0x10A00;
	[dreg:$0x11] =	wrdreg s26  }
0x15: {  	s22 =	simm.s32 $0x12A00;
	s23 =	simm.s32 $0x1;
	[dreg:$0x12] =	wrdreg s31  }
0x16: {  	s24 =	simm.s32 $0x880;
	s25 =	simm.s32 $0x900;
	s26 =	simm.s32 $0x980  }
0x17: {  	[dreg:$0x14] =	wrdreg s9;
	s8 =	sshrl.u32 s7, $0x1;
	s1 =	sadd.s32 s5, s1  }
0x18: {  	s5 =	sadd.s32 $0xC200, s4;
	s8 =	ssub.s32 s7, s8;
	s1 =	sshrl.u32 s1, $0x3  }
0x19: {  	s12 =	smax.u32 s8, $0x1;
	s1 =	sadd.s32 s1, s4;
	s4 =	sadd.s32 s6, s4  }
0x1a: {  	[dreg:$0x15] =	wrdreg s12;
	s1 =	sadd.s32 $0x2200, s1;
	s0 =	sadd.s32 s0, s4  }
0x1b: {  	s6 =	sshrl.u32 s6, $0x2;
	[dreg:$0x3] =	wrdreg s1;
	s0 =	sadd.s32 $0xD0200, s0  }
0x1c: {  	v1 =	vimm.f32 $0.0e+00;
	v0 =	vmov s9;
	s12 =	simm.s32 $0x80;
	s7 =	sadd.s32 s6, s2;
	[dreg:$0x16] =	wrdreg s0  }
.LBB2_1:
0x1d: {  	s0 =	rddreg [dreg:$0x13]  }
0x1e: {  	[tilespmem:s10], [sflag:$0x2] =	stream.linear.gather [hbm4b:s0+s3], $0x500, $0x38;
	[tilespmem:$0x16A00] =	vst v63  }
0x1f: {  	_ =	swait.ge [sflag:s11], $0x500  }
0x20: {  	[sflag:s11] =	ssyncset.done $0x0  }
0x21: {  	[sflag:s11] =	ssyncadd.s32 $0xFFFFFB00  }
0x22: {  	v2 =	vld [tilespmem:$0x500]  }
0x23: {  	v3 =	vld [tilespmem:$0x510]  }
0x24: {  	v4 =	vld [tilespmem:$0x520];
	[tilespmem:$0x14A00] =	vst v1  }
0x25: {  	[tilespmem:$0x14A10] =	vst v1  }
0x26: {  	[tilespmem:$0x14A20] =	vst v1  }
0x27: {  	[tilespmem:$0x14A30] =	vst v1  }
0x28: {  	[tilespmem:$0x14A40] =	vst v1  }
0x29: {  	[tilespmem:$0x14A50] =	vst v1  }
0x2a: {  	[tilespmem:$0x14A60] =	vst v1  }
0x2b: {  	[tilespmem:$0x14A70] =	vst v1  }
0x2c: {  	[tilespmem:$0x14A80] =	vst v1  }
0x2d: {  	[tilespmem:$0x14A90] =	vst v1  }
0x2e: {  	[tilespmem:$0x14AA0] =	vst v1  }
0x2f: {  	[tilespmem:$0x14AB0] =	vst v1  }
0x30: {  	[tilespmem:$0x14AC0] =	vst v1  }
0x31: {  	[tilespmem:$0x14AD0] =	vst v1  }
0x32: {  	[tilespmem:$0x14AE0] =	vst v1  }
0x33: {  	[tilespmem:$0x14AF0] =	vst v1  }
0x34: {  	[tilespmem:$0x14B00] =	vst v1  }
0x35: {  	[tilespmem:$0x14B10] =	vst v1  }
0x36: {  	[tilespmem:$0x14B20] =	vst v1  }
0x37: {  	[tilespmem:$0x14B30] =	vst v1  }
0x38: {  	[tilespmem:$0x14B40] =	vst v1  }
0x39: {  	[tilespmem:$0x14B50] =	vst v1  }
0x3a: {  	[tilespmem:$0x14B60] =	vst v1  }
0x3b: {  	[tilespmem:$0x14B70] =	vst v1  }
0x3c: {  	[tilespmem:$0x14B80] =	vst v1  }
0x3d: {  	[tilespmem:$0x14B90] =	vst v1  }
0x3e: {  	[tilespmem:$0x14BA0] =	vst v1  }
0x3f: {  	[tilespmem:$0x14BB0] =	vst v1  }
0x40: {  	[tilespmem:$0x14BC0] =	vst v1  }
0x41: {  	[tilespmem:$0x14BD0] =	vst v1  }
0x42: {  	[tilespmem:$0x14BE0] =	vst v1  }
0x43: {  	[tilespmem:$0x14BF0] =	vst v1  }
0x44: {  	[tilespmem:$0x14C00] =	vst v1  }
0x45: {  	[tilespmem:$0x14C10] =	vst v1  }
0x46: {  	[tilespmem:$0x14C20] =	vst v1  }
0x47: {  	[tilespmem:$0x14C30] =	vst v1  }
0x48: {  	[tilespmem:$0x14C40] =	vst v1  }
0x49: {  	[tilespmem:$0x14C50] =	vst v1  }
0x4a: {  	[tilespmem:$0x14C60] =	vst v1  }
0x4b: {  	[tilespmem:$0x14C70] =	vst v1  }
0x4c: {  	[tilespmem:$0x14C80] =	vst v1  }
0x4d: {  	[tilespmem:$0x14C90] =	vst v1  }
0x4e: {  	[tilespmem:$0x14CA0] =	vst v1  }
0x4f: {  	[tilespmem:$0x14CB0] =	vst v1  }
0x50: {  	[tilespmem:$0x14CC0] =	vst v1  }
0x51: {  	[tilespmem:$0x14CD0] =	vst v1  }
0x52: {  	[tilespmem:$0x14CE0] =	vst v1  }
0x53: {  	[tilespmem:$0x14CF0] =	vst v1  }
0x54: {  	[tilespmem:$0x14D00] =	vst v1  }
0x55: {  	[tilespmem:$0x14D10] =	vst v1  }
0x56: {  	[tilespmem:$0x14D20] =	vst v1  }
0x57: {  	[tilespmem:$0x14D30] =	vst v1  }
0x58: {  	[tilespmem:$0x14D40] =	vst v1  }
0x59: {  	[tilespmem:$0x14D50] =	vst v1  }
0x5a: {  	[tilespmem:$0x14D60] =	vst v1  }
0x5b: {  	[tilespmem:$0x14D70] =	vst v1  }
0x5c: {  	[tilespmem:$0x14D80] =	vst v1  }
0x5d: {  	[tilespmem:$0x14D90] =	vst v1  }
0x5e: {  	[tilespmem:$0x14DA0] =	vst v1  }
0x5f: {  	[tilespmem:$0x14DB0] =	vst v1  }
0x60: {  	[tilespmem:$0x14DC0] =	vst v1  }
0x61: {  	[tilespmem:$0x14DD0] =	vst v1  }
0x62: {  	[tilespmem:$0x14DE0] =	vst v1  }
0x63: {  	[tilespmem:$0x14DF0] =	vst v1  }
0x64: {  	[tilespmem:$0x14E00] =	vst v1  }
0x65: {  	[tilespmem:$0x14E10] =	vst v1  }
0x66: {  	[tilespmem:$0x14E20] =	vst v1  }
0x67: {  	[tilespmem:$0x14E30] =	vst v1  }
0x68: {  	[tilespmem:$0x14E40] =	vst v1  }
0x69: {  	[tilespmem:$0x14E50] =	vst v1  }
0x6a: {  	[tilespmem:$0x14E60] =	vst v1  }
0x6b: {  	[tilespmem:$0x14E70] =	vst v1  }
0x6c: {  	[tilespmem:$0x14E80] =	vst v1  }
0x6d: {  	[tilespmem:$0x14E90] =	vst v1  }
0x6e: {  	[tilespmem:$0x14EA0] =	vst v1  }
0x6f: {  	[tilespmem:$0x14EB0] =	vst v1  }
0x70: {  	[tilespmem:$0x14EC0] =	vst v1  }
0x71: {  	[tilespmem:$0x14ED0] =	vst v1  }
0x72: {  	[tilespmem:$0x14EE0] =	vst v1  }
0x73: {  	[tilespmem:$0x14EF0] =	vst v1  }
0x74: {  	[tilespmem:$0x14F00] =	vst v1  }
0x75: {  	[tilespmem:$0x14F10] =	vst v1  }
0x76: {  	[tilespmem:$0x14F20] =	vst v1  }
0x77: {  	[tilespmem:$0x14F30] =	vst v1  }
0x78: {  	[tilespmem:$0x14F40] =	vst v1  }
0x79: {  	[tilespmem:$0x14F50] =	vst v1  }
0x7a: {  	[tilespmem:$0x14F60] =	vst v1  }
0x7b: {  	[tilespmem:$0x14F70] =	vst v1  }
0x7c: {  	[tilespmem:$0x14F80] =	vst v1  }
0x7d: {  	[tilespmem:$0x14F90] =	vst v1  }
0x7e: {  	[tilespmem:$0x14FA0] =	vst v1  }
0x7f: {  	[tilespmem:$0x14FB0] =	vst v1  }
0x80: {  	[tilespmem:$0x14FC0] =	vst v1  }
0x81: {  	[tilespmem:$0x14FD0] =	vst v1  }
0x82: {  	[tilespmem:$0x14FE0] =	vst v1  }
0x83: {  	[tilespmem:$0x14FF0] =	vst v1  }
0x84: {  	[tilespmem:$0x15000] =	vst v1  }
0x85: {  	[tilespmem:$0x15010] =	vst v1  }
0x86: {  	[tilespmem:$0x15020] =	vst v1  }
0x87: {  	[tilespmem:$0x15030] =	vst v1  }
0x88: {  	[tilespmem:$0x15040] =	vst v1  }
0x89: {  	[tilespmem:$0x15050] =	vst v1  }
0x8a: {  	[tilespmem:$0x15060] =	vst v1  }
0x8b: {  	[tilespmem:$0x15070] =	vst v1  }
0x8c: {  	[tilespmem:$0x15080] =	vst v1  }
0x8d: {  	[tilespmem:$0x15090] =	vst v1  }
0x8e: {  	[tilespmem:$0x150A0] =	vst v1  }
0x8f: {  	[tilespmem:$0x150B0] =	vst v1  }
0x90: {  	[tilespmem:$0x150C0] =	vst v1  }
0x91: {  	[tilespmem:$0x150D0] =	vst v1  }
0x92: {  	[tilespmem:$0x150E0] =	vst v1  }
0x93: {  	[tilespmem:$0x150F0] =	vst v1  }
0x94: {  	[tilespmem:$0x15100] =	vst v1  }
0x95: {  	[tilespmem:$0x15110] =	vst v1  }
0x96: {  	[tilespmem:$0x15120] =	vst v1  }
0x97: {  	[tilespmem:$0x15130] =	vst v1  }
0x98: {  	[tilespmem:$0x15140] =	vst v1  }
0x99: {  	[tilespmem:$0x15150] =	vst v1  }
0x9a: {  	[tilespmem:$0x15160] =	vst v1  }
0x9b: {  	[tilespmem:$0x15170] =	vst v1  }
0x9c: {  	[tilespmem:$0x15180] =	vst v1  }
0x9d: {  	[tilespmem:$0x15190] =	vst v1  }
0x9e: {  	[tilespmem:$0x151A0] =	vst v1  }
0x9f: {  	[tilespmem:$0x151B0] =	vst v1  }
0xa0: {  	[tilespmem:$0x151C0] =	vst v1  }
0xa1: {  	[tilespmem:$0x151D0] =	vst v1  }
0xa2: {  	[tilespmem:$0x151E0] =	vst v1  }
0xa3: {  	[tilespmem:$0x151F0] =	vst v1  }
0xa4: {  	[tilespmem:$0x15200] =	vst v1  }
0xa5: {  	[tilespmem:$0x15210] =	vst v1  }
0xa6: {  	[tilespmem:$0x15220] =	vst v1  }
0xa7: {  	[tilespmem:$0x15230] =	vst v1  }
0xa8: {  	[tilespmem:$0x15240] =	vst v1  }
0xa9: {  	[tilespmem:$0x15250] =	vst v1  }
0xaa: {  	[tilespmem:$0x15260] =	vst v1  }
0xab: {  	[tilespmem:$0x15270] =	vst v1  }
0xac: {  	[tilespmem:$0x15280] =	vst v1  }
0xad: {  	[tilespmem:$0x15290] =	vst v1  }
0xae: {  	[tilespmem:$0x152A0] =	vst v1  }
0xaf: {  	[tilespmem:$0x152B0] =	vst v1  }
0xb0: {  	[tilespmem:$0x152C0] =	vst v1  }
0xb1: {  	[tilespmem:$0x152D0] =	vst v1  }
0xb2: {  	[tilespmem:$0x152E0] =	vst v1  }
0xb3: {  	[tilespmem:$0x152F0] =	vst v1  }
0xb4: {  	[tilespmem:$0x15300] =	vst v1  }
0xb5: {  	[tilespmem:$0x15310] =	vst v1  }
0xb6: {  	[tilespmem:$0x15320] =	vst v1  }
0xb7: {  	[tilespmem:$0x15330] =	vst v1  }
0xb8: {  	[tilespmem:$0x15340] =	vst v1  }
0xb9: {  	[tilespmem:$0x15350] =	vst v1  }
0xba: {  	[tilespmem:$0x15360] =	vst v1  }
0xbb: {  	[tilespmem:$0x15370] =	vst v1  }
0xbc: {  	[tilespmem:$0x15380] =	vst v1  }
0xbd: {  	[tilespmem:$0x15390] =	vst v1  }
0xbe: {  	[tilespmem:$0x153A0] =	vst v1  }
0xbf: {  	[tilespmem:$0x153B0] =	vst v1  }
0xc0: {  	[tilespmem:$0x153C0] =	vst v1  }
0xc1: {  	[tilespmem:$0x153D0] =	vst v1  }
0xc2: {  	[tilespmem:$0x153E0] =	vst v1  }
0xc3: {  	[tilespmem:$0x153F0] =	vst v1  }
0xc4: {  	[tilespmem:$0x15400] =	vst v1  }
0xc5: {  	[tilespmem:$0x15410] =	vst v1  }
0xc6: {  	[tilespmem:$0x15420] =	vst v1  }
0xc7: {  	[tilespmem:$0x15430] =	vst v1  }
0xc8: {  	[tilespmem:$0x15440] =	vst v1  }
0xc9: {  	[tilespmem:$0x15450] =	vst v1  }
0xca: {  	[tilespmem:$0x15460] =	vst v1  }
0xcb: {  	[tilespmem:$0x15470] =	vst v1  }
0xcc: {  	[tilespmem:$0x15480] =	vst v1  }
0xcd: {  	[tilespmem:$0x15490] =	vst v1  }
0xce: {  	[tilespmem:$0x154A0] =	vst v1  }
0xcf: {  	[tilespmem:$0x154B0] =	vst v1  }
0xd0: {  	[tilespmem:$0x154C0] =	vst v1  }
0xd1: {  	[tilespmem:$0x154D0] =	vst v1  }
0xd2: {  	[tilespmem:$0x154E0] =	vst v1  }
0xd3: {  	[tilespmem:$0x15510] =	vst v1  }
0xd4: {  	[tilespmem:$0x159E0] =	vst v1  }
0xd5: {  	[tilespmem:$0x159D0] =	vst v1  }
0xd6: {  	[tilespmem:$0x159C0] =	vst v1  }
0xd7: {  	[tilespmem:$0x159B0] =	vst v1  }
0xd8: {  	[tilespmem:$0x159A0] =	vst v1  }
0xd9: {  	[tilespmem:$0x15990] =	vst v1  }
0xda: {  	[tilespmem:$0x15980] =	vst v1  }
0xdb: {  	[tilespmem:$0x15970] =	vst v1  }
0xdc: {  	[tilespmem:$0x15960] =	vst v1  }
0xdd: {  	[tilespmem:$0x15950] =	vst v1  }
0xde: {  	[tilespmem:$0x15940] =	vst v1  }
0xdf: {  	[tilespmem:$0x15930] =	vst v1  }
0xe0: {  	[tilespmem:$0x15920] =	vst v1  }
0xe1: {  	[tilespmem:$0x15910] =	vst v1  }
0xe2: {  	[tilespmem:$0x15900] =	vst v1  }
0xe3: {  	[tilespmem:$0x158F0] =	vst v1  }
0xe4: {  	[tilespmem:$0x158E0] =	vst v1  }
0xe5: {  	[tilespmem:$0x158D0] =	vst v1  }
0xe6: {  	[tilespmem:$0x158C0] =	vst v1  }
0xe7: {  	[tilespmem:$0x158B0] =	vst v1  }
0xe8: {  	[tilespmem:$0x158A0] =	vst v1  }
0xe9: {  	[tilespmem:$0x15890] =	vst v1  }
0xea: {  	[tilespmem:$0x15880] =	vst v1  }
0xeb: {  	[tilespmem:$0x15870] =	vst v1  }
0xec: {  	[tilespmem:$0x15860] =	vst v1  }
0xed: {  	[tilespmem:$0x15850] =	vst v1  }
0xee: {  	[tilespmem:$0x15840] =	vst v1  }
0xef: {  	[tilespmem:$0x15830] =	vst v1  }
0xf0: {  	[tilespmem:$0x15820] =	vst v1  }
0xf1: {  	[tilespmem:$0x15810] =	vst v1  }
0xf2: {  	[tilespmem:$0x15800] =	vst v1  }
0xf3: {  	[tilespmem:$0x157F0] =	vst v1  }
0xf4: {  	[tilespmem:$0x157E0] =	vst v1  }
0xf5: {  	[tilespmem:$0x157D0] =	vst v1  }
0xf6: {  	[tilespmem:$0x157C0] =	vst v1  }
0xf7: {  	[tilespmem:$0x157B0] =	vst v1  }
0xf8: {  	[tilespmem:$0x157A0] =	vst v1  }
0xf9: {  	[tilespmem:$0x15790] =	vst v1  }
0xfa: {  	[tilespmem:$0x15780] =	vst v1  }
0xfb: {  	[tilespmem:$0x15770] =	vst v1  }
0xfc: {  	[tilespmem:$0x15760] =	vst v1  }
0xfd: {  	[tilespmem:$0x15750] =	vst v1  }
0xfe: {  	[tilespmem:$0x15740] =	vst v1  }
0xff: {  	[tilespmem:$0x15730] =	vst v1  }
0x100: {  	[tilespmem:$0x15720] =	vst v1  }
0x101: {  	[tilespmem:$0x15710] =	vst v1  }
0x102: {  	[tilespmem:$0x15700] =	vst v1  }
0x103: {  	[tilespmem:$0x156F0] =	vst v1  }
0x104: {  	[tilespmem:$0x156E0] =	vst v1  }
0x105: {  	[tilespmem:$0x156D0] =	vst v1  }
0x106: {  	[tilespmem:$0x156C0] =	vst v1  }
0x107: {  	[tilespmem:$0x156B0] =	vst v1  }
0x108: {  	[tilespmem:$0x156A0] =	vst v1  }
0x109: {  	[tilespmem:$0x15690] =	vst v1  }
0x10a: {  	[tilespmem:$0x15680] =	vst v1  }
0x10b: {  	[tilespmem:$0x15670] =	vst v1  }
0x10c: {  	[tilespmem:$0x15660] =	vst v1  }
0x10d: {  	[tilespmem:$0x15650] =	vst v1  }
0x10e: {  	[tilespmem:$0x15640] =	vst v1  }
0x10f: {  	[tilespmem:$0x15630] =	vst v1  }
0x110: {  	[tilespmem:$0x15620] =	vst v1  }
0x111: {  	[tilespmem:$0x15610] =	vst v1  }
0x112: {  	[tilespmem:$0x15600] =	vst v1  }
0x113: {  	[tilespmem:$0x155F0] =	vst v1  }
0x114: {  	[tilespmem:$0x155E0] =	vst v1  }
0x115: {  	[tilespmem:$0x155D0] =	vst v1  }
0x116: {  	[tilespmem:$0x155C0] =	vst v1  }
0x117: {  	[tilespmem:$0x155B0] =	vst v1  }
0x118: {  	[tilespmem:$0x155A0] =	vst v1  }
0x119: {  	[tilespmem:$0x15590] =	vst v1  }
0x11a: {  	[tilespmem:$0x15580] =	vst v1  }
0x11b: {  	[tilespmem:$0x15570] =	vst v1  }
0x11c: {  	[tilespmem:$0x15560] =	vst v1  }
0x11d: {  	[tilespmem:$0x15550] =	vst v1  }
0x11e: {  	[tilespmem:$0x15540] =	vst v1  }
0x11f: {  	v5 =	vld [tilespmem:$0x530];
	[tilespmem:$0x15530] =	vst v1  }
0x120: {  	v6 =	vld [tilespmem:$0x540];
	[tilespmem:$0x15520] =	vst v1  }
0x121: {  	v7 =	vld [tilespmem:$0x550];
	[tilespmem:$0x15500] =	vst v1;
	v2 =	vadd.s32 v0, v2  }
0x122: {  	[tilespmem:$0x500] =	vst v2;
	v2 =	vadd.s32 v0, v3;
	v3 =	vld [tilespmem:$0x560]  }
0x123: {  	v60 =	vld [tilespmem:$0x570];
	[tilespmem:$0x510] =	vst v2;
	v2 =	vadd.s32 v0, v4  }
0x124: {  	v61 =	vld [tilespmem:$0x580];
	[tilespmem:$0x520] =	vst v2;
	v2 =	vadd.s32 v0, v5  }
0x125: {  	v62 =	vld [tilespmem:$0x590];
	[tilespmem:$0x530] =	vst v2;
	v2 =	vadd.s32 v0, v6  }
0x126: {  	v63 =	vld [tilespmem:$0x5A0];
	[tilespmem:$0x540] =	vst v2;
	v2 =	vadd.s32 v0, v7  }
0x127: {  	[tilespmem:$0x550] =	vst v2;
	v2 =	vadd.s32 v0, v3;
	v3 =	vld [tilespmem:$0x5B0]  }
0x128: {  	v9 =	vld [tilespmem:$0x5C0];
	[tilespmem:$0x560] =	vst v2;
	v2 =	vadd.s32 v0, v60  }
0x129: {  	v10 =	vld [tilespmem:$0x5D0];
	[tilespmem:$0x570] =	vst v2;
	v2 =	vadd.s32 v0, v61  }
0x12a: {  	v11 =	vld [tilespmem:$0x5E0];
	[tilespmem:$0x580] =	vst v2;
	v2 =	vadd.s32 v0, v62  }
0x12b: {  	v12 =	vld [tilespmem:$0x5F0];
	[tilespmem:$0x590] =	vst v2;
	v2 =	vadd.s32 v0, v63  }
0x12c: {  	[tilespmem:$0x5A0] =	vst v2;
	v2 =	vadd.s32 v0, v3;
	v3 =	vld [tilespmem:$0x600]  }
0x12d: {  	v13 =	vld [tilespmem:$0x610];
	[tilespmem:$0x5B0] =	vst v2;
	v2 =	vadd.s32 v0, v9  }
0x12e: {  	v14 =	vld [tilespmem:$0x620];
	[tilespmem:$0x5C0] =	vst v2;
	v2 =	vadd.s32 v0, v10  }
0x12f: {  	v15 =	vld [tilespmem:$0x630];
	[tilespmem:$0x5D0] =	vst v2;
	v2 =	vadd.s32 v0, v11  }
0x130: {  	v16 =	vld [tilespmem:$0x640];
	[tilespmem:$0x5E0] =	vst v2;
	v2 =	vadd.s32 v0, v12  }
0x131: {  	[tilespmem:$0x5F0] =	vst v2;
	v2 =	vadd.s32 v0, v3;
	v3 =	vld [tilespmem:$0x650]  }
0x132: {  	v17 =	vld [tilespmem:$0x660];
	[tilespmem:$0x600] =	vst v2;
	v2 =	vadd.s32 v0, v13  }
0x133: {  	v18 =	vld [tilespmem:$0x670];
	[tilespmem:$0x610] =	vst v2;
	v2 =	vadd.s32 v0, v14  }
0x134: {  	v19 =	vld [tilespmem:$0x680];
	[tilespmem:$0x620] =	vst v2;
	v2 =	vadd.s32 v0, v15  }
0x135: {  	v20 =	vld [tilespmem:$0x690];
	[tilespmem:$0x630] =	vst v2;
	v2 =	vadd.s32 v0, v16  }
0x136: {  	[tilespmem:$0x640] =	vst v2;
	v2 =	vadd.s32 v0, v3;
	v3 =	vld [tilespmem:$0x6A0]  }
0x137: {  	v21 =	vld [tilespmem:$0x6B0];
	[tilespmem:$0x650] =	vst v2;
	v2 =	vadd.s32 v0, v17  }
0x138: {  	v22 =	vld [tilespmem:$0x6C0];
	[tilespmem:$0x660] =	vst v2;
	v2 =	vadd.s32 v0, v18  }
0x139: {  	v23 =	vld [tilespmem:$0x6D0];
	[tilespmem:$0x670] =	vst v2;
	v2 =	vadd.s32 v0, v19  }
0x13a: {  	v24 =	vld [tilespmem:$0x6E0];
	[tilespmem:$0x680] =	vst v2;
	v2 =	vadd.s32 v0, v20  }
0x13b: {  	[tilespmem:$0x690] =	vst v2;
	v2 =	vadd.s32 v0, v3;
	v3 =	vld [tilespmem:$0x6F0]  }
0x13c: {  	v25 =	vld [tilespmem:$0x700];
	[tilespmem:$0x6A0] =	vst v2;
	v2 =	vadd.s32 v0, v21  }
0x13d: {  	v26 =	vld [tilespmem:$0x710];
	[tilespmem:$0x6B0] =	vst v2;
	v2 =	vadd.s32 v0, v22  }
0x13e: {  	v27 =	vld [tilespmem:$0x720];
	[tilespmem:$0x6C0] =	vst v2;
	v2 =	vadd.s32 v0, v23  }
0x13f: {  	v28 =	vld [tilespmem:$0x730];
	[tilespmem:$0x6D0] =	vst v2;
	v2 =	vadd.s32 v0, v24  }
0x140: {  	[tilespmem:$0x6E0] =	vst v2;
	v2 =	vadd.s32 v0, v3;
	v3 =	vld [tilespmem:$0x740]  }
0x141: {  	v29 =	vld [tilespmem:$0x750];
	[tilespmem:$0x6F0] =	vst v2;
	v2 =	vadd.s32 v0, v25  }
0x142: {  	v30 =	vld [tilespmem:$0x760];
	[tilespmem:$0x700] =	vst v2;
	v2 =	vadd.s32 v0, v26  }
0x143: {  	v31 =	vld [tilespmem:$0x770];
	[tilespmem:$0x710] =	vst v2;
	v2 =	vadd.s32 v0, v27  }
0x144: {  	v32 =	vld [tilespmem:$0x780];
	[tilespmem:$0x720] =	vst v2;
	v2 =	vadd.s32 v0, v28  }
0x145: {  	[tilespmem:$0x730] =	vst v2;
	v2 =	vadd.s32 v0, v3;
	v3 =	vld [tilespmem:$0x790]  }
0x146: {  	v33 =	vld [tilespmem:$0x7A0];
	[tilespmem:$0x740] =	vst v2;
	v2 =	vadd.s32 v0, v29  }
0x147: {  	v34 =	vld [tilespmem:$0x7B0];
	[tilespmem:$0x750] =	vst v2;
	v2 =	vadd.s32 v0, v30  }
0x148: {  	v35 =	vld [tilespmem:$0x7C0];
	[tilespmem:$0x760] =	vst v2;
	v2 =	vadd.s32 v0, v31  }
0x149: {  	v36 =	vld [tilespmem:$0x7D0];
	[tilespmem:$0x770] =	vst v2;
	v2 =	vadd.s32 v0, v32  }
0x14a: {  	[tilespmem:$0x780] =	vst v2;
	v2 =	vadd.s32 v0, v3;
	v3 =	vld [tilespmem:$0x7E0]  }
0x14b: {  	v37 =	vld [tilespmem:$0x7F0];
	[tilespmem:$0x790] =	vst v2;
	v2 =	vadd.s32 v0, v33  }
0x14c: {  	v38 =	vld [tilespmem:$0x800];
	[tilespmem:$0x7A0] =	vst v2;
	v2 =	vadd.s32 v0, v34  }
0x14d: {  	v39 =	vld [tilespmem:$0x810];
	[tilespmem:$0x7B0] =	vst v2;
	v2 =	vadd.s32 v0, v35  }
0x14e: {  	v40 =	vld [tilespmem:$0x820];
	[tilespmem:$0x7C0] =	vst v2;
	v2 =	vadd.s32 v0, v36  }
0x14f: {  	[tilespmem:$0x7D0] =	vst v2;
	v2 =	vadd.s32 v0, v3;
	v3 =	vld [tilespmem:$0x830]  }
0x150: {  	v41 =	vld [tilespmem:$0x840];
	[tilespmem:$0x7E0] =	vst v2;
	v2 =	vadd.s32 v0, v37  }
0x151: {  	v42 =	vld [tilespmem:$0x850];
	[tilespmem:$0x7F0] =	vst v2;
	v2 =	vadd.s32 v0, v38  }
0x152: {  	v43 =	vld [tilespmem:$0x860];
	[tilespmem:$0x800] =	vst v2;
	v2 =	vadd.s32 v0, v39  }
0x153: {  	v44 =	vld [tilespmem:$0x870];
	[tilespmem:$0x810] =	vst v2;
	v2 =	vadd.s32 v0, v40  }
0x154: {  	[tilespmem:$0x820] =	vst v2;
	v2 =	vadd.s32 v0, v3;
	v3 =	vld [tilespmem:$0x880]  }
0x155: {  	v45 =	vld [tilespmem:$0x890];
	[tilespmem:$0x830] =	vst v2;
	v2 =	vadd.s32 v0, v41  }
0x156: {  	v46 =	vld [tilespmem:$0x8A0];
	[tilespmem:$0x840] =	vst v2;
	v2 =	vadd.s32 v0, v42  }
0x157: {  	v47 =	vld [tilespmem:$0x8B0];
	[tilespmem:$0x850] =	vst v2;
	v2 =	vadd.s32 v0, v43  }
0x158: {  	v48 =	vld [tilespmem:$0x8C0];
	[tilespmem:$0x860] =	vst v2;
	v2 =	vadd.s32 v0, v44  }
0x159: {  	[tilespmem:$0x870] =	vst v2;
	v2 =	vadd.s32 v0, v3;
	v3 =	vld [tilespmem:$0x8D0]  }
0x15a: {  	v49 =	vld [tilespmem:$0x8E0];
	[tilespmem:$0x880] =	vst v2;
	v2 =	vadd.s32 v0, v45  }
0x15b: {  	v50 =	vld [tilespmem:$0x8F0];
	[tilespmem:$0x890] =	vst v2;
	v2 =	vadd.s32 v0, v46  }
0x15c: {  	v51 =	vld [tilespmem:$0x900];
	[tilespmem:$0x8A0] =	vst v2;
	v2 =	vadd.s32 v0, v47  }
0x15d: {  	v52 =	vld [tilespmem:$0x910];
	[tilespmem:$0x8B0] =	vst v2;
	v2 =	vadd.s32 v0, v48  }
0x15e: {  	[tilespmem:$0x8C0] =	vst v2;
	v2 =	vadd.s32 v0, v3;
	v3 =	vld [tilespmem:$0x920]  }
0x15f: {  	v53 =	vld [tilespmem:$0x930];
	[tilespmem:$0x8D0] =	vst v2;
	v2 =	vadd.s32 v0, v49  }
0x160: {  	v54 =	vld [tilespmem:$0x940];
	[tilespmem:$0x8E0] =	vst v2;
	v2 =	vadd.s32 v0, v50  }
0x161: {  	[tilespmem:$0x8F0] =	vst v2;
	v2 =	vadd.s32 v0, v51  }
0x162: {  	v55 =	vld [tilespmem:$0x950];
	[tilespmem:$0x900] =	vst v2;
	v2 =	vadd.s32 v0, v52  }
0x163: {  	v56 =	vld [tilespmem:$0x960];
	[tilespmem:$0x910] =	vst v2;
	v2 =	vadd.s32 v0, v3  }
0x164: {  	v3 =	vld [tilespmem:$0x970];
	[tilespmem:$0x920] =	vst v2;
	v2 =	vadd.s32 v0, v53  }
0x165: {  	v57 =	vld [tilespmem:$0x980];
	[tilespmem:$0x930] =	vst v2;
	v2 =	vadd.s32 v0, v54  }
0x166: {  	v58 =	vld [tilespmem:$0x990];
	[tilespmem:$0x940] =	vst v2  }
0x167: {  	v59 =	vld [tilespmem:$0x9A0];
	v2 =	vadd.s32 v0, v55;
	[tilespmem:$0x154F0] =	vst v1  }
0x168: {  	[tilespmem:$0x950] =	vst v2;
	v2 =	vadd.s32 v0, v56;
	v60 =	vld [tilespmem:$0x9B0]  }
0x169: {  	[tilespmem:$0x960] =	vst v2;
	v2 =	vadd.s32 v0, v3;
	v3 =	vld [tilespmem:$0x9C0]  }
0x16a: {  	[tilespmem:$0x970] =	vst v2;
	v2 =	vadd.s32 v0, v57;
	v61 =	vld [tilespmem:$0x9D0]  }
0x16b: {  	[tilespmem:$0x980] =	vst v2;
	v2 =	vadd.s32 v0, v58;
	v62 =	vld [tilespmem:$0x9E0]  }
0x16c: {  	[tilespmem:$0x990] =	vst v2;
	v2 =	vadd.s32 v0, v59  }
0x16d: {  	[tilespmem:$0x9A0] =	vst v2;
	v2 =	vadd.s32 v0, v60;
	v63 =	vld [tilespmem:$0x9F0]  }
0x16e: {  	[tilespmem:$0x9B0] =	vst v2;
	v2 =	vadd.s32 v0, v3  }
0x16f: {  	[tilespmem:$0x9C0] =	vst v2;
	v2 =	vadd.s32 v0, v61  }
0x170: {  	[tilespmem:$0x9D0] =	vst v2;
	v2 =	vadd.s32 v0, v62  }
0x171: {  	[tilespmem:$0x9E0] =	vst v2  }
0x172: {  	s1 =	rddreg [dreg:$0x3];
	v2 =	vadd.s32 v0, v63;
	[tilespmem:$0x159F0] =	vst v1  }
0x173: {  	s1 =	sadd.s32 $0x0, s1;
	[tilespmem:$0x9F0] =	vst v2  }
0x174: {  	[tilespmem:s3], [sflag:$0x2] =	stream.linear.gather [hbm4b:s1+s3], $0x500, $0x38;
	[tilespmem:$0x16A00] =	vst v63  }
0x175: {  	_ =	swait.ge [sflag:s11], $0x500  }
0x176: {  	[sflag:s11] =	ssyncset.done $0x0  }
0x177: {  	[sflag:s11] =	ssyncadd.s32 $0xFFFFFB00  }
0x178: {  	[tilespmem:s13], [sflag:$0x1] =	stream.indirect.gather [hbm4b:s5+s12], $0x40, s3, s12, $0xb8;
	[tilespmem:$0x16A00] =	vst v63  }
0x179: {  	_ = 	snop  }
0x17a: {  	[tilespmem:s14], [sflag:$0x1] =	stream.indirect.gather [hbm4b:s5+s12], $0x40, s12, s12, $0xb8;
	[tilespmem:$0x16A00] =	vst v63  }
0x17b: {  	s8 =	rddreg [dreg:$0x4]  }
0x17c: {  	[tilespmem:s15], [sflag:$0x1] =	stream.indirect.gather [hbm4b:s5+s12], $0x40, s8, s12, $0xb8;
	[tilespmem:$0x16A00] =	vst v63  }
0x17d: {  	s4 =	rddreg [dreg:$0x5]  }
0x17e: {  	[tilespmem:s16], [sflag:$0x1] =	stream.indirect.gather [hbm4b:s5+s12], $0x40, s4, s12, $0xb8;
	[tilespmem:$0x16A00] =	vst v63  }
0x17f: {  	s9 =	rddreg [dreg:$0x6]  }
0x180: {  	[tilespmem:s17], [sflag:$0x1] =	stream.indirect.gather [hbm4b:s5+s12], $0x40, s9, s12, $0xb8;
	[tilespmem:$0x16A00] =	vst v63  }
0x181: {  	s0 =	rddreg [dreg:$0x7]  }
0x182: {  	[tilespmem:s18], [sflag:$0x1] =	stream.indirect.gather [hbm4b:s5+s12], $0x40, s0, s12, $0xb8;
	[tilespmem:$0x16A00] =	vst v63  }
0x183: {  	s6 =	rddreg [dreg:$0x8]  }
0x184: {  	[tilespmem:s19], [sflag:$0x1] =	stream.indirect.gather [hbm4b:s5+s12], $0x40, s6, s12, $0xb8;
	[tilespmem:$0x16A00] =	vst v63  }
0x185: {  	s8 =	rddreg [dreg:$0x9]  }
0x186: {  	[tilespmem:s20], [sflag:$0x1] =	stream.indirect.gather [hbm4b:s5+s12], $0x40, s8, s12, $0xb8;
	[tilespmem:$0x16A00] =	vst v63  }
0x187: {  	s9 =	rddreg [dreg:$0xa]  }
0x188: {  	[tilespmem:s21], [sflag:$0x1] =	stream.indirect.gather [hbm4b:s5+s12], $0x40, s9, s12, $0xb8;
	[tilespmem:$0x16A00] =	vst v63  }
0x189: {  	s0 =	rddreg [dreg:$0xb]  }
0x18a: {  	[tilespmem:s22], [sflag:$0x1] =	stream.indirect.gather [hbm4b:s5+s12], $0x40, s0, s12, $0xb8;
	[tilespmem:$0x16A00] =	vst v63  }
0x18b: {  	s6 =	rddreg [dreg:$0xc]  }
0x18c: {  	[spmem:s7] =	stream.linear.scatter [tilespmem:s6], [sflag:$0x2], $0x1000, $0x38;
	[tilespmem:$0x16A00] =	vst v63  }
0x18d: {  	_ =	swait.ge [sflag:s11], $0x1000  }
0x18e: {  	[sflag:s11] =	ssyncset.done $0x0  }
0x18f: {  	[sflag:s11] =	ssyncadd.s32 $0xFFFFF000  }
0x190: {  	_ =	swait.ge [sflag:s23], $0x2000  }
0x191: {  	[sflag:s23] =	ssyncset.done $0x0  }
0x192: {  	[sflag:s23] =	ssyncadd.s32 $0xFFFFE000  }
0x193: {  	_ =	swait.ge [sflag:s23], $0x2000  }
0x194: {  	[sflag:s23] =	ssyncset.done $0x0  }
0x195: {  	[sflag:s23] =	ssyncadd.s32 $0xFFFFE000  }
0x196: {  	_ =	swait.ge [sflag:s23], $0x2000  }
0x197: {  	[sflag:s23] =	ssyncset.done $0x0  }
0x198: {  	[sflag:s23] =	ssyncadd.s32 $0xFFFFE000  }
0x199: {  	_ =	swait.ge [sflag:s23], $0x2000  }
0x19a: {  	[sflag:s23] =	ssyncset.done $0x0  }
0x19b: {  	[sflag:s23] =	ssyncadd.s32 $0xFFFFE000  }
0x19c: {  	_ =	swait.ge [sflag:s23], $0x2000  }
0x19d: {  	[sflag:s23] =	ssyncset.done $0x0  }
0x19e: {  	[sflag:s23] =	ssyncadd.s32 $0xFFFFE000  }
0x19f: {  	_ =	swait.ge [sflag:s23], $0x2000  }
0x1a0: {  	[sflag:s23] =	ssyncset.done $0x0  }
0x1a1: {  	[sflag:s23] =	ssyncadd.s32 $0xFFFFE000  }
0x1a2: {  	_ =	swait.ge [sflag:s23], $0x2000  }
0x1a3: {  	[sflag:s23] =	ssyncset.done $0x0  }
0x1a4: {  	[sflag:s23] =	ssyncadd.s32 $0xFFFFE000  }
0x1a5: {  	_ =	swait.ge [sflag:s23], $0x2000  }
0x1a6: {  	[sflag:s23] =	ssyncset.done $0x0  }
0x1a7: {  	[sflag:s23] =	ssyncadd.s32 $0xFFFFE000  }
0x1a8: {  	_ =	swait.ge [sflag:s23], $0x2000  }
0x1a9: {  	[sflag:s23] =	ssyncset.done $0x0  }
0x1aa: {  	[sflag:s23] =	ssyncadd.s32 $0xFFFFE000  }
0x1ab: {  	_ =	swait.ge [sflag:s23], $0x2000  }
0x1ac: {  	[sflag:s23] =	ssyncset.done $0x0  }
0x1ad: {  	[sflag:s23] =	ssyncadd.s32 $0xFFFFE000  }
0x1ae: {  	[spmem:s2] =	stream.indirect.scatter.add.f32 [tilespmem:s13], [sflag:$0x2], $0x40, s10, s12, $0xb8;
	[tilespmem:$0x16A00] =	vst v63  }
0x1af: {  	_ =	swait.ge [sflag:s11], $0x2000  }
0x1b0: {  	[sflag:s11] =	ssyncset.done $0x0  }
0x1b1: {  	s8 =	rddreg [dreg:$0xd];
	[sflag:s11] =	ssyncadd.s32 $0xFFFFE000  }
0x1b2: {  	[spmem:s2] =	stream.indirect.scatter.add.f32 [tilespmem:s14], [sflag:$0x2], $0x40, s8, s12, $0xb8;
	[tilespmem:$0x16A00] =	vst v63  }
0x1b3: {  	_ =	swait.ge [sflag:s11], $0x2000  }
0x1b4: {  	[sflag:s11] =	ssyncset.done $0x0  }
0x1b5: {  	s9 =	rddreg [dreg:$0xe];
	[sflag:s11] =	ssyncadd.s32 $0xFFFFE000  }
0x1b6: {  	[spmem:s2] =	stream.indirect.scatter.add.f32 [tilespmem:s15], [sflag:$0x2], $0x40, s9, s12, $0xb8;
	[tilespmem:$0x16A00] =	vst v63  }
0x1b7: {  	_ =	swait.ge [sflag:s11], $0x2000  }
0x1b8: {  	[sflag:s11] =	ssyncset.done $0x0  }
0x1b9: {  	s0 =	rddreg [dreg:$0xf];
	[sflag:s11] =	ssyncadd.s32 $0xFFFFE000  }
0x1ba: {  	[spmem:s2] =	stream.indirect.scatter.add.f32 [tilespmem:s16], [sflag:$0x2], $0x40, s0, s12, $0xb8;
	[tilespmem:$0x16A00] =	vst v63  }
0x1bb: {  	_ =	swait.ge [sflag:s11], $0x2000  }
0x1bc: {  	[sflag:s11] =	ssyncset.done $0x0  }
0x1bd: {  	s4 =	rddreg [dreg:$0x10];
	[sflag:s11] =	ssyncadd.s32 $0xFFFFE000  }
0x1be: {  	[spmem:s2] =	stream.indirect.scatter.add.f32 [tilespmem:s17], [sflag:$0x2], $0x40, s4, s12, $0xb8;
	[tilespmem:$0x16A00] =	vst v63  }
0x1bf: {  	_ =	swait.ge [sflag:s11], $0x2000  }
0x1c0: {  	[sflag:s11] =	ssyncset.done $0x0  }
0x1c1: {  	s6 =	rddreg [dreg:$0x11];
	[sflag:s11] =	ssyncadd.s32 $0xFFFFE000  }
0x1c2: {  	[spmem:s2] =	stream.indirect.scatter.add.f32 [tilespmem:s18], [sflag:$0x2], $0x40, s6, s12, $0xb8;
	[tilespmem:$0x16A00] =	vst v63  }
0x1c3: {  	_ =	swait.ge [sflag:s11], $0x2000  }
0x1c4: {  	[sflag:s11] =	ssyncset.done $0x0  }
0x1c5: {  	s8 =	rddreg [dreg:$0x12];
	[sflag:s11] =	ssyncadd.s32 $0xFFFFE000  }
0x1c6: {  	[spmem:s2] =	stream.indirect.scatter.add.f32 [tilespmem:s19], [sflag:$0x2], $0x40, s8, s12, $0xb8;
	[tilespmem:$0x16A00] =	vst v63  }
0x1c7: {  	_ =	swait.ge [sflag:s11], $0x2000  }
0x1c8: {  	[sflag:s11] =	ssyncset.done $0x0  }
0x1c9: {  	[sflag:s11] =	ssyncadd.s32 $0xFFFFE000  }
0x1ca: {  	[spmem:s2] =	stream.indirect.scatter.add.f32 [tilespmem:s20], [sflag:$0x2], $0x40, s24, s12, $0xb8;
	[tilespmem:$0x16A00] =	vst v63  }
0x1cb: {  	_ =	swait.ge [sflag:s11], $0x2000  }
0x1cc: {  	[sflag:s11] =	ssyncset.done $0x0  }
0x1cd: {  	[sflag:s11] =	ssyncadd.s32 $0xFFFFE000  }
0x1ce: {  	[spmem:s2] =	stream.indirect.scatter.add.f32 [tilespmem:s21], [sflag:$0x2], $0x40, s25, s12, $0xb8;
	[tilespmem:$0x16A00] =	vst v63  }
0x1cf: {  	_ =	swait.ge [sflag:s11], $0x2000  }
0x1d0: {  	[sflag:s11] =	ssyncset.done $0x0  }
0x1d1: {  	[sflag:s11] =	ssyncadd.s32 $0xFFFFE000  }
0x1d2: {  	[spmem:s2] =	stream.indirect.scatter.add.f32 [tilespmem:s22], [sflag:$0x2], $0x40, s26, s12, $0xb8;
	[tilespmem:$0x16A00] =	vst v63  }
0x1d3: {  	_ =	swait.ge [sflag:s11], $0x2000  }
0x1d4: {  	s1 =	sshrl.u32 s7, $0x3;
	[sflag:s11] =	ssyncset.done $0x0;
	s9 =	rddreg [dreg:$0x14]  }
0x1d5: {  	[sflag:s11] =	ssyncadd.s32 $0xFFFFE000;
	s31 =	sor.u32 $0x1C02, s9;
	s9 =	rddreg [dreg:$0x16]  }
0x1d6: {  	[hbm:s9@s28], [sflag:s31] =	dma.strided [spmem:s1@s29], $0x200, s23, $0x8   }
0x1d7: {  	s4 =	simm.s32 $0xA0;
	_ =	swait.ge [sflag:s11], $0x200  }
0x1d8: {  	s8 =	simm.s32 $0x140;
	s6 =	rddreg [dreg:$0x3];
	[sflag:s11] =	ssyncset.done $0x0  }
.LBB2_2:
0x1d9: {  	[sflag:s11] =	ssyncadd.s32 $0xFFFFFE00;
	s6 =	sadd.s32 s4, s6  }
0x1da: {  	[tilespmem:s3], [sflag:$0x2] =	stream.linear.gather [hbm4b:s6+s3], $0x500, $0x38;
	[tilespmem:$0x16A00] =	vst v63  }
0x1db: {  	_ =	swait.ge [sflag:s11], $0x500  }
0x1dc: {  	[sflag:s11] =	ssyncset.done $0x0  }
0x1dd: {  	[sflag:s11] =	ssyncadd.s32 $0xFFFFFB00  }
0x1de: {  	[tilespmem:s13], [sflag:$0x1] =	stream.indirect.gather [hbm4b:s5+s12], $0x40, s3, s12, $0xb8;
	[tilespmem:$0x16A00] =	vst v63  }
0x1df: {  	s0 =	smov.u32 s8  }
0x1e0: {  	[tilespmem:s14], [sflag:$0x1] =	stream.indirect.gather [hbm4b:s5+s12], $0x40, s12, s12, $0xb8;
	[tilespmem:$0x16A00] =	vst v63  }
0x1e1: {  	s4 =	smov.u32 s0;
	s0 =	rddreg [dreg:$0x4]  }
0x1e2: {  	[tilespmem:s15], [sflag:$0x1] =	stream.indirect.gather [hbm4b:s5+s12], $0x40, s0, s12, $0xb8;
	[tilespmem:$0x16A00] =	vst v63  }
0x1e3: {  	s6 =	rddreg [dreg:$0x5]  }
0x1e4: {  	[tilespmem:s16], [sflag:$0x1] =	stream.indirect.gather [hbm4b:s5+s12], $0x40, s6, s12, $0xb8;
	[tilespmem:$0x16A00] =	vst v63  }
0x1e5: {  	s0 =	rddreg [dreg:$0x6]  }
0x1e6: {  	[tilespmem:s17], [sflag:$0x1] =	stream.indirect.gather [hbm4b:s5+s12], $0x40, s0, s12, $0xb8;
	[tilespmem:$0x16A00] =	vst v63  }
0x1e7: {  	s6 =	rddreg [dreg:$0x7]  }
0x1e8: {  	[tilespmem:s18], [sflag:$0x1] =	stream.indirect.gather [hbm4b:s5+s12], $0x40, s6, s12, $0xb8;
	[tilespmem:$0x16A00] =	vst v63  }
0x1e9: {  	s0 =	rddreg [dreg:$0x8]  }
0x1ea: {  	[tilespmem:s19], [sflag:$0x1] =	stream.indirect.gather [hbm4b:s5+s12], $0x40, s0, s12, $0xb8;
	[tilespmem:$0x16A00] =	vst v63  }
0x1eb: {  	s6 =	rddreg [dreg:$0x9]  }
0x1ec: {  	[tilespmem:s20], [sflag:$0x1] =	stream.indirect.gather [hbm4b:s5+s12], $0x40, s6, s12, $0xb8;
	[tilespmem:$0x16A00] =	vst v63  }
0x1ed: {  	s0 =	rddreg [dreg:$0xa]  }
0x1ee: {  	[tilespmem:s21], [sflag:$0x1] =	stream.indirect.gather [hbm4b:s5+s12], $0x40, s0, s12, $0xb8;
	[tilespmem:$0x16A00] =	vst v63  }
0x1ef: {  	s6 =	rddreg [dreg:$0xb]  }
0x1f0: {  	[tilespmem:s22], [sflag:$0x1] =	stream.indirect.gather [hbm4b:s5+s12], $0x40, s6, s12, $0xb8;
	[tilespmem:$0x16A00] =	vst v63  }
0x1f1: {  	s0 =	rddreg [dreg:$0xc]  }
0x1f2: {  	[spmem:s7] =	stream.linear.scatter [tilespmem:s0], [sflag:$0x2], $0x1000, $0x38;
	[tilespmem:$0x16A00] =	vst v63  }
0x1f3: {  	_ =	swait.ge [sflag:s11], $0x1000  }
0x1f4: {  	[sflag:s11] =	ssyncset.done $0x0  }
0x1f5: {  	[sflag:s11] =	ssyncadd.s32 $0xFFFFF000  }
0x1f6: {  	_ =	swait.ge [sflag:s23], $0x2000  }
0x1f7: {  	[sflag:s23] =	ssyncset.done $0x0  }
0x1f8: {  	[sflag:s23] =	ssyncadd.s32 $0xFFFFE000  }
0x1f9: {  	_ =	swait.ge [sflag:s23], $0x2000  }
0x1fa: {  	[sflag:s23] =	ssyncset.done $0x0  }
0x1fb: {  	[sflag:s23] =	ssyncadd.s32 $0xFFFFE000  }
0x1fc: {  	_ =	swait.ge [sflag:s23], $0x2000  }
0x1fd: {  	[sflag:s23] =	ssyncset.done $0x0  }
0x1fe: {  	[sflag:s23] =	ssyncadd.s32 $0xFFFFE000  }
0x1ff: {  	_ =	swait.ge [sflag:s23], $0x2000  }
0x200: {  	[sflag:s23] =	ssyncset.done $0x0  }
0x201: {  	[sflag:s23] =	ssyncadd.s32 $0xFFFFE000  }
0x202: {  	_ =	swait.ge [sflag:s23], $0x2000  }
0x203: {  	[sflag:s23] =	ssyncset.done $0x0  }
0x204: {  	[sflag:s23] =	ssyncadd.s32 $0xFFFFE000  }
0x205: {  	_ =	swait.ge [sflag:s23], $0x2000  }
0x206: {  	[sflag:s23] =	ssyncset.done $0x0  }
0x207: {  	[sflag:s23] =	ssyncadd.s32 $0xFFFFE000  }
0x208: {  	_ =	swait.ge [sflag:s23], $0x2000  }
0x209: {  	[sflag:s23] =	ssyncset.done $0x0  }
0x20a: {  	[sflag:s23] =	ssyncadd.s32 $0xFFFFE000  }
0x20b: {  	_ =	swait.ge [sflag:s23], $0x2000  }
0x20c: {  	[sflag:s23] =	ssyncset.done $0x0  }
0x20d: {  	[sflag:s23] =	ssyncadd.s32 $0xFFFFE000  }
0x20e: {  	_ =	swait.ge [sflag:s23], $0x2000  }
0x20f: {  	[sflag:s23] =	ssyncset.done $0x0  }
0x210: {  	[sflag:s23] =	ssyncadd.s32 $0xFFFFE000  }
0x211: {  	_ =	swait.ge [sflag:s23], $0x2000  }
0x212: {  	[sflag:s23] =	ssyncset.done $0x0  }
0x213: {  	[sflag:s23] =	ssyncadd.s32 $0xFFFFE000  }
0x214: {  	[spmem:s2] =	stream.indirect.scatter.add.f32 [tilespmem:s13], [sflag:$0x2], $0x40, s10, s12, $0xb8;
	[tilespmem:$0x16A00] =	vst v63  }
0x215: {  	_ =	swait.ge [sflag:s11], $0x2000  }
0x216: {  	[sflag:s11] =	ssyncset.done $0x0  }
0x217: {  	s6 =	rddreg [dreg:$0xd];
	[sflag:s11] =	ssyncadd.s32 $0xFFFFE000  }
0x218: {  	[spmem:s2] =	stream.indirect.scatter.add.f32 [tilespmem:s14], [sflag:$0x2], $0x40, s6, s12, $0xb8;
	[tilespmem:$0x16A00] =	vst v63  }
0x219: {  	_ =	swait.ge [sflag:s11], $0x2000  }
0x21a: {  	[sflag:s11] =	ssyncset.done $0x0  }
0x21b: {  	s6 =	rddreg [dreg:$0xe];
	[sflag:s11] =	ssyncadd.s32 $0xFFFFE000  }
0x21c: {  	[spmem:s2] =	stream.indirect.scatter.add.f32 [tilespmem:s15], [sflag:$0x2], $0x40, s6, s12, $0xb8;
	[tilespmem:$0x16A00] =	vst v63  }
0x21d: {  	_ =	swait.ge [sflag:s11], $0x2000  }
0x21e: {  	[sflag:s11] =	ssyncset.done $0x0  }
0x21f: {  	s6 =	rddreg [dreg:$0xf];
	[sflag:s11] =	ssyncadd.s32 $0xFFFFE000  }
0x220: {  	[spmem:s2] =	stream.indirect.scatter.add.f32 [tilespmem:s16], [sflag:$0x2], $0x40, s6, s12, $0xb8;
	[tilespmem:$0x16A00] =	vst v63  }
0x221: {  	_ =	swait.ge [sflag:s11], $0x2000  }
0x222: {  	[sflag:s11] =	ssyncset.done $0x0  }
0x223: {  	s6 =	rddreg [dreg:$0x10];
	[sflag:s11] =	ssyncadd.s32 $0xFFFFE000  }
0x224: {  	[spmem:s2] =	stream.indirect.scatter.add.f32 [tilespmem:s17], [sflag:$0x2], $0x40, s6, s12, $0xb8;
	[tilespmem:$0x16A00] =	vst v63  }
0x225: {  	_ =	swait.ge [sflag:s11], $0x2000  }
0x226: {  	[sflag:s11] =	ssyncset.done $0x0  }
0x227: {  	s6 =	rddreg [dreg:$0x11];
	[sflag:s11] =	ssyncadd.s32 $0xFFFFE000  }
0x228: {  	[spmem:s2] =	stream.indirect.scatter.add.f32 [tilespmem:s18], [sflag:$0x2], $0x40, s6, s12, $0xb8;
	[tilespmem:$0x16A00] =	vst v63  }
0x229: {  	_ =	swait.ge [sflag:s11], $0x2000  }
0x22a: {  	[sflag:s11] =	ssyncset.done $0x0  }
0x22b: {  	s6 =	rddreg [dreg:$0x12];
	[sflag:s11] =	ssyncadd.s32 $0xFFFFE000  }
0x22c: {  	[spmem:s2] =	stream.indirect.scatter.add.f32 [tilespmem:s19], [sflag:$0x2], $0x40, s6, s12, $0xb8;
	[tilespmem:$0x16A00] =	vst v63  }
0x22d: {  	_ =	swait.ge [sflag:s11], $0x2000  }
0x22e: {  	[sflag:s11] =	ssyncset.done $0x0  }
0x22f: {  	[sflag:s11] =	ssyncadd.s32 $0xFFFFE000  }
0x230: {  	[spmem:s2] =	stream.indirect.scatter.add.f32 [tilespmem:s20], [sflag:$0x2], $0x40, s24, s12, $0xb8;
	[tilespmem:$0x16A00] =	vst v63  }
0x231: {  	_ =	swait.ge [sflag:s11], $0x2000  }
0x232: {  	[sflag:s11] =	ssyncset.done $0x0  }
0x233: {  	[sflag:s11] =	ssyncadd.s32 $0xFFFFE000  }
0x234: {  	[spmem:s2] =	stream.indirect.scatter.add.f32 [tilespmem:s21], [sflag:$0x2], $0x40, s25, s12, $0xb8;
	[tilespmem:$0x16A00] =	vst v63  }
0x235: {  	_ =	swait.ge [sflag:s11], $0x2000  }
0x236: {  	[sflag:s11] =	ssyncset.done $0x0  }
0x237: {  	[sflag:s11] =	ssyncadd.s32 $0xFFFFE000  }
0x238: {  	[spmem:s2] =	stream.indirect.scatter.add.f32 [tilespmem:s22], [sflag:$0x2], $0x40, s26, s12, $0xb8;
	[tilespmem:$0x16A00] =	vst v63  }
0x239: {  	p0 =	sne.s32 s8, $0x460;
	_ =	swait.ge [sflag:s11], $0x2000  }
.Ltmp0:
0x23a: {  	[sflag:s11] =	ssyncset.done $0x0;
	(pc) =	sbr.rel @p0 .LBB2_2-.Ltmp0, $4  }
0x23b: {  	s9 =	sadd.s32 $0x400, s9;
	[sflag:s11] =	ssyncadd.s32 $0xFFFFE000  }
0x23c: {  	[hbm:s9@s28], [sflag:s31] =	dma.strided [spmem:s1@s29], $0x200, s23, $0x8   }
0x23d: {  	_ =	swait.ge [sflag:s11], $0x200  }
0x23e: {  	s8 =	sadd.s32 $0xA0, s8;
	s6 =	rddreg [dreg:$0x3];
	[sflag:s11] =	ssyncset.done $0x0  }
0x23f: {  	[sflag:s11] =	ssyncadd.s32 $0xFFFFFE00;
	s0 =	sadd.s32 s4, s6  }
0x240: {  	[tilespmem:s3], [sflag:$0x2] =	stream.linear.gather [hbm4b:s0+s3], $0x500, $0x38;
	[tilespmem:$0x16A00] =	vst v63  }
0x241: {  	_ =	swait.ge [sflag:s11], $0x500  }
0x242: {  	[sflag:s11] =	ssyncset.done $0x0  }
0x243: {  	[sflag:s11] =	ssyncadd.s32 $0xFFFFFB00  }
0x244: {  	[tilespmem:s13], [sflag:$0x1] =	stream.indirect.gather [hbm4b:s5+s12], $0x40, s3, s12, $0xb8;
	[tilespmem:$0x16A00] =	vst v63  }
0x245: {  	_ = 	snop  }
0x246: {  	[tilespmem:s14], [sflag:$0x1] =	stream.indirect.gather [hbm4b:s5+s12], $0x40, s12, s12, $0xb8;
	[tilespmem:$0x16A00] =	vst v63  }
0x247: {  	s4 =	rddreg [dreg:$0x4]  }
0x248: {  	[tilespmem:s15], [sflag:$0x1] =	stream.indirect.gather [hbm4b:s5+s12], $0x40, s4, s12, $0xb8;
	[tilespmem:$0x16A00] =	vst v63  }
0x249: {  	s6 =	rddreg [dreg:$0x5]  }
0x24a: {  	[tilespmem:s16], [sflag:$0x1] =	stream.indirect.gather [hbm4b:s5+s12], $0x40, s6, s12, $0xb8;
	[tilespmem:$0x16A00] =	vst v63  }
0x24b: {  	s8 =	rddreg [dreg:$0x6]  }
0x24c: {  	[tilespmem:s17], [sflag:$0x1] =	stream.indirect.gather [hbm4b:s5+s12], $0x40, s8, s12, $0xb8;
	[tilespmem:$0x16A00] =	vst v63  }
0x24d: {  	s6 =	rddreg [dreg:$0x7]  }
0x24e: {  	[tilespmem:s18], [sflag:$0x1] =	stream.indirect.gather [hbm4b:s5+s12], $0x40, s6, s12, $0xb8;
	[tilespmem:$0x16A00] =	vst v63  }
0x24f: {  	s8 =	rddreg [dreg:$0x8]  }
0x250: {  	[tilespmem:s19], [sflag:$0x1] =	stream.indirect.gather [hbm4b:s5+s12], $0x40, s8, s12, $0xb8;
	[tilespmem:$0x16A00] =	vst v63  }
0x251: {  	s6 =	rddreg [dreg:$0x9]  }
0x252: {  	[tilespmem:s20], [sflag:$0x1] =	stream.indirect.gather [hbm4b:s5+s12], $0x40, s6, s12, $0xb8;
	[tilespmem:$0x16A00] =	vst v63  }
0x253: {  	s8 =	rddreg [dreg:$0xa]  }
0x254: {  	[tilespmem:s21], [sflag:$0x1] =	stream.indirect.gather [hbm4b:s5+s12], $0x40, s8, s12, $0xb8;
	[tilespmem:$0x16A00] =	vst v63  }
0x255: {  	s6 =	rddreg [dreg:$0xb]  }
0x256: {  	[tilespmem:s22], [sflag:$0x1] =	stream.indirect.gather [hbm4b:s5+s12], $0x40, s6, s12, $0xb8;
	[tilespmem:$0x16A00] =	vst v63  }
0x257: {  	s8 =	rddreg [dreg:$0xc]  }
0x258: {  	[spmem:s7] =	stream.linear.scatter [tilespmem:s8], [sflag:$0x2], $0x1000, $0x38;
	[tilespmem:$0x16A00] =	vst v63  }
0x259: {  	_ =	swait.ge [sflag:s11], $0x1000  }
0x25a: {  	[sflag:s11] =	ssyncset.done $0x0  }
0x25b: {  	[sflag:s11] =	ssyncadd.s32 $0xFFFFF000  }
0x25c: {  	_ =	swait.ge [sflag:s23], $0x2000  }
0x25d: {  	[sflag:s23] =	ssyncset.done $0x0  }
0x25e: {  	[sflag:s23] =	ssyncadd.s32 $0xFFFFE000  }
0x25f: {  	_ =	swait.ge [sflag:s23], $0x2000  }
0x260: {  	[sflag:s23] =	ssyncset.done $0x0  }
0x261: {  	[sflag:s23] =	ssyncadd.s32 $0xFFFFE000  }
0x262: {  	_ =	swait.ge [sflag:s23], $0x2000  }
0x263: {  	[sflag:s23] =	ssyncset.done $0x0  }
0x264: {  	[sflag:s23] =	ssyncadd.s32 $0xFFFFE000  }
0x265: {  	_ =	swait.ge [sflag:s23], $0x2000  }
0x266: {  	[sflag:s23] =	ssyncset.done $0x0  }
0x267: {  	[sflag:s23] =	ssyncadd.s32 $0xFFFFE000  }
0x268: {  	_ =	swait.ge [sflag:s23], $0x2000  }
0x269: {  	[sflag:s23] =	ssyncset.done $0x0  }
0x26a: {  	[sflag:s23] =	ssyncadd.s32 $0xFFFFE000  }
0x26b: {  	_ =	swait.ge [sflag:s23], $0x2000  }
0x26c: {  	[sflag:s23] =	ssyncset.done $0x0  }
0x26d: {  	[sflag:s23] =	ssyncadd.s32 $0xFFFFE000  }
0x26e: {  	_ =	swait.ge [sflag:s23], $0x2000  }
0x26f: {  	[sflag:s23] =	ssyncset.done $0x0  }
0x270: {  	[sflag:s23] =	ssyncadd.s32 $0xFFFFE000  }
0x271: {  	_ =	swait.ge [sflag:s23], $0x2000  }
0x272: {  	[sflag:s23] =	ssyncset.done $0x0  }
0x273: {  	[sflag:s23] =	ssyncadd.s32 $0xFFFFE000  }
0x274: {  	_ =	swait.ge [sflag:s23], $0x2000  }
0x275: {  	[sflag:s23] =	ssyncset.done $0x0  }
0x276: {  	[sflag:s23] =	ssyncadd.s32 $0xFFFFE000  }
0x277: {  	_ =	swait.ge [sflag:s23], $0x2000  }
0x278: {  	[sflag:s23] =	ssyncset.done $0x0  }
0x279: {  	[sflag:s23] =	ssyncadd.s32 $0xFFFFE000  }
0x27a: {  	[spmem:s2] =	stream.indirect.scatter.add.f32 [tilespmem:s13], [sflag:$0x2], $0x40, s10, s12, $0xb8;
	[tilespmem:$0x16A00] =	vst v63  }
0x27b: {  	_ =	swait.ge [sflag:s11], $0x2000  }
0x27c: {  	[sflag:s11] =	ssyncset.done $0x0  }
0x27d: {  	s4 =	rddreg [dreg:$0xd];
	[sflag:s11] =	ssyncadd.s32 $0xFFFFE000  }
0x27e: {  	[spmem:s2] =	stream.indirect.scatter.add.f32 [tilespmem:s14], [sflag:$0x2], $0x40, s4, s12, $0xb8;
	[tilespmem:$0x16A00] =	vst v63  }
0x27f: {  	_ =	swait.ge [sflag:s11], $0x2000  }
0x280: {  	[sflag:s11] =	ssyncset.done $0x0  }
0x281: {  	s6 =	rddreg [dreg:$0xe];
	[sflag:s11] =	ssyncadd.s32 $0xFFFFE000  }
0x282: {  	[spmem:s2] =	stream.indirect.scatter.add.f32 [tilespmem:s15], [sflag:$0x2], $0x40, s6, s12, $0xb8;
	[tilespmem:$0x16A00] =	vst v63  }
0x283: {  	_ =	swait.ge [sflag:s11], $0x2000  }
0x284: {  	[sflag:s11] =	ssyncset.done $0x0  }
0x285: {  	s8 =	rddreg [dreg:$0xf];
	[sflag:s11] =	ssyncadd.s32 $0xFFFFE000  }
0x286: {  	[spmem:s2] =	stream.indirect.scatter.add.f32 [tilespmem:s16], [sflag:$0x2], $0x40, s8, s12, $0xb8;
	[tilespmem:$0x16A00] =	vst v63  }
0x287: {  	_ =	swait.ge [sflag:s11], $0x2000  }
0x288: {  	[sflag:s11] =	ssyncset.done $0x0  }
0x289: {  	s4 =	rddreg [dreg:$0x10];
	[sflag:s11] =	ssyncadd.s32 $0xFFFFE000  }
0x28a: {  	[spmem:s2] =	stream.indirect.scatter.add.f32 [tilespmem:s17], [sflag:$0x2], $0x40, s4, s12, $0xb8;
	[tilespmem:$0x16A00] =	vst v63  }
0x28b: {  	_ =	swait.ge [sflag:s11], $0x2000  }
0x28c: {  	[sflag:s11] =	ssyncset.done $0x0  }
0x28d: {  	s6 =	rddreg [dreg:$0x11];
	[sflag:s11] =	ssyncadd.s32 $0xFFFFE000  }
0x28e: {  	[spmem:s2] =	stream.indirect.scatter.add.f32 [tilespmem:s18], [sflag:$0x2], $0x40, s6, s12, $0xb8;
	[tilespmem:$0x16A00] =	vst v63  }
0x28f: {  	_ =	swait.ge [sflag:s11], $0x2000  }
0x290: {  	[sflag:s11] =	ssyncset.done $0x0  }
0x291: {  	s8 =	rddreg [dreg:$0x12];
	[sflag:s11] =	ssyncadd.s32 $0xFFFFE000  }
0x292: {  	[spmem:s2] =	stream.indirect.scatter.add.f32 [tilespmem:s19], [sflag:$0x2], $0x40, s8, s12, $0xb8;
	[tilespmem:$0x16A00] =	vst v63  }
0x293: {  	_ =	swait.ge [sflag:s11], $0x2000  }
0x294: {  	[sflag:s11] =	ssyncset.done $0x0  }
0x295: {  	[sflag:s11] =	ssyncadd.s32 $0xFFFFE000  }
0x296: {  	[spmem:s2] =	stream.indirect.scatter.add.f32 [tilespmem:s20], [sflag:$0x2], $0x40, s24, s12, $0xb8;
	[tilespmem:$0x16A00] =	vst v63  }
0x297: {  	_ =	swait.ge [sflag:s11], $0x2000  }
0x298: {  	[sflag:s11] =	ssyncset.done $0x0  }
0x299: {  	[sflag:s11] =	ssyncadd.s32 $0xFFFFE000  }
0x29a: {  	[spmem:s2] =	stream.indirect.scatter.add.f32 [tilespmem:s21], [sflag:$0x2], $0x40, s25, s12, $0xb8;
	[tilespmem:$0x16A00] =	vst v63  }
0x29b: {  	_ =	swait.ge [sflag:s11], $0x2000  }
0x29c: {  	[sflag:s11] =	ssyncset.done $0x0  }
0x29d: {  	[sflag:s11] =	ssyncadd.s32 $0xFFFFE000  }
0x29e: {  	[spmem:s2] =	stream.indirect.scatter.add.f32 [tilespmem:s22], [sflag:$0x2], $0x40, s26, s12, $0xb8;
	[tilespmem:$0x16A00] =	vst v63  }
0x29f: {  	_ =	swait.ge [sflag:s11], $0x2000  }
0x2a0: {  	[sflag:s11] =	ssyncset.done $0x0  }
0x2a1: {  	s9 =	sadd.s32 $0x400, s9;
	[sflag:s11] =	ssyncadd.s32 $0xFFFFE000  }
0x2a2: {  	[hbm:s9@s28], [sflag:s31] =	dma.strided [spmem:s1@s29], $0x200, s23, $0x8   }
0x2a3: {  	_ =	swait.ge [sflag:s11], $0x200  }
0x2a4: {  	s30 =	sadd.s32 $0x1, s30;
	s31 =	rddreg [dreg:$0x15]  }
0x2a5: {  	p0 =	sne.s32 s30, s31  }
.Ltmp1:
0x2a6: {  	_ = 	snop;
	(pc) =	sbr.rel @p0 .LBB2_1-.Ltmp1, $3  }
0x2a7: {  	_ =	sdelay $0x1  }
0x2a8: {  	[sflag:s11] =	ssyncset.done $0x0  }
0x2a9: {  	[sflag:s11] =	ssyncadd.s32 $0xFFFFFE00  }
0x2aa: {  	_ =	sfence.sel $0x180000  }
0x2ab: {  	[bflag:$0x0] =	sbarrier.arrive $0xFFFF  }
0x2ac: {  	_ =	strace $0x90000047  }
0x2ad: {  	s0 =	stileid.u32;
	[bflag:$0x2] =	sbarrier.arrive $0xFFFF  }
0x2ae: {  	p0 =	sne.s32 s0, $0x0;
	s0 =	rddreg [dreg:$0x2]  }
0x2af: {  	s0 =	sadd.s32 @!p0 $0x100000, s0  }
0x2b0: {  	[sflag:s0] =	ssyncadd.tile.s32 @!p0 $0x1;
	_ =	shalt  }
.Lfunc_end2:
_tile_overlayer_lowered:
.L_overlay_start_2:
0x2b1: {  	(tag) =	ssettag $0x2  }
0x2b2: {  	s0 =	rddreg [dreg:$0x0];
	s2 =	stileid.u32  }
0x2b3: {  	s1 =	rddreg [dreg:$0x1];
	p0 =	sne.s32 s2, $0x0  }
0x2b4: {  	s3 =	rddreg [dreg:$0x2];
	[bflag:$0x3] =	sbarrier.arrive $0xFFFF;
	s2 =	simm.s32 @!p0 $0x1C02  }
0x2b5: {  	[timem:s3], [sflag:s2] =	dma.local @!p0 [hbm:s0], s1  }
0x2b6: {  	s0 =	simm.s32 @!p0 $0x2  }
0x2b7: {  	_ =	swait.ge @!p0 [sflag:s0], s1  }
0x2b8: {  	s1 =	ssub.s32 @!p0 $0x0, s1;
	[sflag:s0] =	ssyncset.done @!p0 $0x0  }
0x2b9: {  	[sflag:s0] =	ssyncadd.s32 @!p0 s1  }
0x2ba: {  	[bflag:$0x3] =	sbarrier.arrive $0xFFFF  }
0x2bb: {  	_ =	shalt  }

</sc_bundles>
